<compile_context>
chip_gen: v7x
topology: tpu7x:2x2x1
jax: 0.10.2.dev20260603
libtpu: 0.0.44.dev20260713+nightly
codegen_flags: <defaults>
</compile_context>

<pallas_src>
import functools

import jax
import jax.numpy as jnp
from jax import lax
from jax.experimental import pallas as pl
from jax.experimental.pallas import tpu as pltpu
from jax.experimental.pallas import tpu_sc as plsc

HIDDEN = 128
B, T = 4, 2048
EPS = 1e-6
NTOK = B * T
NW = 32
ROWS_PER_W = NTOK // NW
WPB = T // ROWS_PER_W
L = 16
NCH = HIDDEN // L
GCH = 128
NG = ROWS_PER_W // GCH


def _rsqrt16(x):
    i = lax.bitcast_convert_type(x, jnp.int32)
    i = jnp.int32(0x5F3759DF) - lax.shift_right_arithmetic(i, 1)
    y = lax.bitcast_convert_type(i, jnp.float32)
    xh = x * 0.5
    for _ in range(3):
        y = y * (1.5 - xh * y * y)
    return y


@functools.partial(
    pl.kernel,
    out_type=jax.ShapeDtypeStruct((B, T, HIDDEN), jnp.float32),
    mesh=plsc.VectorSubcoreMesh(core_axis_name="c", subcore_axis_name="s"),
    scratch_types=[
        pltpu.VMEM((ROWS_PER_W,), jnp.int32),
        pltpu.VMEM((ROWS_PER_W,), jnp.int32),
        pltpu.VMEM((2, HIDDEN), jnp.float32),
        pltpu.VMEM((HIDDEN,), jnp.float32),
        pltpu.VMEM((ROWS_PER_W, HIDDEN), jnp.float32),
        pltpu.SemaphoreType.DMA,
        pltpu.SemaphoreType.DMA,
        pltpu.SemaphoreType.DMA,
        pltpu.SemaphoreType.DMA,
    ],
)
def _emb_kernel(word_hbm, ids_hbm, tt_hbm, type_hbm, w_hbm, out_hbm,
                idx_v, tt_v, type_v, w_v, rows_v,
                sem0, sem1, sem_aux, sem_st):
    wid = lax.axis_index("s") * 2 + lax.axis_index("c")
    brow = wid // WPB
    tok0 = (wid % WPB) * ROWS_PER_W
    sems = (sem0, sem1)

    pltpu.sync_copy(ids_hbm.at[brow, pl.ds(tok0, ROWS_PER_W)], idx_v)
    gathers = [
        pltpu.async_copy(
            word_hbm.at[idx_v.at[pl.ds(g * GCH, GCH)]],
            rows_v.at[pl.ds(g * GCH, GCH)],
            sems[g],
        )
        for g in range(NG)
    ]

    c_tt = pltpu.async_copy(tt_hbm.at[brow, pl.ds(tok0, ROWS_PER_W)], tt_v, sem_aux)
    c_ty = pltpu.async_copy(type_hbm, type_v, sem_aux)
    c_w = pltpu.async_copy(w_hbm, w_v, sem_aux)
    c_tt.wait()
    c_ty.wait()
    c_w.wait()

    t0 = [type_v[0, pl.ds(c * L, L)] for c in range(NCH)]
    td = [type_v[1, pl.ds(c * L, L)] - type_v[0, pl.ds(c * L, L)]
          for c in range(NCH)]
    wsc = [w_v[pl.ds(c * L, L)] * float(HIDDEN) ** 0.5 for c in range(NCH)]
    HEPS = float(HIDDEN) * EPS

    lanes = lax.iota(jnp.int32, L)
    perms3 = [lax.bitwise_xor(lanes, jnp.int32(k)) for k in (1, 2, 4)]
    perm8 = lax.bitwise_xor(lanes, jnp.int32(8))
    h0 = (-lax.shift_right_arithmetic(lanes - 8, 31)).astype(jnp.float32)
    h1 = 1.0 - h0

    QR = 64
    st_descs = [
        pltpu.make_async_copy(
            rows_v.at[pl.ds(q * QR, QR)],
            out_hbm.at[brow, pl.ds(tok0 + q * QR, QR)],
            sem_st,
        )
        for q in range(3)
    ]

    def group_body(g, carry):
        @pl.when(g == 8)
        def _wait_second_gather():
            gathers[1].wait()

        rbase = g * L
        ttf16 = tt_v[pl.ds(rbase, L)].astype(jnp.float32)
        for rp in range(L // 2):
            r0 = rbase + 2 * rp
            xs2 = []
            acc2 = []
            for rr in (0, 1):
                r = r0 + rr
                ttf = jnp.broadcast_to(ttf16[2 * rp + rr], (L,))
                xs = []
                acc = None
                for c in range(NCH):
                    xc = rows_v[r, pl.ds(c * L, L)] + (t0[c] + ttf * td[c])
                    xs.append(xc)
                    sq = xc * xc
                    acc = sq if acc is None else acc + sq
                xs2.append(xs)
                acc2.append(acc)
            sa, sb = acc2
            for p in perms3:
                sa = sa + sa.at[p].get(mode="promise_in_bounds")
                sb = sb + sb.at[p].get(mode="promise_in_bounds")
            sa = sa + sa.at[perm8].get(mode="promise_in_bounds")
            sb = sb + sb.at[perm8].get(mode="promise_in_bounds")
            s2 = sa * h0 + sb * h1
            scale2 = _rsqrt16(s2 + HEPS)
            sc_a = jnp.broadcast_to(scale2[0], (L,))
            sc_b = jnp.broadcast_to(scale2[8], (L,))
            for rr, scv in ((0, sc_a), (1, sc_b)):
                r = r0 + rr
                xs = xs2[rr]
                for c in range(NCH):
                    rows_v[r, pl.ds(c * L, L)] = (xs[c] * scv) * wsc[c]

        for q in range(3):
            @pl.when(g == 4 * q + 3)
            def _store_quarter(q=q):
                st_descs[q].start()

        return carry

    gathers[0].wait()
    lax.fori_loop(0, ROWS_PER_W // L, group_body, 0)
    pltpu.sync_copy(rows_v.at[pl.ds(3 * QR, QR)],
                    out_hbm.at[brow, pl.ds(tok0 + 3 * QR, QR)])
    for q in range(3):
        st_descs[q].wait()


def kernel(input_ids, token_type_ids, word_emb, type_emb, ln_weight):
    ids = input_ids.astype(jnp.int32)
    tt = token_type_ids.astype(jnp.int32)
    return _emb_kernel(word_emb, ids, tt, type_emb, ln_weight)

# --- scband reference (transcript-rebuilt; emitter-appended) ---
"""Pipeline reference for scband-bert-embeddings-25769804225 (READ-ONLY COPY).

The authoritative reference and input builder live on the scoring server;
editing this copy changes nothing except your own understanding.
"""

import jax, jax.numpy as jnp
import numpy as np

VOCAB = 100000
HIDDEN = 128
TYPE_VOCAB = 2
B, T = 4, 2048
EPS = 1e-6


def setup_inputs(seed: int = 0) -> dict:
    key = jax.random.key(seed)
    k1, k2, k3, k4, k5 = jax.random.split(key, 5)
    input_ids = jax.random.randint(k1, (B, T), 0, VOCAB, dtype=jnp.int64) if jax.config.jax_enable_x64 else jax.random.randint(k1, (B, T), 0, VOCAB).astype(jnp.int32)
    token_type_ids = jax.random.randint(k2, (B, T), 0, TYPE_VOCAB).astype(input_ids.dtype)
    word_emb = jax.random.normal(k3, (VOCAB, HIDDEN), dtype=jnp.float32) * 0.02
    # padding_idx=0 row is zeroed at init in nn.Embedding
    word_emb = word_emb.at[0].set(0.0)
    type_emb = jax.random.normal(k4, (TYPE_VOCAB, HIDDEN), dtype=jnp.float32) * 0.02
    ln_weight = jnp.ones((HIDDEN,), dtype=jnp.float32)
    return {
        "input_ids": input_ids,
        "token_type_ids": token_type_ids,
        "word_emb": word_emb,
        "type_emb": type_emb,
        "ln_weight": ln_weight,
    }


def _rms_norm(x, weight, eps=EPS):
    var = jnp.mean(jnp.square(x), axis=-1, keepdims=True)
    x = x * jax.lax.rsqrt(var + eps)
    return x * weight


def reference(input_ids, token_type_ids, word_emb, type_emb, ln_weight):
    input_embeddings = jnp.take(word_emb, input_ids, axis=0)
    token_type_embeddings = jnp.take(type_emb, token_type_ids, axis=0)
    embeddings = token_type_embeddings + input_embeddings
    embeddings = _rms_norm(embeddings, ln_weight)
    # dropout_prob = 0.0 -> identity
    return embeddings

if __name__ == "__main__":
    import jax
    _d = setup_inputs()
    print(jax.jit(kernel)(*tuple(_d.values())))

</pallas_src>

<mosaic_0001>
#map = affine_map<(d0, d1) -> (0, 0)>
#map1 = affine_map<(d0, d1) -> (0)>
#map2 = affine_map<(d0, d1) -> (0, 0, 0)>
module attributes {stable_mosaic.version = 14 : i64} {
  func.func @_emb_kernel(%arg0: i32, %arg1: i32, %arg2: memref<100000x128xf32, #tpu.memory_space<hbm>>, %arg3: memref<4x2048xi32, #tpu.memory_space<hbm>>, %arg4: memref<4x2048xi32, #tpu.memory_space<hbm>>, %arg5: memref<2x128xf32, #tpu.memory_space<hbm>>, %arg6: memref<128xf32, #tpu.memory_space<hbm>>, %arg7: memref<4x2048x128xf32, #tpu.memory_space<hbm>>, %arg8: memref<256xi32, #tpu.memory_space<vmem>>, %arg9: memref<256xi32, #tpu.memory_space<vmem>>, %arg10: memref<2x128xf32, #tpu.memory_space<vmem>>, %arg11: memref<128xf32, #tpu.memory_space<vmem>>, %arg12: memref<256x128xf32, #tpu.memory_space<vmem>>, %arg13: memref<!tpu.dma_semaphore, #tpu.memory_space<semaphore_mem>>, %arg14: memref<!tpu.dma_semaphore, #tpu.memory_space<semaphore_mem>>, %arg15: memref<!tpu.dma_semaphore, #tpu.memory_space<semaphore_mem>>, %arg16: memref<!tpu.dma_semaphore, #tpu.memory_space<semaphore_mem>>) attributes {dimension_semantics = [#tpu.dimension_semantics<core_parallel>, #tpu.dimension_semantics<subcore_parallel>], iteration_bounds = array<i64: 2, 16>, scalar_prefetch = 0 : i64, scratch_operands = 9 : i64, tpu.core_type = #tpu.core_type<sc_vector_subcore>, window_params = [{transform_indices = #map}, {transform_indices = #map}, {transform_indices = #map}, {transform_indices = #map}, {transform_indices = #map1}, {transform_indices = #map2}]} {
    %mul3A = arith.constant 2 : i32
    %mul3A_0 = arith.muli %arg1, %mul3A : i32
    %add3A = arith.addi %mul3A_0, %arg0 : i32
    %jit3A = arith.constant 8 : i32
    %div3A = arith.divsi %add3A, %jit3A : i32
    %sign3A = arith.constant 0 : i32
    %sign3A_1 = arith.cmpi sgt, %add3A, %sign3A : i32
    %sign3A_2 = arith.extui %sign3A_1 : i1 to i32
    %sign3A_3 = arith.constant 0 : i32
    %sign3A_4 = arith.cmpi slt, %add3A, %sign3A_3 : i32
    %sign3A_5 = arith.extui %sign3A_4 : i1 to i32
    %sign3A_6 = arith.subi %sign3A_2, %sign3A_5 : i32
    %sign3A_7 = arith.constant 0 : i32
    %sign3A_8 = arith.cmpi sgt, %jit3A, %sign3A_7 : i32
    %sign3A_9 = arith.extui %sign3A_8 : i1 to i32
    %sign3A_10 = arith.constant 0 : i32
    %sign3A_11 = arith.cmpi slt, %jit3A, %sign3A_10 : i32
    %sign3A_12 = arith.extui %sign3A_11 : i1 to i32
    %sign3A_13 = arith.subi %sign3A_9, %sign3A_12 : i32
    %ne3A = arith.cmpi ne, %sign3A_6, %sign3A_13 : i32
    %rem3A = arith.remsi %add3A, %jit3A : i32
    %ne3A_14 = arith.constant 0 : i32
    %ne3A_15 = arith.cmpi ne, %rem3A, %ne3A_14 : i32
    %and3A = arith.andi %ne3A, %ne3A_15 : i1
    %sub3A = arith.constant 1 : i32
    %sub3A_16 = arith.subi %div3A, %sub3A : i32
    %select_n3A = arith.select %and3A, %sub3A_16, %div3A : i32
    %jit3A_17 = arith.constant 8 : i32
    %eq3A = arith.constant 0 : i32
    %eq3A_18 = arith.cmpi eq, %jit3A_17, %eq3A : i32
    %jit3A_19 = arith.constant 1 : i32
    %select_n3A_20 = arith.select %eq3A_18, %jit3A_19, %jit3A_17 : i32
    %rem3A_21 = arith.remsi %add3A, %select_n3A_20 : i32
    %ne3A_22 = arith.constant 0 : i32
    %ne3A_23 = arith.cmpi ne, %rem3A_21, %ne3A_22 : i32
    %lt3A = arith.constant 0 : i32
    %lt3A_24 = arith.cmpi slt, %rem3A_21, %lt3A : i32
    %lt3A_25 = arith.constant 0 : i32
    %lt3A_26 = arith.cmpi slt, %select_n3A_20, %lt3A_25 : i32
    %ne3A_27 = arith.xori %lt3A_24, %lt3A_26 : i1
    %and3A_28 = arith.andi %ne3A_27, %ne3A_23 : i1
    %add3A_29 = arith.addi %rem3A_21, %select_n3A_20 : i32
    %select_n3A_30 = arith.select %and3A_28, %add3A_29, %rem3A_21 : i32
    %mul3A_31 = arith.constant 256 : i32
    %mul3A_32 = arith.muli %select_n3A_30, %mul3A_31 : i32
    "tpu.region"() ({
      %run_scoped3A = tpu.sem_alloc : memref<!tpu.dma_semaphore, #tpu.memory_space<semaphore_mem>>
      %dma_start3A_308 = tpu.memref_slice %arg3[%select_n3A, %mul3A_32] : memref<4x2048xi32, #tpu.memory_space<hbm>> -> memref<1x256xi32, #tpu.memory_space<hbm>>
      %dma_start3A_309 = tpu.memref_squeeze %dma_start3A_308 : memref<1x256xi32, #tpu.memory_space<hbm>> -> memref<256xi32, #tpu.memory_space<hbm>>
      %dma_start3A_310 = tpu.memref_slice %arg3[%select_n3A, %mul3A_32] : memref<4x2048xi32, #tpu.memory_space<hbm>> -> memref<1x256xi32, #tpu.memory_space<hbm>>
      %dma_start3A_311 = tpu.memref_squeeze %dma_start3A_310 : memref<1x256xi32, #tpu.memory_space<hbm>> -> memref<256xi32, #tpu.memory_space<hbm>>
      tpu.enqueue_dma source(%dma_start3A_311 : memref<256xi32, #tpu.memory_space<hbm>>) target(%arg8 : memref<256xi32, #tpu.memory_space<vmem>>) target_semaphore(%run_scoped3A : memref<!tpu.dma_semaphore, #tpu.memory_space<semaphore_mem>>)
      %dma_wait3A_312 = tpu.memref_slice %arg3[%select_n3A, %mul3A_32] : memref<4x2048xi32, #tpu.memory_space<hbm>> -> memref<1x256xi32, #tpu.memory_space<hbm>>
      %dma_wait3A_313 = tpu.memref_squeeze %dma_wait3A_312 : memref<1x256xi32, #tpu.memory_space<hbm>> -> memref<256xi32, #tpu.memory_space<hbm>>
      %dma_wait3A_314 = tpu.memref_slice %arg3[%select_n3A, %mul3A_32] : memref<4x2048xi32, #tpu.memory_space<hbm>> -> memref<1x256xi32, #tpu.memory_space<hbm>>
      %dma_wait3A_315 = tpu.memref_squeeze %dma_wait3A_314 : memref<1x256xi32, #tpu.memory_space<hbm>> -> memref<256xi32, #tpu.memory_space<hbm>>
      tpu.wait_dma2 semaphore(%run_scoped3A : memref<!tpu.dma_semaphore, #tpu.memory_space<semaphore_mem>>) src(%dma_wait3A_315 : memref<256xi32, #tpu.memory_space<hbm>>) dst(%arg8 : memref<256xi32, #tpu.memory_space<vmem>>)
      tpu.yield
    }) : () -> ()
    %dma_start3A = arith.constant 0 : i32
    %dma_start3A_33 = arith.constant 0 : i32
    %dma_start3A_34 = tpu.memref_slice %arg12[%dma_start3A, %dma_start3A_33] : memref<256x128xf32, #tpu.memory_space<vmem>> -> memref<128x128xf32, #tpu.memory_space<vmem>>
    %dma_start3A_35 = arith.constant 0 : i32
    %dma_start3A_36 = tpu.memref_slice %arg8[%dma_start3A_35] : memref<256xi32, #tpu.memory_space<vmem>> -> memref<128xi32, #tpu.memory_space<vmem>>
    %dma_start3A_37 = arith.constant 0 : i32
    %dma_start3A_38 = arith.constant 0 : i32
    %dma_start3A_39 = tpu.memref_slice %arg2[%dma_start3A_37, %dma_start3A_38] : memref<100000x128xf32, #tpu.memory_space<hbm>> -> memref<100000x128xf32, #tpu.memory_space<hbm>>
    tpu.enqueue_indirect_dma source(%dma_start3A_39 : memref<100000x128xf32, #tpu.memory_space<hbm>>) target(%dma_start3A_34 : memref<128x128xf32, #tpu.memory_space<vmem>>) offsets(%dma_start3A_36 : memref<128xi32, #tpu.memory_space<vmem>>) semaphore(%arg13 : memref<!tpu.dma_semaphore, #tpu.memory_space<semaphore_mem>>)
    %dma_start3A_40 = arith.constant 128 : i32
    %dma_start3A_41 = arith.constant 0 : i32
    %dma_start3A_42 = tpu.memref_slice %arg12[%dma_start3A_40, %dma_start3A_41] : memref<256x128xf32, #tpu.memory_space<vmem>> -> memref<128x128xf32, #tpu.memory_space<vmem>>
    %dma_start3A_43 = arith.constant 128 : i32
    %dma_start3A_44 = tpu.memref_slice %arg8[%dma_start3A_43] : memref<256xi32, #tpu.memory_space<vmem>> -> memref<128xi32, #tpu.memory_space<vmem>>
    %dma_start3A_45 = arith.constant 0 : i32
    %dma_start3A_46 = arith.constant 0 : i32
    %dma_start3A_47 = tpu.memref_slice %arg2[%dma_start3A_45, %dma_start3A_46] : memref<100000x128xf32, #tpu.memory_space<hbm>> -> memref<100000x128xf32, #tpu.memory_space<hbm>>
    tpu.enqueue_indirect_dma source(%dma_start3A_47 : memref<100000x128xf32, #tpu.memory_space<hbm>>) target(%dma_start3A_42 : memref<128x128xf32, #tpu.memory_space<vmem>>) offsets(%dma_start3A_44 : memref<128xi32, #tpu.memory_space<vmem>>) semaphore(%arg14 : memref<!tpu.dma_semaphore, #tpu.memory_space<semaphore_mem>>)
    %dma_start3A_48 = tpu.memref_slice %arg4[%select_n3A, %mul3A_32] : memref<4x2048xi32, #tpu.memory_space<hbm>> -> memref<1x256xi32, #tpu.memory_space<hbm>>
    %dma_start3A_49 = tpu.memref_squeeze %dma_start3A_48 : memref<1x256xi32, #tpu.memory_space<hbm>> -> memref<256xi32, #tpu.memory_space<hbm>>
    %dma_start3A_50 = tpu.memref_slice %arg4[%select_n3A, %mul3A_32] : memref<4x2048xi32, #tpu.memory_space<hbm>> -> memref<1x256xi32, #tpu.memory_space<hbm>>
    %dma_start3A_51 = tpu.memref_squeeze %dma_start3A_50 : memref<1x256xi32, #tpu.memory_space<hbm>> -> memref<256xi32, #tpu.memory_space<hbm>>
    tpu.enqueue_dma source(%dma_start3A_51 : memref<256xi32, #tpu.memory_space<hbm>>) target(%arg9 : memref<256xi32, #tpu.memory_space<vmem>>) target_semaphore(%arg15 : memref<!tpu.dma_semaphore, #tpu.memory_space<semaphore_mem>>)
    tpu.enqueue_dma source(%arg5 : memref<2x128xf32, #tpu.memory_space<hbm>>) target(%arg10 : memref<2x128xf32, #tpu.memory_space<vmem>>) target_semaphore(%arg15 : memref<!tpu.dma_semaphore, #tpu.memory_space<semaphore_mem>>)
    tpu.enqueue_dma source(%arg6 : memref<128xf32, #tpu.memory_space<hbm>>) target(%arg11 : memref<128xf32, #tpu.memory_space<vmem>>) target_semaphore(%arg15 : memref<!tpu.dma_semaphore, #tpu.memory_space<semaphore_mem>>)
    %dma_wait3A = tpu.memref_slice %arg4[%select_n3A, %mul3A_32] : memref<4x2048xi32, #tpu.memory_space<hbm>> -> memref<1x256xi32, #tpu.memory_space<hbm>>
    %dma_wait3A_52 = tpu.memref_squeeze %dma_wait3A : memref<1x256xi32, #tpu.memory_space<hbm>> -> memref<256xi32, #tpu.memory_space<hbm>>
    %dma_wait3A_53 = tpu.memref_slice %arg4[%select_n3A, %mul3A_32] : memref<4x2048xi32, #tpu.memory_space<hbm>> -> memref<1x256xi32, #tpu.memory_space<hbm>>
    %dma_wait3A_54 = tpu.memref_squeeze %dma_wait3A_53 : memref<1x256xi32, #tpu.memory_space<hbm>> -> memref<256xi32, #tpu.memory_space<hbm>>
    tpu.wait_dma2 semaphore(%arg15 : memref<!tpu.dma_semaphore, #tpu.memory_space<semaphore_mem>>) src(%dma_wait3A_54 : memref<256xi32, #tpu.memory_space<hbm>>) dst(%arg9 : memref<256xi32, #tpu.memory_space<vmem>>)
    tpu.wait_dma2 semaphore(%arg15 : memref<!tpu.dma_semaphore, #tpu.memory_space<semaphore_mem>>) src(%arg5 : memref<2x128xf32, #tpu.memory_space<hbm>>) dst(%arg10 : memref<2x128xf32, #tpu.memory_space<vmem>>)
    tpu.wait_dma2 semaphore(%arg15 : memref<!tpu.dma_semaphore, #tpu.memory_space<semaphore_mem>>) src(%arg6 : memref<128xf32, #tpu.memory_space<hbm>>) dst(%arg11 : memref<128xf32, #tpu.memory_space<vmem>>)
    %get3A = arith.constant 0 : i32
    %get3A_55 = arith.index_cast %get3A : i32 to index
    %get3A_56 = arith.constant 0 : index
    %get3A_57 = tpu.vector_load %arg10[%get3A_55, %get3A_56] {strides = array<i32>} : memref<2x128xf32, #tpu.memory_space<vmem>>, vector<1x16xf32>,
    %get3A_58 = vector.shape_cast %get3A_57 : vector<1x16xf32> to vector<16xf32>
    %get3A_59 = arith.constant 0 : i32
    %get3A_60 = arith.index_cast %get3A_59 : i32 to index
    %get3A_61 = arith.constant 16 : index
    %get3A_62 = tpu.vector_load %arg10[%get3A_60, %get3A_61] {strides = array<i32>} : memref<2x128xf32, #tpu.memory_space<vmem>>, vector<1x16xf32>,
    %get3A_63 = vector.shape_cast %get3A_62 : vector<1x16xf32> to vector<16xf32>
    %get3A_64 = arith.constant 0 : i32
    %get3A_65 = arith.index_cast %get3A_64 : i32 to index
    %get3A_66 = arith.constant 32 : index
    %get3A_67 = tpu.vector_load %arg10[%get3A_65, %get3A_66] {strides = array<i32>} : memref<2x128xf32, #tpu.memory_space<vmem>>, vector<1x16xf32>,
    %get3A_68 = vector.shape_cast %get3A_67 : vector<1x16xf32> to vector<16xf32>
    %get3A_69 = arith.constant 0 : i32
    %get3A_70 = arith.index_cast %get3A_69 : i32 to index
    %get3A_71 = arith.constant 48 : index
    %get3A_72 = tpu.vector_load %arg10[%get3A_70, %get3A_71] {strides = array<i32>} : memref<2x128xf32, #tpu.memory_space<vmem>>, vector<1x16xf32>,
    %get3A_73 = vector.shape_cast %get3A_72 : vector<1x16xf32> to vector<16xf32>
    %get3A_74 = arith.constant 0 : i32
    %get3A_75 = arith.index_cast %get3A_74 : i32 to index
    %get3A_76 = arith.constant 64 : index
    %get3A_77 = tpu.vector_load %arg10[%get3A_75, %get3A_76] {strides = array<i32>} : memref<2x128xf32, #tpu.memory_space<vmem>>, vector<1x16xf32>,
    %get3A_78 = vector.shape_cast %get3A_77 : vector<1x16xf32> to vector<16xf32>
    %get3A_79 = arith.constant 0 : i32
    %get3A_80 = arith.index_cast %get3A_79 : i32 to index
    %get3A_81 = arith.constant 80 : index
    %get3A_82 = tpu.vector_load %arg10[%get3A_80, %get3A_81] {strides = array<i32>} : memref<2x128xf32, #tpu.memory_space<vmem>>, vector<1x16xf32>,
    %get3A_83 = vector.shape_cast %get3A_82 : vector<1x16xf32> to vector<16xf32>
    %get3A_84 = arith.constant 0 : i32
    %get3A_85 = arith.index_cast %get3A_84 : i32 to index
    %get3A_86 = arith.constant 96 : index
    %get3A_87 = tpu.vector_load %arg10[%get3A_85, %get3A_86] {strides = array<i32>} : memref<2x128xf32, #tpu.memory_space<vmem>>, vector<1x16xf32>,
    %get3A_88 = vector.shape_cast %get3A_87 : vector<1x16xf32> to vector<16xf32>
    %get3A_89 = arith.constant 0 : i32
    %get3A_90 = arith.index_cast %get3A_89 : i32 to index
    %get3A_91 = arith.constant 112 : index
    %get3A_92 = tpu.vector_load %arg10[%get3A_90, %get3A_91] {strides = array<i32>} : memref<2x128xf32, #tpu.memory_space<vmem>>, vector<1x16xf32>,
    %get3A_93 = vector.shape_cast %get3A_92 : vector<1x16xf32> to vector<16xf32>
    %get3A_94 = arith.constant 1 : i32
    %get3A_95 = arith.index_cast %get3A_94 : i32 to index
    %get3A_96 = arith.constant 0 : index
    %get3A_97 = tpu.vector_load %arg10[%get3A_95, %get3A_96] {strides = array<i32>} : memref<2x128xf32, #tpu.memory_space<vmem>>, vector<1x16xf32>,
    %get3A_98 = vector.shape_cast %get3A_97 : vector<1x16xf32> to vector<16xf32>
    %get3A_99 = arith.constant 0 : i32
    %get3A_100 = arith.index_cast %get3A_99 : i32 to index
    %get3A_101 = arith.constant 0 : index
    %get3A_102 = tpu.vector_load %arg10[%get3A_100, %get3A_101] {strides = array<i32>} : memref<2x128xf32, #tpu.memory_space<vmem>>, vector<1x16xf32>,
    %get3A_103 = vector.shape_cast %get3A_102 : vector<1x16xf32> to vector<16xf32>
    %sub3A_104 = arith.subf %get3A_98, %get3A_103 : vector<16xf32>
    %get3A_105 = arith.constant 1 : i32
    %get3A_106 = arith.index_cast %get3A_105 : i32 to index
    %get3A_107 = arith.constant 16 : index
    %get3A_108 = tpu.vector_load %arg10[%get3A_106, %get3A_107] {strides = array<i32>} : memref<2x128xf32, #tpu.memory_space<vmem>>, vector<1x16xf32>,
    %get3A_109 = vector.shape_cast %get3A_108 : vector<1x16xf32> to vector<16xf32>
    %get3A_110 = arith.constant 0 : i32
    %get3A_111 = arith.index_cast %get3A_110 : i32 to index
    %get3A_112 = arith.constant 16 : index
    %get3A_113 = tpu.vector_load %arg10[%get3A_111, %get3A_112] {strides = array<i32>} : memref<2x128xf32, #tpu.memory_space<vmem>>, vector<1x16xf32>,
    %get3A_114 = vector.shape_cast %get3A_113 : vector<1x16xf32> to vector<16xf32>
    %sub3A_115 = arith.subf %get3A_109, %get3A_114 : vector<16xf32>
    %get3A_116 = arith.constant 1 : i32
    %get3A_117 = arith.index_cast %get3A_116 : i32 to index
    %get3A_118 = arith.constant 32 : index
    %get3A_119 = tpu.vector_load %arg10[%get3A_117, %get3A_118] {strides = array<i32>} : memref<2x128xf32, #tpu.memory_space<vmem>>, vector<1x16xf32>,
    %get3A_120 = vector.shape_cast %get3A_119 : vector<1x16xf32> to vector<16xf32>
    %get3A_121 = arith.constant 0 : i32
    %get3A_122 = arith.index_cast %get3A_121 : i32 to index
    %get3A_123 = arith.constant 32 : index
    %get3A_124 = tpu.vector_load %arg10[%get3A_122, %get3A_123] {strides = array<i32>} : memref<2x128xf32, #tpu.memory_space<vmem>>, vector<1x16xf32>,
    %get3A_125 = vector.shape_cast %get3A_124 : vector<1x16xf32> to vector<16xf32>
    %sub3A_126 = arith.subf %get3A_120, %get3A_125 : vector<16xf32>
    %get3A_127 = arith.constant 1 : i32
    %get3A_128 = arith.index_cast %get3A_127 : i32 to index
    %get3A_129 = arith.constant 48 : index
    %get3A_130 = tpu.vector_load %arg10[%get3A_128, %get3A_129] {strides = array<i32>} : memref<2x128xf32, #tpu.memory_space<vmem>>, vector<1x16xf32>,
    %get3A_131 = vector.shape_cast %get3A_130 : vector<1x16xf32> to vector<16xf32>
    %get3A_132 = arith.constant 0 : i32
    %get3A_133 = arith.index_cast %get3A_132 : i32 to index
    %get3A_134 = arith.constant 48 : index
    %get3A_135 = tpu.vector_load %arg10[%get3A_133, %get3A_134] {strides = array<i32>} : memref<2x128xf32, #tpu.memory_space<vmem>>, vector<1x16xf32>,
    %get3A_136 = vector.shape_cast %get3A_135 : vector<1x16xf32> to vector<16xf32>
    %sub3A_137 = arith.subf %get3A_131, %get3A_136 : vector<16xf32>
    %get3A_138 = arith.constant 1 : i32
    %get3A_139 = arith.index_cast %get3A_138 : i32 to index
    %get3A_140 = arith.constant 64 : index
    %get3A_141 = tpu.vector_load %arg10[%get3A_139, %get3A_140] {strides = array<i32>} : memref<2x128xf32, #tpu.memory_space<vmem>>, vector<1x16xf32>,
    %get3A_142 = vector.shape_cast %get3A_141 : vector<1x16xf32> to vector<16xf32>
    %get3A_143 = arith.constant 0 : i32
    %get3A_144 = arith.index_cast %get3A_143 : i32 to index
    %get3A_145 = arith.constant 64 : index
    %get3A_146 = tpu.vector_load %arg10[%get3A_144, %get3A_145] {strides = array<i32>} : memref<2x128xf32, #tpu.memory_space<vmem>>, vector<1x16xf32>,
    %get3A_147 = vector.shape_cast %get3A_146 : vector<1x16xf32> to vector<16xf32>
    %sub3A_148 = arith.subf %get3A_142, %get3A_147 : vector<16xf32>
    %get3A_149 = arith.constant 1 : i32
    %get3A_150 = arith.index_cast %get3A_149 : i32 to index
    %get3A_151 = arith.constant 80 : index
    %get3A_152 = tpu.vector_load %arg10[%get3A_150, %get3A_151] {strides = array<i32>} : memref<2x128xf32, #tpu.memory_space<vmem>>, vector<1x16xf32>,
    %get3A_153 = vector.shape_cast %get3A_152 : vector<1x16xf32> to vector<16xf32>
    %get3A_154 = arith.constant 0 : i32
    %get3A_155 = arith.index_cast %get3A_154 : i32 to index
    %get3A_156 = arith.constant 80 : index
    %get3A_157 = tpu.vector_load %arg10[%get3A_155, %get3A_156] {strides = array<i32>} : memref<2x128xf32, #tpu.memory_space<vmem>>, vector<1x16xf32>,
    %get3A_158 = vector.shape_cast %get3A_157 : vector<1x16xf32> to vector<16xf32>
    %sub3A_159 = arith.subf %get3A_153, %get3A_158 : vector<16xf32>
    %get3A_160 = arith.constant 1 : i32
    %get3A_161 = arith.index_cast %get3A_160 : i32 to index
    %get3A_162 = arith.constant 96 : index
    %get3A_163 = tpu.vector_load %arg10[%get3A_161, %get3A_162] {strides = array<i32>} : memref<2x128xf32, #tpu.memory_space<vmem>>, vector<1x16xf32>,
    %get3A_164 = vector.shape_cast %get3A_163 : vector<1x16xf32> to vector<16xf32>
    %get3A_165 = arith.constant 0 : i32
    %get3A_166 = arith.index_cast %get3A_165 : i32 to index
    %get3A_167 = arith.constant 96 : index
    %get3A_168 = tpu.vector_load %arg10[%get3A_166, %get3A_167] {strides = array<i32>} : memref<2x128xf32, #tpu.memory_space<vmem>>, vector<1x16xf32>,
    %get3A_169 = vector.shape_cast %get3A_168 : vector<1x16xf32> to vector<16xf32>
    %sub3A_170 = arith.subf %get3A_164, %get3A_169 : vector<16xf32>
    %get3A_171 = arith.constant 1 : i32
    %get3A_172 = arith.index_cast %get3A_171 : i32 to index
    %get3A_173 = arith.constant 112 : index
    %get3A_174 = tpu.vector_load %arg10[%get3A_172, %get3A_173] {strides = array<i32>} : memref<2x128xf32, #tpu.memory_space<vmem>>, vector<1x16xf32>,
    %get3A_175 = vector.shape_cast %get3A_174 : vector<1x16xf32> to vector<16xf32>
    %get3A_176 = arith.constant 0 : i32
    %get3A_177 = arith.index_cast %get3A_176 : i32 to index
    %get3A_178 = arith.constant 112 : index
    %get3A_179 = tpu.vector_load %arg10[%get3A_177, %get3A_178] {strides = array<i32>} : memref<2x128xf32, #tpu.memory_space<vmem>>, vector<1x16xf32>,
    %get3A_180 = vector.shape_cast %get3A_179 : vector<1x16xf32> to vector<16xf32>
    %sub3A_181 = arith.subf %get3A_175, %get3A_180 : vector<16xf32>
    %get3A_182 = arith.constant 0 : index
    %get3A_183 = tpu.vector_load %arg11[%get3A_182] {strides = array<i32>} : memref<128xf32, #tpu.memory_space<vmem>>, vector<16xf32>,
    %get3A_184 = vector.shape_cast %get3A_183 : vector<16xf32> to vector<16xf32>
    %mul3A_185 = arith.constant 11.3137083 : f32
    %mul3A_186 = vector.broadcast %mul3A_185 : f32 to vector<16xf32>
    %mul3A_187 = arith.mulf %get3A_184, %mul3A_186 : vector<16xf32>
    %get3A_188 = arith.constant 16 : index
    %get3A_189 = tpu.vector_load %arg11[%get3A_188] {strides = array<i32>} : memref<128xf32, #tpu.memory_space<vmem>>, vector<16xf32>,
    %get3A_190 = vector.shape_cast %get3A_189 : vector<16xf32> to vector<16xf32>
    %mul3A_191 = arith.constant 11.3137083 : f32
    %mul3A_192 = vector.broadcast %mul3A_191 : f32 to vector<16xf32>
    %mul3A_193 = arith.mulf %get3A_190, %mul3A_192 : vector<16xf32>
    %get3A_194 = arith.constant 32 : index
    %get3A_195 = tpu.vector_load %arg11[%get3A_194] {strides = array<i32>} : memref<128xf32, #tpu.memory_space<vmem>>, vector<16xf32>,
    %get3A_196 = vector.shape_cast %get3A_195 : vector<16xf32> to vector<16xf32>
    %mul3A_197 = arith.constant 11.3137083 : f32
    %mul3A_198 = vector.broadcast %mul3A_197 : f32 to vector<16xf32>
    %mul3A_199 = arith.mulf %get3A_196, %mul3A_198 : vector<16xf32>
    %get3A_200 = arith.constant 48 : index
    %get3A_201 = tpu.vector_load %arg11[%get3A_200] {strides = array<i32>} : memref<128xf32, #tpu.memory_space<vmem>>, vector<16xf32>,
    %get3A_202 = vector.shape_cast %get3A_201 : vector<16xf32> to vector<16xf32>
    %mul3A_203 = arith.constant 11.3137083 : f32
    %mul3A_204 = vector.broadcast %mul3A_203 : f32 to vector<16xf32>
    %mul3A_205 = arith.mulf %get3A_202, %mul3A_204 : vector<16xf32>
    %get3A_206 = arith.constant 64 : index
    %get3A_207 = tpu.vector_load %arg11[%get3A_206] {strides = array<i32>} : memref<128xf32, #tpu.memory_space<vmem>>, vector<16xf32>,
    %get3A_208 = vector.shape_cast %get3A_207 : vector<16xf32> to vector<16xf32>
    %mul3A_209 = arith.constant 11.3137083 : f32
    %mul3A_210 = vector.broadcast %mul3A_209 : f32 to vector<16xf32>
    %mul3A_211 = arith.mulf %get3A_208, %mul3A_210 : vector<16xf32>
    %get3A_212 = arith.constant 80 : index
    %get3A_213 = tpu.vector_load %arg11[%get3A_212] {strides = array<i32>} : memref<128xf32, #tpu.memory_space<vmem>>, vector<16xf32>,
    %get3A_214 = vector.shape_cast %get3A_213 : vector<16xf32> to vector<16xf32>
    %mul3A_215 = arith.constant 11.3137083 : f32
    %mul3A_216 = vector.broadcast %mul3A_215 : f32 to vector<16xf32>
    %mul3A_217 = arith.mulf %get3A_214, %mul3A_216 : vector<16xf32>
    %get3A_218 = arith.constant 96 : index
    %get3A_219 = tpu.vector_load %arg11[%get3A_218] {strides = array<i32>} : memref<128xf32, #tpu.memory_space<vmem>>, vector<16xf32>,
    %get3A_220 = vector.shape_cast %get3A_219 : vector<16xf32> to vector<16xf32>
    %mul3A_221 = arith.constant 11.3137083 : f32
    %mul3A_222 = vector.broadcast %mul3A_221 : f32 to vector<16xf32>
    %mul3A_223 = arith.mulf %get3A_220, %mul3A_222 : vector<16xf32>
    %get3A_224 = arith.constant 112 : index
    %get3A_225 = tpu.vector_load %arg11[%get3A_224] {strides = array<i32>} : memref<128xf32, #tpu.memory_space<vmem>>, vector<16xf32>,
    %get3A_226 = vector.shape_cast %get3A_225 : vector<16xf32> to vector<16xf32>
    %mul3A_227 = arith.constant 11.3137083 : f32
    %mul3A_228 = vector.broadcast %mul3A_227 : f32 to vector<16xf32>
    %mul3A_229 = arith.mulf %get3A_226, %mul3A_228 : vector<16xf32>
    %iota3A = tpu.iota {dimensions = array<i32: 0>} : vector<16xi32>
    %xor3A = arith.constant 1 : i32
    %xor3A_230 = vector.broadcast %xor3A : i32 to vector<16xi32>
    %xor3A_231 = arith.xori %iota3A, %xor3A_230 : vector<16xi32>
    %xor3A_232 = arith.constant 2 : i32
    %xor3A_233 = vector.broadcast %xor3A_232 : i32 to vector<16xi32>
    %xor3A_234 = arith.xori %iota3A, %xor3A_233 : vector<16xi32>
    %xor3A_235 = arith.constant 4 : i32
    %xor3A_236 = vector.broadcast %xor3A_235 : i32 to vector<16xi32>
    %xor3A_237 = arith.xori %iota3A, %xor3A_236 : vector<16xi32>
    %xor3A_238 = arith.constant 8 : i32
    %xor3A_239 = vector.broadcast %xor3A_238 : i32 to vector<16xi32>
    %xor3A_240 = arith.xori %iota3A, %xor3A_239 : vector<16xi32>
    %sub3A_241 = arith.constant 8 : i32
    %sub3A_242 = vector.broadcast %sub3A_241 : i32 to vector<16xi32>
    %sub3A_243 = arith.subi %iota3A, %sub3A_242 : vector<16xi32>
    %shift_right_arithmetic3A = arith.constant 31 : i32
    %shift_right_arithmetic3A_244 = vector.broadcast %shift_right_arithmetic3A : i32 to vector<16xi32>
    %shift_right_arithmetic3A_245 = arith.shrsi %sub3A_243, %shift_right_arithmetic3A_244 : vector<16xi32>
    %neg3A = arith.constant 0 : i32
    %neg3A_246 = vector.broadcast %neg3A : i32 to vector<16xi32>
    %neg3A_247 = arith.subi %neg3A_246, %shift_right_arithmetic3A_245 : vector<16xi32>
    %convert_element_type3A = arith.sitofp %neg3A_247 : vector<16xi32> to vector<16xf32>
    %sub3A_248 = arith.constant 1.000000e+00 : f32
    %sub3A_249 = vector.broadcast %sub3A_248 : f32 to vector<16xf32>
    %sub3A_250 = arith.subf %sub3A_249, %convert_element_type3A : vector<16xf32>
    %add3A_251 = arith.constant 0 : i32
    %add3A_252 = arith.addi %mul3A_32, %add3A_251 : i32
    %add3A_253 = arith.constant 64 : i32
    %add3A_254 = arith.addi %mul3A_32, %add3A_253 : i32
    %add3A_255 = arith.constant 128 : i32
    %add3A_256 = arith.addi %mul3A_32, %add3A_255 : i32
    %dma_wait3A_257 = arith.constant 0 : i32
    %dma_wait3A_258 = arith.constant 0 : i32
    %dma_wait3A_259 = tpu.memref_slice %arg12[%dma_wait3A_257, %dma_wait3A_258] : memref<256x128xf32, #tpu.memory_space<vmem>> -> memref<128x128xf32, #tpu.memory_space<vmem>>
    %dma_wait3A_260 = arith.constant 0 : i32
    %dma_wait3A_261 = tpu.memref_slice %arg8[%dma_wait3A_260] : memref<256xi32, #tpu.memory_space<vmem>> -> memref<128xi32, #tpu.memory_space<vmem>>
    %dma_wait3A_262 = arith.constant 0 : i32
    %dma_wait3A_263 = arith.constant 0 : i32
    %dma_wait3A_264 = tpu.memref_slice %arg2[%dma_wait3A_262, %dma_wait3A_263] : memref<100000x128xf32, #tpu.memory_space<hbm>> -> memref<100000x128xf32, #tpu.memory_space<hbm>>
    tpu.wait_indirect_dma semaphore(%arg13 : memref<!tpu.dma_semaphore, #tpu.memory_space<semaphore_mem>>) src(%dma_wait3A_264 : memref<100000x128xf32, #tpu.memory_space<hbm>>) dst(%dma_wait3A_259 : memref<128x128xf32, #tpu.memory_space<vmem>>)
    %scan3A = arith.constant 0 : i32
    %scan3A_265 = arith.constant 0 : i32
    %scan3A_266 = arith.constant 16 : i32
    %scan3A_267 = arith.addi %scan3A_265, %scan3A_266 : i32
    %scan3A_268 = arith.constant 1 : i32
    scf.for %scan3A_308 = %scan3A_265 to %scan3A_267 step %scan3A_268  : i32 {
      %eq3A_309 = arith.constant 8 : i32
      %eq3A_310 = arith.cmpi eq, %scan3A_308, %eq3A_309 : i32
      %convert_element_type3A_311 = arith.extui %eq3A_310 : i1 to i32
      %cond3A = arith.constant 0 : i32
      %cond3A_312 = arith.cmpi ne, %convert_element_type3A_311, %cond3A : i32
      scf.if %cond3A_312 {
        %dma_wait3A_3520 = arith.constant 128 : i32
        %dma_wait3A_3521 = arith.constant 0 : i32
        %dma_wait3A_3522 = tpu.memref_slice %arg12[%dma_wait3A_3520, %dma_wait3A_3521] : memref<256x128xf32, #tpu.memory_space<vmem>> -> memref<128x128xf32, #tpu.memory_space<vmem>>
        %dma_wait3A_3523 = arith.constant 128 : i32
        %dma_wait3A_3524 = tpu.memref_slice %arg8[%dma_wait3A_3523] : memref<256xi32, #tpu.memory_space<vmem>> -> memref<128xi32, #tpu.memory_space<vmem>>
        %dma_wait3A_3525 = arith.constant 0 : i32
        %dma_wait3A_3526 = arith.constant 0 : i32
        %dma_wait3A_3527 = tpu.memref_slice %arg2[%dma_wait3A_3525, %dma_wait3A_3526] : memref<100000x128xf32, #tpu.memory_space<hbm>> -> memref<100000x128xf32, #tpu.memory_space<hbm>>
        tpu.wait_indirect_dma semaphore(%arg14 : memref<!tpu.dma_semaphore, #tpu.memory_space<semaphore_mem>>) src(%dma_wait3A_3527 : memref<100000x128xf32, #tpu.memory_space<hbm>>) dst(%dma_wait3A_3522 : memref<128x128xf32, #tpu.memory_space<vmem>>)
      } else {
      }
      %mul3A_313 = arith.constant 16 : i32
      %mul3A_314 = arith.muli %scan3A_308, %mul3A_313 : i32
      %get3A_315 = arith.index_cast %mul3A_314 : i32 to index
      %get3A_316 = tpu.vector_load %arg9[%get3A_315] {strides = array<i32>} : memref<256xi32, #tpu.memory_space<vmem>>, vector<16xi32>,
      %get3A_317 = vector.shape_cast %get3A_316 : vector<16xi32> to vector<16xi32>
      %convert_element_type3A_318 = arith.sitofp %get3A_317 : vector<16xi32> to vector<16xf32>
      %add3A_319 = arith.constant 0 : i32
      %add3A_320 = arith.addi %mul3A_314, %add3A_319 : i32
      %add3A_321 = arith.constant 0 : i32
      %add3A_322 = arith.addi %add3A_320, %add3A_321 : i32
      %slice3A = vector.extract_strided_slice %convert_element_type3A_318 {offsets = [0], sizes = [1], strides = [1]} : vector<16xf32> to vector<1xf32>
      %squeeze3A = vector.extract %slice3A[0] : f32 from vector<1xf32>
      %broadcast_in_dim3A = vector.broadcast %squeeze3A : f32 to vector<16xf32>
      %get3A_323 = arith.index_cast %add3A_322 : i32 to index
      %get3A_324 = arith.constant 0 : index
      %get3A_325 = tpu.vector_load %arg12[%get3A_323, %get3A_324] {strides = array<i32>} : memref<256x128xf32, #tpu.memory_space<vmem>>, vector<1x16xf32>,
      %get3A_326 = vector.shape_cast %get3A_325 : vector<1x16xf32> to vector<16xf32>
      %mul3A_327 = arith.mulf %broadcast_in_dim3A, %sub3A_104 : vector<16xf32>
      %add3A_328 = arith.addf %get3A_58, %mul3A_327 : vector<16xf32>
      %add3A_329 = arith.addf %get3A_326, %add3A_328 : vector<16xf32>
      %mul3A_330 = arith.mulf %add3A_329, %add3A_329 : vector<16xf32>
      %get3A_331 = arith.index_cast %add3A_322 : i32 to index
      %get3A_332 = arith.constant 16 : index
      %get3A_333 = tpu.vector_load %arg12[%get3A_331, %get3A_332] {strides = array<i32>} : memref<256x128xf32, #tpu.memory_space<vmem>>, vector<1x16xf32>,
      %get3A_334 = vector.shape_cast %get3A_333 : vector<1x16xf32> to vector<16xf32>
      %mul3A_335 = arith.mulf %broadcast_in_dim3A, %sub3A_115 : vector<16xf32>
      %add3A_336 = arith.addf %get3A_63, %mul3A_335 : vector<16xf32>
      %add3A_337 = arith.addf %get3A_334, %add3A_336 : vector<16xf32>
      %mul3A_338 = arith.mulf %add3A_337, %add3A_337 : vector<16xf32>
      %add3A_339 = arith.addf %mul3A_330, %mul3A_338 : vector<16xf32>
      %get3A_340 = arith.index_cast %add3A_322 : i32 to index
      %get3A_341 = arith.constant 32 : index
      %get3A_342 = tpu.vector_load %arg12[%get3A_340, %get3A_341] {strides = array<i32>} : memref<256x128xf32, #tpu.memory_space<vmem>>, vector<1x16xf32>,
      %get3A_343 = vector.shape_cast %get3A_342 : vector<1x16xf32> to vector<16xf32>
      %mul3A_344 = arith.mulf %broadcast_in_dim3A, %sub3A_126 : vector<16xf32>
      %add3A_345 = arith.addf %get3A_68, %mul3A_344 : vector<16xf32>
      %add3A_346 = arith.addf %get3A_343, %add3A_345 : vector<16xf32>
      %mul3A_347 = arith.mulf %add3A_346, %add3A_346 : vector<16xf32>
      %add3A_348 = arith.addf %add3A_339, %mul3A_347 : vector<16xf32>
      %get3A_349 = arith.index_cast %add3A_322 : i32 to index
      %get3A_350 = arith.constant 48 : index
      %get3A_351 = tpu.vector_load %arg12[%get3A_349, %get3A_350] {strides = array<i32>} : memref<256x128xf32, #tpu.memory_space<vmem>>, vector<1x16xf32>,
      %get3A_352 = vector.shape_cast %get3A_351 : vector<1x16xf32> to vector<16xf32>
      %mul3A_353 = arith.mulf %broadcast_in_dim3A, %sub3A_137 : vector<16xf32>
      %add3A_354 = arith.addf %get3A_73, %mul3A_353 : vector<16xf32>
      %add3A_355 = arith.addf %get3A_352, %add3A_354 : vector<16xf32>
      %mul3A_356 = arith.mulf %add3A_355, %add3A_355 : vector<16xf32>
      %add3A_357 = arith.addf %add3A_348, %mul3A_356 : vector<16xf32>
      %get3A_358 = arith.index_cast %add3A_322 : i32 to index
      %get3A_359 = arith.constant 64 : index
      %get3A_360 = tpu.vector_load %arg12[%get3A_358, %get3A_359] {strides = array<i32>} : memref<256x128xf32, #tpu.memory_space<vmem>>, vector<1x16xf32>,
      %get3A_361 = vector.shape_cast %get3A_360 : vector<1x16xf32> to vector<16xf32>
      %mul3A_362 = arith.mulf %broadcast_in_dim3A, %sub3A_148 : vector<16xf32>
      %add3A_363 = arith.addf %get3A_78, %mul3A_362 : vector<16xf32>
      %add3A_364 = arith.addf %get3A_361, %add3A_363 : vector<16xf32>
      %mul3A_365 = arith.mulf %add3A_364, %add3A_364 : vector<16xf32>
      %add3A_366 = arith.addf %add3A_357, %mul3A_365 : vector<16xf32>
      %get3A_367 = arith.index_cast %add3A_322 : i32 to index
      %get3A_368 = arith.constant 80 : index
      %get3A_369 = tpu.vector_load %arg12[%get3A_367, %get3A_368] {strides = array<i32>} : memref<256x128xf32, #tpu.memory_space<vmem>>, vector<1x16xf32>,
      %get3A_370 = vector.shape_cast %get3A_369 : vector<1x16xf32> to vector<16xf32>
      %mul3A_371 = arith.mulf %broadcast_in_dim3A, %sub3A_159 : vector<16xf32>
      %add3A_372 = arith.addf %get3A_83, %mul3A_371 : vector<16xf32>
      %add3A_373 = arith.addf %get3A_370, %add3A_372 : vector<16xf32>
      %mul3A_374 = arith.mulf %add3A_373, %add3A_373 : vector<16xf32>
      %add3A_375 = arith.addf %add3A_366, %mul3A_374 : vector<16xf32>
      %get3A_376 = arith.index_cast %add3A_322 : i32 to index
      %get3A_377 = arith.constant 96 : index
      %get3A_378 = tpu.vector_load %arg12[%get3A_376, %get3A_377] {strides = array<i32>} : memref<256x128xf32, #tpu.memory_space<vmem>>, vector<1x16xf32>,
      %get3A_379 = vector.shape_cast %get3A_378 : vector<1x16xf32> to vector<16xf32>
      %mul3A_380 = arith.mulf %broadcast_in_dim3A, %sub3A_170 : vector<16xf32>
      %add3A_381 = arith.addf %get3A_88, %mul3A_380 : vector<16xf32>
      %add3A_382 = arith.addf %get3A_379, %add3A_381 : vector<16xf32>
      %mul3A_383 = arith.mulf %add3A_382, %add3A_382 : vector<16xf32>
      %add3A_384 = arith.addf %add3A_375, %mul3A_383 : vector<16xf32>
      %get3A_385 = arith.index_cast %add3A_322 : i32 to index
      %get3A_386 = arith.constant 112 : index
      %get3A_387 = tpu.vector_load %arg12[%get3A_385, %get3A_386] {strides = array<i32>} : memref<256x128xf32, #tpu.memory_space<vmem>>, vector<1x16xf32>,
      %get3A_388 = vector.shape_cast %get3A_387 : vector<1x16xf32> to vector<16xf32>
      %mul3A_389 = arith.mulf %broadcast_in_dim3A, %sub3A_181 : vector<16xf32>
      %add3A_390 = arith.addf %get3A_93, %mul3A_389 : vector<16xf32>
      %add3A_391 = arith.addf %get3A_388, %add3A_390 : vector<16xf32>
      %mul3A_392 = arith.mulf %add3A_391, %add3A_391 : vector<16xf32>
      %add3A_393 = arith.addf %add3A_384, %mul3A_392 : vector<16xf32>
      %add3A_394 = arith.constant 1 : i32
      %add3A_395 = arith.addi %add3A_320, %add3A_394 : i32
      %slice3A_396 = vector.extract_strided_slice %convert_element_type3A_318 {offsets = [1], sizes = [1], strides = [1]} : vector<16xf32> to vector<1xf32>
      %squeeze3A_397 = vector.extract %slice3A_396[0] : f32 from vector<1xf32>
      %broadcast_in_dim3A_398 = vector.broadcast %squeeze3A_397 : f32 to vector<16xf32>
      %get3A_399 = arith.index_cast %add3A_395 : i32 to index
      %get3A_400 = arith.constant 0 : index
      %get3A_401 = tpu.vector_load %arg12[%get3A_399, %get3A_400] {strides = array<i32>} : memref<256x128xf32, #tpu.memory_space<vmem>>, vector<1x16xf32>,
      %get3A_402 = vector.shape_cast %get3A_401 : vector<1x16xf32> to vector<16xf32>
      %mul3A_403 = arith.mulf %broadcast_in_dim3A_398, %sub3A_104 : vector<16xf32>
      %add3A_404 = arith.addf %get3A_58, %mul3A_403 : vector<16xf32>
      %add3A_405 = arith.addf %get3A_402, %add3A_404 : vector<16xf32>
      %mul3A_406 = arith.mulf %add3A_405, %add3A_405 : vector<16xf32>
      %get3A_407 = arith.index_cast %add3A_395 : i32 to index
      %get3A_408 = arith.constant 16 : index
      %get3A_409 = tpu.vector_load %arg12[%get3A_407, %get3A_408] {strides = array<i32>} : memref<256x128xf32, #tpu.memory_space<vmem>>, vector<1x16xf32>,
      %get3A_410 = vector.shape_cast %get3A_409 : vector<1x16xf32> to vector<16xf32>
      %mul3A_411 = arith.mulf %broadcast_in_dim3A_398, %sub3A_115 : vector<16xf32>
      %add3A_412 = arith.addf %get3A_63, %mul3A_411 : vector<16xf32>
      %add3A_413 = arith.addf %get3A_410, %add3A_412 : vector<16xf32>
      %mul3A_414 = arith.mulf %add3A_413, %add3A_413 : vector<16xf32>
      %add3A_415 = arith.addf %mul3A_406, %mul3A_414 : vector<16xf32>
      %get3A_416 = arith.index_cast %add3A_395 : i32 to index
      %get3A_417 = arith.constant 32 : index
      %get3A_418 = tpu.vector_load %arg12[%get3A_416, %get3A_417] {strides = array<i32>} : memref<256x128xf32, #tpu.memory_space<vmem>>, vector<1x16xf32>,
      %get3A_419 = vector.shape_cast %get3A_418 : vector<1x16xf32> to vector<16xf32>
      %mul3A_420 = arith.mulf %broadcast_in_dim3A_398, %sub3A_126 : vector<16xf32>
      %add3A_421 = arith.addf %get3A_68, %mul3A_420 : vector<16xf32>
      %add3A_422 = arith.addf %get3A_419, %add3A_421 : vector<16xf32>
      %mul3A_423 = arith.mulf %add3A_422, %add3A_422 : vector<16xf32>
      %add3A_424 = arith.addf %add3A_415, %mul3A_423 : vector<16xf32>
      %get3A_425 = arith.index_cast %add3A_395 : i32 to index
      %get3A_426 = arith.constant 48 : index
      %get3A_427 = tpu.vector_load %arg12[%get3A_425, %get3A_426] {strides = array<i32>} : memref<256x128xf32, #tpu.memory_space<vmem>>, vector<1x16xf32>,
      %get3A_428 = vector.shape_cast %get3A_427 : vector<1x16xf32> to vector<16xf32>
      %mul3A_429 = arith.mulf %broadcast_in_dim3A_398, %sub3A_137 : vector<16xf32>
      %add3A_430 = arith.addf %get3A_73, %mul3A_429 : vector<16xf32>
      %add3A_431 = arith.addf %get3A_428, %add3A_430 : vector<16xf32>
      %mul3A_432 = arith.mulf %add3A_431, %add3A_431 : vector<16xf32>
      %add3A_433 = arith.addf %add3A_424, %mul3A_432 : vector<16xf32>
      %get3A_434 = arith.index_cast %add3A_395 : i32 to index
      %get3A_435 = arith.constant 64 : index
      %get3A_436 = tpu.vector_load %arg12[%get3A_434, %get3A_435] {strides = array<i32>} : memref<256x128xf32, #tpu.memory_space<vmem>>, vector<1x16xf32>,
      %get3A_437 = vector.shape_cast %get3A_436 : vector<1x16xf32> to vector<16xf32>
      %mul3A_438 = arith.mulf %broadcast_in_dim3A_398, %sub3A_148 : vector<16xf32>
      %add3A_439 = arith.addf %get3A_78, %mul3A_438 : vector<16xf32>
      %add3A_440 = arith.addf %get3A_437, %add3A_439 : vector<16xf32>
      %mul3A_441 = arith.mulf %add3A_440, %add3A_440 : vector<16xf32>
      %add3A_442 = arith.addf %add3A_433, %mul3A_441 : vector<16xf32>
      %get3A_443 = arith.index_cast %add3A_395 : i32 to index
      %get3A_444 = arith.constant 80 : index
      %get3A_445 = tpu.vector_load %arg12[%get3A_443, %get3A_444] {strides = array<i32>} : memref<256x128xf32, #tpu.memory_space<vmem>>, vector<1x16xf32>,
      %get3A_446 = vector.shape_cast %get3A_445 : vector<1x16xf32> to vector<16xf32>
      %mul3A_447 = arith.mulf %broadcast_in_dim3A_398, %sub3A_159 : vector<16xf32>
      %add3A_448 = arith.addf %get3A_83, %mul3A_447 : vector<16xf32>
      %add3A_449 = arith.addf %get3A_446, %add3A_448 : vector<16xf32>
      %mul3A_450 = arith.mulf %add3A_449, %add3A_449 : vector<16xf32>
      %add3A_451 = arith.addf %add3A_442, %mul3A_450 : vector<16xf32>
      %get3A_452 = arith.index_cast %add3A_395 : i32 to index
      %get3A_453 = arith.constant 96 : index
      %get3A_454 = tpu.vector_load %arg12[%get3A_452, %get3A_453] {strides = array<i32>} : memref<256x128xf32, #tpu.memory_space<vmem>>, vector<1x16xf32>,
      %get3A_455 = vector.shape_cast %get3A_454 : vector<1x16xf32> to vector<16xf32>
      %mul3A_456 = arith.mulf %broadcast_in_dim3A_398, %sub3A_170 : vector<16xf32>
      %add3A_457 = arith.addf %get3A_88, %mul3A_456 : vector<16xf32>
      %add3A_458 = arith.addf %get3A_455, %add3A_457 : vector<16xf32>
      %mul3A_459 = arith.mulf %add3A_458, %add3A_458 : vector<16xf32>
      %add3A_460 = arith.addf %add3A_451, %mul3A_459 : vector<16xf32>
      %get3A_461 = arith.index_cast %add3A_395 : i32 to index
      %get3A_462 = arith.constant 112 : index
      %get3A_463 = tpu.vector_load %arg12[%get3A_461, %get3A_462] {strides = array<i32>} : memref<256x128xf32, #tpu.memory_space<vmem>>, vector<1x16xf32>,
      %get3A_464 = vector.shape_cast %get3A_463 : vector<1x16xf32> to vector<16xf32>
      %mul3A_465 = arith.mulf %broadcast_in_dim3A_398, %sub3A_181 : vector<16xf32>
      %add3A_466 = arith.addf %get3A_93, %mul3A_465 : vector<16xf32>
      %add3A_467 = arith.addf %get3A_464, %add3A_466 : vector<16xf32>
      %mul3A_468 = arith.mulf %add3A_467, %add3A_467 : vector<16xf32>
      %add3A_469 = arith.addf %add3A_460, %mul3A_468 : vector<16xf32>
      %lt3A_470 = arith.constant 0 : i32
      %lt3A_471 = vector.broadcast %lt3A_470 : i32 to vector<16xi32>
      %lt3A_472 = arith.cmpi slt, %xor3A_231, %lt3A_471 : vector<16xi32>
      %add3A_473 = arith.constant 16 : i32
      %add3A_474 = vector.broadcast %add3A_473 : i32 to vector<16xi32>
      %add3A_475 = arith.addi %xor3A_231, %add3A_474 : vector<16xi32>
      %select_n3A_476 = arith.select %lt3A_472, %add3A_475, %xor3A_231 : vector<16xi1>, vector<16xi32>
      %broadcast_in_dim3A_477 = vector.shape_cast %select_n3A_476 : vector<16xi32> to vector<16x1xi32>
      %gather3A = vector.shape_cast %broadcast_in_dim3A_477 : vector<16x1xi32> to vector<16xi32>
      %gather3A_478 = tpu.dynamic_gather %add3A_393[%gather3A] in [0] : vector<16xf32>, vector<16xi32> -> vector<16xf32>
      %add3A_479 = arith.addf %add3A_393, %gather3A_478 : vector<16xf32>
      %lt3A_480 = arith.constant 0 : i32
      %lt3A_481 = vector.broadcast %lt3A_480 : i32 to vector<16xi32>
      %lt3A_482 = arith.cmpi slt, %xor3A_231, %lt3A_481 : vector<16xi32>
      %add3A_483 = arith.constant 16 : i32
      %add3A_484 = vector.broadcast %add3A_483 : i32 to vector<16xi32>
      %add3A_485 = arith.addi %xor3A_231, %add3A_484 : vector<16xi32>
      %select_n3A_486 = arith.select %lt3A_482, %add3A_485, %xor3A_231 : vector<16xi1>, vector<16xi32>
      %broadcast_in_dim3A_487 = vector.shape_cast %select_n3A_486 : vector<16xi32> to vector<16x1xi32>
      %gather3A_488 = vector.shape_cast %broadcast_in_dim3A_487 : vector<16x1xi32> to vector<16xi32>
      %gather3A_489 = tpu.dynamic_gather %add3A_469[%gather3A_488] in [0] : vector<16xf32>, vector<16xi32> -> vector<16xf32>
      %add3A_490 = arith.addf %add3A_469, %gather3A_489 : vector<16xf32>
      %lt3A_491 = arith.constant 0 : i32
      %lt3A_492 = vector.broadcast %lt3A_491 : i32 to vector<16xi32>
      %lt3A_493 = arith.cmpi slt, %xor3A_234, %lt3A_492 : vector<16xi32>
      %add3A_494 = arith.constant 16 : i32
      %add3A_495 = vector.broadcast %add3A_494 : i32 to vector<16xi32>
      %add3A_496 = arith.addi %xor3A_234, %add3A_495 : vector<16xi32>
      %select_n3A_497 = arith.select %lt3A_493, %add3A_496, %xor3A_234 : vector<16xi1>, vector<16xi32>
      %broadcast_in_dim3A_498 = vector.shape_cast %select_n3A_497 : vector<16xi32> to vector<16x1xi32>
      %gather3A_499 = vector.shape_cast %broadcast_in_dim3A_498 : vector<16x1xi32> to vector<16xi32>
      %gather3A_500 = tpu.dynamic_gather %add3A_479[%gather3A_499] in [0] : vector<16xf32>, vector<16xi32> -> vector<16xf32>
      %add3A_501 = arith.addf %add3A_479, %gather3A_500 : vector<16xf32>
      %lt3A_502 = arith.constant 0 : i32
      %lt3A_503 = vector.broadcast %lt3A_502 : i32 to vector<16xi32>
      %lt3A_504 = arith.cmpi slt, %xor3A_234, %lt3A_503 : vector<16xi32>
      %add3A_505 = arith.constant 16 : i32
      %add3A_506 = vector.broadcast %add3A_505 : i32 to vector<16xi32>
      %add3A_507 = arith.addi %xor3A_234, %add3A_506 : vector<16xi32>
      %select_n3A_508 = arith.select %lt3A_504, %add3A_507, %xor3A_234 : vector<16xi1>, vector<16xi32>
      %broadcast_in_dim3A_509 = vector.shape_cast %select_n3A_508 : vector<16xi32> to vector<16x1xi32>
      %gather3A_510 = vector.shape_cast %broadcast_in_dim3A_509 : vector<16x1xi32> to vector<16xi32>
      %gather3A_511 = tpu.dynamic_gather %add3A_490[%gather3A_510] in [0] : vector<16xf32>, vector<16xi32> -> vector<16xf32>
      %add3A_512 = arith.addf %add3A_490, %gather3A_511 : vector<16xf32>
      %lt3A_513 = arith.constant 0 : i32
      %lt3A_514 = vector.broadcast %lt3A_513 : i32 to vector<16xi32>
      %lt3A_515 = arith.cmpi slt, %xor3A_237, %lt3A_514 : vector<16xi32>
      %add3A_516 = arith.constant 16 : i32
      %add3A_517 = vector.broadcast %add3A_516 : i32 to vector<16xi32>
      %add3A_518 = arith.addi %xor3A_237, %add3A_517 : vector<16xi32>
      %select_n3A_519 = arith.select %lt3A_515, %add3A_518, %xor3A_237 : vector<16xi1>, vector<16xi32>
      %broadcast_in_dim3A_520 = vector.shape_cast %select_n3A_519 : vector<16xi32> to vector<16x1xi32>
      %gather3A_521 = vector.shape_cast %broadcast_in_dim3A_520 : vector<16x1xi32> to vector<16xi32>
      %gather3A_522 = tpu.dynamic_gather %add3A_501[%gather3A_521] in [0] : vector<16xf32>, vector<16xi32> -> vector<16xf32>
      %add3A_523 = arith.addf %add3A_501, %gather3A_522 : vector<16xf32>
      %lt3A_524 = arith.constant 0 : i32
      %lt3A_525 = vector.broadcast %lt3A_524 : i32 to vector<16xi32>
      %lt3A_526 = arith.cmpi slt, %xor3A_237, %lt3A_525 : vector<16xi32>
      %add3A_527 = arith.constant 16 : i32
      %add3A_528 = vector.broadcast %add3A_527 : i32 to vector<16xi32>
      %add3A_529 = arith.addi %xor3A_237, %add3A_528 : vector<16xi32>
      %select_n3A_530 = arith.select %lt3A_526, %add3A_529, %xor3A_237 : vector<16xi1>, vector<16xi32>
      %broadcast_in_dim3A_531 = vector.shape_cast %select_n3A_530 : vector<16xi32> to vector<16x1xi32>
      %gather3A_532 = vector.shape_cast %broadcast_in_dim3A_531 : vector<16x1xi32> to vector<16xi32>
      %gather3A_533 = tpu.dynamic_gather %add3A_512[%gather3A_532] in [0] : vector<16xf32>, vector<16xi32> -> vector<16xf32>
      %add3A_534 = arith.addf %add3A_512, %gather3A_533 : vector<16xf32>
      %lt3A_535 = arith.constant 0 : i32
      %lt3A_536 = vector.broadcast %lt3A_535 : i32 to vector<16xi32>
      %lt3A_537 = arith.cmpi slt, %xor3A_240, %lt3A_536 : vector<16xi32>
      %add3A_538 = arith.constant 16 : i32
      %add3A_539 = vector.broadcast %add3A_538 : i32 to vector<16xi32>
      %add3A_540 = arith.addi %xor3A_240, %add3A_539 : vector<16xi32>
      %select_n3A_541 = arith.select %lt3A_537, %add3A_540, %xor3A_240 : vector<16xi1>, vector<16xi32>
      %broadcast_in_dim3A_542 = vector.shape_cast %select_n3A_541 : vector<16xi32> to vector<16x1xi32>
      %gather3A_543 = vector.shape_cast %broadcast_in_dim3A_542 : vector<16x1xi32> to vector<16xi32>
      %gather3A_544 = tpu.dynamic_gather %add3A_523[%gather3A_543] in [0] : vector<16xf32>, vector<16xi32> -> vector<16xf32>
      %add3A_545 = arith.addf %add3A_523, %gather3A_544 : vector<16xf32>
      %lt3A_546 = arith.constant 0 : i32
      %lt3A_547 = vector.broadcast %lt3A_546 : i32 to vector<16xi32>
      %lt3A_548 = arith.cmpi slt, %xor3A_240, %lt3A_547 : vector<16xi32>
      %add3A_549 = arith.constant 16 : i32
      %add3A_550 = vector.broadcast %add3A_549 : i32 to vector<16xi32>
      %add3A_551 = arith.addi %xor3A_240, %add3A_550 : vector<16xi32>
      %select_n3A_552 = arith.select %lt3A_548, %add3A_551, %xor3A_240 : vector<16xi1>, vector<16xi32>
      %broadcast_in_dim3A_553 = vector.shape_cast %select_n3A_552 : vector<16xi32> to vector<16x1xi32>
      %gather3A_554 = vector.shape_cast %broadcast_in_dim3A_553 : vector<16x1xi32> to vector<16xi32>
      %gather3A_555 = tpu.dynamic_gather %add3A_534[%gather3A_554] in [0] : vector<16xf32>, vector<16xi32> -> vector<16xf32>
      %add3A_556 = arith.addf %add3A_534, %gather3A_555 : vector<16xf32>
      %mul3A_557 = arith.mulf %add3A_545, %convert_element_type3A : vector<16xf32>
      %mul3A_558 = arith.mulf %add3A_556, %sub3A_250 : vector<16xf32>
      %add3A_559 = arith.addf %mul3A_557, %mul3A_558 : vector<16xf32>
      %add3A_560 = arith.constant 1.280000e-04 : f32
      %add3A_561 = vector.broadcast %add3A_560 : f32 to vector<16xf32>
      %add3A_562 = arith.addf %add3A_559, %add3A_561 : vector<16xf32>
      %bitcast_convert_type3A = tpu.bitcast %add3A_562 : vector<16xf32> -> vector<16xi32>
      %shift_right_arithmetic3A_563 = arith.constant 1 : i32
      %shift_right_arithmetic3A_564 = vector.broadcast %shift_right_arithmetic3A_563 : i32 to vector<16xi32>
      %shift_right_arithmetic3A_565 = arith.shrsi %bitcast_convert_type3A, %shift_right_arithmetic3A_564 : vector<16xi32>
      %sub3A_566 = arith.constant 1597463007 : i32
      %sub3A_567 = vector.broadcast %sub3A_566 : i32 to vector<16xi32>
      %sub3A_568 = arith.subi %sub3A_567, %shift_right_arithmetic3A_565 : vector<16xi32>
      %bitcast_convert_type3A_569 = tpu.bitcast %sub3A_568 : vector<16xi32> -> vector<16xf32>
      %mul3A_570 = arith.constant 5.000000e-01 : f32
      %mul3A_571 = vector.broadcast %mul3A_570 : f32 to vector<16xf32>
      %mul3A_572 = arith.mulf %add3A_562, %mul3A_571 : vector<16xf32>
      %mul3A_573 = arith.mulf %mul3A_572, %bitcast_convert_type3A_569 : vector<16xf32>
      %mul3A_574 = arith.mulf %mul3A_573, %bitcast_convert_type3A_569 : vector<16xf32>
      %sub3A_575 = arith.constant 1.500000e+00 : f32
      %sub3A_576 = vector.broadcast %sub3A_575 : f32 to vector<16xf32>
      %sub3A_577 = arith.subf %sub3A_576, %mul3A_574 : vector<16xf32>
      %mul3A_578 = arith.mulf %bitcast_convert_type3A_569, %sub3A_577 : vector<16xf32>
      %mul3A_579 = arith.mulf %mul3A_572, %mul3A_578 : vector<16xf32>
      %mul3A_580 = arith.mulf %mul3A_579, %mul3A_578 : vector<16xf32>
      %sub3A_581 = arith.constant 1.500000e+00 : f32
      %sub3A_582 = vector.broadcast %sub3A_581 : f32 to vector<16xf32>
      %sub3A_583 = arith.subf %sub3A_582, %mul3A_580 : vector<16xf32>
      %mul3A_584 = arith.mulf %mul3A_578, %sub3A_583 : vector<16xf32>
      %mul3A_585 = arith.mulf %mul3A_572, %mul3A_584 : vector<16xf32>
      %mul3A_586 = arith.mulf %mul3A_585, %mul3A_584 : vector<16xf32>
      %sub3A_587 = arith.constant 1.500000e+00 : f32
      %sub3A_588 = vector.broadcast %sub3A_587 : f32 to vector<16xf32>
      %sub3A_589 = arith.subf %sub3A_588, %mul3A_586 : vector<16xf32>
      %mul3A_590 = arith.mulf %mul3A_584, %sub3A_589 : vector<16xf32>
      %slice3A_591 = vector.extract_strided_slice %mul3A_590 {offsets = [0], sizes = [1], strides = [1]} : vector<16xf32> to vector<1xf32>
      %squeeze3A_592 = vector.extract %slice3A_591[0] : f32 from vector<1xf32>
      %broadcast_in_dim3A_593 = vector.broadcast %squeeze3A_592 : f32 to vector<16xf32>
      %slice3A_594 = vector.extract_strided_slice %mul3A_590 {offsets = [8], sizes = [1], strides = [1]} : vector<16xf32> to vector<1xf32>
      %squeeze3A_595 = vector.extract %slice3A_594[0] : f32 from vector<1xf32>
      %broadcast_in_dim3A_596 = vector.broadcast %squeeze3A_595 : f32 to vector<16xf32>
      %add3A_597 = arith.constant 0 : i32
      %add3A_598 = arith.addi %add3A_320, %add3A_597 : i32
      %mul3A_599 = arith.mulf %add3A_329, %broadcast_in_dim3A_593 : vector<16xf32>
      %mul3A_600 = arith.mulf %mul3A_599, %mul3A_187 : vector<16xf32>
      %swap3A = arith.index_cast %add3A_598 : i32 to index
      %swap3A_601 = arith.constant 0 : index
      %swap3A_602 = tpu.vector_load %arg12[%swap3A, %swap3A_601] {strides = array<i32>} : memref<256x128xf32, #tpu.memory_space<vmem>>, vector<1x16xf32>,
      %swap3A_603 = vector.shape_cast %swap3A_602 : vector<1x16xf32> to vector<16xf32>
      %swap3A_604 = vector.shape_cast %mul3A_600 : vector<16xf32> to vector<1x16xf32>
      tpu.vector_store %arg12[%swap3A, %swap3A_601], %swap3A_604 {strides = array<i32>} : memref<256x128xf32, #tpu.memory_space<vmem>>, vector<1x16xf32>,
      %mul3A_605 = arith.mulf %add3A_337, %broadcast_in_dim3A_593 : vector<16xf32>
      %mul3A_606 = arith.mulf %mul3A_605, %mul3A_193 : vector<16xf32>
      %swap3A_607 = arith.index_cast %add3A_598 : i32 to index
      %swap3A_608 = arith.constant 16 : index
      %swap3A_609 = tpu.vector_load %arg12[%swap3A_607, %swap3A_608] {strides = array<i32>} : memref<256x128xf32, #tpu.memory_space<vmem>>, vector<1x16xf32>,
      %swap3A_610 = vector.shape_cast %swap3A_609 : vector<1x16xf32> to vector<16xf32>
      %swap3A_611 = vector.shape_cast %mul3A_606 : vector<16xf32> to vector<1x16xf32>
      tpu.vector_store %arg12[%swap3A_607, %swap3A_608], %swap3A_611 {strides = array<i32>} : memref<256x128xf32, #tpu.memory_space<vmem>>, vector<1x16xf32>,
      %mul3A_612 = arith.mulf %add3A_346, %broadcast_in_dim3A_593 : vector<16xf32>
      %mul3A_613 = arith.mulf %mul3A_612, %mul3A_199 : vector<16xf32>
      %swap3A_614 = arith.index_cast %add3A_598 : i32 to index
      %swap3A_615 = arith.constant 32 : index
      %swap3A_616 = tpu.vector_load %arg12[%swap3A_614, %swap3A_615] {strides = array<i32>} : memref<256x128xf32, #tpu.memory_space<vmem>>, vector<1x16xf32>,
      %swap3A_617 = vector.shape_cast %swap3A_616 : vector<1x16xf32> to vector<16xf32>
      %swap3A_618 = vector.shape_cast %mul3A_613 : vector<16xf32> to vector<1x16xf32>
      tpu.vector_store %arg12[%swap3A_614, %swap3A_615], %swap3A_618 {strides = array<i32>} : memref<256x128xf32, #tpu.memory_space<vmem>>, vector<1x16xf32>,
      %mul3A_619 = arith.mulf %add3A_355, %broadcast_in_dim3A_593 : vector<16xf32>
      %mul3A_620 = arith.mulf %mul3A_619, %mul3A_205 : vector<16xf32>
      %swap3A_621 = arith.index_cast %add3A_598 : i32 to index
      %swap3A_622 = arith.constant 48 : index
      %swap3A_623 = tpu.vector_load %arg12[%swap3A_621, %swap3A_622] {strides = array<i32>} : memref<256x128xf32, #tpu.memory_space<vmem>>, vector<1x16xf32>,
      %swap3A_624 = vector.shape_cast %swap3A_623 : vector<1x16xf32> to vector<16xf32>
      %swap3A_625 = vector.shape_cast %mul3A_620 : vector<16xf32> to vector<1x16xf32>
      tpu.vector_store %arg12[%swap3A_621, %swap3A_622], %swap3A_625 {strides = array<i32>} : memref<256x128xf32, #tpu.memory_space<vmem>>, vector<1x16xf32>,
      %mul3A_626 = arith.mulf %add3A_364, %broadcast_in_dim3A_593 : vector<16xf32>
      %mul3A_627 = arith.mulf %mul3A_626, %mul3A_211 : vector<16xf32>
      %swap3A_628 = arith.index_cast %add3A_598 : i32 to index
      %swap3A_629 = arith.constant 64 : index
      %swap3A_630 = tpu.vector_load %arg12[%swap3A_628, %swap3A_629] {strides = array<i32>} : memref<256x128xf32, #tpu.memory_space<vmem>>, vector<1x16xf32>,
      %swap3A_631 = vector.shape_cast %swap3A_630 : vector<1x16xf32> to vector<16xf32>
      %swap3A_632 = vector.shape_cast %mul3A_627 : vector<16xf32> to vector<1x16xf32>
      tpu.vector_store %arg12[%swap3A_628, %swap3A_629], %swap3A_632 {strides = array<i32>} : memref<256x128xf32, #tpu.memory_space<vmem>>, vector<1x16xf32>,
      %mul3A_633 = arith.mulf %add3A_373, %broadcast_in_dim3A_593 : vector<16xf32>
      %mul3A_634 = arith.mulf %mul3A_633, %mul3A_217 : vector<16xf32>
      %swap3A_635 = arith.index_cast %add3A_598 : i32 to index
      %swap3A_636 = arith.constant 80 : index
      %swap3A_637 = tpu.vector_load %arg12[%swap3A_635, %swap3A_636] {strides = array<i32>} : memref<256x128xf32, #tpu.memory_space<vmem>>, vector<1x16xf32>,
      %swap3A_638 = vector.shape_cast %swap3A_637 : vector<1x16xf32> to vector<16xf32>
      %swap3A_639 = vector.shape_cast %mul3A_634 : vector<16xf32> to vector<1x16xf32>
      tpu.vector_store %arg12[%swap3A_635, %swap3A_636], %swap3A_639 {strides = array<i32>} : memref<256x128xf32, #tpu.memory_space<vmem>>, vector<1x16xf32>,
      %mul3A_640 = arith.mulf %add3A_382, %broadcast_in_dim3A_593 : vector<16xf32>
      %mul3A_641 = arith.mulf %mul3A_640, %mul3A_223 : vector<16xf32>
      %swap3A_642 = arith.index_cast %add3A_598 : i32 to index
      %swap3A_643 = arith.constant 96 : index
      %swap3A_644 = tpu.vector_load %arg12[%swap3A_642, %swap3A_643] {strides = array<i32>} : memref<256x128xf32, #tpu.memory_space<vmem>>, vector<1x16xf32>,
      %swap3A_645 = vector.shape_cast %swap3A_644 : vector<1x16xf32> to vector<16xf32>
      %swap3A_646 = vector.shape_cast %mul3A_641 : vector<16xf32> to vector<1x16xf32>
      tpu.vector_store %arg12[%swap3A_642, %swap3A_643], %swap3A_646 {strides = array<i32>} : memref<256x128xf32, #tpu.memory_space<vmem>>, vector<1x16xf32>,
      %mul3A_647 = arith.mulf %add3A_391, %broadcast_in_dim3A_593 : vector<16xf32>
      %mul3A_648 = arith.mulf %mul3A_647, %mul3A_229 : vector<16xf32>
      %swap3A_649 = arith.index_cast %add3A_598 : i32 to index
      %swap3A_650 = arith.constant 112 : index
      %swap3A_651 = tpu.vector_load %arg12[%swap3A_649, %swap3A_650] {strides = array<i32>} : memref<256x128xf32, #tpu.memory_space<vmem>>, vector<1x16xf32>,
      %swap3A_652 = vector.shape_cast %swap3A_651 : vector<1x16xf32> to vector<16xf32>
      %swap3A_653 = vector.shape_cast %mul3A_648 : vector<16xf32> to vector<1x16xf32>
      tpu.vector_store %arg12[%swap3A_649, %swap3A_650], %swap3A_653 {strides = array<i32>} : memref<256x128xf32, #tpu.memory_space<vmem>>, vector<1x16xf32>,
      %add3A_654 = arith.constant 1 : i32
      %add3A_655 = arith.addi %add3A_320, %add3A_654 : i32
      %mul3A_656 = arith.mulf %add3A_405, %broadcast_in_dim3A_596 : vector<16xf32>
      %mul3A_657 = arith.mulf %mul3A_656, %mul3A_187 : vector<16xf32>
      %swap3A_658 = arith.index_cast %add3A_655 : i32 to index
      %swap3A_659 = arith.constant 0 : index
      %swap3A_660 = tpu.vector_load %arg12[%swap3A_658, %swap3A_659] {strides = array<i32>} : memref<256x128xf32, #tpu.memory_space<vmem>>, vector<1x16xf32>,
      %swap3A_661 = vector.shape_cast %swap3A_660 : vector<1x16xf32> to vector<16xf32>
      %swap3A_662 = vector.shape_cast %mul3A_657 : vector<16xf32> to vector<1x16xf32>
      tpu.vector_store %arg12[%swap3A_658, %swap3A_659], %swap3A_662 {strides = array<i32>} : memref<256x128xf32, #tpu.memory_space<vmem>>, vector<1x16xf32>,
      %mul3A_663 = arith.mulf %add3A_413, %broadcast_in_dim3A_596 : vector<16xf32>
      %mul3A_664 = arith.mulf %mul3A_663, %mul3A_193 : vector<16xf32>
      %swap3A_665 = arith.index_cast %add3A_655 : i32 to index
      %swap3A_666 = arith.constant 16 : index
      %swap3A_667 = tpu.vector_load %arg12[%swap3A_665, %swap3A_666] {strides = array<i32>} : memref<256x128xf32, #tpu.memory_space<vmem>>, vector<1x16xf32>,
      %swap3A_668 = vector.shape_cast %swap3A_667 : vector<1x16xf32> to vector<16xf32>
      %swap3A_669 = vector.shape_cast %mul3A_664 : vector<16xf32> to vector<1x16xf32>
      tpu.vector_store %arg12[%swap3A_665, %swap3A_666], %swap3A_669 {strides = array<i32>} : memref<256x128xf32, #tpu.memory_space<vmem>>, vector<1x16xf32>,
      %mul3A_670 = arith.mulf %add3A_422, %broadcast_in_dim3A_596 : vector<16xf32>
      %mul3A_671 = arith.mulf %mul3A_670, %mul3A_199 : vector<16xf32>
      %swap3A_672 = arith.index_cast %add3A_655 : i32 to index
      %swap3A_673 = arith.constant 32 : index
      %swap3A_674 = tpu.vector_load %arg12[%swap3A_672, %swap3A_673] {strides = array<i32>} : memref<256x128xf32, #tpu.memory_space<vmem>>, vector<1x16xf32>,
      %swap3A_675 = vector.shape_cast %swap3A_674 : vector<1x16xf32> to vector<16xf32>
      %swap3A_676 = vector.shape_cast %mul3A_671 : vector<16xf32> to vector<1x16xf32>
      tpu.vector_store %arg12[%swap3A_672, %swap3A_673], %swap3A_676 {strides = array<i32>} : memref<256x128xf32, #tpu.memory_space<vmem>>, vector<1x16xf32>,
      %mul3A_677 = arith.mulf %add3A_431, %broadcast_in_dim3A_596 : vector<16xf32>
      %mul3A_678 = arith.mulf %mul3A_677, %mul3A_205 : vector<16xf32>
      %swap3A_679 = arith.index_cast %add3A_655 : i32 to index
      %swap3A_680 = arith.constant 48 : index
      %swap3A_681 = tpu.vector_load %arg12[%swap3A_679, %swap3A_680] {strides = array<i32>} : memref<256x128xf32, #tpu.memory_space<vmem>>, vector<1x16xf32>,
      %swap3A_682 = vector.shape_cast %swap3A_681 : vector<1x16xf32> to vector<16xf32>
      %swap3A_683 = vector.shape_cast %mul3A_678 : vector<16xf32> to vector<1x16xf32>
      tpu.vector_store %arg12[%swap3A_679, %swap3A_680], %swap3A_683 {strides = array<i32>} : memref<256x128xf32, #tpu.memory_space<vmem>>, vector<1x16xf32>,
      %mul3A_684 = arith.mulf %add3A_440, %broadcast_in_dim3A_596 : vector<16xf32>
      %mul3A_685 = arith.mulf %mul3A_684, %mul3A_211 : vector<16xf32>
      %swap3A_686 = arith.index_cast %add3A_655 : i32 to index
      %swap3A_687 = arith.constant 64 : index
      %swap3A_688 = tpu.vector_load %arg12[%swap3A_686, %swap3A_687] {strides = array<i32>} : memref<256x128xf32, #tpu.memory_space<vmem>>, vector<1x16xf32>,
      %swap3A_689 = vector.shape_cast %swap3A_688 : vector<1x16xf32> to vector<16xf32>
      %swap3A_690 = vector.shape_cast %mul3A_685 : vector<16xf32> to vector<1x16xf32>
      tpu.vector_store %arg12[%swap3A_686, %swap3A_687], %swap3A_690 {strides = array<i32>} : memref<256x128xf32, #tpu.memory_space<vmem>>, vector<1x16xf32>,
      %mul3A_691 = arith.mulf %add3A_449, %broadcast_in_dim3A_596 : vector<16xf32>
      %mul3A_692 = arith.mulf %mul3A_691, %mul3A_217 : vector<16xf32>
      %swap3A_693 = arith.index_cast %add3A_655 : i32 to index
      %swap3A_694 = arith.constant 80 : index
      %swap3A_695 = tpu.vector_load %arg12[%swap3A_693, %swap3A_694] {strides = array<i32>} : memref<256x128xf32, #tpu.memory_space<vmem>>, vector<1x16xf32>,
      %swap3A_696 = vector.shape_cast %swap3A_695 : vector<1x16xf32> to vector<16xf32>
      %swap3A_697 = vector.shape_cast %mul3A_692 : vector<16xf32> to vector<1x16xf32>
      tpu.vector_store %arg12[%swap3A_693, %swap3A_694], %swap3A_697 {strides = array<i32>} : memref<256x128xf32, #tpu.memory_space<vmem>>, vector<1x16xf32>,
      %mul3A_698 = arith.mulf %add3A_458, %broadcast_in_dim3A_596 : vector<16xf32>
      %mul3A_699 = arith.mulf %mul3A_698, %mul3A_223 : vector<16xf32>
      %swap3A_700 = arith.index_cast %add3A_655 : i32 to index
      %swap3A_701 = arith.constant 96 : index
      %swap3A_702 = tpu.vector_load %arg12[%swap3A_700, %swap3A_701] {strides = array<i32>} : memref<256x128xf32, #tpu.memory_space<vmem>>, vector<1x16xf32>,
      %swap3A_703 = vector.shape_cast %swap3A_702 : vector<1x16xf32> to vector<16xf32>
      %swap3A_704 = vector.shape_cast %mul3A_699 : vector<16xf32> to vector<1x16xf32>
      tpu.vector_store %arg12[%swap3A_700, %swap3A_701], %swap3A_704 {strides = array<i32>} : memref<256x128xf32, #tpu.memory_space<vmem>>, vector<1x16xf32>,
      %mul3A_705 = arith.mulf %add3A_467, %broadcast_in_dim3A_596 : vector<16xf32>
      %mul3A_706 = arith.mulf %mul3A_705, %mul3A_229 : vector<16xf32>
      %swap3A_707 = arith.index_cast %add3A_655 : i32 to index
      %swap3A_708 = arith.constant 112 : index
      %swap3A_709 = tpu.vector_load %arg12[%swap3A_707, %swap3A_708] {strides = array<i32>} : memref<256x128xf32, #tpu.memory_space<vmem>>, vector<1x16xf32>,
      %swap3A_710 = vector.shape_cast %swap3A_709 : vector<1x16xf32> to vector<16xf32>
      %swap3A_711 = vector.shape_cast %mul3A_706 : vector<16xf32> to vector<1x16xf32>
      tpu.vector_store %arg12[%swap3A_707, %swap3A_708], %swap3A_711 {strides = array<i32>} : memref<256x128xf32, #tpu.memory_space<vmem>>, vector<1x16xf32>,
      %add3A_712 = arith.constant 2 : i32
      %add3A_713 = arith.addi %mul3A_314, %add3A_712 : i32
      %add3A_714 = arith.constant 0 : i32
      %add3A_715 = arith.addi %add3A_713, %add3A_714 : i32
      %slice3A_716 = vector.extract_strided_slice %convert_element_type3A_318 {offsets = [2], sizes = [1], strides = [1]} : vector<16xf32> to vector<1xf32>
      %squeeze3A_717 = vector.extract %slice3A_716[0] : f32 from vector<1xf32>
      %broadcast_in_dim3A_718 = vector.broadcast %squeeze3A_717 : f32 to vector<16xf32>
      %get3A_719 = arith.index_cast %add3A_715 : i32 to index
      %get3A_720 = arith.constant 0 : index
      %get3A_721 = tpu.vector_load %arg12[%get3A_719, %get3A_720] {strides = array<i32>} : memref<256x128xf32, #tpu.memory_space<vmem>>, vector<1x16xf32>,
      %get3A_722 = vector.shape_cast %get3A_721 : vector<1x16xf32> to vector<16xf32>
      %mul3A_723 = arith.mulf %broadcast_in_dim3A_718, %sub3A_104 : vector<16xf32>
      %add3A_724 = arith.addf %get3A_58, %mul3A_723 : vector<16xf32>
      %add3A_725 = arith.addf %get3A_722, %add3A_724 : vector<16xf32>
      %mul3A_726 = arith.mulf %add3A_725, %add3A_725 : vector<16xf32>
      %get3A_727 = arith.index_cast %add3A_715 : i32 to index
      %get3A_728 = arith.constant 16 : index
      %get3A_729 = tpu.vector_load %arg12[%get3A_727, %get3A_728] {strides = array<i32>} : memref<256x128xf32, #tpu.memory_space<vmem>>, vector<1x16xf32>,
      %get3A_730 = vector.shape_cast %get3A_729 : vector<1x16xf32> to vector<16xf32>
      %mul3A_731 = arith.mulf %broadcast_in_dim3A_718, %sub3A_115 : vector<16xf32>
      %add3A_732 = arith.addf %get3A_63, %mul3A_731 : vector<16xf32>
      %add3A_733 = arith.addf %get3A_730, %add3A_732 : vector<16xf32>
      %mul3A_734 = arith.mulf %add3A_733, %add3A_733 : vector<16xf32>
      %add3A_735 = arith.addf %mul3A_726, %mul3A_734 : vector<16xf32>
      %get3A_736 = arith.index_cast %add3A_715 : i32 to index
      %get3A_737 = arith.constant 32 : index
      %get3A_738 = tpu.vector_load %arg12[%get3A_736, %get3A_737] {strides = array<i32>} : memref<256x128xf32, #tpu.memory_space<vmem>>, vector<1x16xf32>,
      %get3A_739 = vector.shape_cast %get3A_738 : vector<1x16xf32> to vector<16xf32>
      %mul3A_740 = arith.mulf %broadcast_in_dim3A_718, %sub3A_126 : vector<16xf32>
      %add3A_741 = arith.addf %get3A_68, %mul3A_740 : vector<16xf32>
      %add3A_742 = arith.addf %get3A_739, %add3A_741 : vector<16xf32>
      %mul3A_743 = arith.mulf %add3A_742, %add3A_742 : vector<16xf32>
      %add3A_744 = arith.addf %add3A_735, %mul3A_743 : vector<16xf32>
      %get3A_745 = arith.index_cast %add3A_715 : i32 to index
      %get3A_746 = arith.constant 48 : index
      %get3A_747 = tpu.vector_load %arg12[%get3A_745, %get3A_746] {strides = array<i32>} : memref<256x128xf32, #tpu.memory_space<vmem>>, vector<1x16xf32>,
      %get3A_748 = vector.shape_cast %get3A_747 : vector<1x16xf32> to vector<16xf32>
      %mul3A_749 = arith.mulf %broadcast_in_dim3A_718, %sub3A_137 : vector<16xf32>
      %add3A_750 = arith.addf %get3A_73, %mul3A_749 : vector<16xf32>
      %add3A_751 = arith.addf %get3A_748, %add3A_750 : vector<16xf32>
      %mul3A_752 = arith.mulf %add3A_751, %add3A_751 : vector<16xf32>
      %add3A_753 = arith.addf %add3A_744, %mul3A_752 : vector<16xf32>
      %get3A_754 = arith.index_cast %add3A_715 : i32 to index
      %get3A_755 = arith.constant 64 : index
      %get3A_756 = tpu.vector_load %arg12[%get3A_754, %get3A_755] {strides = array<i32>} : memref<256x128xf32, #tpu.memory_space<vmem>>, vector<1x16xf32>,
      %get3A_757 = vector.shape_cast %get3A_756 : vector<1x16xf32> to vector<16xf32>
      %mul3A_758 = arith.mulf %broadcast_in_dim3A_718, %sub3A_148 : vector<16xf32>
      %add3A_759 = arith.addf %get3A_78, %mul3A_758 : vector<16xf32>
      %add3A_760 = arith.addf %get3A_757, %add3A_759 : vector<16xf32>
      %mul3A_761 = arith.mulf %add3A_760, %add3A_760 : vector<16xf32>
      %add3A_762 = arith.addf %add3A_753, %mul3A_761 : vector<16xf32>
      %get3A_763 = arith.index_cast %add3A_715 : i32 to index
      %get3A_764 = arith.constant 80 : index
      %get3A_765 = tpu.vector_load %arg12[%get3A_763, %get3A_764] {strides = array<i32>} : memref<256x128xf32, #tpu.memory_space<vmem>>, vector<1x16xf32>,
      %get3A_766 = vector.shape_cast %get3A_765 : vector<1x16xf32> to vector<16xf32>
      %mul3A_767 = arith.mulf %broadcast_in_dim3A_718, %sub3A_159 : vector<16xf32>
      %add3A_768 = arith.addf %get3A_83, %mul3A_767 : vector<16xf32>
      %add3A_769 = arith.addf %get3A_766, %add3A_768 : vector<16xf32>
      %mul3A_770 = arith.mulf %add3A_769, %add3A_769 : vector<16xf32>
      %add3A_771 = arith.addf %add3A_762, %mul3A_770 : vector<16xf32>
      %get3A_772 = arith.index_cast %add3A_715 : i32 to index
      %get3A_773 = arith.constant 96 : index
      %get3A_774 = tpu.vector_load %arg12[%get3A_772, %get3A_773] {strides = array<i32>} : memref<256x128xf32, #tpu.memory_space<vmem>>, vector<1x16xf32>,
      %get3A_775 = vector.shape_cast %get3A_774 : vector<1x16xf32> to vector<16xf32>
      %mul3A_776 = arith.mulf %broadcast_in_dim3A_718, %sub3A_170 : vector<16xf32>
      %add3A_777 = arith.addf %get3A_88, %mul3A_776 : vector<16xf32>
      %add3A_778 = arith.addf %get3A_775, %add3A_777 : vector<16xf32>
      %mul3A_779 = arith.mulf %add3A_778, %add3A_778 : vector<16xf32>
      %add3A_780 = arith.addf %add3A_771, %mul3A_779 : vector<16xf32>
      %get3A_781 = arith.index_cast %add3A_715 : i32 to index
      %get3A_782 = arith.constant 112 : index
      %get3A_783 = tpu.vector_load %arg12[%get3A_781, %get3A_782] {strides = array<i32>} : memref<256x128xf32, #tpu.memory_space<vmem>>, vector<1x16xf32>,
      %get3A_784 = vector.shape_cast %get3A_783 : vector<1x16xf32> to vector<16xf32>
      %mul3A_785 = arith.mulf %broadcast_in_dim3A_718, %sub3A_181 : vector<16xf32>
      %add3A_786 = arith.addf %get3A_93, %mul3A_785 : vector<16xf32>
      %add3A_787 = arith.addf %get3A_784, %add3A_786 : vector<16xf32>
      %mul3A_788 = arith.mulf %add3A_787, %add3A_787 : vector<16xf32>
      %add3A_789 = arith.addf %add3A_780, %mul3A_788 : vector<16xf32>
      %add3A_790 = arith.constant 1 : i32
      %add3A_791 = arith.addi %add3A_713, %add3A_790 : i32
      %slice3A_792 = vector.extract_strided_slice %convert_element_type3A_318 {offsets = [3], sizes = [1], strides = [1]} : vector<16xf32> to vector<1xf32>
      %squeeze3A_793 = vector.extract %slice3A_792[0] : f32 from vector<1xf32>
      %broadcast_in_dim3A_794 = vector.broadcast %squeeze3A_793 : f32 to vector<16xf32>
      %get3A_795 = arith.index_cast %add3A_791 : i32 to index
      %get3A_796 = arith.constant 0 : index
      %get3A_797 = tpu.vector_load %arg12[%get3A_795, %get3A_796] {strides = array<i32>} : memref<256x128xf32, #tpu.memory_space<vmem>>, vector<1x16xf32>,
      %get3A_798 = vector.shape_cast %get3A_797 : vector<1x16xf32> to vector<16xf32>
      %mul3A_799 = arith.mulf %broadcast_in_dim3A_794, %sub3A_104 : vector<16xf32>
      %add3A_800 = arith.addf %get3A_58, %mul3A_799 : vector<16xf32>
      %add3A_801 = arith.addf %get3A_798, %add3A_800 : vector<16xf32>
      %mul3A_802 = arith.mulf %add3A_801, %add3A_801 : vector<16xf32>
      %get3A_803 = arith.index_cast %add3A_791 : i32 to index
      %get3A_804 = arith.constant 16 : index
      %get3A_805 = tpu.vector_load %arg12[%get3A_803, %get3A_804] {strides = array<i32>} : memref<256x128xf32, #tpu.memory_space<vmem>>, vector<1x16xf32>,
      %get3A_806 = vector.shape_cast %get3A_805 : vector<1x16xf32> to vector<16xf32>
      %mul3A_807 = arith.mulf %broadcast_in_dim3A_794, %sub3A_115 : vector<16xf32>
      %add3A_808 = arith.addf %get3A_63, %mul3A_807 : vector<16xf32>
      %add3A_809 = arith.addf %get3A_806, %add3A_808 : vector<16xf32>
      %mul3A_810 = arith.mulf %add3A_809, %add3A_809 : vector<16xf32>
      %add3A_811 = arith.addf %mul3A_802, %mul3A_810 : vector<16xf32>
      %get3A_812 = arith.index_cast %add3A_791 : i32 to index
      %get3A_813 = arith.constant 32 : index
      %get3A_814 = tpu.vector_load %arg12[%get3A_812, %get3A_813] {strides = array<i32>} : memref<256x128xf32, #tpu.memory_space<vmem>>, vector<1x16xf32>,
      %get3A_815 = vector.shape_cast %get3A_814 : vector<1x16xf32> to vector<16xf32>
      %mul3A_816 = arith.mulf %broadcast_in_dim3A_794, %sub3A_126 : vector<16xf32>
      %add3A_817 = arith.addf %get3A_68, %mul3A_816 : vector<16xf32>
      %add3A_818 = arith.addf %get3A_815, %add3A_817 : vector<16xf32>
      %mul3A_819 = arith.mulf %add3A_818, %add3A_818 : vector<16xf32>
      %add3A_820 = arith.addf %add3A_811, %mul3A_819 : vector<16xf32>
      %get3A_821 = arith.index_cast %add3A_791 : i32 to index
      %get3A_822 = arith.constant 48 : index
      %get3A_823 = tpu.vector_load %arg12[%get3A_821, %get3A_822] {strides = array<i32>} : memref<256x128xf32, #tpu.memory_space<vmem>>, vector<1x16xf32>,
      %get3A_824 = vector.shape_cast %get3A_823 : vector<1x16xf32> to vector<16xf32>
      %mul3A_825 = arith.mulf %broadcast_in_dim3A_794, %sub3A_137 : vector<16xf32>
      %add3A_826 = arith.addf %get3A_73, %mul3A_825 : vector<16xf32>
      %add3A_827 = arith.addf %get3A_824, %add3A_826 : vector<16xf32>
      %mul3A_828 = arith.mulf %add3A_827, %add3A_827 : vector<16xf32>
      %add3A_829 = arith.addf %add3A_820, %mul3A_828 : vector<16xf32>
      %get3A_830 = arith.index_cast %add3A_791 : i32 to index
      %get3A_831 = arith.constant 64 : index
      %get3A_832 = tpu.vector_load %arg12[%get3A_830, %get3A_831] {strides = array<i32>} : memref<256x128xf32, #tpu.memory_space<vmem>>, vector<1x16xf32>,
      %get3A_833 = vector.shape_cast %get3A_832 : vector<1x16xf32> to vector<16xf32>
      %mul3A_834 = arith.mulf %broadcast_in_dim3A_794, %sub3A_148 : vector<16xf32>
      %add3A_835 = arith.addf %get3A_78, %mul3A_834 : vector<16xf32>
      %add3A_836 = arith.addf %get3A_833, %add3A_835 : vector<16xf32>
      %mul3A_837 = arith.mulf %add3A_836, %add3A_836 : vector<16xf32>
      %add3A_838 = arith.addf %add3A_829, %mul3A_837 : vector<16xf32>
      %get3A_839 = arith.index_cast %add3A_791 : i32 to index
      %get3A_840 = arith.constant 80 : index
      %get3A_841 = tpu.vector_load %arg12[%get3A_839, %get3A_840] {strides = array<i32>} : memref<256x128xf32, #tpu.memory_space<vmem>>, vector<1x16xf32>,
      %get3A_842 = vector.shape_cast %get3A_841 : vector<1x16xf32> to vector<16xf32>
      %mul3A_843 = arith.mulf %broadcast_in_dim3A_794, %sub3A_159 : vector<16xf32>
      %add3A_844 = arith.addf %get3A_83, %mul3A_843 : vector<16xf32>
      %add3A_845 = arith.addf %get3A_842, %add3A_844 : vector<16xf32>
      %mul3A_846 = arith.mulf %add3A_845, %add3A_845 : vector<16xf32>
      %add3A_847 = arith.addf %add3A_838, %mul3A_846 : vector<16xf32>
      %get3A_848 = arith.index_cast %add3A_791 : i32 to index
      %get3A_849 = arith.constant 96 : index
      %get3A_850 = tpu.vector_load %arg12[%get3A_848, %get3A_849] {strides = array<i32>} : memref<256x128xf32, #tpu.memory_space<vmem>>, vector<1x16xf32>,
      %get3A_851 = vector.shape_cast %get3A_850 : vector<1x16xf32> to vector<16xf32>
      %mul3A_852 = arith.mulf %broadcast_in_dim3A_794, %sub3A_170 : vector<16xf32>
      %add3A_853 = arith.addf %get3A_88, %mul3A_852 : vector<16xf32>
      %add3A_854 = arith.addf %get3A_851, %add3A_853 : vector<16xf32>
      %mul3A_855 = arith.mulf %add3A_854, %add3A_854 : vector<16xf32>
      %add3A_856 = arith.addf %add3A_847, %mul3A_855 : vector<16xf32>
      %get3A_857 = arith.index_cast %add3A_791 : i32 to index
      %get3A_858 = arith.constant 112 : index
      %get3A_859 = tpu.vector_load %arg12[%get3A_857, %get3A_858] {strides = array<i32>} : memref<256x128xf32, #tpu.memory_space<vmem>>, vector<1x16xf32>,
      %get3A_860 = vector.shape_cast %get3A_859 : vector<1x16xf32> to vector<16xf32>
      %mul3A_861 = arith.mulf %broadcast_in_dim3A_794, %sub3A_181 : vector<16xf32>
      %add3A_862 = arith.addf %get3A_93, %mul3A_861 : vector<16xf32>
      %add3A_863 = arith.addf %get3A_860, %add3A_862 : vector<16xf32>
      %mul3A_864 = arith.mulf %add3A_863, %add3A_863 : vector<16xf32>
      %add3A_865 = arith.addf %add3A_856, %mul3A_864 : vector<16xf32>
      %lt3A_866 = arith.constant 0 : i32
      %lt3A_867 = vector.broadcast %lt3A_866 : i32 to vector<16xi32>
      %lt3A_868 = arith.cmpi slt, %xor3A_231, %lt3A_867 : vector<16xi32>
      %add3A_869 = arith.constant 16 : i32
      %add3A_870 = vector.broadcast %add3A_869 : i32 to vector<16xi32>
      %add3A_871 = arith.addi %xor3A_231, %add3A_870 : vector<16xi32>
      %select_n3A_872 = arith.select %lt3A_868, %add3A_871, %xor3A_231 : vector<16xi1>, vector<16xi32>
      %broadcast_in_dim3A_873 = vector.shape_cast %select_n3A_872 : vector<16xi32> to vector<16x1xi32>
      %gather3A_874 = vector.shape_cast %broadcast_in_dim3A_873 : vector<16x1xi32> to vector<16xi32>
      %gather3A_875 = tpu.dynamic_gather %add3A_789[%gather3A_874] in [0] : vector<16xf32>, vector<16xi32> -> vector<16xf32>
      %add3A_876 = arith.addf %add3A_789, %gather3A_875 : vector<16xf32>
      %lt3A_877 = arith.constant 0 : i32
      %lt3A_878 = vector.broadcast %lt3A_877 : i32 to vector<16xi32>
      %lt3A_879 = arith.cmpi slt, %xor3A_231, %lt3A_878 : vector<16xi32>
      %add3A_880 = arith.constant 16 : i32
      %add3A_881 = vector.broadcast %add3A_880 : i32 to vector<16xi32>
      %add3A_882 = arith.addi %xor3A_231, %add3A_881 : vector<16xi32>
      %select_n3A_883 = arith.select %lt3A_879, %add3A_882, %xor3A_231 : vector<16xi1>, vector<16xi32>
      %broadcast_in_dim3A_884 = vector.shape_cast %select_n3A_883 : vector<16xi32> to vector<16x1xi32>
      %gather3A_885 = vector.shape_cast %broadcast_in_dim3A_884 : vector<16x1xi32> to vector<16xi32>
      %gather3A_886 = tpu.dynamic_gather %add3A_865[%gather3A_885] in [0] : vector<16xf32>, vector<16xi32> -> vector<16xf32>
      %add3A_887 = arith.addf %add3A_865, %gather3A_886 : vector<16xf32>
      %lt3A_888 = arith.constant 0 : i32
      %lt3A_889 = vector.broadcast %lt3A_888 : i32 to vector<16xi32>
      %lt3A_890 = arith.cmpi slt, %xor3A_234, %lt3A_889 : vector<16xi32>
      %add3A_891 = arith.constant 16 : i32
      %add3A_892 = vector.broadcast %add3A_891 : i32 to vector<16xi32>
      %add3A_893 = arith.addi %xor3A_234, %add3A_892 : vector<16xi32>
      %select_n3A_894 = arith.select %lt3A_890, %add3A_893, %xor3A_234 : vector<16xi1>, vector<16xi32>
      %broadcast_in_dim3A_895 = vector.shape_cast %select_n3A_894 : vector<16xi32> to vector<16x1xi32>
      %gather3A_896 = vector.shape_cast %broadcast_in_dim3A_895 : vector<16x1xi32> to vector<16xi32>
      %gather3A_897 = tpu.dynamic_gather %add3A_876[%gather3A_896] in [0] : vector<16xf32>, vector<16xi32> -> vector<16xf32>
      %add3A_898 = arith.addf %add3A_876, %gather3A_897 : vector<16xf32>
      %lt3A_899 = arith.constant 0 : i32
      %lt3A_900 = vector.broadcast %lt3A_899 : i32 to vector<16xi32>
      %lt3A_901 = arith.cmpi slt, %xor3A_234, %lt3A_900 : vector<16xi32>
      %add3A_902 = arith.constant 16 : i32
      %add3A_903 = vector.broadcast %add3A_902 : i32 to vector<16xi32>
      %add3A_904 = arith.addi %xor3A_234, %add3A_903 : vector<16xi32>
      %select_n3A_905 = arith.select %lt3A_901, %add3A_904, %xor3A_234 : vector<16xi1>, vector<16xi32>
      %broadcast_in_dim3A_906 = vector.shape_cast %select_n3A_905 : vector<16xi32> to vector<16x1xi32>
      %gather3A_907 = vector.shape_cast %broadcast_in_dim3A_906 : vector<16x1xi32> to vector<16xi32>
      %gather3A_908 = tpu.dynamic_gather %add3A_887[%gather3A_907] in [0] : vector<16xf32>, vector<16xi32> -> vector<16xf32>
      %add3A_909 = arith.addf %add3A_887, %gather3A_908 : vector<16xf32>
      %lt3A_910 = arith.constant 0 : i32
      %lt3A_911 = vector.broadcast %lt3A_910 : i32 to vector<16xi32>
      %lt3A_912 = arith.cmpi slt, %xor3A_237, %lt3A_911 : vector<16xi32>
      %add3A_913 = arith.constant 16 : i32
      %add3A_914 = vector.broadcast %add3A_913 : i32 to vector<16xi32>
      %add3A_915 = arith.addi %xor3A_237, %add3A_914 : vector<16xi32>
      %select_n3A_916 = arith.select %lt3A_912, %add3A_915, %xor3A_237 : vector<16xi1>, vector<16xi32>
      %broadcast_in_dim3A_917 = vector.shape_cast %select_n3A_916 : vector<16xi32> to vector<16x1xi32>
      %gather3A_918 = vector.shape_cast %broadcast_in_dim3A_917 : vector<16x1xi32> to vector<16xi32>
      %gather3A_919 = tpu.dynamic_gather %add3A_898[%gather3A_918] in [0] : vector<16xf32>, vector<16xi32> -> vector<16xf32>
      %add3A_920 = arith.addf %add3A_898, %gather3A_919 : vector<16xf32>
      %lt3A_921 = arith.constant 0 : i32
      %lt3A_922 = vector.broadcast %lt3A_921 : i32 to vector<16xi32>
      %lt3A_923 = arith.cmpi slt, %xor3A_237, %lt3A_922 : vector<16xi32>
      %add3A_924 = arith.constant 16 : i32
      %add3A_925 = vector.broadcast %add3A_924 : i32 to vector<16xi32>
      %add3A_926 = arith.addi %xor3A_237, %add3A_925 : vector<16xi32>
      %select_n3A_927 = arith.select %lt3A_923, %add3A_926, %xor3A_237 : vector<16xi1>, vector<16xi32>
      %broadcast_in_dim3A_928 = vector.shape_cast %select_n3A_927 : vector<16xi32> to vector<16x1xi32>
      %gather3A_929 = vector.shape_cast %broadcast_in_dim3A_928 : vector<16x1xi32> to vector<16xi32>
      %gather3A_930 = tpu.dynamic_gather %add3A_909[%gather3A_929] in [0] : vector<16xf32>, vector<16xi32> -> vector<16xf32>
      %add3A_931 = arith.addf %add3A_909, %gather3A_930 : vector<16xf32>
      %lt3A_932 = arith.constant 0 : i32
      %lt3A_933 = vector.broadcast %lt3A_932 : i32 to vector<16xi32>
      %lt3A_934 = arith.cmpi slt, %xor3A_240, %lt3A_933 : vector<16xi32>
      %add3A_935 = arith.constant 16 : i32
      %add3A_936 = vector.broadcast %add3A_935 : i32 to vector<16xi32>
      %add3A_937 = arith.addi %xor3A_240, %add3A_936 : vector<16xi32>
      %select_n3A_938 = arith.select %lt3A_934, %add3A_937, %xor3A_240 : vector<16xi1>, vector<16xi32>
      %broadcast_in_dim3A_939 = vector.shape_cast %select_n3A_938 : vector<16xi32> to vector<16x1xi32>
      %gather3A_940 = vector.shape_cast %broadcast_in_dim3A_939 : vector<16x1xi32> to vector<16xi32>
      %gather3A_941 = tpu.dynamic_gather %add3A_920[%gather3A_940] in [0] : vector<16xf32>, vector<16xi32> -> vector<16xf32>
      %add3A_942 = arith.addf %add3A_920, %gather3A_941 : vector<16xf32>
      %lt3A_943 = arith.constant 0 : i32
      %lt3A_944 = vector.broadcast %lt3A_943 : i32 to vector<16xi32>
      %lt3A_945 = arith.cmpi slt, %xor3A_240, %lt3A_944 : vector<16xi32>
      %add3A_946 = arith.constant 16 : i32
      %add3A_947 = vector.broadcast %add3A_946 : i32 to vector<16xi32>
      %add3A_948 = arith.addi %xor3A_240, %add3A_947 : vector<16xi32>
      %select_n3A_949 = arith.select %lt3A_945, %add3A_948, %xor3A_240 : vector<16xi1>, vector<16xi32>
      %broadcast_in_dim3A_950 = vector.shape_cast %select_n3A_949 : vector<16xi32> to vector<16x1xi32>
      %gather3A_951 = vector.shape_cast %broadcast_in_dim3A_950 : vector<16x1xi32> to vector<16xi32>
      %gather3A_952 = tpu.dynamic_gather %add3A_931[%gather3A_951] in [0] : vector<16xf32>, vector<16xi32> -> vector<16xf32>
      %add3A_953 = arith.addf %add3A_931, %gather3A_952 : vector<16xf32>
      %mul3A_954 = arith.mulf %add3A_942, %convert_element_type3A : vector<16xf32>
      %mul3A_955 = arith.mulf %add3A_953, %sub3A_250 : vector<16xf32>
      %add3A_956 = arith.addf %mul3A_954, %mul3A_955 : vector<16xf32>
      %add3A_957 = arith.constant 1.280000e-04 : f32
      %add3A_958 = vector.broadcast %add3A_957 : f32 to vector<16xf32>
      %add3A_959 = arith.addf %add3A_956, %add3A_958 : vector<16xf32>
      %bitcast_convert_type3A_960 = tpu.bitcast %add3A_959 : vector<16xf32> -> vector<16xi32>
      %shift_right_arithmetic3A_961 = arith.constant 1 : i32
      %shift_right_arithmetic3A_962 = vector.broadcast %shift_right_arithmetic3A_961 : i32 to vector<16xi32>
      %shift_right_arithmetic3A_963 = arith.shrsi %bitcast_convert_type3A_960, %shift_right_arithmetic3A_962 : vector<16xi32>
      %sub3A_964 = arith.constant 1597463007 : i32
      %sub3A_965 = vector.broadcast %sub3A_964 : i32 to vector<16xi32>
      %sub3A_966 = arith.subi %sub3A_965, %shift_right_arithmetic3A_963 : vector<16xi32>
      %bitcast_convert_type3A_967 = tpu.bitcast %sub3A_966 : vector<16xi32> -> vector<16xf32>
      %mul3A_968 = arith.constant 5.000000e-01 : f32
      %mul3A_969 = vector.broadcast %mul3A_968 : f32 to vector<16xf32>
      %mul3A_970 = arith.mulf %add3A_959, %mul3A_969 : vector<16xf32>
      %mul3A_971 = arith.mulf %mul3A_970, %bitcast_convert_type3A_967 : vector<16xf32>
      %mul3A_972 = arith.mulf %mul3A_971, %bitcast_convert_type3A_967 : vector<16xf32>
      %sub3A_973 = arith.constant 1.500000e+00 : f32
      %sub3A_974 = vector.broadcast %sub3A_973 : f32 to vector<16xf32>
      %sub3A_975 = arith.subf %sub3A_974, %mul3A_972 : vector<16xf32>
      %mul3A_976 = arith.mulf %bitcast_convert_type3A_967, %sub3A_975 : vector<16xf32>
      %mul3A_977 = arith.mulf %mul3A_970, %mul3A_976 : vector<16xf32>
      %mul3A_978 = arith.mulf %mul3A_977, %mul3A_976 : vector<16xf32>
      %sub3A_979 = arith.constant 1.500000e+00 : f32
      %sub3A_980 = vector.broadcast %sub3A_979 : f32 to vector<16xf32>
      %sub3A_981 = arith.subf %sub3A_980, %mul3A_978 : vector<16xf32>
      %mul3A_982 = arith.mulf %mul3A_976, %sub3A_981 : vector<16xf32>
      %mul3A_983 = arith.mulf %mul3A_970, %mul3A_982 : vector<16xf32>
      %mul3A_984 = arith.mulf %mul3A_983, %mul3A_982 : vector<16xf32>
      %sub3A_985 = arith.constant 1.500000e+00 : f32
      %sub3A_986 = vector.broadcast %sub3A_985 : f32 to vector<16xf32>
      %sub3A_987 = arith.subf %sub3A_986, %mul3A_984 : vector<16xf32>
      %mul3A_988 = arith.mulf %mul3A_982, %sub3A_987 : vector<16xf32>
      %slice3A_989 = vector.extract_strided_slice %mul3A_988 {offsets = [0], sizes = [1], strides = [1]} : vector<16xf32> to vector<1xf32>
      %squeeze3A_990 = vector.extract %slice3A_989[0] : f32 from vector<1xf32>
      %broadcast_in_dim3A_991 = vector.broadcast %squeeze3A_990 : f32 to vector<16xf32>
      %slice3A_992 = vector.extract_strided_slice %mul3A_988 {offsets = [8], sizes = [1], strides = [1]} : vector<16xf32> to vector<1xf32>
      %squeeze3A_993 = vector.extract %slice3A_992[0] : f32 from vector<1xf32>
      %broadcast_in_dim3A_994 = vector.broadcast %squeeze3A_993 : f32 to vector<16xf32>
      %add3A_995 = arith.constant 0 : i32
      %add3A_996 = arith.addi %add3A_713, %add3A_995 : i32
      %mul3A_997 = arith.mulf %add3A_725, %broadcast_in_dim3A_991 : vector<16xf32>
      %mul3A_998 = arith.mulf %mul3A_997, %mul3A_187 : vector<16xf32>
      %swap3A_999 = arith.index_cast %add3A_996 : i32 to index
      %swap3A_1000 = arith.constant 0 : index
      %swap3A_1001 = tpu.vector_load %arg12[%swap3A_999, %swap3A_1000] {strides = array<i32>} : memref<256x128xf32, #tpu.memory_space<vmem>>, vector<1x16xf32>,
      %swap3A_1002 = vector.shape_cast %swap3A_1001 : vector<1x16xf32> to vector<16xf32>
      %swap3A_1003 = vector.shape_cast %mul3A_998 : vector<16xf32> to vector<1x16xf32>
      tpu.vector_store %arg12[%swap3A_999, %swap3A_1000], %swap3A_1003 {strides = array<i32>} : memref<256x128xf32, #tpu.memory_space<vmem>>, vector<1x16xf32>,
      %mul3A_1004 = arith.mulf %add3A_733, %broadcast_in_dim3A_991 : vector<16xf32>
      %mul3A_1005 = arith.mulf %mul3A_1004, %mul3A_193 : vector<16xf32>
      %swap3A_1006 = arith.index_cast %add3A_996 : i32 to index
      %swap3A_1007 = arith.constant 16 : index
      %swap3A_1008 = tpu.vector_load %arg12[%swap3A_1006, %swap3A_1007] {strides = array<i32>} : memref<256x128xf32, #tpu.memory_space<vmem>>, vector<1x16xf32>,
      %swap3A_1009 = vector.shape_cast %swap3A_1008 : vector<1x16xf32> to vector<16xf32>
      %swap3A_1010 = vector.shape_cast %mul3A_1005 : vector<16xf32> to vector<1x16xf32>
      tpu.vector_store %arg12[%swap3A_1006, %swap3A_1007], %swap3A_1010 {strides = array<i32>} : memref<256x128xf32, #tpu.memory_space<vmem>>, vector<1x16xf32>,
      %mul3A_1011 = arith.mulf %add3A_742, %broadcast_in_dim3A_991 : vector<16xf32>
      %mul3A_1012 = arith.mulf %mul3A_1011, %mul3A_199 : vector<16xf32>
      %swap3A_1013 = arith.index_cast %add3A_996 : i32 to index
      %swap3A_1014 = arith.constant 32 : index
      %swap3A_1015 = tpu.vector_load %arg12[%swap3A_1013, %swap3A_1014] {strides = array<i32>} : memref<256x128xf32, #tpu.memory_space<vmem>>, vector<1x16xf32>,
      %swap3A_1016 = vector.shape_cast %swap3A_1015 : vector<1x16xf32> to vector<16xf32>
      %swap3A_1017 = vector.shape_cast %mul3A_1012 : vector<16xf32> to vector<1x16xf32>
      tpu.vector_store %arg12[%swap3A_1013, %swap3A_1014], %swap3A_1017 {strides = array<i32>} : memref<256x128xf32, #tpu.memory_space<vmem>>, vector<1x16xf32>,
      %mul3A_1018 = arith.mulf %add3A_751, %broadcast_in_dim3A_991 : vector<16xf32>
      %mul3A_1019 = arith.mulf %mul3A_1018, %mul3A_205 : vector<16xf32>
      %swap3A_1020 = arith.index_cast %add3A_996 : i32 to index
      %swap3A_1021 = arith.constant 48 : index
      %swap3A_1022 = tpu.vector_load %arg12[%swap3A_1020, %swap3A_1021] {strides = array<i32>} : memref<256x128xf32, #tpu.memory_space<vmem>>, vector<1x16xf32>,
      %swap3A_1023 = vector.shape_cast %swap3A_1022 : vector<1x16xf32> to vector<16xf32>
      %swap3A_1024 = vector.shape_cast %mul3A_1019 : vector<16xf32> to vector<1x16xf32>
      tpu.vector_store %arg12[%swap3A_1020, %swap3A_1021], %swap3A_1024 {strides = array<i32>} : memref<256x128xf32, #tpu.memory_space<vmem>>, vector<1x16xf32>,
      %mul3A_1025 = arith.mulf %add3A_760, %broadcast_in_dim3A_991 : vector<16xf32>
      %mul3A_1026 = arith.mulf %mul3A_1025, %mul3A_211 : vector<16xf32>
      %swap3A_1027 = arith.index_cast %add3A_996 : i32 to index
      %swap3A_1028 = arith.constant 64 : index
      %swap3A_1029 = tpu.vector_load %arg12[%swap3A_1027, %swap3A_1028] {strides = array<i32>} : memref<256x128xf32, #tpu.memory_space<vmem>>, vector<1x16xf32>,
      %swap3A_1030 = vector.shape_cast %swap3A_1029 : vector<1x16xf32> to vector<16xf32>
      %swap3A_1031 = vector.shape_cast %mul3A_1026 : vector<16xf32> to vector<1x16xf32>
      tpu.vector_store %arg12[%swap3A_1027, %swap3A_1028], %swap3A_1031 {strides = array<i32>} : memref<256x128xf32, #tpu.memory_space<vmem>>, vector<1x16xf32>,
      %mul3A_1032 = arith.mulf %add3A_769, %broadcast_in_dim3A_991 : vector<16xf32>
      %mul3A_1033 = arith.mulf %mul3A_1032, %mul3A_217 : vector<16xf32>
      %swap3A_1034 = arith.index_cast %add3A_996 : i32 to index
      %swap3A_1035 = arith.constant 80 : index
      %swap3A_1036 = tpu.vector_load %arg12[%swap3A_1034, %swap3A_1035] {strides = array<i32>} : memref<256x128xf32, #tpu.memory_space<vmem>>, vector<1x16xf32>,
      %swap3A_1037 = vector.shape_cast %swap3A_1036 : vector<1x16xf32> to vector<16xf32>
      %swap3A_1038 = vector.shape_cast %mul3A_1033 : vector<16xf32> to vector<1x16xf32>
      tpu.vector_store %arg12[%swap3A_1034, %swap3A_1035], %swap3A_1038 {strides = array<i32>} : memref<256x128xf32, #tpu.memory_space<vmem>>, vector<1x16xf32>,
      %mul3A_1039 = arith.mulf %add3A_778, %broadcast_in_dim3A_991 : vector<16xf32>
      %mul3A_1040 = arith.mulf %mul3A_1039, %mul3A_223 : vector<16xf32>
      %swap3A_1041 = arith.index_cast %add3A_996 : i32 to index
      %swap3A_1042 = arith.constant 96 : index
      %swap3A_1043 = tpu.vector_load %arg12[%swap3A_1041, %swap3A_1042] {strides = array<i32>} : memref<256x128xf32, #tpu.memory_space<vmem>>, vector<1x16xf32>,
      %swap3A_1044 = vector.shape_cast %swap3A_1043 : vector<1x16xf32> to vector<16xf32>
      %swap3A_1045 = vector.shape_cast %mul3A_1040 : vector<16xf32> to vector<1x16xf32>
      tpu.vector_store %arg12[%swap3A_1041, %swap3A_1042], %swap3A_1045 {strides = array<i32>} : memref<256x128xf32, #tpu.memory_space<vmem>>, vector<1x16xf32>,
      %mul3A_1046 = arith.mulf %add3A_787, %broadcast_in_dim3A_991 : vector<16xf32>
      %mul3A_1047 = arith.mulf %mul3A_1046, %mul3A_229 : vector<16xf32>
      %swap3A_1048 = arith.index_cast %add3A_996 : i32 to index
      %swap3A_1049 = arith.constant 112 : index
      %swap3A_1050 = tpu.vector_load %arg12[%swap3A_1048, %swap3A_1049] {strides = array<i32>} : memref<256x128xf32, #tpu.memory_space<vmem>>, vector<1x16xf32>,
      %swap3A_1051 = vector.shape_cast %swap3A_1050 : vector<1x16xf32> to vector<16xf32>
      %swap3A_1052 = vector.shape_cast %mul3A_1047 : vector<16xf32> to vector<1x16xf32>
      tpu.vector_store %arg12[%swap3A_1048, %swap3A_1049], %swap3A_1052 {strides = array<i32>} : memref<256x128xf32, #tpu.memory_space<vmem>>, vector<1x16xf32>,
      %add3A_1053 = arith.constant 1 : i32
      %add3A_1054 = arith.addi %add3A_713, %add3A_1053 : i32
      %mul3A_1055 = arith.mulf %add3A_801, %broadcast_in_dim3A_994 : vector<16xf32>
      %mul3A_1056 = arith.mulf %mul3A_1055, %mul3A_187 : vector<16xf32>
      %swap3A_1057 = arith.index_cast %add3A_1054 : i32 to index
      %swap3A_1058 = arith.constant 0 : index
      %swap3A_1059 = tpu.vector_load %arg12[%swap3A_1057, %swap3A_1058] {strides = array<i32>} : memref<256x128xf32, #tpu.memory_space<vmem>>, vector<1x16xf32>,
      %swap3A_1060 = vector.shape_cast %swap3A_1059 : vector<1x16xf32> to vector<16xf32>
      %swap3A_1061 = vector.shape_cast %mul3A_1056 : vector<16xf32> to vector<1x16xf32>
      tpu.vector_store %arg12[%swap3A_1057, %swap3A_1058], %swap3A_1061 {strides = array<i32>} : memref<256x128xf32, #tpu.memory_space<vmem>>, vector<1x16xf32>,
      %mul3A_1062 = arith.mulf %add3A_809, %broadcast_in_dim3A_994 : vector<16xf32>
      %mul3A_1063 = arith.mulf %mul3A_1062, %mul3A_193 : vector<16xf32>
      %swap3A_1064 = arith.index_cast %add3A_1054 : i32 to index
      %swap3A_1065 = arith.constant 16 : index
      %swap3A_1066 = tpu.vector_load %arg12[%swap3A_1064, %swap3A_1065] {strides = array<i32>} : memref<256x128xf32, #tpu.memory_space<vmem>>, vector<1x16xf32>,
      %swap3A_1067 = vector.shape_cast %swap3A_1066 : vector<1x16xf32> to vector<16xf32>
      %swap3A_1068 = vector.shape_cast %mul3A_1063 : vector<16xf32> to vector<1x16xf32>
      tpu.vector_store %arg12[%swap3A_1064, %swap3A_1065], %swap3A_1068 {strides = array<i32>} : memref<256x128xf32, #tpu.memory_space<vmem>>, vector<1x16xf32>,
      %mul3A_1069 = arith.mulf %add3A_818, %broadcast_in_dim3A_994 : vector<16xf32>
      %mul3A_1070 = arith.mulf %mul3A_1069, %mul3A_199 : vector<16xf32>
      %swap3A_1071 = arith.index_cast %add3A_1054 : i32 to index
      %swap3A_1072 = arith.constant 32 : index
      %swap3A_1073 = tpu.vector_load %arg12[%swap3A_1071, %swap3A_1072] {strides = array<i32>} : memref<256x128xf32, #tpu.memory_space<vmem>>, vector<1x16xf32>,
      %swap3A_1074 = vector.shape_cast %swap3A_1073 : vector<1x16xf32> to vector<16xf32>
      %swap3A_1075 = vector.shape_cast %mul3A_1070 : vector<16xf32> to vector<1x16xf32>
      tpu.vector_store %arg12[%swap3A_1071, %swap3A_1072], %swap3A_1075 {strides = array<i32>} : memref<256x128xf32, #tpu.memory_space<vmem>>, vector<1x16xf32>,
      %mul3A_1076 = arith.mulf %add3A_827, %broadcast_in_dim3A_994 : vector<16xf32>
      %mul3A_1077 = arith.mulf %mul3A_1076, %mul3A_205 : vector<16xf32>
      %swap3A_1078 = arith.index_cast %add3A_1054 : i32 to index
      %swap3A_1079 = arith.constant 48 : index
      %swap3A_1080 = tpu.vector_load %arg12[%swap3A_1078, %swap3A_1079] {strides = array<i32>} : memref<256x128xf32, #tpu.memory_space<vmem>>, vector<1x16xf32>,
      %swap3A_1081 = vector.shape_cast %swap3A_1080 : vector<1x16xf32> to vector<16xf32>
      %swap3A_1082 = vector.shape_cast %mul3A_1077 : vector<16xf32> to vector<1x16xf32>
      tpu.vector_store %arg12[%swap3A_1078, %swap3A_1079], %swap3A_1082 {strides = array<i32>} : memref<256x128xf32, #tpu.memory_space<vmem>>, vector<1x16xf32>,
      %mul3A_1083 = arith.mulf %add3A_836, %broadcast_in_dim3A_994 : vector<16xf32>
      %mul3A_1084 = arith.mulf %mul3A_1083, %mul3A_211 : vector<16xf32>
      %swap3A_1085 = arith.index_cast %add3A_1054 : i32 to index
      %swap3A_1086 = arith.constant 64 : index
      %swap3A_1087 = tpu.vector_load %arg12[%swap3A_1085, %swap3A_1086] {strides = array<i32>} : memref<256x128xf32, #tpu.memory_space<vmem>>, vector<1x16xf32>,
      %swap3A_1088 = vector.shape_cast %swap3A_1087 : vector<1x16xf32> to vector<16xf32>
      %swap3A_1089 = vector.shape_cast %mul3A_1084 : vector<16xf32> to vector<1x16xf32>
      tpu.vector_store %arg12[%swap3A_1085, %swap3A_1086], %swap3A_1089 {strides = array<i32>} : memref<256x128xf32, #tpu.memory_space<vmem>>, vector<1x16xf32>,
      %mul3A_1090 = arith.mulf %add3A_845, %broadcast_in_dim3A_994 : vector<16xf32>
      %mul3A_1091 = arith.mulf %mul3A_1090, %mul3A_217 : vector<16xf32>
      %swap3A_1092 = arith.index_cast %add3A_1054 : i32 to index
      %swap3A_1093 = arith.constant 80 : index
      %swap3A_1094 = tpu.vector_load %arg12[%swap3A_1092, %swap3A_1093] {strides = array<i32>} : memref<256x128xf32, #tpu.memory_space<vmem>>, vector<1x16xf32>,
      %swap3A_1095 = vector.shape_cast %swap3A_1094 : vector<1x16xf32> to vector<16xf32>
      %swap3A_1096 = vector.shape_cast %mul3A_1091 : vector<16xf32> to vector<1x16xf32>
      tpu.vector_store %arg12[%swap3A_1092, %swap3A_1093], %swap3A_1096 {strides = array<i32>} : memref<256x128xf32, #tpu.memory_space<vmem>>, vector<1x16xf32>,
      %mul3A_1097 = arith.mulf %add3A_854, %broadcast_in_dim3A_994 : vector<16xf32>
      %mul3A_1098 = arith.mulf %mul3A_1097, %mul3A_223 : vector<16xf32>
      %swap3A_1099 = arith.index_cast %add3A_1054 : i32 to index
      %swap3A_1100 = arith.constant 96 : index
      %swap3A_1101 = tpu.vector_load %arg12[%swap3A_1099, %swap3A_1100] {strides = array<i32>} : memref<256x128xf32, #tpu.memory_space<vmem>>, vector<1x16xf32>,
      %swap3A_1102 = vector.shape_cast %swap3A_1101 : vector<1x16xf32> to vector<16xf32>
      %swap3A_1103 = vector.shape_cast %mul3A_1098 : vector<16xf32> to vector<1x16xf32>
      tpu.vector_store %arg12[%swap3A_1099, %swap3A_1100], %swap3A_1103 {strides = array<i32>} : memref<256x128xf32, #tpu.memory_space<vmem>>, vector<1x16xf32>,
      %mul3A_1104 = arith.mulf %add3A_863, %broadcast_in_dim3A_994 : vector<16xf32>
      %mul3A_1105 = arith.mulf %mul3A_1104, %mul3A_229 : vector<16xf32>
      %swap3A_1106 = arith.index_cast %add3A_1054 : i32 to index
      %swap3A_1107 = arith.constant 112 : index
      %swap3A_1108 = tpu.vector_load %arg12[%swap3A_1106, %swap3A_1107] {strides = array<i32>} : memref<256x128xf32, #tpu.memory_space<vmem>>, vector<1x16xf32>,
      %swap3A_1109 = vector.shape_cast %swap3A_1108 : vector<1x16xf32> to vector<16xf32>
      %swap3A_1110 = vector.shape_cast %mul3A_1105 : vector<16xf32> to vector<1x16xf32>
      tpu.vector_store %arg12[%swap3A_1106, %swap3A_1107], %swap3A_1110 {strides = array<i32>} : memref<256x128xf32, #tpu.memory_space<vmem>>, vector<1x16xf32>,
      %add3A_1111 = arith.constant 4 : i32
      %add3A_1112 = arith.addi %mul3A_314, %add3A_1111 : i32
      %add3A_1113 = arith.constant 0 : i32
      %add3A_1114 = arith.addi %add3A_1112, %add3A_1113 : i32
      %slice3A_1115 = vector.extract_strided_slice %convert_element_type3A_318 {offsets = [4], sizes = [1], strides = [1]} : vector<16xf32> to vector<1xf32>
      %squeeze3A_1116 = vector.extract %slice3A_1115[0] : f32 from vector<1xf32>
      %broadcast_in_dim3A_1117 = vector.broadcast %squeeze3A_1116 : f32 to vector<16xf32>
      %get3A_1118 = arith.index_cast %add3A_1114 : i32 to index
      %get3A_1119 = arith.constant 0 : index
      %get3A_1120 = tpu.vector_load %arg12[%get3A_1118, %get3A_1119] {strides = array<i32>} : memref<256x128xf32, #tpu.memory_space<vmem>>, vector<1x16xf32>,
      %get3A_1121 = vector.shape_cast %get3A_1120 : vector<1x16xf32> to vector<16xf32>
      %mul3A_1122 = arith.mulf %broadcast_in_dim3A_1117, %sub3A_104 : vector<16xf32>
      %add3A_1123 = arith.addf %get3A_58, %mul3A_1122 : vector<16xf32>
      %add3A_1124 = arith.addf %get3A_1121, %add3A_1123 : vector<16xf32>
      %mul3A_1125 = arith.mulf %add3A_1124, %add3A_1124 : vector<16xf32>
      %get3A_1126 = arith.index_cast %add3A_1114 : i32 to index
      %get3A_1127 = arith.constant 16 : index
      %get3A_1128 = tpu.vector_load %arg12[%get3A_1126, %get3A_1127] {strides = array<i32>} : memref<256x128xf32, #tpu.memory_space<vmem>>, vector<1x16xf32>,
      %get3A_1129 = vector.shape_cast %get3A_1128 : vector<1x16xf32> to vector<16xf32>
      %mul3A_1130 = arith.mulf %broadcast_in_dim3A_1117, %sub3A_115 : vector<16xf32>
      %add3A_1131 = arith.addf %get3A_63, %mul3A_1130 : vector<16xf32>
      %add3A_1132 = arith.addf %get3A_1129, %add3A_1131 : vector<16xf32>
      %mul3A_1133 = arith.mulf %add3A_1132, %add3A_1132 : vector<16xf32>
      %add3A_1134 = arith.addf %mul3A_1125, %mul3A_1133 : vector<16xf32>
      %get3A_1135 = arith.index_cast %add3A_1114 : i32 to index
      %get3A_1136 = arith.constant 32 : index
      %get3A_1137 = tpu.vector_load %arg12[%get3A_1135, %get3A_1136] {strides = array<i32>} : memref<256x128xf32, #tpu.memory_space<vmem>>, vector<1x16xf32>,
      %get3A_1138 = vector.shape_cast %get3A_1137 : vector<1x16xf32> to vector<16xf32>
      %mul3A_1139 = arith.mulf %broadcast_in_dim3A_1117, %sub3A_126 : vector<16xf32>
      %add3A_1140 = arith.addf %get3A_68, %mul3A_1139 : vector<16xf32>
      %add3A_1141 = arith.addf %get3A_1138, %add3A_1140 : vector<16xf32>
      %mul3A_1142 = arith.mulf %add3A_1141, %add3A_1141 : vector<16xf32>
      %add3A_1143 = arith.addf %add3A_1134, %mul3A_1142 : vector<16xf32>
      %get3A_1144 = arith.index_cast %add3A_1114 : i32 to index
      %get3A_1145 = arith.constant 48 : index
      %get3A_1146 = tpu.vector_load %arg12[%get3A_1144, %get3A_1145] {strides = array<i32>} : memref<256x128xf32, #tpu.memory_space<vmem>>, vector<1x16xf32>,
      %get3A_1147 = vector.shape_cast %get3A_1146 : vector<1x16xf32> to vector<16xf32>
      %mul3A_1148 = arith.mulf %broadcast_in_dim3A_1117, %sub3A_137 : vector<16xf32>
      %add3A_1149 = arith.addf %get3A_73, %mul3A_1148 : vector<16xf32>
      %add3A_1150 = arith.addf %get3A_1147, %add3A_1149 : vector<16xf32>
      %mul3A_1151 = arith.mulf %add3A_1150, %add3A_1150 : vector<16xf32>
      %add3A_1152 = arith.addf %add3A_1143, %mul3A_1151 : vector<16xf32>
      %get3A_1153 = arith.index_cast %add3A_1114 : i32 to index
      %get3A_1154 = arith.constant 64 : index
      %get3A_1155 = tpu.vector_load %arg12[%get3A_1153, %get3A_1154] {strides = array<i32>} : memref<256x128xf32, #tpu.memory_space<vmem>>, vector<1x16xf32>,
      %get3A_1156 = vector.shape_cast %get3A_1155 : vector<1x16xf32> to vector<16xf32>
      %mul3A_1157 = arith.mulf %broadcast_in_dim3A_1117, %sub3A_148 : vector<16xf32>
      %add3A_1158 = arith.addf %get3A_78, %mul3A_1157 : vector<16xf32>
      %add3A_1159 = arith.addf %get3A_1156, %add3A_1158 : vector<16xf32>
      %mul3A_1160 = arith.mulf %add3A_1159, %add3A_1159 : vector<16xf32>
      %add3A_1161 = arith.addf %add3A_1152, %mul3A_1160 : vector<16xf32>
      %get3A_1162 = arith.index_cast %add3A_1114 : i32 to index
      %get3A_1163 = arith.constant 80 : index
      %get3A_1164 = tpu.vector_load %arg12[%get3A_1162, %get3A_1163] {strides = array<i32>} : memref<256x128xf32, #tpu.memory_space<vmem>>, vector<1x16xf32>,
      %get3A_1165 = vector.shape_cast %get3A_1164 : vector<1x16xf32> to vector<16xf32>
      %mul3A_1166 = arith.mulf %broadcast_in_dim3A_1117, %sub3A_159 : vector<16xf32>
      %add3A_1167 = arith.addf %get3A_83, %mul3A_1166 : vector<16xf32>
      %add3A_1168 = arith.addf %get3A_1165, %add3A_1167 : vector<16xf32>
      %mul3A_1169 = arith.mulf %add3A_1168, %add3A_1168 : vector<16xf32>
      %add3A_1170 = arith.addf %add3A_1161, %mul3A_1169 : vector<16xf32>
      %get3A_1171 = arith.index_cast %add3A_1114 : i32 to index
      %get3A_1172 = arith.constant 96 : index
      %get3A_1173 = tpu.vector_load %arg12[%get3A_1171, %get3A_1172] {strides = array<i32>} : memref<256x128xf32, #tpu.memory_space<vmem>>, vector<1x16xf32>,
      %get3A_1174 = vector.shape_cast %get3A_1173 : vector<1x16xf32> to vector<16xf32>
      %mul3A_1175 = arith.mulf %broadcast_in_dim3A_1117, %sub3A_170 : vector<16xf32>
      %add3A_1176 = arith.addf %get3A_88, %mul3A_1175 : vector<16xf32>
      %add3A_1177 = arith.addf %get3A_1174, %add3A_1176 : vector<16xf32>
      %mul3A_1178 = arith.mulf %add3A_1177, %add3A_1177 : vector<16xf32>
      %add3A_1179 = arith.addf %add3A_1170, %mul3A_1178 : vector<16xf32>
      %get3A_1180 = arith.index_cast %add3A_1114 : i32 to index
      %get3A_1181 = arith.constant 112 : index
      %get3A_1182 = tpu.vector_load %arg12[%get3A_1180, %get3A_1181] {strides = array<i32>} : memref<256x128xf32, #tpu.memory_space<vmem>>, vector<1x16xf32>,
      %get3A_1183 = vector.shape_cast %get3A_1182 : vector<1x16xf32> to vector<16xf32>
      %mul3A_1184 = arith.mulf %broadcast_in_dim3A_1117, %sub3A_181 : vector<16xf32>
      %add3A_1185 = arith.addf %get3A_93, %mul3A_1184 : vector<16xf32>
      %add3A_1186 = arith.addf %get3A_1183, %add3A_1185 : vector<16xf32>
      %mul3A_1187 = arith.mulf %add3A_1186, %add3A_1186 : vector<16xf32>
      %add3A_1188 = arith.addf %add3A_1179, %mul3A_1187 : vector<16xf32>
      %add3A_1189 = arith.constant 1 : i32
      %add3A_1190 = arith.addi %add3A_1112, %add3A_1189 : i32
      %slice3A_1191 = vector.extract_strided_slice %convert_element_type3A_318 {offsets = [5], sizes = [1], strides = [1]} : vector<16xf32> to vector<1xf32>
      %squeeze3A_1192 = vector.extract %slice3A_1191[0] : f32 from vector<1xf32>
      %broadcast_in_dim3A_1193 = vector.broadcast %squeeze3A_1192 : f32 to vector<16xf32>
      %get3A_1194 = arith.index_cast %add3A_1190 : i32 to index
      %get3A_1195 = arith.constant 0 : index
      %get3A_1196 = tpu.vector_load %arg12[%get3A_1194, %get3A_1195] {strides = array<i32>} : memref<256x128xf32, #tpu.memory_space<vmem>>, vector<1x16xf32>,
      %get3A_1197 = vector.shape_cast %get3A_1196 : vector<1x16xf32> to vector<16xf32>
      %mul3A_1198 = arith.mulf %broadcast_in_dim3A_1193, %sub3A_104 : vector<16xf32>
      %add3A_1199 = arith.addf %get3A_58, %mul3A_1198 : vector<16xf32>
      %add3A_1200 = arith.addf %get3A_1197, %add3A_1199 : vector<16xf32>
      %mul3A_1201 = arith.mulf %add3A_1200, %add3A_1200 : vector<16xf32>
      %get3A_1202 = arith.index_cast %add3A_1190 : i32 to index
      %get3A_1203 = arith.constant 16 : index
      %get3A_1204 = tpu.vector_load %arg12[%get3A_1202, %get3A_1203] {strides = array<i32>} : memref<256x128xf32, #tpu.memory_space<vmem>>, vector<1x16xf32>,
      %get3A_1205 = vector.shape_cast %get3A_1204 : vector<1x16xf32> to vector<16xf32>
      %mul3A_1206 = arith.mulf %broadcast_in_dim3A_1193, %sub3A_115 : vector<16xf32>
      %add3A_1207 = arith.addf %get3A_63, %mul3A_1206 : vector<16xf32>
      %add3A_1208 = arith.addf %get3A_1205, %add3A_1207 : vector<16xf32>
      %mul3A_1209 = arith.mulf %add3A_1208, %add3A_1208 : vector<16xf32>
      %add3A_1210 = arith.addf %mul3A_1201, %mul3A_1209 : vector<16xf32>
      %get3A_1211 = arith.index_cast %add3A_1190 : i32 to index
      %get3A_1212 = arith.constant 32 : index
      %get3A_1213 = tpu.vector_load %arg12[%get3A_1211, %get3A_1212] {strides = array<i32>} : memref<256x128xf32, #tpu.memory_space<vmem>>, vector<1x16xf32>,
      %get3A_1214 = vector.shape_cast %get3A_1213 : vector<1x16xf32> to vector<16xf32>
      %mul3A_1215 = arith.mulf %broadcast_in_dim3A_1193, %sub3A_126 : vector<16xf32>
      %add3A_1216 = arith.addf %get3A_68, %mul3A_1215 : vector<16xf32>
      %add3A_1217 = arith.addf %get3A_1214, %add3A_1216 : vector<16xf32>
      %mul3A_1218 = arith.mulf %add3A_1217, %add3A_1217 : vector<16xf32>
      %add3A_1219 = arith.addf %add3A_1210, %mul3A_1218 : vector<16xf32>
      %get3A_1220 = arith.index_cast %add3A_1190 : i32 to index
      %get3A_1221 = arith.constant 48 : index
      %get3A_1222 = tpu.vector_load %arg12[%get3A_1220, %get3A_1221] {strides = array<i32>} : memref<256x128xf32, #tpu.memory_space<vmem>>, vector<1x16xf32>,
      %get3A_1223 = vector.shape_cast %get3A_1222 : vector<1x16xf32> to vector<16xf32>
      %mul3A_1224 = arith.mulf %broadcast_in_dim3A_1193, %sub3A_137 : vector<16xf32>
      %add3A_1225 = arith.addf %get3A_73, %mul3A_1224 : vector<16xf32>
      %add3A_1226 = arith.addf %get3A_1223, %add3A_1225 : vector<16xf32>
      %mul3A_1227 = arith.mulf %add3A_1226, %add3A_1226 : vector<16xf32>
      %add3A_1228 = arith.addf %add3A_1219, %mul3A_1227 : vector<16xf32>
      %get3A_1229 = arith.index_cast %add3A_1190 : i32 to index
      %get3A_1230 = arith.constant 64 : index
      %get3A_1231 = tpu.vector_load %arg12[%get3A_1229, %get3A_1230] {strides = array<i32>} : memref<256x128xf32, #tpu.memory_space<vmem>>, vector<1x16xf32>,
      %get3A_1232 = vector.shape_cast %get3A_1231 : vector<1x16xf32> to vector<16xf32>
      %mul3A_1233 = arith.mulf %broadcast_in_dim3A_1193, %sub3A_148 : vector<16xf32>
      %add3A_1234 = arith.addf %get3A_78, %mul3A_1233 : vector<16xf32>
      %add3A_1235 = arith.addf %get3A_1232, %add3A_1234 : vector<16xf32>
      %mul3A_1236 = arith.mulf %add3A_1235, %add3A_1235 : vector<16xf32>
      %add3A_1237 = arith.addf %add3A_1228, %mul3A_1236 : vector<16xf32>
      %get3A_1238 = arith.index_cast %add3A_1190 : i32 to index
      %get3A_1239 = arith.constant 80 : index
      %get3A_1240 = tpu.vector_load %arg12[%get3A_1238, %get3A_1239] {strides = array<i32>} : memref<256x128xf32, #tpu.memory_space<vmem>>, vector<1x16xf32>,
      %get3A_1241 = vector.shape_cast %get3A_1240 : vector<1x16xf32> to vector<16xf32>
      %mul3A_1242 = arith.mulf %broadcast_in_dim3A_1193, %sub3A_159 : vector<16xf32>
      %add3A_1243 = arith.addf %get3A_83, %mul3A_1242 : vector<16xf32>
      %add3A_1244 = arith.addf %get3A_1241, %add3A_1243 : vector<16xf32>
      %mul3A_1245 = arith.mulf %add3A_1244, %add3A_1244 : vector<16xf32>
      %add3A_1246 = arith.addf %add3A_1237, %mul3A_1245 : vector<16xf32>
      %get3A_1247 = arith.index_cast %add3A_1190 : i32 to index
      %get3A_1248 = arith.constant 96 : index
      %get3A_1249 = tpu.vector_load %arg12[%get3A_1247, %get3A_1248] {strides = array<i32>} : memref<256x128xf32, #tpu.memory_space<vmem>>, vector<1x16xf32>,
      %get3A_1250 = vector.shape_cast %get3A_1249 : vector<1x16xf32> to vector<16xf32>
      %mul3A_1251 = arith.mulf %broadcast_in_dim3A_1193, %sub3A_170 : vector<16xf32>
      %add3A_1252 = arith.addf %get3A_88, %mul3A_1251 : vector<16xf32>
      %add3A_1253 = arith.addf %get3A_1250, %add3A_1252 : vector<16xf32>
      %mul3A_1254 = arith.mulf %add3A_1253, %add3A_1253 : vector<16xf32>
      %add3A_1255 = arith.addf %add3A_1246, %mul3A_1254 : vector<16xf32>
      %get3A_1256 = arith.index_cast %add3A_1190 : i32 to index
      %get3A_1257 = arith.constant 112 : index
      %get3A_1258 = tpu.vector_load %arg12[%get3A_1256, %get3A_1257] {strides = array<i32>} : memref<256x128xf32, #tpu.memory_space<vmem>>, vector<1x16xf32>,
      %get3A_1259 = vector.shape_cast %get3A_1258 : vector<1x16xf32> to vector<16xf32>
      %mul3A_1260 = arith.mulf %broadcast_in_dim3A_1193, %sub3A_181 : vector<16xf32>
      %add3A_1261 = arith.addf %get3A_93, %mul3A_1260 : vector<16xf32>
      %add3A_1262 = arith.addf %get3A_1259, %add3A_1261 : vector<16xf32>
      %mul3A_1263 = arith.mulf %add3A_1262, %add3A_1262 : vector<16xf32>
      %add3A_1264 = arith.addf %add3A_1255, %mul3A_1263 : vector<16xf32>
      %lt3A_1265 = arith.constant 0 : i32
      %lt3A_1266 = vector.broadcast %lt3A_1265 : i32 to vector<16xi32>
      %lt3A_1267 = arith.cmpi slt, %xor3A_231, %lt3A_1266 : vector<16xi32>
      %add3A_1268 = arith.constant 16 : i32
      %add3A_1269 = vector.broadcast %add3A_1268 : i32 to vector<16xi32>
      %add3A_1270 = arith.addi %xor3A_231, %add3A_1269 : vector<16xi32>
      %select_n3A_1271 = arith.select %lt3A_1267, %add3A_1270, %xor3A_231 : vector<16xi1>, vector<16xi32>
      %broadcast_in_dim3A_1272 = vector.shape_cast %select_n3A_1271 : vector<16xi32> to vector<16x1xi32>
      %gather3A_1273 = vector.shape_cast %broadcast_in_dim3A_1272 : vector<16x1xi32> to vector<16xi32>
      %gather3A_1274 = tpu.dynamic_gather %add3A_1188[%gather3A_1273] in [0] : vector<16xf32>, vector<16xi32> -> vector<16xf32>
      %add3A_1275 = arith.addf %add3A_1188, %gather3A_1274 : vector<16xf32>
      %lt3A_1276 = arith.constant 0 : i32
      %lt3A_1277 = vector.broadcast %lt3A_1276 : i32 to vector<16xi32>
      %lt3A_1278 = arith.cmpi slt, %xor3A_231, %lt3A_1277 : vector<16xi32>
      %add3A_1279 = arith.constant 16 : i32
      %add3A_1280 = vector.broadcast %add3A_1279 : i32 to vector<16xi32>
      %add3A_1281 = arith.addi %xor3A_231, %add3A_1280 : vector<16xi32>
      %select_n3A_1282 = arith.select %lt3A_1278, %add3A_1281, %xor3A_231 : vector<16xi1>, vector<16xi32>
      %broadcast_in_dim3A_1283 = vector.shape_cast %select_n3A_1282 : vector<16xi32> to vector<16x1xi32>
      %gather3A_1284 = vector.shape_cast %broadcast_in_dim3A_1283 : vector<16x1xi32> to vector<16xi32>
      %gather3A_1285 = tpu.dynamic_gather %add3A_1264[%gather3A_1284] in [0] : vector<16xf32>, vector<16xi32> -> vector<16xf32>
      %add3A_1286 = arith.addf %add3A_1264, %gather3A_1285 : vector<16xf32>
      %lt3A_1287 = arith.constant 0 : i32
      %lt3A_1288 = vector.broadcast %lt3A_1287 : i32 to vector<16xi32>
      %lt3A_1289 = arith.cmpi slt, %xor3A_234, %lt3A_1288 : vector<16xi32>
      %add3A_1290 = arith.constant 16 : i32
      %add3A_1291 = vector.broadcast %add3A_1290 : i32 to vector<16xi32>
      %add3A_1292 = arith.addi %xor3A_234, %add3A_1291 : vector<16xi32>
      %select_n3A_1293 = arith.select %lt3A_1289, %add3A_1292, %xor3A_234 : vector<16xi1>, vector<16xi32>
      %broadcast_in_dim3A_1294 = vector.shape_cast %select_n3A_1293 : vector<16xi32> to vector<16x1xi32>
      %gather3A_1295 = vector.shape_cast %broadcast_in_dim3A_1294 : vector<16x1xi32> to vector<16xi32>
      %gather3A_1296 = tpu.dynamic_gather %add3A_1275[%gather3A_1295] in [0] : vector<16xf32>, vector<16xi32> -> vector<16xf32>
      %add3A_1297 = arith.addf %add3A_1275, %gather3A_1296 : vector<16xf32>
      %lt3A_1298 = arith.constant 0 : i32
      %lt3A_1299 = vector.broadcast %lt3A_1298 : i32 to vector<16xi32>
      %lt3A_1300 = arith.cmpi slt, %xor3A_234, %lt3A_1299 : vector<16xi32>
      %add3A_1301 = arith.constant 16 : i32
      %add3A_1302 = vector.broadcast %add3A_1301 : i32 to vector<16xi32>
      %add3A_1303 = arith.addi %xor3A_234, %add3A_1302 : vector<16xi32>
      %select_n3A_1304 = arith.select %lt3A_1300, %add3A_1303, %xor3A_234 : vector<16xi1>, vector<16xi32>
      %broadcast_in_dim3A_1305 = vector.shape_cast %select_n3A_1304 : vector<16xi32> to vector<16x1xi32>
      %gather3A_1306 = vector.shape_cast %broadcast_in_dim3A_1305 : vector<16x1xi32> to vector<16xi32>
      %gather3A_1307 = tpu.dynamic_gather %add3A_1286[%gather3A_1306] in [0] : vector<16xf32>, vector<16xi32> -> vector<16xf32>
      %add3A_1308 = arith.addf %add3A_1286, %gather3A_1307 : vector<16xf32>
      %lt3A_1309 = arith.constant 0 : i32
      %lt3A_1310 = vector.broadcast %lt3A_1309 : i32 to vector<16xi32>
      %lt3A_1311 = arith.cmpi slt, %xor3A_237, %lt3A_1310 : vector<16xi32>
      %add3A_1312 = arith.constant 16 : i32
      %add3A_1313 = vector.broadcast %add3A_1312 : i32 to vector<16xi32>
      %add3A_1314 = arith.addi %xor3A_237, %add3A_1313 : vector<16xi32>
      %select_n3A_1315 = arith.select %lt3A_1311, %add3A_1314, %xor3A_237 : vector<16xi1>, vector<16xi32>
      %broadcast_in_dim3A_1316 = vector.shape_cast %select_n3A_1315 : vector<16xi32> to vector<16x1xi32>
      %gather3A_1317 = vector.shape_cast %broadcast_in_dim3A_1316 : vector<16x1xi32> to vector<16xi32>
      %gather3A_1318 = tpu.dynamic_gather %add3A_1297[%gather3A_1317] in [0] : vector<16xf32>, vector<16xi32> -> vector<16xf32>
      %add3A_1319 = arith.addf %add3A_1297, %gather3A_1318 : vector<16xf32>
      %lt3A_1320 = arith.constant 0 : i32
      %lt3A_1321 = vector.broadcast %lt3A_1320 : i32 to vector<16xi32>
      %lt3A_1322 = arith.cmpi slt, %xor3A_237, %lt3A_1321 : vector<16xi32>
      %add3A_1323 = arith.constant 16 : i32
      %add3A_1324 = vector.broadcast %add3A_1323 : i32 to vector<16xi32>
      %add3A_1325 = arith.addi %xor3A_237, %add3A_1324 : vector<16xi32>
      %select_n3A_1326 = arith.select %lt3A_1322, %add3A_1325, %xor3A_237 : vector<16xi1>, vector<16xi32>
      %broadcast_in_dim3A_1327 = vector.shape_cast %select_n3A_1326 : vector<16xi32> to vector<16x1xi32>
      %gather3A_1328 = vector.shape_cast %broadcast_in_dim3A_1327 : vector<16x1xi32> to vector<16xi32>
      %gather3A_1329 = tpu.dynamic_gather %add3A_1308[%gather3A_1328] in [0] : vector<16xf32>, vector<16xi32> -> vector<16xf32>
      %add3A_1330 = arith.addf %add3A_1308, %gather3A_1329 : vector<16xf32>
      %lt3A_1331 = arith.constant 0 : i32
      %lt3A_1332 = vector.broadcast %lt3A_1331 : i32 to vector<16xi32>
      %lt3A_1333 = arith.cmpi slt, %xor3A_240, %lt3A_1332 : vector<16xi32>
      %add3A_1334 = arith.constant 16 : i32
      %add3A_1335 = vector.broadcast %add3A_1334 : i32 to vector<16xi32>
      %add3A_1336 = arith.addi %xor3A_240, %add3A_1335 : vector<16xi32>
      %select_n3A_1337 = arith.select %lt3A_1333, %add3A_1336, %xor3A_240 : vector<16xi1>, vector<16xi32>
      %broadcast_in_dim3A_1338 = vector.shape_cast %select_n3A_1337 : vector<16xi32> to vector<16x1xi32>
      %gather3A_1339 = vector.shape_cast %broadcast_in_dim3A_1338 : vector<16x1xi32> to vector<16xi32>
      %gather3A_1340 = tpu.dynamic_gather %add3A_1319[%gather3A_1339] in [0] : vector<16xf32>, vector<16xi32> -> vector<16xf32>
      %add3A_1341 = arith.addf %add3A_1319, %gather3A_1340 : vector<16xf32>
      %lt3A_1342 = arith.constant 0 : i32
      %lt3A_1343 = vector.broadcast %lt3A_1342 : i32 to vector<16xi32>
      %lt3A_1344 = arith.cmpi slt, %xor3A_240, %lt3A_1343 : vector<16xi32>
      %add3A_1345 = arith.constant 16 : i32
      %add3A_1346 = vector.broadcast %add3A_1345 : i32 to vector<16xi32>
      %add3A_1347 = arith.addi %xor3A_240, %add3A_1346 : vector<16xi32>
      %select_n3A_1348 = arith.select %lt3A_1344, %add3A_1347, %xor3A_240 : vector<16xi1>, vector<16xi32>
      %broadcast_in_dim3A_1349 = vector.shape_cast %select_n3A_1348 : vector<16xi32> to vector<16x1xi32>
      %gather3A_1350 = vector.shape_cast %broadcast_in_dim3A_1349 : vector<16x1xi32> to vector<16xi32>
      %gather3A_1351 = tpu.dynamic_gather %add3A_1330[%gather3A_1350] in [0] : vector<16xf32>, vector<16xi32> -> vector<16xf32>
      %add3A_1352 = arith.addf %add3A_1330, %gather3A_1351 : vector<16xf32>
      %mul3A_1353 = arith.mulf %add3A_1341, %convert_element_type3A : vector<16xf32>
      %mul3A_1354 = arith.mulf %add3A_1352, %sub3A_250 : vector<16xf32>
      %add3A_1355 = arith.addf %mul3A_1353, %mul3A_1354 : vector<16xf32>
      %add3A_1356 = arith.constant 1.280000e-04 : f32
      %add3A_1357 = vector.broadcast %add3A_1356 : f32 to vector<16xf32>
      %add3A_1358 = arith.addf %add3A_1355, %add3A_1357 : vector<16xf32>
      %bitcast_convert_type3A_1359 = tpu.bitcast %add3A_1358 : vector<16xf32> -> vector<16xi32>
      %shift_right_arithmetic3A_1360 = arith.constant 1 : i32
      %shift_right_arithmetic3A_1361 = vector.broadcast %shift_right_arithmetic3A_1360 : i32 to vector<16xi32>
      %shift_right_arithmetic3A_1362 = arith.shrsi %bitcast_convert_type3A_1359, %shift_right_arithmetic3A_1361 : vector<16xi32>
      %sub3A_1363 = arith.constant 1597463007 : i32
      %sub3A_1364 = vector.broadcast %sub3A_1363 : i32 to vector<16xi32>
      %sub3A_1365 = arith.subi %sub3A_1364, %shift_right_arithmetic3A_1362 : vector<16xi32>
      %bitcast_convert_type3A_1366 = tpu.bitcast %sub3A_1365 : vector<16xi32> -> vector<16xf32>
      %mul3A_1367 = arith.constant 5.000000e-01 : f32
      %mul3A_1368 = vector.broadcast %mul3A_1367 : f32 to vector<16xf32>
      %mul3A_1369 = arith.mulf %add3A_1358, %mul3A_1368 : vector<16xf32>
      %mul3A_1370 = arith.mulf %mul3A_1369, %bitcast_convert_type3A_1366 : vector<16xf32>
      %mul3A_1371 = arith.mulf %mul3A_1370, %bitcast_convert_type3A_1366 : vector<16xf32>
      %sub3A_1372 = arith.constant 1.500000e+00 : f32
      %sub3A_1373 = vector.broadcast %sub3A_1372 : f32 to vector<16xf32>
      %sub3A_1374 = arith.subf %sub3A_1373, %mul3A_1371 : vector<16xf32>
      %mul3A_1375 = arith.mulf %bitcast_convert_type3A_1366, %sub3A_1374 : vector<16xf32>
      %mul3A_1376 = arith.mulf %mul3A_1369, %mul3A_1375 : vector<16xf32>
      %mul3A_1377 = arith.mulf %mul3A_1376, %mul3A_1375 : vector<16xf32>
      %sub3A_1378 = arith.constant 1.500000e+00 : f32
      %sub3A_1379 = vector.broadcast %sub3A_1378 : f32 to vector<16xf32>
      %sub3A_1380 = arith.subf %sub3A_1379, %mul3A_1377 : vector<16xf32>
      %mul3A_1381 = arith.mulf %mul3A_1375, %sub3A_1380 : vector<16xf32>
      %mul3A_1382 = arith.mulf %mul3A_1369, %mul3A_1381 : vector<16xf32>
      %mul3A_1383 = arith.mulf %mul3A_1382, %mul3A_1381 : vector<16xf32>
      %sub3A_1384 = arith.constant 1.500000e+00 : f32
      %sub3A_1385 = vector.broadcast %sub3A_1384 : f32 to vector<16xf32>
      %sub3A_1386 = arith.subf %sub3A_1385, %mul3A_1383 : vector<16xf32>
      %mul3A_1387 = arith.mulf %mul3A_1381, %sub3A_1386 : vector<16xf32>
      %slice3A_1388 = vector.extract_strided_slice %mul3A_1387 {offsets = [0], sizes = [1], strides = [1]} : vector<16xf32> to vector<1xf32>
      %squeeze3A_1389 = vector.extract %slice3A_1388[0] : f32 from vector<1xf32>
      %broadcast_in_dim3A_1390 = vector.broadcast %squeeze3A_1389 : f32 to vector<16xf32>
      %slice3A_1391 = vector.extract_strided_slice %mul3A_1387 {offsets = [8], sizes = [1], strides = [1]} : vector<16xf32> to vector<1xf32>
      %squeeze3A_1392 = vector.extract %slice3A_1391[0] : f32 from vector<1xf32>
      %broadcast_in_dim3A_1393 = vector.broadcast %squeeze3A_1392 : f32 to vector<16xf32>
      %add3A_1394 = arith.constant 0 : i32
      %add3A_1395 = arith.addi %add3A_1112, %add3A_1394 : i32
      %mul3A_1396 = arith.mulf %add3A_1124, %broadcast_in_dim3A_1390 : vector<16xf32>
      %mul3A_1397 = arith.mulf %mul3A_1396, %mul3A_187 : vector<16xf32>
      %swap3A_1398 = arith.index_cast %add3A_1395 : i32 to index
      %swap3A_1399 = arith.constant 0 : index
      %swap3A_1400 = tpu.vector_load %arg12[%swap3A_1398, %swap3A_1399] {strides = array<i32>} : memref<256x128xf32, #tpu.memory_space<vmem>>, vector<1x16xf32>,
      %swap3A_1401 = vector.shape_cast %swap3A_1400 : vector<1x16xf32> to vector<16xf32>
      %swap3A_1402 = vector.shape_cast %mul3A_1397 : vector<16xf32> to vector<1x16xf32>
      tpu.vector_store %arg12[%swap3A_1398, %swap3A_1399], %swap3A_1402 {strides = array<i32>} : memref<256x128xf32, #tpu.memory_space<vmem>>, vector<1x16xf32>,
      %mul3A_1403 = arith.mulf %add3A_1132, %broadcast_in_dim3A_1390 : vector<16xf32>
      %mul3A_1404 = arith.mulf %mul3A_1403, %mul3A_193 : vector<16xf32>
      %swap3A_1405 = arith.index_cast %add3A_1395 : i32 to index
      %swap3A_1406 = arith.constant 16 : index
      %swap3A_1407 = tpu.vector_load %arg12[%swap3A_1405, %swap3A_1406] {strides = array<i32>} : memref<256x128xf32, #tpu.memory_space<vmem>>, vector<1x16xf32>,
      %swap3A_1408 = vector.shape_cast %swap3A_1407 : vector<1x16xf32> to vector<16xf32>
      %swap3A_1409 = vector.shape_cast %mul3A_1404 : vector<16xf32> to vector<1x16xf32>
      tpu.vector_store %arg12[%swap3A_1405, %swap3A_1406], %swap3A_1409 {strides = array<i32>} : memref<256x128xf32, #tpu.memory_space<vmem>>, vector<1x16xf32>,
      %mul3A_1410 = arith.mulf %add3A_1141, %broadcast_in_dim3A_1390 : vector<16xf32>
      %mul3A_1411 = arith.mulf %mul3A_1410, %mul3A_199 : vector<16xf32>
      %swap3A_1412 = arith.index_cast %add3A_1395 : i32 to index
      %swap3A_1413 = arith.constant 32 : index
      %swap3A_1414 = tpu.vector_load %arg12[%swap3A_1412, %swap3A_1413] {strides = array<i32>} : memref<256x128xf32, #tpu.memory_space<vmem>>, vector<1x16xf32>,
      %swap3A_1415 = vector.shape_cast %swap3A_1414 : vector<1x16xf32> to vector<16xf32>
      %swap3A_1416 = vector.shape_cast %mul3A_1411 : vector<16xf32> to vector<1x16xf32>
      tpu.vector_store %arg12[%swap3A_1412, %swap3A_1413], %swap3A_1416 {strides = array<i32>} : memref<256x128xf32, #tpu.memory_space<vmem>>, vector<1x16xf32>,
      %mul3A_1417 = arith.mulf %add3A_1150, %broadcast_in_dim3A_1390 : vector<16xf32>
      %mul3A_1418 = arith.mulf %mul3A_1417, %mul3A_205 : vector<16xf32>
      %swap3A_1419 = arith.index_cast %add3A_1395 : i32 to index
      %swap3A_1420 = arith.constant 48 : index
      %swap3A_1421 = tpu.vector_load %arg12[%swap3A_1419, %swap3A_1420] {strides = array<i32>} : memref<256x128xf32, #tpu.memory_space<vmem>>, vector<1x16xf32>,
      %swap3A_1422 = vector.shape_cast %swap3A_1421 : vector<1x16xf32> to vector<16xf32>
      %swap3A_1423 = vector.shape_cast %mul3A_1418 : vector<16xf32> to vector<1x16xf32>
      tpu.vector_store %arg12[%swap3A_1419, %swap3A_1420], %swap3A_1423 {strides = array<i32>} : memref<256x128xf32, #tpu.memory_space<vmem>>, vector<1x16xf32>,
      %mul3A_1424 = arith.mulf %add3A_1159, %broadcast_in_dim3A_1390 : vector<16xf32>
      %mul3A_1425 = arith.mulf %mul3A_1424, %mul3A_211 : vector<16xf32>
      %swap3A_1426 = arith.index_cast %add3A_1395 : i32 to index
      %swap3A_1427 = arith.constant 64 : index
      %swap3A_1428 = tpu.vector_load %arg12[%swap3A_1426, %swap3A_1427] {strides = array<i32>} : memref<256x128xf32, #tpu.memory_space<vmem>>, vector<1x16xf32>,
      %swap3A_1429 = vector.shape_cast %swap3A_1428 : vector<1x16xf32> to vector<16xf32>
      %swap3A_1430 = vector.shape_cast %mul3A_1425 : vector<16xf32> to vector<1x16xf32>
      tpu.vector_store %arg12[%swap3A_1426, %swap3A_1427], %swap3A_1430 {strides = array<i32>} : memref<256x128xf32, #tpu.memory_space<vmem>>, vector<1x16xf32>,
      %mul3A_1431 = arith.mulf %add3A_1168, %broadcast_in_dim3A_1390 : vector<16xf32>
      %mul3A_1432 = arith.mulf %mul3A_1431, %mul3A_217 : vector<16xf32>
      %swap3A_1433 = arith.index_cast %add3A_1395 : i32 to index
      %swap3A_1434 = arith.constant 80 : index
      %swap3A_1435 = tpu.vector_load %arg12[%swap3A_1433, %swap3A_1434] {strides = array<i32>} : memref<256x128xf32, #tpu.memory_space<vmem>>, vector<1x16xf32>,
      %swap3A_1436 = vector.shape_cast %swap3A_1435 : vector<1x16xf32> to vector<16xf32>
      %swap3A_1437 = vector.shape_cast %mul3A_1432 : vector<16xf32> to vector<1x16xf32>
      tpu.vector_store %arg12[%swap3A_1433, %swap3A_1434], %swap3A_1437 {strides = array<i32>} : memref<256x128xf32, #tpu.memory_space<vmem>>, vector<1x16xf32>,
      %mul3A_1438 = arith.mulf %add3A_1177, %broadcast_in_dim3A_1390 : vector<16xf32>
      %mul3A_1439 = arith.mulf %mul3A_1438, %mul3A_223 : vector<16xf32>
      %swap3A_1440 = arith.index_cast %add3A_1395 : i32 to index
      %swap3A_1441 = arith.constant 96 : index
      %swap3A_1442 = tpu.vector_load %arg12[%swap3A_1440, %swap3A_1441] {strides = array<i32>} : memref<256x128xf32, #tpu.memory_space<vmem>>, vector<1x16xf32>,
      %swap3A_1443 = vector.shape_cast %swap3A_1442 : vector<1x16xf32> to vector<16xf32>
      %swap3A_1444 = vector.shape_cast %mul3A_1439 : vector<16xf32> to vector<1x16xf32>
      tpu.vector_store %arg12[%swap3A_1440, %swap3A_1441], %swap3A_1444 {strides = array<i32>} : memref<256x128xf32, #tpu.memory_space<vmem>>, vector<1x16xf32>,
      %mul3A_1445 = arith.mulf %add3A_1186, %broadcast_in_dim3A_1390 : vector<16xf32>
      %mul3A_1446 = arith.mulf %mul3A_1445, %mul3A_229 : vector<16xf32>
      %swap3A_1447 = arith.index_cast %add3A_1395 : i32 to index
      %swap3A_1448 = arith.constant 112 : index
      %swap3A_1449 = tpu.vector_load %arg12[%swap3A_1447, %swap3A_1448] {strides = array<i32>} : memref<256x128xf32, #tpu.memory_space<vmem>>, vector<1x16xf32>,
      %swap3A_1450 = vector.shape_cast %swap3A_1449 : vector<1x16xf32> to vector<16xf32>
      %swap3A_1451 = vector.shape_cast %mul3A_1446 : vector<16xf32> to vector<1x16xf32>
      tpu.vector_store %arg12[%swap3A_1447, %swap3A_1448], %swap3A_1451 {strides = array<i32>} : memref<256x128xf32, #tpu.memory_space<vmem>>, vector<1x16xf32>,
      %add3A_1452 = arith.constant 1 : i32
      %add3A_1453 = arith.addi %add3A_1112, %add3A_1452 : i32
      %mul3A_1454 = arith.mulf %add3A_1200, %broadcast_in_dim3A_1393 : vector<16xf32>
      %mul3A_1455 = arith.mulf %mul3A_1454, %mul3A_187 : vector<16xf32>
      %swap3A_1456 = arith.index_cast %add3A_1453 : i32 to index
      %swap3A_1457 = arith.constant 0 : index
      %swap3A_1458 = tpu.vector_load %arg12[%swap3A_1456, %swap3A_1457] {strides = array<i32>} : memref<256x128xf32, #tpu.memory_space<vmem>>, vector<1x16xf32>,
      %swap3A_1459 = vector.shape_cast %swap3A_1458 : vector<1x16xf32> to vector<16xf32>
      %swap3A_1460 = vector.shape_cast %mul3A_1455 : vector<16xf32> to vector<1x16xf32>
      tpu.vector_store %arg12[%swap3A_1456, %swap3A_1457], %swap3A_1460 {strides = array<i32>} : memref<256x128xf32, #tpu.memory_space<vmem>>, vector<1x16xf32>,
      %mul3A_1461 = arith.mulf %add3A_1208, %broadcast_in_dim3A_1393 : vector<16xf32>
      %mul3A_1462 = arith.mulf %mul3A_1461, %mul3A_193 : vector<16xf32>
      %swap3A_1463 = arith.index_cast %add3A_1453 : i32 to index
      %swap3A_1464 = arith.constant 16 : index
      %swap3A_1465 = tpu.vector_load %arg12[%swap3A_1463, %swap3A_1464] {strides = array<i32>} : memref<256x128xf32, #tpu.memory_space<vmem>>, vector<1x16xf32>,
      %swap3A_1466 = vector.shape_cast %swap3A_1465 : vector<1x16xf32> to vector<16xf32>
      %swap3A_1467 = vector.shape_cast %mul3A_1462 : vector<16xf32> to vector<1x16xf32>
      tpu.vector_store %arg12[%swap3A_1463, %swap3A_1464], %swap3A_1467 {strides = array<i32>} : memref<256x128xf32, #tpu.memory_space<vmem>>, vector<1x16xf32>,
      %mul3A_1468 = arith.mulf %add3A_1217, %broadcast_in_dim3A_1393 : vector<16xf32>
      %mul3A_1469 = arith.mulf %mul3A_1468, %mul3A_199 : vector<16xf32>
      %swap3A_1470 = arith.index_cast %add3A_1453 : i32 to index
      %swap3A_1471 = arith.constant 32 : index
      %swap3A_1472 = tpu.vector_load %arg12[%swap3A_1470, %swap3A_1471] {strides = array<i32>} : memref<256x128xf32, #tpu.memory_space<vmem>>, vector<1x16xf32>,
      %swap3A_1473 = vector.shape_cast %swap3A_1472 : vector<1x16xf32> to vector<16xf32>
      %swap3A_1474 = vector.shape_cast %mul3A_1469 : vector<16xf32> to vector<1x16xf32>
      tpu.vector_store %arg12[%swap3A_1470, %swap3A_1471], %swap3A_1474 {strides = array<i32>} : memref<256x128xf32, #tpu.memory_space<vmem>>, vector<1x16xf32>,
      %mul3A_1475 = arith.mulf %add3A_1226, %broadcast_in_dim3A_1393 : vector<16xf32>
      %mul3A_1476 = arith.mulf %mul3A_1475, %mul3A_205 : vector<16xf32>
      %swap3A_1477 = arith.index_cast %add3A_1453 : i32 to index
      %swap3A_1478 = arith.constant 48 : index
      %swap3A_1479 = tpu.vector_load %arg12[%swap3A_1477, %swap3A_1478] {strides = array<i32>} : memref<256x128xf32, #tpu.memory_space<vmem>>, vector<1x16xf32>,
      %swap3A_1480 = vector.shape_cast %swap3A_1479 : vector<1x16xf32> to vector<16xf32>
      %swap3A_1481 = vector.shape_cast %mul3A_1476 : vector<16xf32> to vector<1x16xf32>
      tpu.vector_store %arg12[%swap3A_1477, %swap3A_1478], %swap3A_1481 {strides = array<i32>} : memref<256x128xf32, #tpu.memory_space<vmem>>, vector<1x16xf32>,
      %mul3A_1482 = arith.mulf %add3A_1235, %broadcast_in_dim3A_1393 : vector<16xf32>
      %mul3A_1483 = arith.mulf %mul3A_1482, %mul3A_211 : vector<16xf32>
      %swap3A_1484 = arith.index_cast %add3A_1453 : i32 to index
      %swap3A_1485 = arith.constant 64 : index
      %swap3A_1486 = tpu.vector_load %arg12[%swap3A_1484, %swap3A_1485] {strides = array<i32>} : memref<256x128xf32, #tpu.memory_space<vmem>>, vector<1x16xf32>,
      %swap3A_1487 = vector.shape_cast %swap3A_1486 : vector<1x16xf32> to vector<16xf32>
      %swap3A_1488 = vector.shape_cast %mul3A_1483 : vector<16xf32> to vector<1x16xf32>
      tpu.vector_store %arg12[%swap3A_1484, %swap3A_1485], %swap3A_1488 {strides = array<i32>} : memref<256x128xf32, #tpu.memory_space<vmem>>, vector<1x16xf32>,
      %mul3A_1489 = arith.mulf %add3A_1244, %broadcast_in_dim3A_1393 : vector<16xf32>
      %mul3A_1490 = arith.mulf %mul3A_1489, %mul3A_217 : vector<16xf32>
      %swap3A_1491 = arith.index_cast %add3A_1453 : i32 to index
      %swap3A_1492 = arith.constant 80 : index
      %swap3A_1493 = tpu.vector_load %arg12[%swap3A_1491, %swap3A_1492] {strides = array<i32>} : memref<256x128xf32, #tpu.memory_space<vmem>>, vector<1x16xf32>,
      %swap3A_1494 = vector.shape_cast %swap3A_1493 : vector<1x16xf32> to vector<16xf32>
      %swap3A_1495 = vector.shape_cast %mul3A_1490 : vector<16xf32> to vector<1x16xf32>
      tpu.vector_store %arg12[%swap3A_1491, %swap3A_1492], %swap3A_1495 {strides = array<i32>} : memref<256x128xf32, #tpu.memory_space<vmem>>, vector<1x16xf32>,
      %mul3A_1496 = arith.mulf %add3A_1253, %broadcast_in_dim3A_1393 : vector<16xf32>
      %mul3A_1497 = arith.mulf %mul3A_1496, %mul3A_223 : vector<16xf32>
      %swap3A_1498 = arith.index_cast %add3A_1453 : i32 to index
      %swap3A_1499 = arith.constant 96 : index
      %swap3A_1500 = tpu.vector_load %arg12[%swap3A_1498, %swap3A_1499] {strides = array<i32>} : memref<256x128xf32, #tpu.memory_space<vmem>>, vector<1x16xf32>,
      %swap3A_1501 = vector.shape_cast %swap3A_1500 : vector<1x16xf32> to vector<16xf32>
      %swap3A_1502 = vector.shape_cast %mul3A_1497 : vector<16xf32> to vector<1x16xf32>
      tpu.vector_store %arg12[%swap3A_1498, %swap3A_1499], %swap3A_1502 {strides = array<i32>} : memref<256x128xf32, #tpu.memory_space<vmem>>, vector<1x16xf32>,
      %mul3A_1503 = arith.mulf %add3A_1262, %broadcast_in_dim3A_1393 : vector<16xf32>
      %mul3A_1504 = arith.mulf %mul3A_1503, %mul3A_229 : vector<16xf32>
      %swap3A_1505 = arith.index_cast %add3A_1453 : i32 to index
      %swap3A_1506 = arith.constant 112 : index
      %swap3A_1507 = tpu.vector_load %arg12[%swap3A_1505, %swap3A_1506] {strides = array<i32>} : memref<256x128xf32, #tpu.memory_space<vmem>>, vector<1x16xf32>,
      %swap3A_1508 = vector.shape_cast %swap3A_1507 : vector<1x16xf32> to vector<16xf32>
      %swap3A_1509 = vector.shape_cast %mul3A_1504 : vector<16xf32> to vector<1x16xf32>
      tpu.vector_store %arg12[%swap3A_1505, %swap3A_1506], %swap3A_1509 {strides = array<i32>} : memref<256x128xf32, #tpu.memory_space<vmem>>, vector<1x16xf32>,
      %add3A_1510 = arith.constant 6 : i32
      %add3A_1511 = arith.addi %mul3A_314, %add3A_1510 : i32
      %add3A_1512 = arith.constant 0 : i32
      %add3A_1513 = arith.addi %add3A_1511, %add3A_1512 : i32
      %slice3A_1514 = vector.extract_strided_slice %convert_element_type3A_318 {offsets = [6], sizes = [1], strides = [1]} : vector<16xf32> to vector<1xf32>
      %squeeze3A_1515 = vector.extract %slice3A_1514[0] : f32 from vector<1xf32>
      %broadcast_in_dim3A_1516 = vector.broadcast %squeeze3A_1515 : f32 to vector<16xf32>
      %get3A_1517 = arith.index_cast %add3A_1513 : i32 to index
      %get3A_1518 = arith.constant 0 : index
      %get3A_1519 = tpu.vector_load %arg12[%get3A_1517, %get3A_1518] {strides = array<i32>} : memref<256x128xf32, #tpu.memory_space<vmem>>, vector<1x16xf32>,
      %get3A_1520 = vector.shape_cast %get3A_1519 : vector<1x16xf32> to vector<16xf32>
      %mul3A_1521 = arith.mulf %broadcast_in_dim3A_1516, %sub3A_104 : vector<16xf32>
      %add3A_1522 = arith.addf %get3A_58, %mul3A_1521 : vector<16xf32>
      %add3A_1523 = arith.addf %get3A_1520, %add3A_1522 : vector<16xf32>
      %mul3A_1524 = arith.mulf %add3A_1523, %add3A_1523 : vector<16xf32>
      %get3A_1525 = arith.index_cast %add3A_1513 : i32 to index
      %get3A_1526 = arith.constant 16 : index
      %get3A_1527 = tpu.vector_load %arg12[%get3A_1525, %get3A_1526] {strides = array<i32>} : memref<256x128xf32, #tpu.memory_space<vmem>>, vector<1x16xf32>,
      %get3A_1528 = vector.shape_cast %get3A_1527 : vector<1x16xf32> to vector<16xf32>
      %mul3A_1529 = arith.mulf %broadcast_in_dim3A_1516, %sub3A_115 : vector<16xf32>
      %add3A_1530 = arith.addf %get3A_63, %mul3A_1529 : vector<16xf32>
      %add3A_1531 = arith.addf %get3A_1528, %add3A_1530 : vector<16xf32>
      %mul3A_1532 = arith.mulf %add3A_1531, %add3A_1531 : vector<16xf32>
      %add3A_1533 = arith.addf %mul3A_1524, %mul3A_1532 : vector<16xf32>
      %get3A_1534 = arith.index_cast %add3A_1513 : i32 to index
      %get3A_1535 = arith.constant 32 : index
      %get3A_1536 = tpu.vector_load %arg12[%get3A_1534, %get3A_1535] {strides = array<i32>} : memref<256x128xf32, #tpu.memory_space<vmem>>, vector<1x16xf32>,
      %get3A_1537 = vector.shape_cast %get3A_1536 : vector<1x16xf32> to vector<16xf32>
      %mul3A_1538 = arith.mulf %broadcast_in_dim3A_1516, %sub3A_126 : vector<16xf32>
      %add3A_1539 = arith.addf %get3A_68, %mul3A_1538 : vector<16xf32>
      %add3A_1540 = arith.addf %get3A_1537, %add3A_1539 : vector<16xf32>
      %mul3A_1541 = arith.mulf %add3A_1540, %add3A_1540 : vector<16xf32>
      %add3A_1542 = arith.addf %add3A_1533, %mul3A_1541 : vector<16xf32>
      %get3A_1543 = arith.index_cast %add3A_1513 : i32 to index
      %get3A_1544 = arith.constant 48 : index
      %get3A_1545 = tpu.vector_load %arg12[%get3A_1543, %get3A_1544] {strides = array<i32>} : memref<256x128xf32, #tpu.memory_space<vmem>>, vector<1x16xf32>,
      %get3A_1546 = vector.shape_cast %get3A_1545 : vector<1x16xf32> to vector<16xf32>
      %mul3A_1547 = arith.mulf %broadcast_in_dim3A_1516, %sub3A_137 : vector<16xf32>
      %add3A_1548 = arith.addf %get3A_73, %mul3A_1547 : vector<16xf32>
      %add3A_1549 = arith.addf %get3A_1546, %add3A_1548 : vector<16xf32>
      %mul3A_1550 = arith.mulf %add3A_1549, %add3A_1549 : vector<16xf32>
      %add3A_1551 = arith.addf %add3A_1542, %mul3A_1550 : vector<16xf32>
      %get3A_1552 = arith.index_cast %add3A_1513 : i32 to index
      %get3A_1553 = arith.constant 64 : index
      %get3A_1554 = tpu.vector_load %arg12[%get3A_1552, %get3A_1553] {strides = array<i32>} : memref<256x128xf32, #tpu.memory_space<vmem>>, vector<1x16xf32>,
      %get3A_1555 = vector.shape_cast %get3A_1554 : vector<1x16xf32> to vector<16xf32>
      %mul3A_1556 = arith.mulf %broadcast_in_dim3A_1516, %sub3A_148 : vector<16xf32>
      %add3A_1557 = arith.addf %get3A_78, %mul3A_1556 : vector<16xf32>
      %add3A_1558 = arith.addf %get3A_1555, %add3A_1557 : vector<16xf32>
      %mul3A_1559 = arith.mulf %add3A_1558, %add3A_1558 : vector<16xf32>
      %add3A_1560 = arith.addf %add3A_1551, %mul3A_1559 : vector<16xf32>
      %get3A_1561 = arith.index_cast %add3A_1513 : i32 to index
      %get3A_1562 = arith.constant 80 : index
      %get3A_1563 = tpu.vector_load %arg12[%get3A_1561, %get3A_1562] {strides = array<i32>} : memref<256x128xf32, #tpu.memory_space<vmem>>, vector<1x16xf32>,
      %get3A_1564 = vector.shape_cast %get3A_1563 : vector<1x16xf32> to vector<16xf32>
      %mul3A_1565 = arith.mulf %broadcast_in_dim3A_1516, %sub3A_159 : vector<16xf32>
      %add3A_1566 = arith.addf %get3A_83, %mul3A_1565 : vector<16xf32>
      %add3A_1567 = arith.addf %get3A_1564, %add3A_1566 : vector<16xf32>
      %mul3A_1568 = arith.mulf %add3A_1567, %add3A_1567 : vector<16xf32>
      %add3A_1569 = arith.addf %add3A_1560, %mul3A_1568 : vector<16xf32>
      %get3A_1570 = arith.index_cast %add3A_1513 : i32 to index
      %get3A_1571 = arith.constant 96 : index
      %get3A_1572 = tpu.vector_load %arg12[%get3A_1570, %get3A_1571] {strides = array<i32>} : memref<256x128xf32, #tpu.memory_space<vmem>>, vector<1x16xf32>,
      %get3A_1573 = vector.shape_cast %get3A_1572 : vector<1x16xf32> to vector<16xf32>
      %mul3A_1574 = arith.mulf %broadcast_in_dim3A_1516, %sub3A_170 : vector<16xf32>
      %add3A_1575 = arith.addf %get3A_88, %mul3A_1574 : vector<16xf32>
      %add3A_1576 = arith.addf %get3A_1573, %add3A_1575 : vector<16xf32>
      %mul3A_1577 = arith.mulf %add3A_1576, %add3A_1576 : vector<16xf32>
      %add3A_1578 = arith.addf %add3A_1569, %mul3A_1577 : vector<16xf32>
      %get3A_1579 = arith.index_cast %add3A_1513 : i32 to index
      %get3A_1580 = arith.constant 112 : index
      %get3A_1581 = tpu.vector_load %arg12[%get3A_1579, %get3A_1580] {strides = array<i32>} : memref<256x128xf32, #tpu.memory_space<vmem>>, vector<1x16xf32>,
      %get3A_1582 = vector.shape_cast %get3A_1581 : vector<1x16xf32> to vector<16xf32>
      %mul3A_1583 = arith.mulf %broadcast_in_dim3A_1516, %sub3A_181 : vector<16xf32>
      %add3A_1584 = arith.addf %get3A_93, %mul3A_1583 : vector<16xf32>
      %add3A_1585 = arith.addf %get3A_1582, %add3A_1584 : vector<16xf32>
      %mul3A_1586 = arith.mulf %add3A_1585, %add3A_1585 : vector<16xf32>
      %add3A_1587 = arith.addf %add3A_1578, %mul3A_1586 : vector<16xf32>
      %add3A_1588 = arith.constant 1 : i32
      %add3A_1589 = arith.addi %add3A_1511, %add3A_1588 : i32
      %slice3A_1590 = vector.extract_strided_slice %convert_element_type3A_318 {offsets = [7], sizes = [1], strides = [1]} : vector<16xf32> to vector<1xf32>
      %squeeze3A_1591 = vector.extract %slice3A_1590[0] : f32 from vector<1xf32>
      %broadcast_in_dim3A_1592 = vector.broadcast %squeeze3A_1591 : f32 to vector<16xf32>
      %get3A_1593 = arith.index_cast %add3A_1589 : i32 to index
      %get3A_1594 = arith.constant 0 : index
      %get3A_1595 = tpu.vector_load %arg12[%get3A_1593, %get3A_1594] {strides = array<i32>} : memref<256x128xf32, #tpu.memory_space<vmem>>, vector<1x16xf32>,
      %get3A_1596 = vector.shape_cast %get3A_1595 : vector<1x16xf32> to vector<16xf32>
      %mul3A_1597 = arith.mulf %broadcast_in_dim3A_1592, %sub3A_104 : vector<16xf32>
      %add3A_1598 = arith.addf %get3A_58, %mul3A_1597 : vector<16xf32>
      %add3A_1599 = arith.addf %get3A_1596, %add3A_1598 : vector<16xf32>
      %mul3A_1600 = arith.mulf %add3A_1599, %add3A_1599 : vector<16xf32>
      %get3A_1601 = arith.index_cast %add3A_1589 : i32 to index
      %get3A_1602 = arith.constant 16 : index
      %get3A_1603 = tpu.vector_load %arg12[%get3A_1601, %get3A_1602] {strides = array<i32>} : memref<256x128xf32, #tpu.memory_space<vmem>>, vector<1x16xf32>,
      %get3A_1604 = vector.shape_cast %get3A_1603 : vector<1x16xf32> to vector<16xf32>
      %mul3A_1605 = arith.mulf %broadcast_in_dim3A_1592, %sub3A_115 : vector<16xf32>
      %add3A_1606 = arith.addf %get3A_63, %mul3A_1605 : vector<16xf32>
      %add3A_1607 = arith.addf %get3A_1604, %add3A_1606 : vector<16xf32>
      %mul3A_1608 = arith.mulf %add3A_1607, %add3A_1607 : vector<16xf32>
      %add3A_1609 = arith.addf %mul3A_1600, %mul3A_1608 : vector<16xf32>
      %get3A_1610 = arith.index_cast %add3A_1589 : i32 to index
      %get3A_1611 = arith.constant 32 : index
      %get3A_1612 = tpu.vector_load %arg12[%get3A_1610, %get3A_1611] {strides = array<i32>} : memref<256x128xf32, #tpu.memory_space<vmem>>, vector<1x16xf32>,
      %get3A_1613 = vector.shape_cast %get3A_1612 : vector<1x16xf32> to vector<16xf32>
      %mul3A_1614 = arith.mulf %broadcast_in_dim3A_1592, %sub3A_126 : vector<16xf32>
      %add3A_1615 = arith.addf %get3A_68, %mul3A_1614 : vector<16xf32>
      %add3A_1616 = arith.addf %get3A_1613, %add3A_1615 : vector<16xf32>
      %mul3A_1617 = arith.mulf %add3A_1616, %add3A_1616 : vector<16xf32>
      %add3A_1618 = arith.addf %add3A_1609, %mul3A_1617 : vector<16xf32>
      %get3A_1619 = arith.index_cast %add3A_1589 : i32 to index
      %get3A_1620 = arith.constant 48 : index
      %get3A_1621 = tpu.vector_load %arg12[%get3A_1619, %get3A_1620] {strides = array<i32>} : memref<256x128xf32, #tpu.memory_space<vmem>>, vector<1x16xf32>,
      %get3A_1622 = vector.shape_cast %get3A_1621 : vector<1x16xf32> to vector<16xf32>
      %mul3A_1623 = arith.mulf %broadcast_in_dim3A_1592, %sub3A_137 : vector<16xf32>
      %add3A_1624 = arith.addf %get3A_73, %mul3A_1623 : vector<16xf32>
      %add3A_1625 = arith.addf %get3A_1622, %add3A_1624 : vector<16xf32>
      %mul3A_1626 = arith.mulf %add3A_1625, %add3A_1625 : vector<16xf32>
      %add3A_1627 = arith.addf %add3A_1618, %mul3A_1626 : vector<16xf32>
      %get3A_1628 = arith.index_cast %add3A_1589 : i32 to index
      %get3A_1629 = arith.constant 64 : index
      %get3A_1630 = tpu.vector_load %arg12[%get3A_1628, %get3A_1629] {strides = array<i32>} : memref<256x128xf32, #tpu.memory_space<vmem>>, vector<1x16xf32>,
      %get3A_1631 = vector.shape_cast %get3A_1630 : vector<1x16xf32> to vector<16xf32>
      %mul3A_1632 = arith.mulf %broadcast_in_dim3A_1592, %sub3A_148 : vector<16xf32>
      %add3A_1633 = arith.addf %get3A_78, %mul3A_1632 : vector<16xf32>
      %add3A_1634 = arith.addf %get3A_1631, %add3A_1633 : vector<16xf32>
      %mul3A_1635 = arith.mulf %add3A_1634, %add3A_1634 : vector<16xf32>
      %add3A_1636 = arith.addf %add3A_1627, %mul3A_1635 : vector<16xf32>
      %get3A_1637 = arith.index_cast %add3A_1589 : i32 to index
      %get3A_1638 = arith.constant 80 : index
      %get3A_1639 = tpu.vector_load %arg12[%get3A_1637, %get3A_1638] {strides = array<i32>} : memref<256x128xf32, #tpu.memory_space<vmem>>, vector<1x16xf32>,
      %get3A_1640 = vector.shape_cast %get3A_1639 : vector<1x16xf32> to vector<16xf32>
      %mul3A_1641 = arith.mulf %broadcast_in_dim3A_1592, %sub3A_159 : vector<16xf32>
      %add3A_1642 = arith.addf %get3A_83, %mul3A_1641 : vector<16xf32>
      %add3A_1643 = arith.addf %get3A_1640, %add3A_1642 : vector<16xf32>
      %mul3A_1644 = arith.mulf %add3A_1643, %add3A_1643 : vector<16xf32>
      %add3A_1645 = arith.addf %add3A_1636, %mul3A_1644 : vector<16xf32>
      %get3A_1646 = arith.index_cast %add3A_1589 : i32 to index
      %get3A_1647 = arith.constant 96 : index
      %get3A_1648 = tpu.vector_load %arg12[%get3A_1646, %get3A_1647] {strides = array<i32>} : memref<256x128xf32, #tpu.memory_space<vmem>>, vector<1x16xf32>,
      %get3A_1649 = vector.shape_cast %get3A_1648 : vector<1x16xf32> to vector<16xf32>
      %mul3A_1650 = arith.mulf %broadcast_in_dim3A_1592, %sub3A_170 : vector<16xf32>
      %add3A_1651 = arith.addf %get3A_88, %mul3A_1650 : vector<16xf32>
      %add3A_1652 = arith.addf %get3A_1649, %add3A_1651 : vector<16xf32>
      %mul3A_1653 = arith.mulf %add3A_1652, %add3A_1652 : vector<16xf32>
      %add3A_1654 = arith.addf %add3A_1645, %mul3A_1653 : vector<16xf32>
      %get3A_1655 = arith.index_cast %add3A_1589 : i32 to index
      %get3A_1656 = arith.constant 112 : index
      %get3A_1657 = tpu.vector_load %arg12[%get3A_1655, %get3A_1656] {strides = array<i32>} : memref<256x128xf32, #tpu.memory_space<vmem>>, vector<1x16xf32>,
      %get3A_1658 = vector.shape_cast %get3A_1657 : vector<1x16xf32> to vector<16xf32>
      %mul3A_1659 = arith.mulf %broadcast_in_dim3A_1592, %sub3A_181 : vector<16xf32>
      %add3A_1660 = arith.addf %get3A_93, %mul3A_1659 : vector<16xf32>
      %add3A_1661 = arith.addf %get3A_1658, %add3A_1660 : vector<16xf32>
      %mul3A_1662 = arith.mulf %add3A_1661, %add3A_1661 : vector<16xf32>
      %add3A_1663 = arith.addf %add3A_1654, %mul3A_1662 : vector<16xf32>
      %lt3A_1664 = arith.constant 0 : i32
      %lt3A_1665 = vector.broadcast %lt3A_1664 : i32 to vector<16xi32>
      %lt3A_1666 = arith.cmpi slt, %xor3A_231, %lt3A_1665 : vector<16xi32>
      %add3A_1667 = arith.constant 16 : i32
      %add3A_1668 = vector.broadcast %add3A_1667 : i32 to vector<16xi32>
      %add3A_1669 = arith.addi %xor3A_231, %add3A_1668 : vector<16xi32>
      %select_n3A_1670 = arith.select %lt3A_1666, %add3A_1669, %xor3A_231 : vector<16xi1>, vector<16xi32>
      %broadcast_in_dim3A_1671 = vector.shape_cast %select_n3A_1670 : vector<16xi32> to vector<16x1xi32>
      %gather3A_1672 = vector.shape_cast %broadcast_in_dim3A_1671 : vector<16x1xi32> to vector<16xi32>
      %gather3A_1673 = tpu.dynamic_gather %add3A_1587[%gather3A_1672] in [0] : vector<16xf32>, vector<16xi32> -> vector<16xf32>
      %add3A_1674 = arith.addf %add3A_1587, %gather3A_1673 : vector<16xf32>
      %lt3A_1675 = arith.constant 0 : i32
      %lt3A_1676 = vector.broadcast %lt3A_1675 : i32 to vector<16xi32>
      %lt3A_1677 = arith.cmpi slt, %xor3A_231, %lt3A_1676 : vector<16xi32>
      %add3A_1678 = arith.constant 16 : i32
      %add3A_1679 = vector.broadcast %add3A_1678 : i32 to vector<16xi32>
      %add3A_1680 = arith.addi %xor3A_231, %add3A_1679 : vector<16xi32>
      %select_n3A_1681 = arith.select %lt3A_1677, %add3A_1680, %xor3A_231 : vector<16xi1>, vector<16xi32>
      %broadcast_in_dim3A_1682 = vector.shape_cast %select_n3A_1681 : vector<16xi32> to vector<16x1xi32>
      %gather3A_1683 = vector.shape_cast %broadcast_in_dim3A_1682 : vector<16x1xi32> to vector<16xi32>
      %gather3A_1684 = tpu.dynamic_gather %add3A_1663[%gather3A_1683] in [0] : vector<16xf32>, vector<16xi32> -> vector<16xf32>
      %add3A_1685 = arith.addf %add3A_1663, %gather3A_1684 : vector<16xf32>
      %lt3A_1686 = arith.constant 0 : i32
      %lt3A_1687 = vector.broadcast %lt3A_1686 : i32 to vector<16xi32>
      %lt3A_1688 = arith.cmpi slt, %xor3A_234, %lt3A_1687 : vector<16xi32>
      %add3A_1689 = arith.constant 16 : i32
      %add3A_1690 = vector.broadcast %add3A_1689 : i32 to vector<16xi32>
      %add3A_1691 = arith.addi %xor3A_234, %add3A_1690 : vector<16xi32>
      %select_n3A_1692 = arith.select %lt3A_1688, %add3A_1691, %xor3A_234 : vector<16xi1>, vector<16xi32>
      %broadcast_in_dim3A_1693 = vector.shape_cast %select_n3A_1692 : vector<16xi32> to vector<16x1xi32>
      %gather3A_1694 = vector.shape_cast %broadcast_in_dim3A_1693 : vector<16x1xi32> to vector<16xi32>
      %gather3A_1695 = tpu.dynamic_gather %add3A_1674[%gather3A_1694] in [0] : vector<16xf32>, vector<16xi32> -> vector<16xf32>
      %add3A_1696 = arith.addf %add3A_1674, %gather3A_1695 : vector<16xf32>
      %lt3A_1697 = arith.constant 0 : i32
      %lt3A_1698 = vector.broadcast %lt3A_1697 : i32 to vector<16xi32>
      %lt3A_1699 = arith.cmpi slt, %xor3A_234, %lt3A_1698 : vector<16xi32>
      %add3A_1700 = arith.constant 16 : i32
      %add3A_1701 = vector.broadcast %add3A_1700 : i32 to vector<16xi32>
      %add3A_1702 = arith.addi %xor3A_234, %add3A_1701 : vector<16xi32>
      %select_n3A_1703 = arith.select %lt3A_1699, %add3A_1702, %xor3A_234 : vector<16xi1>, vector<16xi32>
      %broadcast_in_dim3A_1704 = vector.shape_cast %select_n3A_1703 : vector<16xi32> to vector<16x1xi32>
      %gather3A_1705 = vector.shape_cast %broadcast_in_dim3A_1704 : vector<16x1xi32> to vector<16xi32>
      %gather3A_1706 = tpu.dynamic_gather %add3A_1685[%gather3A_1705] in [0] : vector<16xf32>, vector<16xi32> -> vector<16xf32>
      %add3A_1707 = arith.addf %add3A_1685, %gather3A_1706 : vector<16xf32>
      %lt3A_1708 = arith.constant 0 : i32
      %lt3A_1709 = vector.broadcast %lt3A_1708 : i32 to vector<16xi32>
      %lt3A_1710 = arith.cmpi slt, %xor3A_237, %lt3A_1709 : vector<16xi32>
      %add3A_1711 = arith.constant 16 : i32
      %add3A_1712 = vector.broadcast %add3A_1711 : i32 to vector<16xi32>
      %add3A_1713 = arith.addi %xor3A_237, %add3A_1712 : vector<16xi32>
      %select_n3A_1714 = arith.select %lt3A_1710, %add3A_1713, %xor3A_237 : vector<16xi1>, vector<16xi32>
      %broadcast_in_dim3A_1715 = vector.shape_cast %select_n3A_1714 : vector<16xi32> to vector<16x1xi32>
      %gather3A_1716 = vector.shape_cast %broadcast_in_dim3A_1715 : vector<16x1xi32> to vector<16xi32>
      %gather3A_1717 = tpu.dynamic_gather %add3A_1696[%gather3A_1716] in [0] : vector<16xf32>, vector<16xi32> -> vector<16xf32>
      %add3A_1718 = arith.addf %add3A_1696, %gather3A_1717 : vector<16xf32>
      %lt3A_1719 = arith.constant 0 : i32
      %lt3A_1720 = vector.broadcast %lt3A_1719 : i32 to vector<16xi32>
      %lt3A_1721 = arith.cmpi slt, %xor3A_237, %lt3A_1720 : vector<16xi32>
      %add3A_1722 = arith.constant 16 : i32
      %add3A_1723 = vector.broadcast %add3A_1722 : i32 to vector<16xi32>
      %add3A_1724 = arith.addi %xor3A_237, %add3A_1723 : vector<16xi32>
      %select_n3A_1725 = arith.select %lt3A_1721, %add3A_1724, %xor3A_237 : vector<16xi1>, vector<16xi32>
      %broadcast_in_dim3A_1726 = vector.shape_cast %select_n3A_1725 : vector<16xi32> to vector<16x1xi32>
      %gather3A_1727 = vector.shape_cast %broadcast_in_dim3A_1726 : vector<16x1xi32> to vector<16xi32>
      %gather3A_1728 = tpu.dynamic_gather %add3A_1707[%gather3A_1727] in [0] : vector<16xf32>, vector<16xi32> -> vector<16xf32>
      %add3A_1729 = arith.addf %add3A_1707, %gather3A_1728 : vector<16xf32>
      %lt3A_1730 = arith.constant 0 : i32
      %lt3A_1731 = vector.broadcast %lt3A_1730 : i32 to vector<16xi32>
      %lt3A_1732 = arith.cmpi slt, %xor3A_240, %lt3A_1731 : vector<16xi32>
      %add3A_1733 = arith.constant 16 : i32
      %add3A_1734 = vector.broadcast %add3A_1733 : i32 to vector<16xi32>
      %add3A_1735 = arith.addi %xor3A_240, %add3A_1734 : vector<16xi32>
      %select_n3A_1736 = arith.select %lt3A_1732, %add3A_1735, %xor3A_240 : vector<16xi1>, vector<16xi32>
      %broadcast_in_dim3A_1737 = vector.shape_cast %select_n3A_1736 : vector<16xi32> to vector<16x1xi32>
      %gather3A_1738 = vector.shape_cast %broadcast_in_dim3A_1737 : vector<16x1xi32> to vector<16xi32>
      %gather3A_1739 = tpu.dynamic_gather %add3A_1718[%gather3A_1738] in [0] : vector<16xf32>, vector<16xi32> -> vector<16xf32>
      %add3A_1740 = arith.addf %add3A_1718, %gather3A_1739 : vector<16xf32>
      %lt3A_1741 = arith.constant 0 : i32
      %lt3A_1742 = vector.broadcast %lt3A_1741 : i32 to vector<16xi32>
      %lt3A_1743 = arith.cmpi slt, %xor3A_240, %lt3A_1742 : vector<16xi32>
      %add3A_1744 = arith.constant 16 : i32
      %add3A_1745 = vector.broadcast %add3A_1744 : i32 to vector<16xi32>
      %add3A_1746 = arith.addi %xor3A_240, %add3A_1745 : vector<16xi32>
      %select_n3A_1747 = arith.select %lt3A_1743, %add3A_1746, %xor3A_240 : vector<16xi1>, vector<16xi32>
      %broadcast_in_dim3A_1748 = vector.shape_cast %select_n3A_1747 : vector<16xi32> to vector<16x1xi32>
      %gather3A_1749 = vector.shape_cast %broadcast_in_dim3A_1748 : vector<16x1xi32> to vector<16xi32>
      %gather3A_1750 = tpu.dynamic_gather %add3A_1729[%gather3A_1749] in [0] : vector<16xf32>, vector<16xi32> -> vector<16xf32>
      %add3A_1751 = arith.addf %add3A_1729, %gather3A_1750 : vector<16xf32>
      %mul3A_1752 = arith.mulf %add3A_1740, %convert_element_type3A : vector<16xf32>
      %mul3A_1753 = arith.mulf %add3A_1751, %sub3A_250 : vector<16xf32>
      %add3A_1754 = arith.addf %mul3A_1752, %mul3A_1753 : vector<16xf32>
      %add3A_1755 = arith.constant 1.280000e-04 : f32
      %add3A_1756 = vector.broadcast %add3A_1755 : f32 to vector<16xf32>
      %add3A_1757 = arith.addf %add3A_1754, %add3A_1756 : vector<16xf32>
      %bitcast_convert_type3A_1758 = tpu.bitcast %add3A_1757 : vector<16xf32> -> vector<16xi32>
      %shift_right_arithmetic3A_1759 = arith.constant 1 : i32
      %shift_right_arithmetic3A_1760 = vector.broadcast %shift_right_arithmetic3A_1759 : i32 to vector<16xi32>
      %shift_right_arithmetic3A_1761 = arith.shrsi %bitcast_convert_type3A_1758, %shift_right_arithmetic3A_1760 : vector<16xi32>
      %sub3A_1762 = arith.constant 1597463007 : i32
      %sub3A_1763 = vector.broadcast %sub3A_1762 : i32 to vector<16xi32>
      %sub3A_1764 = arith.subi %sub3A_1763, %shift_right_arithmetic3A_1761 : vector<16xi32>
      %bitcast_convert_type3A_1765 = tpu.bitcast %sub3A_1764 : vector<16xi32> -> vector<16xf32>
      %mul3A_1766 = arith.constant 5.000000e-01 : f32
      %mul3A_1767 = vector.broadcast %mul3A_1766 : f32 to vector<16xf32>
      %mul3A_1768 = arith.mulf %add3A_1757, %mul3A_1767 : vector<16xf32>
      %mul3A_1769 = arith.mulf %mul3A_1768, %bitcast_convert_type3A_1765 : vector<16xf32>
      %mul3A_1770 = arith.mulf %mul3A_1769, %bitcast_convert_type3A_1765 : vector<16xf32>
      %sub3A_1771 = arith.constant 1.500000e+00 : f32
      %sub3A_1772 = vector.broadcast %sub3A_1771 : f32 to vector<16xf32>
      %sub3A_1773 = arith.subf %sub3A_1772, %mul3A_1770 : vector<16xf32>
      %mul3A_1774 = arith.mulf %bitcast_convert_type3A_1765, %sub3A_1773 : vector<16xf32>
      %mul3A_1775 = arith.mulf %mul3A_1768, %mul3A_1774 : vector<16xf32>
      %mul3A_1776 = arith.mulf %mul3A_1775, %mul3A_1774 : vector<16xf32>
      %sub3A_1777 = arith.constant 1.500000e+00 : f32
      %sub3A_1778 = vector.broadcast %sub3A_1777 : f32 to vector<16xf32>
      %sub3A_1779 = arith.subf %sub3A_1778, %mul3A_1776 : vector<16xf32>
      %mul3A_1780 = arith.mulf %mul3A_1774, %sub3A_1779 : vector<16xf32>
      %mul3A_1781 = arith.mulf %mul3A_1768, %mul3A_1780 : vector<16xf32>
      %mul3A_1782 = arith.mulf %mul3A_1781, %mul3A_1780 : vector<16xf32>
      %sub3A_1783 = arith.constant 1.500000e+00 : f32
      %sub3A_1784 = vector.broadcast %sub3A_1783 : f32 to vector<16xf32>
      %sub3A_1785 = arith.subf %sub3A_1784, %mul3A_1782 : vector<16xf32>
      %mul3A_1786 = arith.mulf %mul3A_1780, %sub3A_1785 : vector<16xf32>
      %slice3A_1787 = vector.extract_strided_slice %mul3A_1786 {offsets = [0], sizes = [1], strides = [1]} : vector<16xf32> to vector<1xf32>
      %squeeze3A_1788 = vector.extract %slice3A_1787[0] : f32 from vector<1xf32>
      %broadcast_in_dim3A_1789 = vector.broadcast %squeeze3A_1788 : f32 to vector<16xf32>
      %slice3A_1790 = vector.extract_strided_slice %mul3A_1786 {offsets = [8], sizes = [1], strides = [1]} : vector<16xf32> to vector<1xf32>
      %squeeze3A_1791 = vector.extract %slice3A_1790[0] : f32 from vector<1xf32>
      %broadcast_in_dim3A_1792 = vector.broadcast %squeeze3A_1791 : f32 to vector<16xf32>
      %add3A_1793 = arith.constant 0 : i32
      %add3A_1794 = arith.addi %add3A_1511, %add3A_1793 : i32
      %mul3A_1795 = arith.mulf %add3A_1523, %broadcast_in_dim3A_1789 : vector<16xf32>
      %mul3A_1796 = arith.mulf %mul3A_1795, %mul3A_187 : vector<16xf32>
      %swap3A_1797 = arith.index_cast %add3A_1794 : i32 to index
      %swap3A_1798 = arith.constant 0 : index
      %swap3A_1799 = tpu.vector_load %arg12[%swap3A_1797, %swap3A_1798] {strides = array<i32>} : memref<256x128xf32, #tpu.memory_space<vmem>>, vector<1x16xf32>,
      %swap3A_1800 = vector.shape_cast %swap3A_1799 : vector<1x16xf32> to vector<16xf32>
      %swap3A_1801 = vector.shape_cast %mul3A_1796 : vector<16xf32> to vector<1x16xf32>
      tpu.vector_store %arg12[%swap3A_1797, %swap3A_1798], %swap3A_1801 {strides = array<i32>} : memref<256x128xf32, #tpu.memory_space<vmem>>, vector<1x16xf32>,
      %mul3A_1802 = arith.mulf %add3A_1531, %broadcast_in_dim3A_1789 : vector<16xf32>
      %mul3A_1803 = arith.mulf %mul3A_1802, %mul3A_193 : vector<16xf32>
      %swap3A_1804 = arith.index_cast %add3A_1794 : i32 to index
      %swap3A_1805 = arith.constant 16 : index
      %swap3A_1806 = tpu.vector_load %arg12[%swap3A_1804, %swap3A_1805] {strides = array<i32>} : memref<256x128xf32, #tpu.memory_space<vmem>>, vector<1x16xf32>,
      %swap3A_1807 = vector.shape_cast %swap3A_1806 : vector<1x16xf32> to vector<16xf32>
      %swap3A_1808 = vector.shape_cast %mul3A_1803 : vector<16xf32> to vector<1x16xf32>
      tpu.vector_store %arg12[%swap3A_1804, %swap3A_1805], %swap3A_1808 {strides = array<i32>} : memref<256x128xf32, #tpu.memory_space<vmem>>, vector<1x16xf32>,
      %mul3A_1809 = arith.mulf %add3A_1540, %broadcast_in_dim3A_1789 : vector<16xf32>
      %mul3A_1810 = arith.mulf %mul3A_1809, %mul3A_199 : vector<16xf32>
      %swap3A_1811 = arith.index_cast %add3A_1794 : i32 to index
      %swap3A_1812 = arith.constant 32 : index
      %swap3A_1813 = tpu.vector_load %arg12[%swap3A_1811, %swap3A_1812] {strides = array<i32>} : memref<256x128xf32, #tpu.memory_space<vmem>>, vector<1x16xf32>,
      %swap3A_1814 = vector.shape_cast %swap3A_1813 : vector<1x16xf32> to vector<16xf32>
      %swap3A_1815 = vector.shape_cast %mul3A_1810 : vector<16xf32> to vector<1x16xf32>
      tpu.vector_store %arg12[%swap3A_1811, %swap3A_1812], %swap3A_1815 {strides = array<i32>} : memref<256x128xf32, #tpu.memory_space<vmem>>, vector<1x16xf32>,
      %mul3A_1816 = arith.mulf %add3A_1549, %broadcast_in_dim3A_1789 : vector<16xf32>
      %mul3A_1817 = arith.mulf %mul3A_1816, %mul3A_205 : vector<16xf32>
      %swap3A_1818 = arith.index_cast %add3A_1794 : i32 to index
      %swap3A_1819 = arith.constant 48 : index
      %swap3A_1820 = tpu.vector_load %arg12[%swap3A_1818, %swap3A_1819] {strides = array<i32>} : memref<256x128xf32, #tpu.memory_space<vmem>>, vector<1x16xf32>,
      %swap3A_1821 = vector.shape_cast %swap3A_1820 : vector<1x16xf32> to vector<16xf32>
      %swap3A_1822 = vector.shape_cast %mul3A_1817 : vector<16xf32> to vector<1x16xf32>
      tpu.vector_store %arg12[%swap3A_1818, %swap3A_1819], %swap3A_1822 {strides = array<i32>} : memref<256x128xf32, #tpu.memory_space<vmem>>, vector<1x16xf32>,
      %mul3A_1823 = arith.mulf %add3A_1558, %broadcast_in_dim3A_1789 : vector<16xf32>
      %mul3A_1824 = arith.mulf %mul3A_1823, %mul3A_211 : vector<16xf32>
      %swap3A_1825 = arith.index_cast %add3A_1794 : i32 to index
      %swap3A_1826 = arith.constant 64 : index
      %swap3A_1827 = tpu.vector_load %arg12[%swap3A_1825, %swap3A_1826] {strides = array<i32>} : memref<256x128xf32, #tpu.memory_space<vmem>>, vector<1x16xf32>,
      %swap3A_1828 = vector.shape_cast %swap3A_1827 : vector<1x16xf32> to vector<16xf32>
      %swap3A_1829 = vector.shape_cast %mul3A_1824 : vector<16xf32> to vector<1x16xf32>
      tpu.vector_store %arg12[%swap3A_1825, %swap3A_1826], %swap3A_1829 {strides = array<i32>} : memref<256x128xf32, #tpu.memory_space<vmem>>, vector<1x16xf32>,
      %mul3A_1830 = arith.mulf %add3A_1567, %broadcast_in_dim3A_1789 : vector<16xf32>
      %mul3A_1831 = arith.mulf %mul3A_1830, %mul3A_217 : vector<16xf32>
      %swap3A_1832 = arith.index_cast %add3A_1794 : i32 to index
      %swap3A_1833 = arith.constant 80 : index
      %swap3A_1834 = tpu.vector_load %arg12[%swap3A_1832, %swap3A_1833] {strides = array<i32>} : memref<256x128xf32, #tpu.memory_space<vmem>>, vector<1x16xf32>,
      %swap3A_1835 = vector.shape_cast %swap3A_1834 : vector<1x16xf32> to vector<16xf32>
      %swap3A_1836 = vector.shape_cast %mul3A_1831 : vector<16xf32> to vector<1x16xf32>
      tpu.vector_store %arg12[%swap3A_1832, %swap3A_1833], %swap3A_1836 {strides = array<i32>} : memref<256x128xf32, #tpu.memory_space<vmem>>, vector<1x16xf32>,
      %mul3A_1837 = arith.mulf %add3A_1576, %broadcast_in_dim3A_1789 : vector<16xf32>
      %mul3A_1838 = arith.mulf %mul3A_1837, %mul3A_223 : vector<16xf32>
      %swap3A_1839 = arith.index_cast %add3A_1794 : i32 to index
      %swap3A_1840 = arith.constant 96 : index
      %swap3A_1841 = tpu.vector_load %arg12[%swap3A_1839, %swap3A_1840] {strides = array<i32>} : memref<256x128xf32, #tpu.memory_space<vmem>>, vector<1x16xf32>,
      %swap3A_1842 = vector.shape_cast %swap3A_1841 : vector<1x16xf32> to vector<16xf32>
      %swap3A_1843 = vector.shape_cast %mul3A_1838 : vector<16xf32> to vector<1x16xf32>
      tpu.vector_store %arg12[%swap3A_1839, %swap3A_1840], %swap3A_1843 {strides = array<i32>} : memref<256x128xf32, #tpu.memory_space<vmem>>, vector<1x16xf32>,
      %mul3A_1844 = arith.mulf %add3A_1585, %broadcast_in_dim3A_1789 : vector<16xf32>
      %mul3A_1845 = arith.mulf %mul3A_1844, %mul3A_229 : vector<16xf32>
      %swap3A_1846 = arith.index_cast %add3A_1794 : i32 to index
      %swap3A_1847 = arith.constant 112 : index
      %swap3A_1848 = tpu.vector_load %arg12[%swap3A_1846, %swap3A_1847] {strides = array<i32>} : memref<256x128xf32, #tpu.memory_space<vmem>>, vector<1x16xf32>,
      %swap3A_1849 = vector.shape_cast %swap3A_1848 : vector<1x16xf32> to vector<16xf32>
      %swap3A_1850 = vector.shape_cast %mul3A_1845 : vector<16xf32> to vector<1x16xf32>
      tpu.vector_store %arg12[%swap3A_1846, %swap3A_1847], %swap3A_1850 {strides = array<i32>} : memref<256x128xf32, #tpu.memory_space<vmem>>, vector<1x16xf32>,
      %add3A_1851 = arith.constant 1 : i32
      %add3A_1852 = arith.addi %add3A_1511, %add3A_1851 : i32
      %mul3A_1853 = arith.mulf %add3A_1599, %broadcast_in_dim3A_1792 : vector<16xf32>
      %mul3A_1854 = arith.mulf %mul3A_1853, %mul3A_187 : vector<16xf32>
      %swap3A_1855 = arith.index_cast %add3A_1852 : i32 to index
      %swap3A_1856 = arith.constant 0 : index
      %swap3A_1857 = tpu.vector_load %arg12[%swap3A_1855, %swap3A_1856] {strides = array<i32>} : memref<256x128xf32, #tpu.memory_space<vmem>>, vector<1x16xf32>,
      %swap3A_1858 = vector.shape_cast %swap3A_1857 : vector<1x16xf32> to vector<16xf32>
      %swap3A_1859 = vector.shape_cast %mul3A_1854 : vector<16xf32> to vector<1x16xf32>
      tpu.vector_store %arg12[%swap3A_1855, %swap3A_1856], %swap3A_1859 {strides = array<i32>} : memref<256x128xf32, #tpu.memory_space<vmem>>, vector<1x16xf32>,
      %mul3A_1860 = arith.mulf %add3A_1607, %broadcast_in_dim3A_1792 : vector<16xf32>
      %mul3A_1861 = arith.mulf %mul3A_1860, %mul3A_193 : vector<16xf32>
      %swap3A_1862 = arith.index_cast %add3A_1852 : i32 to index
      %swap3A_1863 = arith.constant 16 : index
      %swap3A_1864 = tpu.vector_load %arg12[%swap3A_1862, %swap3A_1863] {strides = array<i32>} : memref<256x128xf32, #tpu.memory_space<vmem>>, vector<1x16xf32>,
      %swap3A_1865 = vector.shape_cast %swap3A_1864 : vector<1x16xf32> to vector<16xf32>
      %swap3A_1866 = vector.shape_cast %mul3A_1861 : vector<16xf32> to vector<1x16xf32>
      tpu.vector_store %arg12[%swap3A_1862, %swap3A_1863], %swap3A_1866 {strides = array<i32>} : memref<256x128xf32, #tpu.memory_space<vmem>>, vector<1x16xf32>,
      %mul3A_1867 = arith.mulf %add3A_1616, %broadcast_in_dim3A_1792 : vector<16xf32>
      %mul3A_1868 = arith.mulf %mul3A_1867, %mul3A_199 : vector<16xf32>
      %swap3A_1869 = arith.index_cast %add3A_1852 : i32 to index
      %swap3A_1870 = arith.constant 32 : index
      %swap3A_1871 = tpu.vector_load %arg12[%swap3A_1869, %swap3A_1870] {strides = array<i32>} : memref<256x128xf32, #tpu.memory_space<vmem>>, vector<1x16xf32>,
      %swap3A_1872 = vector.shape_cast %swap3A_1871 : vector<1x16xf32> to vector<16xf32>
      %swap3A_1873 = vector.shape_cast %mul3A_1868 : vector<16xf32> to vector<1x16xf32>
      tpu.vector_store %arg12[%swap3A_1869, %swap3A_1870], %swap3A_1873 {strides = array<i32>} : memref<256x128xf32, #tpu.memory_space<vmem>>, vector<1x16xf32>,
      %mul3A_1874 = arith.mulf %add3A_1625, %broadcast_in_dim3A_1792 : vector<16xf32>
      %mul3A_1875 = arith.mulf %mul3A_1874, %mul3A_205 : vector<16xf32>
      %swap3A_1876 = arith.index_cast %add3A_1852 : i32 to index
      %swap3A_1877 = arith.constant 48 : index
      %swap3A_1878 = tpu.vector_load %arg12[%swap3A_1876, %swap3A_1877] {strides = array<i32>} : memref<256x128xf32, #tpu.memory_space<vmem>>, vector<1x16xf32>,
      %swap3A_1879 = vector.shape_cast %swap3A_1878 : vector<1x16xf32> to vector<16xf32>
      %swap3A_1880 = vector.shape_cast %mul3A_1875 : vector<16xf32> to vector<1x16xf32>
      tpu.vector_store %arg12[%swap3A_1876, %swap3A_1877], %swap3A_1880 {strides = array<i32>} : memref<256x128xf32, #tpu.memory_space<vmem>>, vector<1x16xf32>,
      %mul3A_1881 = arith.mulf %add3A_1634, %broadcast_in_dim3A_1792 : vector<16xf32>
      %mul3A_1882 = arith.mulf %mul3A_1881, %mul3A_211 : vector<16xf32>
      %swap3A_1883 = arith.index_cast %add3A_1852 : i32 to index
      %swap3A_1884 = arith.constant 64 : index
      %swap3A_1885 = tpu.vector_load %arg12[%swap3A_1883, %swap3A_1884] {strides = array<i32>} : memref<256x128xf32, #tpu.memory_space<vmem>>, vector<1x16xf32>,
      %swap3A_1886 = vector.shape_cast %swap3A_1885 : vector<1x16xf32> to vector<16xf32>
      %swap3A_1887 = vector.shape_cast %mul3A_1882 : vector<16xf32> to vector<1x16xf32>
      tpu.vector_store %arg12[%swap3A_1883, %swap3A_1884], %swap3A_1887 {strides = array<i32>} : memref<256x128xf32, #tpu.memory_space<vmem>>, vector<1x16xf32>,
      %mul3A_1888 = arith.mulf %add3A_1643, %broadcast_in_dim3A_1792 : vector<16xf32>
      %mul3A_1889 = arith.mulf %mul3A_1888, %mul3A_217 : vector<16xf32>
      %swap3A_1890 = arith.index_cast %add3A_1852 : i32 to index
      %swap3A_1891 = arith.constant 80 : index
      %swap3A_1892 = tpu.vector_load %arg12[%swap3A_1890, %swap3A_1891] {strides = array<i32>} : memref<256x128xf32, #tpu.memory_space<vmem>>, vector<1x16xf32>,
      %swap3A_1893 = vector.shape_cast %swap3A_1892 : vector<1x16xf32> to vector<16xf32>
      %swap3A_1894 = vector.shape_cast %mul3A_1889 : vector<16xf32> to vector<1x16xf32>
      tpu.vector_store %arg12[%swap3A_1890, %swap3A_1891], %swap3A_1894 {strides = array<i32>} : memref<256x128xf32, #tpu.memory_space<vmem>>, vector<1x16xf32>,
      %mul3A_1895 = arith.mulf %add3A_1652, %broadcast_in_dim3A_1792 : vector<16xf32>
      %mul3A_1896 = arith.mulf %mul3A_1895, %mul3A_223 : vector<16xf32>
      %swap3A_1897 = arith.index_cast %add3A_1852 : i32 to index
      %swap3A_1898 = arith.constant 96 : index
      %swap3A_1899 = tpu.vector_load %arg12[%swap3A_1897, %swap3A_1898] {strides = array<i32>} : memref<256x128xf32, #tpu.memory_space<vmem>>, vector<1x16xf32>,
      %swap3A_1900 = vector.shape_cast %swap3A_1899 : vector<1x16xf32> to vector<16xf32>
      %swap3A_1901 = vector.shape_cast %mul3A_1896 : vector<16xf32> to vector<1x16xf32>
      tpu.vector_store %arg12[%swap3A_1897, %swap3A_1898], %swap3A_1901 {strides = array<i32>} : memref<256x128xf32, #tpu.memory_space<vmem>>, vector<1x16xf32>,
      %mul3A_1902 = arith.mulf %add3A_1661, %broadcast_in_dim3A_1792 : vector<16xf32>
      %mul3A_1903 = arith.mulf %mul3A_1902, %mul3A_229 : vector<16xf32>
      %swap3A_1904 = arith.index_cast %add3A_1852 : i32 to index
      %swap3A_1905 = arith.constant 112 : index
      %swap3A_1906 = tpu.vector_load %arg12[%swap3A_1904, %swap3A_1905] {strides = array<i32>} : memref<256x128xf32, #tpu.memory_space<vmem>>, vector<1x16xf32>,
      %swap3A_1907 = vector.shape_cast %swap3A_1906 : vector<1x16xf32> to vector<16xf32>
      %swap3A_1908 = vector.shape_cast %mul3A_1903 : vector<16xf32> to vector<1x16xf32>
      tpu.vector_store %arg12[%swap3A_1904, %swap3A_1905], %swap3A_1908 {strides = array<i32>} : memref<256x128xf32, #tpu.memory_space<vmem>>, vector<1x16xf32>,
      %add3A_1909 = arith.constant 8 : i32
      %add3A_1910 = arith.addi %mul3A_314, %add3A_1909 : i32
      %add3A_1911 = arith.constant 0 : i32
      %add3A_1912 = arith.addi %add3A_1910, %add3A_1911 : i32
      %slice3A_1913 = vector.extract_strided_slice %convert_element_type3A_318 {offsets = [8], sizes = [1], strides = [1]} : vector<16xf32> to vector<1xf32>
      %squeeze3A_1914 = vector.extract %slice3A_1913[0] : f32 from vector<1xf32>
      %broadcast_in_dim3A_1915 = vector.broadcast %squeeze3A_1914 : f32 to vector<16xf32>
      %get3A_1916 = arith.index_cast %add3A_1912 : i32 to index
      %get3A_1917 = arith.constant 0 : index
      %get3A_1918 = tpu.vector_load %arg12[%get3A_1916, %get3A_1917] {strides = array<i32>} : memref<256x128xf32, #tpu.memory_space<vmem>>, vector<1x16xf32>,
      %get3A_1919 = vector.shape_cast %get3A_1918 : vector<1x16xf32> to vector<16xf32>
      %mul3A_1920 = arith.mulf %broadcast_in_dim3A_1915, %sub3A_104 : vector<16xf32>
      %add3A_1921 = arith.addf %get3A_58, %mul3A_1920 : vector<16xf32>
      %add3A_1922 = arith.addf %get3A_1919, %add3A_1921 : vector<16xf32>
      %mul3A_1923 = arith.mulf %add3A_1922, %add3A_1922 : vector<16xf32>
      %get3A_1924 = arith.index_cast %add3A_1912 : i32 to index
      %get3A_1925 = arith.constant 16 : index
      %get3A_1926 = tpu.vector_load %arg12[%get3A_1924, %get3A_1925] {strides = array<i32>} : memref<256x128xf32, #tpu.memory_space<vmem>>, vector<1x16xf32>,
      %get3A_1927 = vector.shape_cast %get3A_1926 : vector<1x16xf32> to vector<16xf32>
      %mul3A_1928 = arith.mulf %broadcast_in_dim3A_1915, %sub3A_115 : vector<16xf32>
      %add3A_1929 = arith.addf %get3A_63, %mul3A_1928 : vector<16xf32>
      %add3A_1930 = arith.addf %get3A_1927, %add3A_1929 : vector<16xf32>
      %mul3A_1931 = arith.mulf %add3A_1930, %add3A_1930 : vector<16xf32>
      %add3A_1932 = arith.addf %mul3A_1923, %mul3A_1931 : vector<16xf32>
      %get3A_1933 = arith.index_cast %add3A_1912 : i32 to index
      %get3A_1934 = arith.constant 32 : index
      %get3A_1935 = tpu.vector_load %arg12[%get3A_1933, %get3A_1934] {strides = array<i32>} : memref<256x128xf32, #tpu.memory_space<vmem>>, vector<1x16xf32>,
      %get3A_1936 = vector.shape_cast %get3A_1935 : vector<1x16xf32> to vector<16xf32>
      %mul3A_1937 = arith.mulf %broadcast_in_dim3A_1915, %sub3A_126 : vector<16xf32>
      %add3A_1938 = arith.addf %get3A_68, %mul3A_1937 : vector<16xf32>
      %add3A_1939 = arith.addf %get3A_1936, %add3A_1938 : vector<16xf32>
      %mul3A_1940 = arith.mulf %add3A_1939, %add3A_1939 : vector<16xf32>
      %add3A_1941 = arith.addf %add3A_1932, %mul3A_1940 : vector<16xf32>
      %get3A_1942 = arith.index_cast %add3A_1912 : i32 to index
      %get3A_1943 = arith.constant 48 : index
      %get3A_1944 = tpu.vector_load %arg12[%get3A_1942, %get3A_1943] {strides = array<i32>} : memref<256x128xf32, #tpu.memory_space<vmem>>, vector<1x16xf32>,
      %get3A_1945 = vector.shape_cast %get3A_1944 : vector<1x16xf32> to vector<16xf32>
      %mul3A_1946 = arith.mulf %broadcast_in_dim3A_1915, %sub3A_137 : vector<16xf32>
      %add3A_1947 = arith.addf %get3A_73, %mul3A_1946 : vector<16xf32>
      %add3A_1948 = arith.addf %get3A_1945, %add3A_1947 : vector<16xf32>
      %mul3A_1949 = arith.mulf %add3A_1948, %add3A_1948 : vector<16xf32>
      %add3A_1950 = arith.addf %add3A_1941, %mul3A_1949 : vector<16xf32>
      %get3A_1951 = arith.index_cast %add3A_1912 : i32 to index
      %get3A_1952 = arith.constant 64 : index
      %get3A_1953 = tpu.vector_load %arg12[%get3A_1951, %get3A_1952] {strides = array<i32>} : memref<256x128xf32, #tpu.memory_space<vmem>>, vector<1x16xf32>,
      %get3A_1954 = vector.shape_cast %get3A_1953 : vector<1x16xf32> to vector<16xf32>
      %mul3A_1955 = arith.mulf %broadcast_in_dim3A_1915, %sub3A_148 : vector<16xf32>
      %add3A_1956 = arith.addf %get3A_78, %mul3A_1955 : vector<16xf32>
      %add3A_1957 = arith.addf %get3A_1954, %add3A_1956 : vector<16xf32>
      %mul3A_1958 = arith.mulf %add3A_1957, %add3A_1957 : vector<16xf32>
      %add3A_1959 = arith.addf %add3A_1950, %mul3A_1958 : vector<16xf32>
      %get3A_1960 = arith.index_cast %add3A_1912 : i32 to index
      %get3A_1961 = arith.constant 80 : index
      %get3A_1962 = tpu.vector_load %arg12[%get3A_1960, %get3A_1961] {strides = array<i32>} : memref<256x128xf32, #tpu.memory_space<vmem>>, vector<1x16xf32>,
      %get3A_1963 = vector.shape_cast %get3A_1962 : vector<1x16xf32> to vector<16xf32>
      %mul3A_1964 = arith.mulf %broadcast_in_dim3A_1915, %sub3A_159 : vector<16xf32>
      %add3A_1965 = arith.addf %get3A_83, %mul3A_1964 : vector<16xf32>
      %add3A_1966 = arith.addf %get3A_1963, %add3A_1965 : vector<16xf32>
      %mul3A_1967 = arith.mulf %add3A_1966, %add3A_1966 : vector<16xf32>
      %add3A_1968 = arith.addf %add3A_1959, %mul3A_1967 : vector<16xf32>
      %get3A_1969 = arith.index_cast %add3A_1912 : i32 to index
      %get3A_1970 = arith.constant 96 : index
      %get3A_1971 = tpu.vector_load %arg12[%get3A_1969, %get3A_1970] {strides = array<i32>} : memref<256x128xf32, #tpu.memory_space<vmem>>, vector<1x16xf32>,
      %get3A_1972 = vector.shape_cast %get3A_1971 : vector<1x16xf32> to vector<16xf32>
      %mul3A_1973 = arith.mulf %broadcast_in_dim3A_1915, %sub3A_170 : vector<16xf32>
      %add3A_1974 = arith.addf %get3A_88, %mul3A_1973 : vector<16xf32>
      %add3A_1975 = arith.addf %get3A_1972, %add3A_1974 : vector<16xf32>
      %mul3A_1976 = arith.mulf %add3A_1975, %add3A_1975 : vector<16xf32>
      %add3A_1977 = arith.addf %add3A_1968, %mul3A_1976 : vector<16xf32>
      %get3A_1978 = arith.index_cast %add3A_1912 : i32 to index
      %get3A_1979 = arith.constant 112 : index
      %get3A_1980 = tpu.vector_load %arg12[%get3A_1978, %get3A_1979] {strides = array<i32>} : memref<256x128xf32, #tpu.memory_space<vmem>>, vector<1x16xf32>,
      %get3A_1981 = vector.shape_cast %get3A_1980 : vector<1x16xf32> to vector<16xf32>
      %mul3A_1982 = arith.mulf %broadcast_in_dim3A_1915, %sub3A_181 : vector<16xf32>
      %add3A_1983 = arith.addf %get3A_93, %mul3A_1982 : vector<16xf32>
      %add3A_1984 = arith.addf %get3A_1981, %add3A_1983 : vector<16xf32>
      %mul3A_1985 = arith.mulf %add3A_1984, %add3A_1984 : vector<16xf32>
      %add3A_1986 = arith.addf %add3A_1977, %mul3A_1985 : vector<16xf32>
      %add3A_1987 = arith.constant 1 : i32
      %add3A_1988 = arith.addi %add3A_1910, %add3A_1987 : i32
      %slice3A_1989 = vector.extract_strided_slice %convert_element_type3A_318 {offsets = [9], sizes = [1], strides = [1]} : vector<16xf32> to vector<1xf32>
      %squeeze3A_1990 = vector.extract %slice3A_1989[0] : f32 from vector<1xf32>
      %broadcast_in_dim3A_1991 = vector.broadcast %squeeze3A_1990 : f32 to vector<16xf32>
      %get3A_1992 = arith.index_cast %add3A_1988 : i32 to index
      %get3A_1993 = arith.constant 0 : index
      %get3A_1994 = tpu.vector_load %arg12[%get3A_1992, %get3A_1993] {strides = array<i32>} : memref<256x128xf32, #tpu.memory_space<vmem>>, vector<1x16xf32>,
      %get3A_1995 = vector.shape_cast %get3A_1994 : vector<1x16xf32> to vector<16xf32>
      %mul3A_1996 = arith.mulf %broadcast_in_dim3A_1991, %sub3A_104 : vector<16xf32>
      %add3A_1997 = arith.addf %get3A_58, %mul3A_1996 : vector<16xf32>
      %add3A_1998 = arith.addf %get3A_1995, %add3A_1997 : vector<16xf32>
      %mul3A_1999 = arith.mulf %add3A_1998, %add3A_1998 : vector<16xf32>
      %get3A_2000 = arith.index_cast %add3A_1988 : i32 to index
      %get3A_2001 = arith.constant 16 : index
      %get3A_2002 = tpu.vector_load %arg12[%get3A_2000, %get3A_2001] {strides = array<i32>} : memref<256x128xf32, #tpu.memory_space<vmem>>, vector<1x16xf32>,
      %get3A_2003 = vector.shape_cast %get3A_2002 : vector<1x16xf32> to vector<16xf32>
      %mul3A_2004 = arith.mulf %broadcast_in_dim3A_1991, %sub3A_115 : vector<16xf32>
      %add3A_2005 = arith.addf %get3A_63, %mul3A_2004 : vector<16xf32>
      %add3A_2006 = arith.addf %get3A_2003, %add3A_2005 : vector<16xf32>
      %mul3A_2007 = arith.mulf %add3A_2006, %add3A_2006 : vector<16xf32>
      %add3A_2008 = arith.addf %mul3A_1999, %mul3A_2007 : vector<16xf32>
      %get3A_2009 = arith.index_cast %add3A_1988 : i32 to index
      %get3A_2010 = arith.constant 32 : index
      %get3A_2011 = tpu.vector_load %arg12[%get3A_2009, %get3A_2010] {strides = array<i32>} : memref<256x128xf32, #tpu.memory_space<vmem>>, vector<1x16xf32>,
      %get3A_2012 = vector.shape_cast %get3A_2011 : vector<1x16xf32> to vector<16xf32>
      %mul3A_2013 = arith.mulf %broadcast_in_dim3A_1991, %sub3A_126 : vector<16xf32>
      %add3A_2014 = arith.addf %get3A_68, %mul3A_2013 : vector<16xf32>
      %add3A_2015 = arith.addf %get3A_2012, %add3A_2014 : vector<16xf32>
      %mul3A_2016 = arith.mulf %add3A_2015, %add3A_2015 : vector<16xf32>
      %add3A_2017 = arith.addf %add3A_2008, %mul3A_2016 : vector<16xf32>
      %get3A_2018 = arith.index_cast %add3A_1988 : i32 to index
      %get3A_2019 = arith.constant 48 : index
      %get3A_2020 = tpu.vector_load %arg12[%get3A_2018, %get3A_2019] {strides = array<i32>} : memref<256x128xf32, #tpu.memory_space<vmem>>, vector<1x16xf32>,
      %get3A_2021 = vector.shape_cast %get3A_2020 : vector<1x16xf32> to vector<16xf32>
      %mul3A_2022 = arith.mulf %broadcast_in_dim3A_1991, %sub3A_137 : vector<16xf32>
      %add3A_2023 = arith.addf %get3A_73, %mul3A_2022 : vector<16xf32>
      %add3A_2024 = arith.addf %get3A_2021, %add3A_2023 : vector<16xf32>
      %mul3A_2025 = arith.mulf %add3A_2024, %add3A_2024 : vector<16xf32>
      %add3A_2026 = arith.addf %add3A_2017, %mul3A_2025 : vector<16xf32>
      %get3A_2027 = arith.index_cast %add3A_1988 : i32 to index
      %get3A_2028 = arith.constant 64 : index
      %get3A_2029 = tpu.vector_load %arg12[%get3A_2027, %get3A_2028] {strides = array<i32>} : memref<256x128xf32, #tpu.memory_space<vmem>>, vector<1x16xf32>,
      %get3A_2030 = vector.shape_cast %get3A_2029 : vector<1x16xf32> to vector<16xf32>
      %mul3A_2031 = arith.mulf %broadcast_in_dim3A_1991, %sub3A_148 : vector<16xf32>
      %add3A_2032 = arith.addf %get3A_78, %mul3A_2031 : vector<16xf32>
      %add3A_2033 = arith.addf %get3A_2030, %add3A_2032 : vector<16xf32>
      %mul3A_2034 = arith.mulf %add3A_2033, %add3A_2033 : vector<16xf32>
      %add3A_2035 = arith.addf %add3A_2026, %mul3A_2034 : vector<16xf32>
      %get3A_2036 = arith.index_cast %add3A_1988 : i32 to index
      %get3A_2037 = arith.constant 80 : index
      %get3A_2038 = tpu.vector_load %arg12[%get3A_2036, %get3A_2037] {strides = array<i32>} : memref<256x128xf32, #tpu.memory_space<vmem>>, vector<1x16xf32>,
      %get3A_2039 = vector.shape_cast %get3A_2038 : vector<1x16xf32> to vector<16xf32>
      %mul3A_2040 = arith.mulf %broadcast_in_dim3A_1991, %sub3A_159 : vector<16xf32>
      %add3A_2041 = arith.addf %get3A_83, %mul3A_2040 : vector<16xf32>
      %add3A_2042 = arith.addf %get3A_2039, %add3A_2041 : vector<16xf32>
      %mul3A_2043 = arith.mulf %add3A_2042, %add3A_2042 : vector<16xf32>
      %add3A_2044 = arith.addf %add3A_2035, %mul3A_2043 : vector<16xf32>
      %get3A_2045 = arith.index_cast %add3A_1988 : i32 to index
      %get3A_2046 = arith.constant 96 : index
      %get3A_2047 = tpu.vector_load %arg12[%get3A_2045, %get3A_2046] {strides = array<i32>} : memref<256x128xf32, #tpu.memory_space<vmem>>, vector<1x16xf32>,
      %get3A_2048 = vector.shape_cast %get3A_2047 : vector<1x16xf32> to vector<16xf32>
      %mul3A_2049 = arith.mulf %broadcast_in_dim3A_1991, %sub3A_170 : vector<16xf32>
      %add3A_2050 = arith.addf %get3A_88, %mul3A_2049 : vector<16xf32>
      %add3A_2051 = arith.addf %get3A_2048, %add3A_2050 : vector<16xf32>
      %mul3A_2052 = arith.mulf %add3A_2051, %add3A_2051 : vector<16xf32>
      %add3A_2053 = arith.addf %add3A_2044, %mul3A_2052 : vector<16xf32>
      %get3A_2054 = arith.index_cast %add3A_1988 : i32 to index
      %get3A_2055 = arith.constant 112 : index
      %get3A_2056 = tpu.vector_load %arg12[%get3A_2054, %get3A_2055] {strides = array<i32>} : memref<256x128xf32, #tpu.memory_space<vmem>>, vector<1x16xf32>,
      %get3A_2057 = vector.shape_cast %get3A_2056 : vector<1x16xf32> to vector<16xf32>
      %mul3A_2058 = arith.mulf %broadcast_in_dim3A_1991, %sub3A_181 : vector<16xf32>
      %add3A_2059 = arith.addf %get3A_93, %mul3A_2058 : vector<16xf32>
      %add3A_2060 = arith.addf %get3A_2057, %add3A_2059 : vector<16xf32>
      %mul3A_2061 = arith.mulf %add3A_2060, %add3A_2060 : vector<16xf32>
      %add3A_2062 = arith.addf %add3A_2053, %mul3A_2061 : vector<16xf32>
      %lt3A_2063 = arith.constant 0 : i32
      %lt3A_2064 = vector.broadcast %lt3A_2063 : i32 to vector<16xi32>
      %lt3A_2065 = arith.cmpi slt, %xor3A_231, %lt3A_2064 : vector<16xi32>
      %add3A_2066 = arith.constant 16 : i32
      %add3A_2067 = vector.broadcast %add3A_2066 : i32 to vector<16xi32>
      %add3A_2068 = arith.addi %xor3A_231, %add3A_2067 : vector<16xi32>
      %select_n3A_2069 = arith.select %lt3A_2065, %add3A_2068, %xor3A_231 : vector<16xi1>, vector<16xi32>
      %broadcast_in_dim3A_2070 = vector.shape_cast %select_n3A_2069 : vector<16xi32> to vector<16x1xi32>
      %gather3A_2071 = vector.shape_cast %broadcast_in_dim3A_2070 : vector<16x1xi32> to vector<16xi32>
      %gather3A_2072 = tpu.dynamic_gather %add3A_1986[%gather3A_2071] in [0] : vector<16xf32>, vector<16xi32> -> vector<16xf32>
      %add3A_2073 = arith.addf %add3A_1986, %gather3A_2072 : vector<16xf32>
      %lt3A_2074 = arith.constant 0 : i32
      %lt3A_2075 = vector.broadcast %lt3A_2074 : i32 to vector<16xi32>
      %lt3A_2076 = arith.cmpi slt, %xor3A_231, %lt3A_2075 : vector<16xi32>
      %add3A_2077 = arith.constant 16 : i32
      %add3A_2078 = vector.broadcast %add3A_2077 : i32 to vector<16xi32>
      %add3A_2079 = arith.addi %xor3A_231, %add3A_2078 : vector<16xi32>
      %select_n3A_2080 = arith.select %lt3A_2076, %add3A_2079, %xor3A_231 : vector<16xi1>, vector<16xi32>
      %broadcast_in_dim3A_2081 = vector.shape_cast %select_n3A_2080 : vector<16xi32> to vector<16x1xi32>
      %gather3A_2082 = vector.shape_cast %broadcast_in_dim3A_2081 : vector<16x1xi32> to vector<16xi32>
      %gather3A_2083 = tpu.dynamic_gather %add3A_2062[%gather3A_2082] in [0] : vector<16xf32>, vector<16xi32> -> vector<16xf32>
      %add3A_2084 = arith.addf %add3A_2062, %gather3A_2083 : vector<16xf32>
      %lt3A_2085 = arith.constant 0 : i32
      %lt3A_2086 = vector.broadcast %lt3A_2085 : i32 to vector<16xi32>
      %lt3A_2087 = arith.cmpi slt, %xor3A_234, %lt3A_2086 : vector<16xi32>
      %add3A_2088 = arith.constant 16 : i32
      %add3A_2089 = vector.broadcast %add3A_2088 : i32 to vector<16xi32>
      %add3A_2090 = arith.addi %xor3A_234, %add3A_2089 : vector<16xi32>
      %select_n3A_2091 = arith.select %lt3A_2087, %add3A_2090, %xor3A_234 : vector<16xi1>, vector<16xi32>
      %broadcast_in_dim3A_2092 = vector.shape_cast %select_n3A_2091 : vector<16xi32> to vector<16x1xi32>
      %gather3A_2093 = vector.shape_cast %broadcast_in_dim3A_2092 : vector<16x1xi32> to vector<16xi32>
      %gather3A_2094 = tpu.dynamic_gather %add3A_2073[%gather3A_2093] in [0] : vector<16xf32>, vector<16xi32> -> vector<16xf32>
      %add3A_2095 = arith.addf %add3A_2073, %gather3A_2094 : vector<16xf32>
      %lt3A_2096 = arith.constant 0 : i32
      %lt3A_2097 = vector.broadcast %lt3A_2096 : i32 to vector<16xi32>
      %lt3A_2098 = arith.cmpi slt, %xor3A_234, %lt3A_2097 : vector<16xi32>
      %add3A_2099 = arith.constant 16 : i32
      %add3A_2100 = vector.broadcast %add3A_2099 : i32 to vector<16xi32>
      %add3A_2101 = arith.addi %xor3A_234, %add3A_2100 : vector<16xi32>
      %select_n3A_2102 = arith.select %lt3A_2098, %add3A_2101, %xor3A_234 : vector<16xi1>, vector<16xi32>
      %broadcast_in_dim3A_2103 = vector.shape_cast %select_n3A_2102 : vector<16xi32> to vector<16x1xi32>
      %gather3A_2104 = vector.shape_cast %broadcast_in_dim3A_2103 : vector<16x1xi32> to vector<16xi32>
      %gather3A_2105 = tpu.dynamic_gather %add3A_2084[%gather3A_2104] in [0] : vector<16xf32>, vector<16xi32> -> vector<16xf32>
      %add3A_2106 = arith.addf %add3A_2084, %gather3A_2105 : vector<16xf32>
      %lt3A_2107 = arith.constant 0 : i32
      %lt3A_2108 = vector.broadcast %lt3A_2107 : i32 to vector<16xi32>
      %lt3A_2109 = arith.cmpi slt, %xor3A_237, %lt3A_2108 : vector<16xi32>
      %add3A_2110 = arith.constant 16 : i32
      %add3A_2111 = vector.broadcast %add3A_2110 : i32 to vector<16xi32>
      %add3A_2112 = arith.addi %xor3A_237, %add3A_2111 : vector<16xi32>
      %select_n3A_2113 = arith.select %lt3A_2109, %add3A_2112, %xor3A_237 : vector<16xi1>, vector<16xi32>
      %broadcast_in_dim3A_2114 = vector.shape_cast %select_n3A_2113 : vector<16xi32> to vector<16x1xi32>
      %gather3A_2115 = vector.shape_cast %broadcast_in_dim3A_2114 : vector<16x1xi32> to vector<16xi32>
      %gather3A_2116 = tpu.dynamic_gather %add3A_2095[%gather3A_2115] in [0] : vector<16xf32>, vector<16xi32> -> vector<16xf32>
      %add3A_2117 = arith.addf %add3A_2095, %gather3A_2116 : vector<16xf32>
      %lt3A_2118 = arith.constant 0 : i32
      %lt3A_2119 = vector.broadcast %lt3A_2118 : i32 to vector<16xi32>
      %lt3A_2120 = arith.cmpi slt, %xor3A_237, %lt3A_2119 : vector<16xi32>
      %add3A_2121 = arith.constant 16 : i32
      %add3A_2122 = vector.broadcast %add3A_2121 : i32 to vector<16xi32>
      %add3A_2123 = arith.addi %xor3A_237, %add3A_2122 : vector<16xi32>
      %select_n3A_2124 = arith.select %lt3A_2120, %add3A_2123, %xor3A_237 : vector<16xi1>, vector<16xi32>
      %broadcast_in_dim3A_2125 = vector.shape_cast %select_n3A_2124 : vector<16xi32> to vector<16x1xi32>
      %gather3A_2126 = vector.shape_cast %broadcast_in_dim3A_2125 : vector<16x1xi32> to vector<16xi32>
      %gather3A_2127 = tpu.dynamic_gather %add3A_2106[%gather3A_2126] in [0] : vector<16xf32>, vector<16xi32> -> vector<16xf32>
      %add3A_2128 = arith.addf %add3A_2106, %gather3A_2127 : vector<16xf32>
      %lt3A_2129 = arith.constant 0 : i32
      %lt3A_2130 = vector.broadcast %lt3A_2129 : i32 to vector<16xi32>
      %lt3A_2131 = arith.cmpi slt, %xor3A_240, %lt3A_2130 : vector<16xi32>
      %add3A_2132 = arith.constant 16 : i32
      %add3A_2133 = vector.broadcast %add3A_2132 : i32 to vector<16xi32>
      %add3A_2134 = arith.addi %xor3A_240, %add3A_2133 : vector<16xi32>
      %select_n3A_2135 = arith.select %lt3A_2131, %add3A_2134, %xor3A_240 : vector<16xi1>, vector<16xi32>
      %broadcast_in_dim3A_2136 = vector.shape_cast %select_n3A_2135 : vector<16xi32> to vector<16x1xi32>
      %gather3A_2137 = vector.shape_cast %broadcast_in_dim3A_2136 : vector<16x1xi32> to vector<16xi32>
      %gather3A_2138 = tpu.dynamic_gather %add3A_2117[%gather3A_2137] in [0] : vector<16xf32>, vector<16xi32> -> vector<16xf32>
      %add3A_2139 = arith.addf %add3A_2117, %gather3A_2138 : vector<16xf32>
      %lt3A_2140 = arith.constant 0 : i32
      %lt3A_2141 = vector.broadcast %lt3A_2140 : i32 to vector<16xi32>
      %lt3A_2142 = arith.cmpi slt, %xor3A_240, %lt3A_2141 : vector<16xi32>
      %add3A_2143 = arith.constant 16 : i32
      %add3A_2144 = vector.broadcast %add3A_2143 : i32 to vector<16xi32>
      %add3A_2145 = arith.addi %xor3A_240, %add3A_2144 : vector<16xi32>
      %select_n3A_2146 = arith.select %lt3A_2142, %add3A_2145, %xor3A_240 : vector<16xi1>, vector<16xi32>
      %broadcast_in_dim3A_2147 = vector.shape_cast %select_n3A_2146 : vector<16xi32> to vector<16x1xi32>
      %gather3A_2148 = vector.shape_cast %broadcast_in_dim3A_2147 : vector<16x1xi32> to vector<16xi32>
      %gather3A_2149 = tpu.dynamic_gather %add3A_2128[%gather3A_2148] in [0] : vector<16xf32>, vector<16xi32> -> vector<16xf32>
      %add3A_2150 = arith.addf %add3A_2128, %gather3A_2149 : vector<16xf32>
      %mul3A_2151 = arith.mulf %add3A_2139, %convert_element_type3A : vector<16xf32>
      %mul3A_2152 = arith.mulf %add3A_2150, %sub3A_250 : vector<16xf32>
      %add3A_2153 = arith.addf %mul3A_2151, %mul3A_2152 : vector<16xf32>
      %add3A_2154 = arith.constant 1.280000e-04 : f32
      %add3A_2155 = vector.broadcast %add3A_2154 : f32 to vector<16xf32>
      %add3A_2156 = arith.addf %add3A_2153, %add3A_2155 : vector<16xf32>
      %bitcast_convert_type3A_2157 = tpu.bitcast %add3A_2156 : vector<16xf32> -> vector<16xi32>
      %shift_right_arithmetic3A_2158 = arith.constant 1 : i32
      %shift_right_arithmetic3A_2159 = vector.broadcast %shift_right_arithmetic3A_2158 : i32 to vector<16xi32>
      %shift_right_arithmetic3A_2160 = arith.shrsi %bitcast_convert_type3A_2157, %shift_right_arithmetic3A_2159 : vector<16xi32>
      %sub3A_2161 = arith.constant 1597463007 : i32
      %sub3A_2162 = vector.broadcast %sub3A_2161 : i32 to vector<16xi32>
      %sub3A_2163 = arith.subi %sub3A_2162, %shift_right_arithmetic3A_2160 : vector<16xi32>
      %bitcast_convert_type3A_2164 = tpu.bitcast %sub3A_2163 : vector<16xi32> -> vector<16xf32>
      %mul3A_2165 = arith.constant 5.000000e-01 : f32
      %mul3A_2166 = vector.broadcast %mul3A_2165 : f32 to vector<16xf32>
      %mul3A_2167 = arith.mulf %add3A_2156, %mul3A_2166 : vector<16xf32>
      %mul3A_2168 = arith.mulf %mul3A_2167, %bitcast_convert_type3A_2164 : vector<16xf32>
      %mul3A_2169 = arith.mulf %mul3A_2168, %bitcast_convert_type3A_2164 : vector<16xf32>
      %sub3A_2170 = arith.constant 1.500000e+00 : f32
      %sub3A_2171 = vector.broadcast %sub3A_2170 : f32 to vector<16xf32>
      %sub3A_2172 = arith.subf %sub3A_2171, %mul3A_2169 : vector<16xf32>
      %mul3A_2173 = arith.mulf %bitcast_convert_type3A_2164, %sub3A_2172 : vector<16xf32>
      %mul3A_2174 = arith.mulf %mul3A_2167, %mul3A_2173 : vector<16xf32>
      %mul3A_2175 = arith.mulf %mul3A_2174, %mul3A_2173 : vector<16xf32>
      %sub3A_2176 = arith.constant 1.500000e+00 : f32
      %sub3A_2177 = vector.broadcast %sub3A_2176 : f32 to vector<16xf32>
      %sub3A_2178 = arith.subf %sub3A_2177, %mul3A_2175 : vector<16xf32>
      %mul3A_2179 = arith.mulf %mul3A_2173, %sub3A_2178 : vector<16xf32>
      %mul3A_2180 = arith.mulf %mul3A_2167, %mul3A_2179 : vector<16xf32>
      %mul3A_2181 = arith.mulf %mul3A_2180, %mul3A_2179 : vector<16xf32>
      %sub3A_2182 = arith.constant 1.500000e+00 : f32
      %sub3A_2183 = vector.broadcast %sub3A_2182 : f32 to vector<16xf32>
      %sub3A_2184 = arith.subf %sub3A_2183, %mul3A_2181 : vector<16xf32>
      %mul3A_2185 = arith.mulf %mul3A_2179, %sub3A_2184 : vector<16xf32>
      %slice3A_2186 = vector.extract_strided_slice %mul3A_2185 {offsets = [0], sizes = [1], strides = [1]} : vector<16xf32> to vector<1xf32>
      %squeeze3A_2187 = vector.extract %slice3A_2186[0] : f32 from vector<1xf32>
      %broadcast_in_dim3A_2188 = vector.broadcast %squeeze3A_2187 : f32 to vector<16xf32>
      %slice3A_2189 = vector.extract_strided_slice %mul3A_2185 {offsets = [8], sizes = [1], strides = [1]} : vector<16xf32> to vector<1xf32>
      %squeeze3A_2190 = vector.extract %slice3A_2189[0] : f32 from vector<1xf32>
      %broadcast_in_dim3A_2191 = vector.broadcast %squeeze3A_2190 : f32 to vector<16xf32>
      %add3A_2192 = arith.constant 0 : i32
      %add3A_2193 = arith.addi %add3A_1910, %add3A_2192 : i32
      %mul3A_2194 = arith.mulf %add3A_1922, %broadcast_in_dim3A_2188 : vector<16xf32>
      %mul3A_2195 = arith.mulf %mul3A_2194, %mul3A_187 : vector<16xf32>
      %swap3A_2196 = arith.index_cast %add3A_2193 : i32 to index
      %swap3A_2197 = arith.constant 0 : index
      %swap3A_2198 = tpu.vector_load %arg12[%swap3A_2196, %swap3A_2197] {strides = array<i32>} : memref<256x128xf32, #tpu.memory_space<vmem>>, vector<1x16xf32>,
      %swap3A_2199 = vector.shape_cast %swap3A_2198 : vector<1x16xf32> to vector<16xf32>
      %swap3A_2200 = vector.shape_cast %mul3A_2195 : vector<16xf32> to vector<1x16xf32>
      tpu.vector_store %arg12[%swap3A_2196, %swap3A_2197], %swap3A_2200 {strides = array<i32>} : memref<256x128xf32, #tpu.memory_space<vmem>>, vector<1x16xf32>,
      %mul3A_2201 = arith.mulf %add3A_1930, %broadcast_in_dim3A_2188 : vector<16xf32>
      %mul3A_2202 = arith.mulf %mul3A_2201, %mul3A_193 : vector<16xf32>
      %swap3A_2203 = arith.index_cast %add3A_2193 : i32 to index
      %swap3A_2204 = arith.constant 16 : index
      %swap3A_2205 = tpu.vector_load %arg12[%swap3A_2203, %swap3A_2204] {strides = array<i32>} : memref<256x128xf32, #tpu.memory_space<vmem>>, vector<1x16xf32>,
      %swap3A_2206 = vector.shape_cast %swap3A_2205 : vector<1x16xf32> to vector<16xf32>
      %swap3A_2207 = vector.shape_cast %mul3A_2202 : vector<16xf32> to vector<1x16xf32>
      tpu.vector_store %arg12[%swap3A_2203, %swap3A_2204], %swap3A_2207 {strides = array<i32>} : memref<256x128xf32, #tpu.memory_space<vmem>>, vector<1x16xf32>,
      %mul3A_2208 = arith.mulf %add3A_1939, %broadcast_in_dim3A_2188 : vector<16xf32>
      %mul3A_2209 = arith.mulf %mul3A_2208, %mul3A_199 : vector<16xf32>
      %swap3A_2210 = arith.index_cast %add3A_2193 : i32 to index
      %swap3A_2211 = arith.constant 32 : index
      %swap3A_2212 = tpu.vector_load %arg12[%swap3A_2210, %swap3A_2211] {strides = array<i32>} : memref<256x128xf32, #tpu.memory_space<vmem>>, vector<1x16xf32>,
      %swap3A_2213 = vector.shape_cast %swap3A_2212 : vector<1x16xf32> to vector<16xf32>
      %swap3A_2214 = vector.shape_cast %mul3A_2209 : vector<16xf32> to vector<1x16xf32>
      tpu.vector_store %arg12[%swap3A_2210, %swap3A_2211], %swap3A_2214 {strides = array<i32>} : memref<256x128xf32, #tpu.memory_space<vmem>>, vector<1x16xf32>,
      %mul3A_2215 = arith.mulf %add3A_1948, %broadcast_in_dim3A_2188 : vector<16xf32>
      %mul3A_2216 = arith.mulf %mul3A_2215, %mul3A_205 : vector<16xf32>
      %swap3A_2217 = arith.index_cast %add3A_2193 : i32 to index
      %swap3A_2218 = arith.constant 48 : index
      %swap3A_2219 = tpu.vector_load %arg12[%swap3A_2217, %swap3A_2218] {strides = array<i32>} : memref<256x128xf32, #tpu.memory_space<vmem>>, vector<1x16xf32>,
      %swap3A_2220 = vector.shape_cast %swap3A_2219 : vector<1x16xf32> to vector<16xf32>
      %swap3A_2221 = vector.shape_cast %mul3A_2216 : vector<16xf32> to vector<1x16xf32>
      tpu.vector_store %arg12[%swap3A_2217, %swap3A_2218], %swap3A_2221 {strides = array<i32>} : memref<256x128xf32, #tpu.memory_space<vmem>>, vector<1x16xf32>,
      %mul3A_2222 = arith.mulf %add3A_1957, %broadcast_in_dim3A_2188 : vector<16xf32>
      %mul3A_2223 = arith.mulf %mul3A_2222, %mul3A_211 : vector<16xf32>
      %swap3A_2224 = arith.index_cast %add3A_2193 : i32 to index
      %swap3A_2225 = arith.constant 64 : index
      %swap3A_2226 = tpu.vector_load %arg12[%swap3A_2224, %swap3A_2225] {strides = array<i32>} : memref<256x128xf32, #tpu.memory_space<vmem>>, vector<1x16xf32>,
      %swap3A_2227 = vector.shape_cast %swap3A_2226 : vector<1x16xf32> to vector<16xf32>
      %swap3A_2228 = vector.shape_cast %mul3A_2223 : vector<16xf32> to vector<1x16xf32>
      tpu.vector_store %arg12[%swap3A_2224, %swap3A_2225], %swap3A_2228 {strides = array<i32>} : memref<256x128xf32, #tpu.memory_space<vmem>>, vector<1x16xf32>,
      %mul3A_2229 = arith.mulf %add3A_1966, %broadcast_in_dim3A_2188 : vector<16xf32>
      %mul3A_2230 = arith.mulf %mul3A_2229, %mul3A_217 : vector<16xf32>
      %swap3A_2231 = arith.index_cast %add3A_2193 : i32 to index
      %swap3A_2232 = arith.constant 80 : index
      %swap3A_2233 = tpu.vector_load %arg12[%swap3A_2231, %swap3A_2232] {strides = array<i32>} : memref<256x128xf32, #tpu.memory_space<vmem>>, vector<1x16xf32>,
      %swap3A_2234 = vector.shape_cast %swap3A_2233 : vector<1x16xf32> to vector<16xf32>
      %swap3A_2235 = vector.shape_cast %mul3A_2230 : vector<16xf32> to vector<1x16xf32>
      tpu.vector_store %arg12[%swap3A_2231, %swap3A_2232], %swap3A_2235 {strides = array<i32>} : memref<256x128xf32, #tpu.memory_space<vmem>>, vector<1x16xf32>,
      %mul3A_2236 = arith.mulf %add3A_1975, %broadcast_in_dim3A_2188 : vector<16xf32>
      %mul3A_2237 = arith.mulf %mul3A_2236, %mul3A_223 : vector<16xf32>
      %swap3A_2238 = arith.index_cast %add3A_2193 : i32 to index
      %swap3A_2239 = arith.constant 96 : index
      %swap3A_2240 = tpu.vector_load %arg12[%swap3A_2238, %swap3A_2239] {strides = array<i32>} : memref<256x128xf32, #tpu.memory_space<vmem>>, vector<1x16xf32>,
      %swap3A_2241 = vector.shape_cast %swap3A_2240 : vector<1x16xf32> to vector<16xf32>
      %swap3A_2242 = vector.shape_cast %mul3A_2237 : vector<16xf32> to vector<1x16xf32>
      tpu.vector_store %arg12[%swap3A_2238, %swap3A_2239], %swap3A_2242 {strides = array<i32>} : memref<256x128xf32, #tpu.memory_space<vmem>>, vector<1x16xf32>,
      %mul3A_2243 = arith.mulf %add3A_1984, %broadcast_in_dim3A_2188 : vector<16xf32>
      %mul3A_2244 = arith.mulf %mul3A_2243, %mul3A_229 : vector<16xf32>
      %swap3A_2245 = arith.index_cast %add3A_2193 : i32 to index
      %swap3A_2246 = arith.constant 112 : index
      %swap3A_2247 = tpu.vector_load %arg12[%swap3A_2245, %swap3A_2246] {strides = array<i32>} : memref<256x128xf32, #tpu.memory_space<vmem>>, vector<1x16xf32>,
      %swap3A_2248 = vector.shape_cast %swap3A_2247 : vector<1x16xf32> to vector<16xf32>
      %swap3A_2249 = vector.shape_cast %mul3A_2244 : vector<16xf32> to vector<1x16xf32>
      tpu.vector_store %arg12[%swap3A_2245, %swap3A_2246], %swap3A_2249 {strides = array<i32>} : memref<256x128xf32, #tpu.memory_space<vmem>>, vector<1x16xf32>,
      %add3A_2250 = arith.constant 1 : i32
      %add3A_2251 = arith.addi %add3A_1910, %add3A_2250 : i32
      %mul3A_2252 = arith.mulf %add3A_1998, %broadcast_in_dim3A_2191 : vector<16xf32>
      %mul3A_2253 = arith.mulf %mul3A_2252, %mul3A_187 : vector<16xf32>
      %swap3A_2254 = arith.index_cast %add3A_2251 : i32 to index
      %swap3A_2255 = arith.constant 0 : index
      %swap3A_2256 = tpu.vector_load %arg12[%swap3A_2254, %swap3A_2255] {strides = array<i32>} : memref<256x128xf32, #tpu.memory_space<vmem>>, vector<1x16xf32>,
      %swap3A_2257 = vector.shape_cast %swap3A_2256 : vector<1x16xf32> to vector<16xf32>
      %swap3A_2258 = vector.shape_cast %mul3A_2253 : vector<16xf32> to vector<1x16xf32>
      tpu.vector_store %arg12[%swap3A_2254, %swap3A_2255], %swap3A_2258 {strides = array<i32>} : memref<256x128xf32, #tpu.memory_space<vmem>>, vector<1x16xf32>,
      %mul3A_2259 = arith.mulf %add3A_2006, %broadcast_in_dim3A_2191 : vector<16xf32>
      %mul3A_2260 = arith.mulf %mul3A_2259, %mul3A_193 : vector<16xf32>
      %swap3A_2261 = arith.index_cast %add3A_2251 : i32 to index
      %swap3A_2262 = arith.constant 16 : index
      %swap3A_2263 = tpu.vector_load %arg12[%swap3A_2261, %swap3A_2262] {strides = array<i32>} : memref<256x128xf32, #tpu.memory_space<vmem>>, vector<1x16xf32>,
      %swap3A_2264 = vector.shape_cast %swap3A_2263 : vector<1x16xf32> to vector<16xf32>
      %swap3A_2265 = vector.shape_cast %mul3A_2260 : vector<16xf32> to vector<1x16xf32>
      tpu.vector_store %arg12[%swap3A_2261, %swap3A_2262], %swap3A_2265 {strides = array<i32>} : memref<256x128xf32, #tpu.memory_space<vmem>>, vector<1x16xf32>,
      %mul3A_2266 = arith.mulf %add3A_2015, %broadcast_in_dim3A_2191 : vector<16xf32>
      %mul3A_2267 = arith.mulf %mul3A_2266, %mul3A_199 : vector<16xf32>
      %swap3A_2268 = arith.index_cast %add3A_2251 : i32 to index
      %swap3A_2269 = arith.constant 32 : index
      %swap3A_2270 = tpu.vector_load %arg12[%swap3A_2268, %swap3A_2269] {strides = array<i32>} : memref<256x128xf32, #tpu.memory_space<vmem>>, vector<1x16xf32>,
      %swap3A_2271 = vector.shape_cast %swap3A_2270 : vector<1x16xf32> to vector<16xf32>
      %swap3A_2272 = vector.shape_cast %mul3A_2267 : vector<16xf32> to vector<1x16xf32>
      tpu.vector_store %arg12[%swap3A_2268, %swap3A_2269], %swap3A_2272 {strides = array<i32>} : memref<256x128xf32, #tpu.memory_space<vmem>>, vector<1x16xf32>,
      %mul3A_2273 = arith.mulf %add3A_2024, %broadcast_in_dim3A_2191 : vector<16xf32>
      %mul3A_2274 = arith.mulf %mul3A_2273, %mul3A_205 : vector<16xf32>
      %swap3A_2275 = arith.index_cast %add3A_2251 : i32 to index
      %swap3A_2276 = arith.constant 48 : index
      %swap3A_2277 = tpu.vector_load %arg12[%swap3A_2275, %swap3A_2276] {strides = array<i32>} : memref<256x128xf32, #tpu.memory_space<vmem>>, vector<1x16xf32>,
      %swap3A_2278 = vector.shape_cast %swap3A_2277 : vector<1x16xf32> to vector<16xf32>
      %swap3A_2279 = vector.shape_cast %mul3A_2274 : vector<16xf32> to vector<1x16xf32>
      tpu.vector_store %arg12[%swap3A_2275, %swap3A_2276], %swap3A_2279 {strides = array<i32>} : memref<256x128xf32, #tpu.memory_space<vmem>>, vector<1x16xf32>,
      %mul3A_2280 = arith.mulf %add3A_2033, %broadcast_in_dim3A_2191 : vector<16xf32>
      %mul3A_2281 = arith.mulf %mul3A_2280, %mul3A_211 : vector<16xf32>
      %swap3A_2282 = arith.index_cast %add3A_2251 : i32 to index
      %swap3A_2283 = arith.constant 64 : index
      %swap3A_2284 = tpu.vector_load %arg12[%swap3A_2282, %swap3A_2283] {strides = array<i32>} : memref<256x128xf32, #tpu.memory_space<vmem>>, vector<1x16xf32>,
      %swap3A_2285 = vector.shape_cast %swap3A_2284 : vector<1x16xf32> to vector<16xf32>
      %swap3A_2286 = vector.shape_cast %mul3A_2281 : vector<16xf32> to vector<1x16xf32>
      tpu.vector_store %arg12[%swap3A_2282, %swap3A_2283], %swap3A_2286 {strides = array<i32>} : memref<256x128xf32, #tpu.memory_space<vmem>>, vector<1x16xf32>,
      %mul3A_2287 = arith.mulf %add3A_2042, %broadcast_in_dim3A_2191 : vector<16xf32>
      %mul3A_2288 = arith.mulf %mul3A_2287, %mul3A_217 : vector<16xf32>
      %swap3A_2289 = arith.index_cast %add3A_2251 : i32 to index
      %swap3A_2290 = arith.constant 80 : index
      %swap3A_2291 = tpu.vector_load %arg12[%swap3A_2289, %swap3A_2290] {strides = array<i32>} : memref<256x128xf32, #tpu.memory_space<vmem>>, vector<1x16xf32>,
      %swap3A_2292 = vector.shape_cast %swap3A_2291 : vector<1x16xf32> to vector<16xf32>
      %swap3A_2293 = vector.shape_cast %mul3A_2288 : vector<16xf32> to vector<1x16xf32>
      tpu.vector_store %arg12[%swap3A_2289, %swap3A_2290], %swap3A_2293 {strides = array<i32>} : memref<256x128xf32, #tpu.memory_space<vmem>>, vector<1x16xf32>,
      %mul3A_2294 = arith.mulf %add3A_2051, %broadcast_in_dim3A_2191 : vector<16xf32>
      %mul3A_2295 = arith.mulf %mul3A_2294, %mul3A_223 : vector<16xf32>
      %swap3A_2296 = arith.index_cast %add3A_2251 : i32 to index
      %swap3A_2297 = arith.constant 96 : index
      %swap3A_2298 = tpu.vector_load %arg12[%swap3A_2296, %swap3A_2297] {strides = array<i32>} : memref<256x128xf32, #tpu.memory_space<vmem>>, vector<1x16xf32>,
      %swap3A_2299 = vector.shape_cast %swap3A_2298 : vector<1x16xf32> to vector<16xf32>
      %swap3A_2300 = vector.shape_cast %mul3A_2295 : vector<16xf32> to vector<1x16xf32>
      tpu.vector_store %arg12[%swap3A_2296, %swap3A_2297], %swap3A_2300 {strides = array<i32>} : memref<256x128xf32, #tpu.memory_space<vmem>>, vector<1x16xf32>,
      %mul3A_2301 = arith.mulf %add3A_2060, %broadcast_in_dim3A_2191 : vector<16xf32>
      %mul3A_2302 = arith.mulf %mul3A_2301, %mul3A_229 : vector<16xf32>
      %swap3A_2303 = arith.index_cast %add3A_2251 : i32 to index
      %swap3A_2304 = arith.constant 112 : index
      %swap3A_2305 = tpu.vector_load %arg12[%swap3A_2303, %swap3A_2304] {strides = array<i32>} : memref<256x128xf32, #tpu.memory_space<vmem>>, vector<1x16xf32>,
      %swap3A_2306 = vector.shape_cast %swap3A_2305 : vector<1x16xf32> to vector<16xf32>
      %swap3A_2307 = vector.shape_cast %mul3A_2302 : vector<16xf32> to vector<1x16xf32>
      tpu.vector_store %arg12[%swap3A_2303, %swap3A_2304], %swap3A_2307 {strides = array<i32>} : memref<256x128xf32, #tpu.memory_space<vmem>>, vector<1x16xf32>,
      %add3A_2308 = arith.constant 10 : i32
      %add3A_2309 = arith.addi %mul3A_314, %add3A_2308 : i32
      %add3A_2310 = arith.constant 0 : i32
      %add3A_2311 = arith.addi %add3A_2309, %add3A_2310 : i32
      %slice3A_2312 = vector.extract_strided_slice %convert_element_type3A_318 {offsets = [10], sizes = [1], strides = [1]} : vector<16xf32> to vector<1xf32>
      %squeeze3A_2313 = vector.extract %slice3A_2312[0] : f32 from vector<1xf32>
      %broadcast_in_dim3A_2314 = vector.broadcast %squeeze3A_2313 : f32 to vector<16xf32>
      %get3A_2315 = arith.index_cast %add3A_2311 : i32 to index
      %get3A_2316 = arith.constant 0 : index
      %get3A_2317 = tpu.vector_load %arg12[%get3A_2315, %get3A_2316] {strides = array<i32>} : memref<256x128xf32, #tpu.memory_space<vmem>>, vector<1x16xf32>,
      %get3A_2318 = vector.shape_cast %get3A_2317 : vector<1x16xf32> to vector<16xf32>
      %mul3A_2319 = arith.mulf %broadcast_in_dim3A_2314, %sub3A_104 : vector<16xf32>
      %add3A_2320 = arith.addf %get3A_58, %mul3A_2319 : vector<16xf32>
      %add3A_2321 = arith.addf %get3A_2318, %add3A_2320 : vector<16xf32>
      %mul3A_2322 = arith.mulf %add3A_2321, %add3A_2321 : vector<16xf32>
      %get3A_2323 = arith.index_cast %add3A_2311 : i32 to index
      %get3A_2324 = arith.constant 16 : index
      %get3A_2325 = tpu.vector_load %arg12[%get3A_2323, %get3A_2324] {strides = array<i32>} : memref<256x128xf32, #tpu.memory_space<vmem>>, vector<1x16xf32>,
      %get3A_2326 = vector.shape_cast %get3A_2325 : vector<1x16xf32> to vector<16xf32>
      %mul3A_2327 = arith.mulf %broadcast_in_dim3A_2314, %sub3A_115 : vector<16xf32>
      %add3A_2328 = arith.addf %get3A_63, %mul3A_2327 : vector<16xf32>
      %add3A_2329 = arith.addf %get3A_2326, %add3A_2328 : vector<16xf32>
      %mul3A_2330 = arith.mulf %add3A_2329, %add3A_2329 : vector<16xf32>
      %add3A_2331 = arith.addf %mul3A_2322, %mul3A_2330 : vector<16xf32>
      %get3A_2332 = arith.index_cast %add3A_2311 : i32 to index
      %get3A_2333 = arith.constant 32 : index
      %get3A_2334 = tpu.vector_load %arg12[%get3A_2332, %get3A_2333] {strides = array<i32>} : memref<256x128xf32, #tpu.memory_space<vmem>>, vector<1x16xf32>,
      %get3A_2335 = vector.shape_cast %get3A_2334 : vector<1x16xf32> to vector<16xf32>
      %mul3A_2336 = arith.mulf %broadcast_in_dim3A_2314, %sub3A_126 : vector<16xf32>
      %add3A_2337 = arith.addf %get3A_68, %mul3A_2336 : vector<16xf32>
      %add3A_2338 = arith.addf %get3A_2335, %add3A_2337 : vector<16xf32>
      %mul3A_2339 = arith.mulf %add3A_2338, %add3A_2338 : vector<16xf32>
      %add3A_2340 = arith.addf %add3A_2331, %mul3A_2339 : vector<16xf32>
      %get3A_2341 = arith.index_cast %add3A_2311 : i32 to index
      %get3A_2342 = arith.constant 48 : index
      %get3A_2343 = tpu.vector_load %arg12[%get3A_2341, %get3A_2342] {strides = array<i32>} : memref<256x128xf32, #tpu.memory_space<vmem>>, vector<1x16xf32>,
      %get3A_2344 = vector.shape_cast %get3A_2343 : vector<1x16xf32> to vector<16xf32>
      %mul3A_2345 = arith.mulf %broadcast_in_dim3A_2314, %sub3A_137 : vector<16xf32>
      %add3A_2346 = arith.addf %get3A_73, %mul3A_2345 : vector<16xf32>
      %add3A_2347 = arith.addf %get3A_2344, %add3A_2346 : vector<16xf32>
      %mul3A_2348 = arith.mulf %add3A_2347, %add3A_2347 : vector<16xf32>
      %add3A_2349 = arith.addf %add3A_2340, %mul3A_2348 : vector<16xf32>
      %get3A_2350 = arith.index_cast %add3A_2311 : i32 to index
      %get3A_2351 = arith.constant 64 : index
      %get3A_2352 = tpu.vector_load %arg12[%get3A_2350, %get3A_2351] {strides = array<i32>} : memref<256x128xf32, #tpu.memory_space<vmem>>, vector<1x16xf32>,
      %get3A_2353 = vector.shape_cast %get3A_2352 : vector<1x16xf32> to vector<16xf32>
      %mul3A_2354 = arith.mulf %broadcast_in_dim3A_2314, %sub3A_148 : vector<16xf32>
      %add3A_2355 = arith.addf %get3A_78, %mul3A_2354 : vector<16xf32>
      %add3A_2356 = arith.addf %get3A_2353, %add3A_2355 : vector<16xf32>
      %mul3A_2357 = arith.mulf %add3A_2356, %add3A_2356 : vector<16xf32>
      %add3A_2358 = arith.addf %add3A_2349, %mul3A_2357 : vector<16xf32>
      %get3A_2359 = arith.index_cast %add3A_2311 : i32 to index
      %get3A_2360 = arith.constant 80 : index
      %get3A_2361 = tpu.vector_load %arg12[%get3A_2359, %get3A_2360] {strides = array<i32>} : memref<256x128xf32, #tpu.memory_space<vmem>>, vector<1x16xf32>,
      %get3A_2362 = vector.shape_cast %get3A_2361 : vector<1x16xf32> to vector<16xf32>
      %mul3A_2363 = arith.mulf %broadcast_in_dim3A_2314, %sub3A_159 : vector<16xf32>
      %add3A_2364 = arith.addf %get3A_83, %mul3A_2363 : vector<16xf32>
      %add3A_2365 = arith.addf %get3A_2362, %add3A_2364 : vector<16xf32>
      %mul3A_2366 = arith.mulf %add3A_2365, %add3A_2365 : vector<16xf32>
      %add3A_2367 = arith.addf %add3A_2358, %mul3A_2366 : vector<16xf32>
      %get3A_2368 = arith.index_cast %add3A_2311 : i32 to index
      %get3A_2369 = arith.constant 96 : index
      %get3A_2370 = tpu.vector_load %arg12[%get3A_2368, %get3A_2369] {strides = array<i32>} : memref<256x128xf32, #tpu.memory_space<vmem>>, vector<1x16xf32>,
      %get3A_2371 = vector.shape_cast %get3A_2370 : vector<1x16xf32> to vector<16xf32>
      %mul3A_2372 = arith.mulf %broadcast_in_dim3A_2314, %sub3A_170 : vector<16xf32>
      %add3A_2373 = arith.addf %get3A_88, %mul3A_2372 : vector<16xf32>
      %add3A_2374 = arith.addf %get3A_2371, %add3A_2373 : vector<16xf32>
      %mul3A_2375 = arith.mulf %add3A_2374, %add3A_2374 : vector<16xf32>
      %add3A_2376 = arith.addf %add3A_2367, %mul3A_2375 : vector<16xf32>
      %get3A_2377 = arith.index_cast %add3A_2311 : i32 to index
      %get3A_2378 = arith.constant 112 : index
      %get3A_2379 = tpu.vector_load %arg12[%get3A_2377, %get3A_2378] {strides = array<i32>} : memref<256x128xf32, #tpu.memory_space<vmem>>, vector<1x16xf32>,
      %get3A_2380 = vector.shape_cast %get3A_2379 : vector<1x16xf32> to vector<16xf32>
      %mul3A_2381 = arith.mulf %broadcast_in_dim3A_2314, %sub3A_181 : vector<16xf32>
      %add3A_2382 = arith.addf %get3A_93, %mul3A_2381 : vector<16xf32>
      %add3A_2383 = arith.addf %get3A_2380, %add3A_2382 : vector<16xf32>
      %mul3A_2384 = arith.mulf %add3A_2383, %add3A_2383 : vector<16xf32>
      %add3A_2385 = arith.addf %add3A_2376, %mul3A_2384 : vector<16xf32>
      %add3A_2386 = arith.constant 1 : i32
      %add3A_2387 = arith.addi %add3A_2309, %add3A_2386 : i32
      %slice3A_2388 = vector.extract_strided_slice %convert_element_type3A_318 {offsets = [11], sizes = [1], strides = [1]} : vector<16xf32> to vector<1xf32>
      %squeeze3A_2389 = vector.extract %slice3A_2388[0] : f32 from vector<1xf32>
      %broadcast_in_dim3A_2390 = vector.broadcast %squeeze3A_2389 : f32 to vector<16xf32>
      %get3A_2391 = arith.index_cast %add3A_2387 : i32 to index
      %get3A_2392 = arith.constant 0 : index
      %get3A_2393 = tpu.vector_load %arg12[%get3A_2391, %get3A_2392] {strides = array<i32>} : memref<256x128xf32, #tpu.memory_space<vmem>>, vector<1x16xf32>,
      %get3A_2394 = vector.shape_cast %get3A_2393 : vector<1x16xf32> to vector<16xf32>
      %mul3A_2395 = arith.mulf %broadcast_in_dim3A_2390, %sub3A_104 : vector<16xf32>
      %add3A_2396 = arith.addf %get3A_58, %mul3A_2395 : vector<16xf32>
      %add3A_2397 = arith.addf %get3A_2394, %add3A_2396 : vector<16xf32>
      %mul3A_2398 = arith.mulf %add3A_2397, %add3A_2397 : vector<16xf32>
      %get3A_2399 = arith.index_cast %add3A_2387 : i32 to index
      %get3A_2400 = arith.constant 16 : index
      %get3A_2401 = tpu.vector_load %arg12[%get3A_2399, %get3A_2400] {strides = array<i32>} : memref<256x128xf32, #tpu.memory_space<vmem>>, vector<1x16xf32>,
      %get3A_2402 = vector.shape_cast %get3A_2401 : vector<1x16xf32> to vector<16xf32>
      %mul3A_2403 = arith.mulf %broadcast_in_dim3A_2390, %sub3A_115 : vector<16xf32>
      %add3A_2404 = arith.addf %get3A_63, %mul3A_2403 : vector<16xf32>
      %add3A_2405 = arith.addf %get3A_2402, %add3A_2404 : vector<16xf32>
      %mul3A_2406 = arith.mulf %add3A_2405, %add3A_2405 : vector<16xf32>
      %add3A_2407 = arith.addf %mul3A_2398, %mul3A_2406 : vector<16xf32>
      %get3A_2408 = arith.index_cast %add3A_2387 : i32 to index
      %get3A_2409 = arith.constant 32 : index
      %get3A_2410 = tpu.vector_load %arg12[%get3A_2408, %get3A_2409] {strides = array<i32>} : memref<256x128xf32, #tpu.memory_space<vmem>>, vector<1x16xf32>,
      %get3A_2411 = vector.shape_cast %get3A_2410 : vector<1x16xf32> to vector<16xf32>
      %mul3A_2412 = arith.mulf %broadcast_in_dim3A_2390, %sub3A_126 : vector<16xf32>
      %add3A_2413 = arith.addf %get3A_68, %mul3A_2412 : vector<16xf32>
      %add3A_2414 = arith.addf %get3A_2411, %add3A_2413 : vector<16xf32>
      %mul3A_2415 = arith.mulf %add3A_2414, %add3A_2414 : vector<16xf32>
      %add3A_2416 = arith.addf %add3A_2407, %mul3A_2415 : vector<16xf32>
      %get3A_2417 = arith.index_cast %add3A_2387 : i32 to index
      %get3A_2418 = arith.constant 48 : index
      %get3A_2419 = tpu.vector_load %arg12[%get3A_2417, %get3A_2418] {strides = array<i32>} : memref<256x128xf32, #tpu.memory_space<vmem>>, vector<1x16xf32>,
      %get3A_2420 = vector.shape_cast %get3A_2419 : vector<1x16xf32> to vector<16xf32>
      %mul3A_2421 = arith.mulf %broadcast_in_dim3A_2390, %sub3A_137 : vector<16xf32>
      %add3A_2422 = arith.addf %get3A_73, %mul3A_2421 : vector<16xf32>
      %add3A_2423 = arith.addf %get3A_2420, %add3A_2422 : vector<16xf32>
      %mul3A_2424 = arith.mulf %add3A_2423, %add3A_2423 : vector<16xf32>
      %add3A_2425 = arith.addf %add3A_2416, %mul3A_2424 : vector<16xf32>
      %get3A_2426 = arith.index_cast %add3A_2387 : i32 to index
      %get3A_2427 = arith.constant 64 : index
      %get3A_2428 = tpu.vector_load %arg12[%get3A_2426, %get3A_2427] {strides = array<i32>} : memref<256x128xf32, #tpu.memory_space<vmem>>, vector<1x16xf32>,
      %get3A_2429 = vector.shape_cast %get3A_2428 : vector<1x16xf32> to vector<16xf32>
      %mul3A_2430 = arith.mulf %broadcast_in_dim3A_2390, %sub3A_148 : vector<16xf32>
      %add3A_2431 = arith.addf %get3A_78, %mul3A_2430 : vector<16xf32>
      %add3A_2432 = arith.addf %get3A_2429, %add3A_2431 : vector<16xf32>
      %mul3A_2433 = arith.mulf %add3A_2432, %add3A_2432 : vector<16xf32>
      %add3A_2434 = arith.addf %add3A_2425, %mul3A_2433 : vector<16xf32>
      %get3A_2435 = arith.index_cast %add3A_2387 : i32 to index
      %get3A_2436 = arith.constant 80 : index
      %get3A_2437 = tpu.vector_load %arg12[%get3A_2435, %get3A_2436] {strides = array<i32>} : memref<256x128xf32, #tpu.memory_space<vmem>>, vector<1x16xf32>,
      %get3A_2438 = vector.shape_cast %get3A_2437 : vector<1x16xf32> to vector<16xf32>
      %mul3A_2439 = arith.mulf %broadcast_in_dim3A_2390, %sub3A_159 : vector<16xf32>
      %add3A_2440 = arith.addf %get3A_83, %mul3A_2439 : vector<16xf32>
      %add3A_2441 = arith.addf %get3A_2438, %add3A_2440 : vector<16xf32>
      %mul3A_2442 = arith.mulf %add3A_2441, %add3A_2441 : vector<16xf32>
      %add3A_2443 = arith.addf %add3A_2434, %mul3A_2442 : vector<16xf32>
      %get3A_2444 = arith.index_cast %add3A_2387 : i32 to index
      %get3A_2445 = arith.constant 96 : index
      %get3A_2446 = tpu.vector_load %arg12[%get3A_2444, %get3A_2445] {strides = array<i32>} : memref<256x128xf32, #tpu.memory_space<vmem>>, vector<1x16xf32>,
      %get3A_2447 = vector.shape_cast %get3A_2446 : vector<1x16xf32> to vector<16xf32>
      %mul3A_2448 = arith.mulf %broadcast_in_dim3A_2390, %sub3A_170 : vector<16xf32>
      %add3A_2449 = arith.addf %get3A_88, %mul3A_2448 : vector<16xf32>
      %add3A_2450 = arith.addf %get3A_2447, %add3A_2449 : vector<16xf32>
      %mul3A_2451 = arith.mulf %add3A_2450, %add3A_2450 : vector<16xf32>
      %add3A_2452 = arith.addf %add3A_2443, %mul3A_2451 : vector<16xf32>
      %get3A_2453 = arith.index_cast %add3A_2387 : i32 to index
      %get3A_2454 = arith.constant 112 : index
      %get3A_2455 = tpu.vector_load %arg12[%get3A_2453, %get3A_2454] {strides = array<i32>} : memref<256x128xf32, #tpu.memory_space<vmem>>, vector<1x16xf32>,
      %get3A_2456 = vector.shape_cast %get3A_2455 : vector<1x16xf32> to vector<16xf32>
      %mul3A_2457 = arith.mulf %broadcast_in_dim3A_2390, %sub3A_181 : vector<16xf32>
      %add3A_2458 = arith.addf %get3A_93, %mul3A_2457 : vector<16xf32>
      %add3A_2459 = arith.addf %get3A_2456, %add3A_2458 : vector<16xf32>
      %mul3A_2460 = arith.mulf %add3A_2459, %add3A_2459 : vector<16xf32>
      %add3A_2461 = arith.addf %add3A_2452, %mul3A_2460 : vector<16xf32>
      %lt3A_2462 = arith.constant 0 : i32
      %lt3A_2463 = vector.broadcast %lt3A_2462 : i32 to vector<16xi32>
      %lt3A_2464 = arith.cmpi slt, %xor3A_231, %lt3A_2463 : vector<16xi32>
      %add3A_2465 = arith.constant 16 : i32
      %add3A_2466 = vector.broadcast %add3A_2465 : i32 to vector<16xi32>
      %add3A_2467 = arith.addi %xor3A_231, %add3A_2466 : vector<16xi32>
      %select_n3A_2468 = arith.select %lt3A_2464, %add3A_2467, %xor3A_231 : vector<16xi1>, vector<16xi32>
      %broadcast_in_dim3A_2469 = vector.shape_cast %select_n3A_2468 : vector<16xi32> to vector<16x1xi32>
      %gather3A_2470 = vector.shape_cast %broadcast_in_dim3A_2469 : vector<16x1xi32> to vector<16xi32>
      %gather3A_2471 = tpu.dynamic_gather %add3A_2385[%gather3A_2470] in [0] : vector<16xf32>, vector<16xi32> -> vector<16xf32>
      %add3A_2472 = arith.addf %add3A_2385, %gather3A_2471 : vector<16xf32>
      %lt3A_2473 = arith.constant 0 : i32
      %lt3A_2474 = vector.broadcast %lt3A_2473 : i32 to vector<16xi32>
      %lt3A_2475 = arith.cmpi slt, %xor3A_231, %lt3A_2474 : vector<16xi32>
      %add3A_2476 = arith.constant 16 : i32
      %add3A_2477 = vector.broadcast %add3A_2476 : i32 to vector<16xi32>
      %add3A_2478 = arith.addi %xor3A_231, %add3A_2477 : vector<16xi32>
      %select_n3A_2479 = arith.select %lt3A_2475, %add3A_2478, %xor3A_231 : vector<16xi1>, vector<16xi32>
      %broadcast_in_dim3A_2480 = vector.shape_cast %select_n3A_2479 : vector<16xi32> to vector<16x1xi32>
      %gather3A_2481 = vector.shape_cast %broadcast_in_dim3A_2480 : vector<16x1xi32> to vector<16xi32>
      %gather3A_2482 = tpu.dynamic_gather %add3A_2461[%gather3A_2481] in [0] : vector<16xf32>, vector<16xi32> -> vector<16xf32>
      %add3A_2483 = arith.addf %add3A_2461, %gather3A_2482 : vector<16xf32>
      %lt3A_2484 = arith.constant 0 : i32
      %lt3A_2485 = vector.broadcast %lt3A_2484 : i32 to vector<16xi32>
      %lt3A_2486 = arith.cmpi slt, %xor3A_234, %lt3A_2485 : vector<16xi32>
      %add3A_2487 = arith.constant 16 : i32
      %add3A_2488 = vector.broadcast %add3A_2487 : i32 to vector<16xi32>
      %add3A_2489 = arith.addi %xor3A_234, %add3A_2488 : vector<16xi32>
      %select_n3A_2490 = arith.select %lt3A_2486, %add3A_2489, %xor3A_234 : vector<16xi1>, vector<16xi32>
      %broadcast_in_dim3A_2491 = vector.shape_cast %select_n3A_2490 : vector<16xi32> to vector<16x1xi32>
      %gather3A_2492 = vector.shape_cast %broadcast_in_dim3A_2491 : vector<16x1xi32> to vector<16xi32>
      %gather3A_2493 = tpu.dynamic_gather %add3A_2472[%gather3A_2492] in [0] : vector<16xf32>, vector<16xi32> -> vector<16xf32>
      %add3A_2494 = arith.addf %add3A_2472, %gather3A_2493 : vector<16xf32>
      %lt3A_2495 = arith.constant 0 : i32
      %lt3A_2496 = vector.broadcast %lt3A_2495 : i32 to vector<16xi32>
      %lt3A_2497 = arith.cmpi slt, %xor3A_234, %lt3A_2496 : vector<16xi32>
      %add3A_2498 = arith.constant 16 : i32
      %add3A_2499 = vector.broadcast %add3A_2498 : i32 to vector<16xi32>
      %add3A_2500 = arith.addi %xor3A_234, %add3A_2499 : vector<16xi32>
      %select_n3A_2501 = arith.select %lt3A_2497, %add3A_2500, %xor3A_234 : vector<16xi1>, vector<16xi32>
      %broadcast_in_dim3A_2502 = vector.shape_cast %select_n3A_2501 : vector<16xi32> to vector<16x1xi32>
      %gather3A_2503 = vector.shape_cast %broadcast_in_dim3A_2502 : vector<16x1xi32> to vector<16xi32>
      %gather3A_2504 = tpu.dynamic_gather %add3A_2483[%gather3A_2503] in [0] : vector<16xf32>, vector<16xi32> -> vector<16xf32>
      %add3A_2505 = arith.addf %add3A_2483, %gather3A_2504 : vector<16xf32>
      %lt3A_2506 = arith.constant 0 : i32
      %lt3A_2507 = vector.broadcast %lt3A_2506 : i32 to vector<16xi32>
      %lt3A_2508 = arith.cmpi slt, %xor3A_237, %lt3A_2507 : vector<16xi32>
      %add3A_2509 = arith.constant 16 : i32
      %add3A_2510 = vector.broadcast %add3A_2509 : i32 to vector<16xi32>
      %add3A_2511 = arith.addi %xor3A_237, %add3A_2510 : vector<16xi32>
      %select_n3A_2512 = arith.select %lt3A_2508, %add3A_2511, %xor3A_237 : vector<16xi1>, vector<16xi32>
      %broadcast_in_dim3A_2513 = vector.shape_cast %select_n3A_2512 : vector<16xi32> to vector<16x1xi32>
      %gather3A_2514 = vector.shape_cast %broadcast_in_dim3A_2513 : vector<16x1xi32> to vector<16xi32>
      %gather3A_2515 = tpu.dynamic_gather %add3A_2494[%gather3A_2514] in [0] : vector<16xf32>, vector<16xi32> -> vector<16xf32>
      %add3A_2516 = arith.addf %add3A_2494, %gather3A_2515 : vector<16xf32>
      %lt3A_2517 = arith.constant 0 : i32
      %lt3A_2518 = vector.broadcast %lt3A_2517 : i32 to vector<16xi32>
      %lt3A_2519 = arith.cmpi slt, %xor3A_237, %lt3A_2518 : vector<16xi32>
      %add3A_2520 = arith.constant 16 : i32
      %add3A_2521 = vector.broadcast %add3A_2520 : i32 to vector<16xi32>
      %add3A_2522 = arith.addi %xor3A_237, %add3A_2521 : vector<16xi32>
      %select_n3A_2523 = arith.select %lt3A_2519, %add3A_2522, %xor3A_237 : vector<16xi1>, vector<16xi32>
      %broadcast_in_dim3A_2524 = vector.shape_cast %select_n3A_2523 : vector<16xi32> to vector<16x1xi32>
      %gather3A_2525 = vector.shape_cast %broadcast_in_dim3A_2524 : vector<16x1xi32> to vector<16xi32>
      %gather3A_2526 = tpu.dynamic_gather %add3A_2505[%gather3A_2525] in [0] : vector<16xf32>, vector<16xi32> -> vector<16xf32>
      %add3A_2527 = arith.addf %add3A_2505, %gather3A_2526 : vector<16xf32>
      %lt3A_2528 = arith.constant 0 : i32
      %lt3A_2529 = vector.broadcast %lt3A_2528 : i32 to vector<16xi32>
      %lt3A_2530 = arith.cmpi slt, %xor3A_240, %lt3A_2529 : vector<16xi32>
      %add3A_2531 = arith.constant 16 : i32
      %add3A_2532 = vector.broadcast %add3A_2531 : i32 to vector<16xi32>
      %add3A_2533 = arith.addi %xor3A_240, %add3A_2532 : vector<16xi32>
      %select_n3A_2534 = arith.select %lt3A_2530, %add3A_2533, %xor3A_240 : vector<16xi1>, vector<16xi32>
      %broadcast_in_dim3A_2535 = vector.shape_cast %select_n3A_2534 : vector<16xi32> to vector<16x1xi32>
      %gather3A_2536 = vector.shape_cast %broadcast_in_dim3A_2535 : vector<16x1xi32> to vector<16xi32>
      %gather3A_2537 = tpu.dynamic_gather %add3A_2516[%gather3A_2536] in [0] : vector<16xf32>, vector<16xi32> -> vector<16xf32>
      %add3A_2538 = arith.addf %add3A_2516, %gather3A_2537 : vector<16xf32>
      %lt3A_2539 = arith.constant 0 : i32
      %lt3A_2540 = vector.broadcast %lt3A_2539 : i32 to vector<16xi32>
      %lt3A_2541 = arith.cmpi slt, %xor3A_240, %lt3A_2540 : vector<16xi32>
      %add3A_2542 = arith.constant 16 : i32
      %add3A_2543 = vector.broadcast %add3A_2542 : i32 to vector<16xi32>
      %add3A_2544 = arith.addi %xor3A_240, %add3A_2543 : vector<16xi32>
      %select_n3A_2545 = arith.select %lt3A_2541, %add3A_2544, %xor3A_240 : vector<16xi1>, vector<16xi32>
      %broadcast_in_dim3A_2546 = vector.shape_cast %select_n3A_2545 : vector<16xi32> to vector<16x1xi32>
      %gather3A_2547 = vector.shape_cast %broadcast_in_dim3A_2546 : vector<16x1xi32> to vector<16xi32>
      %gather3A_2548 = tpu.dynamic_gather %add3A_2527[%gather3A_2547] in [0] : vector<16xf32>, vector<16xi32> -> vector<16xf32>
      %add3A_2549 = arith.addf %add3A_2527, %gather3A_2548 : vector<16xf32>
      %mul3A_2550 = arith.mulf %add3A_2538, %convert_element_type3A : vector<16xf32>
      %mul3A_2551 = arith.mulf %add3A_2549, %sub3A_250 : vector<16xf32>
      %add3A_2552 = arith.addf %mul3A_2550, %mul3A_2551 : vector<16xf32>
      %add3A_2553 = arith.constant 1.280000e-04 : f32
      %add3A_2554 = vector.broadcast %add3A_2553 : f32 to vector<16xf32>
      %add3A_2555 = arith.addf %add3A_2552, %add3A_2554 : vector<16xf32>
      %bitcast_convert_type3A_2556 = tpu.bitcast %add3A_2555 : vector<16xf32> -> vector<16xi32>
      %shift_right_arithmetic3A_2557 = arith.constant 1 : i32
      %shift_right_arithmetic3A_2558 = vector.broadcast %shift_right_arithmetic3A_2557 : i32 to vector<16xi32>
      %shift_right_arithmetic3A_2559 = arith.shrsi %bitcast_convert_type3A_2556, %shift_right_arithmetic3A_2558 : vector<16xi32>
      %sub3A_2560 = arith.constant 1597463007 : i32
      %sub3A_2561 = vector.broadcast %sub3A_2560 : i32 to vector<16xi32>
      %sub3A_2562 = arith.subi %sub3A_2561, %shift_right_arithmetic3A_2559 : vector<16xi32>
      %bitcast_convert_type3A_2563 = tpu.bitcast %sub3A_2562 : vector<16xi32> -> vector<16xf32>
      %mul3A_2564 = arith.constant 5.000000e-01 : f32
      %mul3A_2565 = vector.broadcast %mul3A_2564 : f32 to vector<16xf32>
      %mul3A_2566 = arith.mulf %add3A_2555, %mul3A_2565 : vector<16xf32>
      %mul3A_2567 = arith.mulf %mul3A_2566, %bitcast_convert_type3A_2563 : vector<16xf32>
      %mul3A_2568 = arith.mulf %mul3A_2567, %bitcast_convert_type3A_2563 : vector<16xf32>
      %sub3A_2569 = arith.constant 1.500000e+00 : f32
      %sub3A_2570 = vector.broadcast %sub3A_2569 : f32 to vector<16xf32>
      %sub3A_2571 = arith.subf %sub3A_2570, %mul3A_2568 : vector<16xf32>
      %mul3A_2572 = arith.mulf %bitcast_convert_type3A_2563, %sub3A_2571 : vector<16xf32>
      %mul3A_2573 = arith.mulf %mul3A_2566, %mul3A_2572 : vector<16xf32>
      %mul3A_2574 = arith.mulf %mul3A_2573, %mul3A_2572 : vector<16xf32>
      %sub3A_2575 = arith.constant 1.500000e+00 : f32
      %sub3A_2576 = vector.broadcast %sub3A_2575 : f32 to vector<16xf32>
      %sub3A_2577 = arith.subf %sub3A_2576, %mul3A_2574 : vector<16xf32>
      %mul3A_2578 = arith.mulf %mul3A_2572, %sub3A_2577 : vector<16xf32>
      %mul3A_2579 = arith.mulf %mul3A_2566, %mul3A_2578 : vector<16xf32>
      %mul3A_2580 = arith.mulf %mul3A_2579, %mul3A_2578 : vector<16xf32>
      %sub3A_2581 = arith.constant 1.500000e+00 : f32
      %sub3A_2582 = vector.broadcast %sub3A_2581 : f32 to vector<16xf32>
      %sub3A_2583 = arith.subf %sub3A_2582, %mul3A_2580 : vector<16xf32>
      %mul3A_2584 = arith.mulf %mul3A_2578, %sub3A_2583 : vector<16xf32>
      %slice3A_2585 = vector.extract_strided_slice %mul3A_2584 {offsets = [0], sizes = [1], strides = [1]} : vector<16xf32> to vector<1xf32>
      %squeeze3A_2586 = vector.extract %slice3A_2585[0] : f32 from vector<1xf32>
      %broadcast_in_dim3A_2587 = vector.broadcast %squeeze3A_2586 : f32 to vector<16xf32>
      %slice3A_2588 = vector.extract_strided_slice %mul3A_2584 {offsets = [8], sizes = [1], strides = [1]} : vector<16xf32> to vector<1xf32>
      %squeeze3A_2589 = vector.extract %slice3A_2588[0] : f32 from vector<1xf32>
      %broadcast_in_dim3A_2590 = vector.broadcast %squeeze3A_2589 : f32 to vector<16xf32>
      %add3A_2591 = arith.constant 0 : i32
      %add3A_2592 = arith.addi %add3A_2309, %add3A_2591 : i32
      %mul3A_2593 = arith.mulf %add3A_2321, %broadcast_in_dim3A_2587 : vector<16xf32>
      %mul3A_2594 = arith.mulf %mul3A_2593, %mul3A_187 : vector<16xf32>
      %swap3A_2595 = arith.index_cast %add3A_2592 : i32 to index
      %swap3A_2596 = arith.constant 0 : index
      %swap3A_2597 = tpu.vector_load %arg12[%swap3A_2595, %swap3A_2596] {strides = array<i32>} : memref<256x128xf32, #tpu.memory_space<vmem>>, vector<1x16xf32>,
      %swap3A_2598 = vector.shape_cast %swap3A_2597 : vector<1x16xf32> to vector<16xf32>
      %swap3A_2599 = vector.shape_cast %mul3A_2594 : vector<16xf32> to vector<1x16xf32>
      tpu.vector_store %arg12[%swap3A_2595, %swap3A_2596], %swap3A_2599 {strides = array<i32>} : memref<256x128xf32, #tpu.memory_space<vmem>>, vector<1x16xf32>,
      %mul3A_2600 = arith.mulf %add3A_2329, %broadcast_in_dim3A_2587 : vector<16xf32>
      %mul3A_2601 = arith.mulf %mul3A_2600, %mul3A_193 : vector<16xf32>
      %swap3A_2602 = arith.index_cast %add3A_2592 : i32 to index
      %swap3A_2603 = arith.constant 16 : index
      %swap3A_2604 = tpu.vector_load %arg12[%swap3A_2602, %swap3A_2603] {strides = array<i32>} : memref<256x128xf32, #tpu.memory_space<vmem>>, vector<1x16xf32>,
      %swap3A_2605 = vector.shape_cast %swap3A_2604 : vector<1x16xf32> to vector<16xf32>
      %swap3A_2606 = vector.shape_cast %mul3A_2601 : vector<16xf32> to vector<1x16xf32>
      tpu.vector_store %arg12[%swap3A_2602, %swap3A_2603], %swap3A_2606 {strides = array<i32>} : memref<256x128xf32, #tpu.memory_space<vmem>>, vector<1x16xf32>,
      %mul3A_2607 = arith.mulf %add3A_2338, %broadcast_in_dim3A_2587 : vector<16xf32>
      %mul3A_2608 = arith.mulf %mul3A_2607, %mul3A_199 : vector<16xf32>
      %swap3A_2609 = arith.index_cast %add3A_2592 : i32 to index
      %swap3A_2610 = arith.constant 32 : index
      %swap3A_2611 = tpu.vector_load %arg12[%swap3A_2609, %swap3A_2610] {strides = array<i32>} : memref<256x128xf32, #tpu.memory_space<vmem>>, vector<1x16xf32>,
      %swap3A_2612 = vector.shape_cast %swap3A_2611 : vector<1x16xf32> to vector<16xf32>
      %swap3A_2613 = vector.shape_cast %mul3A_2608 : vector<16xf32> to vector<1x16xf32>
      tpu.vector_store %arg12[%swap3A_2609, %swap3A_2610], %swap3A_2613 {strides = array<i32>} : memref<256x128xf32, #tpu.memory_space<vmem>>, vector<1x16xf32>,
      %mul3A_2614 = arith.mulf %add3A_2347, %broadcast_in_dim3A_2587 : vector<16xf32>
      %mul3A_2615 = arith.mulf %mul3A_2614, %mul3A_205 : vector<16xf32>
      %swap3A_2616 = arith.index_cast %add3A_2592 : i32 to index
      %swap3A_2617 = arith.constant 48 : index
      %swap3A_2618 = tpu.vector_load %arg12[%swap3A_2616, %swap3A_2617] {strides = array<i32>} : memref<256x128xf32, #tpu.memory_space<vmem>>, vector<1x16xf32>,
      %swap3A_2619 = vector.shape_cast %swap3A_2618 : vector<1x16xf32> to vector<16xf32>
      %swap3A_2620 = vector.shape_cast %mul3A_2615 : vector<16xf32> to vector<1x16xf32>
      tpu.vector_store %arg12[%swap3A_2616, %swap3A_2617], %swap3A_2620 {strides = array<i32>} : memref<256x128xf32, #tpu.memory_space<vmem>>, vector<1x16xf32>,
      %mul3A_2621 = arith.mulf %add3A_2356, %broadcast_in_dim3A_2587 : vector<16xf32>
      %mul3A_2622 = arith.mulf %mul3A_2621, %mul3A_211 : vector<16xf32>
      %swap3A_2623 = arith.index_cast %add3A_2592 : i32 to index
      %swap3A_2624 = arith.constant 64 : index
      %swap3A_2625 = tpu.vector_load %arg12[%swap3A_2623, %swap3A_2624] {strides = array<i32>} : memref<256x128xf32, #tpu.memory_space<vmem>>, vector<1x16xf32>,
      %swap3A_2626 = vector.shape_cast %swap3A_2625 : vector<1x16xf32> to vector<16xf32>
      %swap3A_2627 = vector.shape_cast %mul3A_2622 : vector<16xf32> to vector<1x16xf32>
      tpu.vector_store %arg12[%swap3A_2623, %swap3A_2624], %swap3A_2627 {strides = array<i32>} : memref<256x128xf32, #tpu.memory_space<vmem>>, vector<1x16xf32>,
      %mul3A_2628 = arith.mulf %add3A_2365, %broadcast_in_dim3A_2587 : vector<16xf32>
      %mul3A_2629 = arith.mulf %mul3A_2628, %mul3A_217 : vector<16xf32>
      %swap3A_2630 = arith.index_cast %add3A_2592 : i32 to index
      %swap3A_2631 = arith.constant 80 : index
      %swap3A_2632 = tpu.vector_load %arg12[%swap3A_2630, %swap3A_2631] {strides = array<i32>} : memref<256x128xf32, #tpu.memory_space<vmem>>, vector<1x16xf32>,
      %swap3A_2633 = vector.shape_cast %swap3A_2632 : vector<1x16xf32> to vector<16xf32>
      %swap3A_2634 = vector.shape_cast %mul3A_2629 : vector<16xf32> to vector<1x16xf32>
      tpu.vector_store %arg12[%swap3A_2630, %swap3A_2631], %swap3A_2634 {strides = array<i32>} : memref<256x128xf32, #tpu.memory_space<vmem>>, vector<1x16xf32>,
      %mul3A_2635 = arith.mulf %add3A_2374, %broadcast_in_dim3A_2587 : vector<16xf32>
      %mul3A_2636 = arith.mulf %mul3A_2635, %mul3A_223 : vector<16xf32>
      %swap3A_2637 = arith.index_cast %add3A_2592 : i32 to index
      %swap3A_2638 = arith.constant 96 : index
      %swap3A_2639 = tpu.vector_load %arg12[%swap3A_2637, %swap3A_2638] {strides = array<i32>} : memref<256x128xf32, #tpu.memory_space<vmem>>, vector<1x16xf32>,
      %swap3A_2640 = vector.shape_cast %swap3A_2639 : vector<1x16xf32> to vector<16xf32>
      %swap3A_2641 = vector.shape_cast %mul3A_2636 : vector<16xf32> to vector<1x16xf32>
      tpu.vector_store %arg12[%swap3A_2637, %swap3A_2638], %swap3A_2641 {strides = array<i32>} : memref<256x128xf32, #tpu.memory_space<vmem>>, vector<1x16xf32>,
      %mul3A_2642 = arith.mulf %add3A_2383, %broadcast_in_dim3A_2587 : vector<16xf32>
      %mul3A_2643 = arith.mulf %mul3A_2642, %mul3A_229 : vector<16xf32>
      %swap3A_2644 = arith.index_cast %add3A_2592 : i32 to index
      %swap3A_2645 = arith.constant 112 : index
      %swap3A_2646 = tpu.vector_load %arg12[%swap3A_2644, %swap3A_2645] {strides = array<i32>} : memref<256x128xf32, #tpu.memory_space<vmem>>, vector<1x16xf32>,
      %swap3A_2647 = vector.shape_cast %swap3A_2646 : vector<1x16xf32> to vector<16xf32>
      %swap3A_2648 = vector.shape_cast %mul3A_2643 : vector<16xf32> to vector<1x16xf32>
      tpu.vector_store %arg12[%swap3A_2644, %swap3A_2645], %swap3A_2648 {strides = array<i32>} : memref<256x128xf32, #tpu.memory_space<vmem>>, vector<1x16xf32>,
      %add3A_2649 = arith.constant 1 : i32
      %add3A_2650 = arith.addi %add3A_2309, %add3A_2649 : i32
      %mul3A_2651 = arith.mulf %add3A_2397, %broadcast_in_dim3A_2590 : vector<16xf32>
      %mul3A_2652 = arith.mulf %mul3A_2651, %mul3A_187 : vector<16xf32>
      %swap3A_2653 = arith.index_cast %add3A_2650 : i32 to index
      %swap3A_2654 = arith.constant 0 : index
      %swap3A_2655 = tpu.vector_load %arg12[%swap3A_2653, %swap3A_2654] {strides = array<i32>} : memref<256x128xf32, #tpu.memory_space<vmem>>, vector<1x16xf32>,
      %swap3A_2656 = vector.shape_cast %swap3A_2655 : vector<1x16xf32> to vector<16xf32>
      %swap3A_2657 = vector.shape_cast %mul3A_2652 : vector<16xf32> to vector<1x16xf32>
      tpu.vector_store %arg12[%swap3A_2653, %swap3A_2654], %swap3A_2657 {strides = array<i32>} : memref<256x128xf32, #tpu.memory_space<vmem>>, vector<1x16xf32>,
      %mul3A_2658 = arith.mulf %add3A_2405, %broadcast_in_dim3A_2590 : vector<16xf32>
      %mul3A_2659 = arith.mulf %mul3A_2658, %mul3A_193 : vector<16xf32>
      %swap3A_2660 = arith.index_cast %add3A_2650 : i32 to index
      %swap3A_2661 = arith.constant 16 : index
      %swap3A_2662 = tpu.vector_load %arg12[%swap3A_2660, %swap3A_2661] {strides = array<i32>} : memref<256x128xf32, #tpu.memory_space<vmem>>, vector<1x16xf32>,
      %swap3A_2663 = vector.shape_cast %swap3A_2662 : vector<1x16xf32> to vector<16xf32>
      %swap3A_2664 = vector.shape_cast %mul3A_2659 : vector<16xf32> to vector<1x16xf32>
      tpu.vector_store %arg12[%swap3A_2660, %swap3A_2661], %swap3A_2664 {strides = array<i32>} : memref<256x128xf32, #tpu.memory_space<vmem>>, vector<1x16xf32>,
      %mul3A_2665 = arith.mulf %add3A_2414, %broadcast_in_dim3A_2590 : vector<16xf32>
      %mul3A_2666 = arith.mulf %mul3A_2665, %mul3A_199 : vector<16xf32>
      %swap3A_2667 = arith.index_cast %add3A_2650 : i32 to index
      %swap3A_2668 = arith.constant 32 : index
      %swap3A_2669 = tpu.vector_load %arg12[%swap3A_2667, %swap3A_2668] {strides = array<i32>} : memref<256x128xf32, #tpu.memory_space<vmem>>, vector<1x16xf32>,
      %swap3A_2670 = vector.shape_cast %swap3A_2669 : vector<1x16xf32> to vector<16xf32>
      %swap3A_2671 = vector.shape_cast %mul3A_2666 : vector<16xf32> to vector<1x16xf32>
      tpu.vector_store %arg12[%swap3A_2667, %swap3A_2668], %swap3A_2671 {strides = array<i32>} : memref<256x128xf32, #tpu.memory_space<vmem>>, vector<1x16xf32>,
      %mul3A_2672 = arith.mulf %add3A_2423, %broadcast_in_dim3A_2590 : vector<16xf32>
      %mul3A_2673 = arith.mulf %mul3A_2672, %mul3A_205 : vector<16xf32>
      %swap3A_2674 = arith.index_cast %add3A_2650 : i32 to index
      %swap3A_2675 = arith.constant 48 : index
      %swap3A_2676 = tpu.vector_load %arg12[%swap3A_2674, %swap3A_2675] {strides = array<i32>} : memref<256x128xf32, #tpu.memory_space<vmem>>, vector<1x16xf32>,
      %swap3A_2677 = vector.shape_cast %swap3A_2676 : vector<1x16xf32> to vector<16xf32>
      %swap3A_2678 = vector.shape_cast %mul3A_2673 : vector<16xf32> to vector<1x16xf32>
      tpu.vector_store %arg12[%swap3A_2674, %swap3A_2675], %swap3A_2678 {strides = array<i32>} : memref<256x128xf32, #tpu.memory_space<vmem>>, vector<1x16xf32>,
      %mul3A_2679 = arith.mulf %add3A_2432, %broadcast_in_dim3A_2590 : vector<16xf32>
      %mul3A_2680 = arith.mulf %mul3A_2679, %mul3A_211 : vector<16xf32>
      %swap3A_2681 = arith.index_cast %add3A_2650 : i32 to index
      %swap3A_2682 = arith.constant 64 : index
      %swap3A_2683 = tpu.vector_load %arg12[%swap3A_2681, %swap3A_2682] {strides = array<i32>} : memref<256x128xf32, #tpu.memory_space<vmem>>, vector<1x16xf32>,
      %swap3A_2684 = vector.shape_cast %swap3A_2683 : vector<1x16xf32> to vector<16xf32>
      %swap3A_2685 = vector.shape_cast %mul3A_2680 : vector<16xf32> to vector<1x16xf32>
      tpu.vector_store %arg12[%swap3A_2681, %swap3A_2682], %swap3A_2685 {strides = array<i32>} : memref<256x128xf32, #tpu.memory_space<vmem>>, vector<1x16xf32>,
      %mul3A_2686 = arith.mulf %add3A_2441, %broadcast_in_dim3A_2590 : vector<16xf32>
      %mul3A_2687 = arith.mulf %mul3A_2686, %mul3A_217 : vector<16xf32>
      %swap3A_2688 = arith.index_cast %add3A_2650 : i32 to index
      %swap3A_2689 = arith.constant 80 : index
      %swap3A_2690 = tpu.vector_load %arg12[%swap3A_2688, %swap3A_2689] {strides = array<i32>} : memref<256x128xf32, #tpu.memory_space<vmem>>, vector<1x16xf32>,
      %swap3A_2691 = vector.shape_cast %swap3A_2690 : vector<1x16xf32> to vector<16xf32>
      %swap3A_2692 = vector.shape_cast %mul3A_2687 : vector<16xf32> to vector<1x16xf32>
      tpu.vector_store %arg12[%swap3A_2688, %swap3A_2689], %swap3A_2692 {strides = array<i32>} : memref<256x128xf32, #tpu.memory_space<vmem>>, vector<1x16xf32>,
      %mul3A_2693 = arith.mulf %add3A_2450, %broadcast_in_dim3A_2590 : vector<16xf32>
      %mul3A_2694 = arith.mulf %mul3A_2693, %mul3A_223 : vector<16xf32>
      %swap3A_2695 = arith.index_cast %add3A_2650 : i32 to index
      %swap3A_2696 = arith.constant 96 : index
      %swap3A_2697 = tpu.vector_load %arg12[%swap3A_2695, %swap3A_2696] {strides = array<i32>} : memref<256x128xf32, #tpu.memory_space<vmem>>, vector<1x16xf32>,
      %swap3A_2698 = vector.shape_cast %swap3A_2697 : vector<1x16xf32> to vector<16xf32>
      %swap3A_2699 = vector.shape_cast %mul3A_2694 : vector<16xf32> to vector<1x16xf32>
      tpu.vector_store %arg12[%swap3A_2695, %swap3A_2696], %swap3A_2699 {strides = array<i32>} : memref<256x128xf32, #tpu.memory_space<vmem>>, vector<1x16xf32>,
      %mul3A_2700 = arith.mulf %add3A_2459, %broadcast_in_dim3A_2590 : vector<16xf32>
      %mul3A_2701 = arith.mulf %mul3A_2700, %mul3A_229 : vector<16xf32>
      %swap3A_2702 = arith.index_cast %add3A_2650 : i32 to index
      %swap3A_2703 = arith.constant 112 : index
      %swap3A_2704 = tpu.vector_load %arg12[%swap3A_2702, %swap3A_2703] {strides = array<i32>} : memref<256x128xf32, #tpu.memory_space<vmem>>, vector<1x16xf32>,
      %swap3A_2705 = vector.shape_cast %swap3A_2704 : vector<1x16xf32> to vector<16xf32>
      %swap3A_2706 = vector.shape_cast %mul3A_2701 : vector<16xf32> to vector<1x16xf32>
      tpu.vector_store %arg12[%swap3A_2702, %swap3A_2703], %swap3A_2706 {strides = array<i32>} : memref<256x128xf32, #tpu.memory_space<vmem>>, vector<1x16xf32>,
      %add3A_2707 = arith.constant 12 : i32
      %add3A_2708 = arith.addi %mul3A_314, %add3A_2707 : i32
      %add3A_2709 = arith.constant 0 : i32
      %add3A_2710 = arith.addi %add3A_2708, %add3A_2709 : i32
      %slice3A_2711 = vector.extract_strided_slice %convert_element_type3A_318 {offsets = [12], sizes = [1], strides = [1]} : vector<16xf32> to vector<1xf32>
      %squeeze3A_2712 = vector.extract %slice3A_2711[0] : f32 from vector<1xf32>
      %broadcast_in_dim3A_2713 = vector.broadcast %squeeze3A_2712 : f32 to vector<16xf32>
      %get3A_2714 = arith.index_cast %add3A_2710 : i32 to index
      %get3A_2715 = arith.constant 0 : index
      %get3A_2716 = tpu.vector_load %arg12[%get3A_2714, %get3A_2715] {strides = array<i32>} : memref<256x128xf32, #tpu.memory_space<vmem>>, vector<1x16xf32>,
      %get3A_2717 = vector.shape_cast %get3A_2716 : vector<1x16xf32> to vector<16xf32>
      %mul3A_2718 = arith.mulf %broadcast_in_dim3A_2713, %sub3A_104 : vector<16xf32>
      %add3A_2719 = arith.addf %get3A_58, %mul3A_2718 : vector<16xf32>
      %add3A_2720 = arith.addf %get3A_2717, %add3A_2719 : vector<16xf32>
      %mul3A_2721 = arith.mulf %add3A_2720, %add3A_2720 : vector<16xf32>
      %get3A_2722 = arith.index_cast %add3A_2710 : i32 to index
      %get3A_2723 = arith.constant 16 : index
      %get3A_2724 = tpu.vector_load %arg12[%get3A_2722, %get3A_2723] {strides = array<i32>} : memref<256x128xf32, #tpu.memory_space<vmem>>, vector<1x16xf32>,
      %get3A_2725 = vector.shape_cast %get3A_2724 : vector<1x16xf32> to vector<16xf32>
      %mul3A_2726 = arith.mulf %broadcast_in_dim3A_2713, %sub3A_115 : vector<16xf32>
      %add3A_2727 = arith.addf %get3A_63, %mul3A_2726 : vector<16xf32>
      %add3A_2728 = arith.addf %get3A_2725, %add3A_2727 : vector<16xf32>
      %mul3A_2729 = arith.mulf %add3A_2728, %add3A_2728 : vector<16xf32>
      %add3A_2730 = arith.addf %mul3A_2721, %mul3A_2729 : vector<16xf32>
      %get3A_2731 = arith.index_cast %add3A_2710 : i32 to index
      %get3A_2732 = arith.constant 32 : index
      %get3A_2733 = tpu.vector_load %arg12[%get3A_2731, %get3A_2732] {strides = array<i32>} : memref<256x128xf32, #tpu.memory_space<vmem>>, vector<1x16xf32>,
      %get3A_2734 = vector.shape_cast %get3A_2733 : vector<1x16xf32> to vector<16xf32>
      %mul3A_2735 = arith.mulf %broadcast_in_dim3A_2713, %sub3A_126 : vector<16xf32>
      %add3A_2736 = arith.addf %get3A_68, %mul3A_2735 : vector<16xf32>
      %add3A_2737 = arith.addf %get3A_2734, %add3A_2736 : vector<16xf32>
      %mul3A_2738 = arith.mulf %add3A_2737, %add3A_2737 : vector<16xf32>
      %add3A_2739 = arith.addf %add3A_2730, %mul3A_2738 : vector<16xf32>
      %get3A_2740 = arith.index_cast %add3A_2710 : i32 to index
      %get3A_2741 = arith.constant 48 : index
      %get3A_2742 = tpu.vector_load %arg12[%get3A_2740, %get3A_2741] {strides = array<i32>} : memref<256x128xf32, #tpu.memory_space<vmem>>, vector<1x16xf32>,
      %get3A_2743 = vector.shape_cast %get3A_2742 : vector<1x16xf32> to vector<16xf32>
      %mul3A_2744 = arith.mulf %broadcast_in_dim3A_2713, %sub3A_137 : vector<16xf32>
      %add3A_2745 = arith.addf %get3A_73, %mul3A_2744 : vector<16xf32>
      %add3A_2746 = arith.addf %get3A_2743, %add3A_2745 : vector<16xf32>
      %mul3A_2747 = arith.mulf %add3A_2746, %add3A_2746 : vector<16xf32>
      %add3A_2748 = arith.addf %add3A_2739, %mul3A_2747 : vector<16xf32>
      %get3A_2749 = arith.index_cast %add3A_2710 : i32 to index
      %get3A_2750 = arith.constant 64 : index
      %get3A_2751 = tpu.vector_load %arg12[%get3A_2749, %get3A_2750] {strides = array<i32>} : memref<256x128xf32, #tpu.memory_space<vmem>>, vector<1x16xf32>,
      %get3A_2752 = vector.shape_cast %get3A_2751 : vector<1x16xf32> to vector<16xf32>
      %mul3A_2753 = arith.mulf %broadcast_in_dim3A_2713, %sub3A_148 : vector<16xf32>
      %add3A_2754 = arith.addf %get3A_78, %mul3A_2753 : vector<16xf32>
      %add3A_2755 = arith.addf %get3A_2752, %add3A_2754 : vector<16xf32>
      %mul3A_2756 = arith.mulf %add3A_2755, %add3A_2755 : vector<16xf32>
      %add3A_2757 = arith.addf %add3A_2748, %mul3A_2756 : vector<16xf32>
      %get3A_2758 = arith.index_cast %add3A_2710 : i32 to index
      %get3A_2759 = arith.constant 80 : index
      %get3A_2760 = tpu.vector_load %arg12[%get3A_2758, %get3A_2759] {strides = array<i32>} : memref<256x128xf32, #tpu.memory_space<vmem>>, vector<1x16xf32>,
      %get3A_2761 = vector.shape_cast %get3A_2760 : vector<1x16xf32> to vector<16xf32>
      %mul3A_2762 = arith.mulf %broadcast_in_dim3A_2713, %sub3A_159 : vector<16xf32>
      %add3A_2763 = arith.addf %get3A_83, %mul3A_2762 : vector<16xf32>
      %add3A_2764 = arith.addf %get3A_2761, %add3A_2763 : vector<16xf32>
      %mul3A_2765 = arith.mulf %add3A_2764, %add3A_2764 : vector<16xf32>
      %add3A_2766 = arith.addf %add3A_2757, %mul3A_2765 : vector<16xf32>
      %get3A_2767 = arith.index_cast %add3A_2710 : i32 to index
      %get3A_2768 = arith.constant 96 : index
      %get3A_2769 = tpu.vector_load %arg12[%get3A_2767, %get3A_2768] {strides = array<i32>} : memref<256x128xf32, #tpu.memory_space<vmem>>, vector<1x16xf32>,
      %get3A_2770 = vector.shape_cast %get3A_2769 : vector<1x16xf32> to vector<16xf32>
      %mul3A_2771 = arith.mulf %broadcast_in_dim3A_2713, %sub3A_170 : vector<16xf32>
      %add3A_2772 = arith.addf %get3A_88, %mul3A_2771 : vector<16xf32>
      %add3A_2773 = arith.addf %get3A_2770, %add3A_2772 : vector<16xf32>
      %mul3A_2774 = arith.mulf %add3A_2773, %add3A_2773 : vector<16xf32>
      %add3A_2775 = arith.addf %add3A_2766, %mul3A_2774 : vector<16xf32>
      %get3A_2776 = arith.index_cast %add3A_2710 : i32 to index
      %get3A_2777 = arith.constant 112 : index
      %get3A_2778 = tpu.vector_load %arg12[%get3A_2776, %get3A_2777] {strides = array<i32>} : memref<256x128xf32, #tpu.memory_space<vmem>>, vector<1x16xf32>,
      %get3A_2779 = vector.shape_cast %get3A_2778 : vector<1x16xf32> to vector<16xf32>
      %mul3A_2780 = arith.mulf %broadcast_in_dim3A_2713, %sub3A_181 : vector<16xf32>
      %add3A_2781 = arith.addf %get3A_93, %mul3A_2780 : vector<16xf32>
      %add3A_2782 = arith.addf %get3A_2779, %add3A_2781 : vector<16xf32>
      %mul3A_2783 = arith.mulf %add3A_2782, %add3A_2782 : vector<16xf32>
      %add3A_2784 = arith.addf %add3A_2775, %mul3A_2783 : vector<16xf32>
      %add3A_2785 = arith.constant 1 : i32
      %add3A_2786 = arith.addi %add3A_2708, %add3A_2785 : i32
      %slice3A_2787 = vector.extract_strided_slice %convert_element_type3A_318 {offsets = [13], sizes = [1], strides = [1]} : vector<16xf32> to vector<1xf32>
      %squeeze3A_2788 = vector.extract %slice3A_2787[0] : f32 from vector<1xf32>
      %broadcast_in_dim3A_2789 = vector.broadcast %squeeze3A_2788 : f32 to vector<16xf32>
      %get3A_2790 = arith.index_cast %add3A_2786 : i32 to index
      %get3A_2791 = arith.constant 0 : index
      %get3A_2792 = tpu.vector_load %arg12[%get3A_2790, %get3A_2791] {strides = array<i32>} : memref<256x128xf32, #tpu.memory_space<vmem>>, vector<1x16xf32>,
      %get3A_2793 = vector.shape_cast %get3A_2792 : vector<1x16xf32> to vector<16xf32>
      %mul3A_2794 = arith.mulf %broadcast_in_dim3A_2789, %sub3A_104 : vector<16xf32>
      %add3A_2795 = arith.addf %get3A_58, %mul3A_2794 : vector<16xf32>
      %add3A_2796 = arith.addf %get3A_2793, %add3A_2795 : vector<16xf32>
      %mul3A_2797 = arith.mulf %add3A_2796, %add3A_2796 : vector<16xf32>
      %get3A_2798 = arith.index_cast %add3A_2786 : i32 to index
      %get3A_2799 = arith.constant 16 : index
      %get3A_2800 = tpu.vector_load %arg12[%get3A_2798, %get3A_2799] {strides = array<i32>} : memref<256x128xf32, #tpu.memory_space<vmem>>, vector<1x16xf32>,
      %get3A_2801 = vector.shape_cast %get3A_2800 : vector<1x16xf32> to vector<16xf32>
      %mul3A_2802 = arith.mulf %broadcast_in_dim3A_2789, %sub3A_115 : vector<16xf32>
      %add3A_2803 = arith.addf %get3A_63, %mul3A_2802 : vector<16xf32>
      %add3A_2804 = arith.addf %get3A_2801, %add3A_2803 : vector<16xf32>
      %mul3A_2805 = arith.mulf %add3A_2804, %add3A_2804 : vector<16xf32>
      %add3A_2806 = arith.addf %mul3A_2797, %mul3A_2805 : vector<16xf32>
      %get3A_2807 = arith.index_cast %add3A_2786 : i32 to index
      %get3A_2808 = arith.constant 32 : index
      %get3A_2809 = tpu.vector_load %arg12[%get3A_2807, %get3A_2808] {strides = array<i32>} : memref<256x128xf32, #tpu.memory_space<vmem>>, vector<1x16xf32>,
      %get3A_2810 = vector.shape_cast %get3A_2809 : vector<1x16xf32> to vector<16xf32>
      %mul3A_2811 = arith.mulf %broadcast_in_dim3A_2789, %sub3A_126 : vector<16xf32>
      %add3A_2812 = arith.addf %get3A_68, %mul3A_2811 : vector<16xf32>
      %add3A_2813 = arith.addf %get3A_2810, %add3A_2812 : vector<16xf32>
      %mul3A_2814 = arith.mulf %add3A_2813, %add3A_2813 : vector<16xf32>
      %add3A_2815 = arith.addf %add3A_2806, %mul3A_2814 : vector<16xf32>
      %get3A_2816 = arith.index_cast %add3A_2786 : i32 to index
      %get3A_2817 = arith.constant 48 : index
      %get3A_2818 = tpu.vector_load %arg12[%get3A_2816, %get3A_2817] {strides = array<i32>} : memref<256x128xf32, #tpu.memory_space<vmem>>, vector<1x16xf32>,
      %get3A_2819 = vector.shape_cast %get3A_2818 : vector<1x16xf32> to vector<16xf32>
      %mul3A_2820 = arith.mulf %broadcast_in_dim3A_2789, %sub3A_137 : vector<16xf32>
      %add3A_2821 = arith.addf %get3A_73, %mul3A_2820 : vector<16xf32>
      %add3A_2822 = arith.addf %get3A_2819, %add3A_2821 : vector<16xf32>
      %mul3A_2823 = arith.mulf %add3A_2822, %add3A_2822 : vector<16xf32>
      %add3A_2824 = arith.addf %add3A_2815, %mul3A_2823 : vector<16xf32>
      %get3A_2825 = arith.index_cast %add3A_2786 : i32 to index
      %get3A_2826 = arith.constant 64 : index
      %get3A_2827 = tpu.vector_load %arg12[%get3A_2825, %get3A_2826] {strides = array<i32>} : memref<256x128xf32, #tpu.memory_space<vmem>>, vector<1x16xf32>,
      %get3A_2828 = vector.shape_cast %get3A_2827 : vector<1x16xf32> to vector<16xf32>
      %mul3A_2829 = arith.mulf %broadcast_in_dim3A_2789, %sub3A_148 : vector<16xf32>
      %add3A_2830 = arith.addf %get3A_78, %mul3A_2829 : vector<16xf32>
      %add3A_2831 = arith.addf %get3A_2828, %add3A_2830 : vector<16xf32>
      %mul3A_2832 = arith.mulf %add3A_2831, %add3A_2831 : vector<16xf32>
      %add3A_2833 = arith.addf %add3A_2824, %mul3A_2832 : vector<16xf32>
      %get3A_2834 = arith.index_cast %add3A_2786 : i32 to index
      %get3A_2835 = arith.constant 80 : index
      %get3A_2836 = tpu.vector_load %arg12[%get3A_2834, %get3A_2835] {strides = array<i32>} : memref<256x128xf32, #tpu.memory_space<vmem>>, vector<1x16xf32>,
      %get3A_2837 = vector.shape_cast %get3A_2836 : vector<1x16xf32> to vector<16xf32>
      %mul3A_2838 = arith.mulf %broadcast_in_dim3A_2789, %sub3A_159 : vector<16xf32>
      %add3A_2839 = arith.addf %get3A_83, %mul3A_2838 : vector<16xf32>
      %add3A_2840 = arith.addf %get3A_2837, %add3A_2839 : vector<16xf32>
      %mul3A_2841 = arith.mulf %add3A_2840, %add3A_2840 : vector<16xf32>
      %add3A_2842 = arith.addf %add3A_2833, %mul3A_2841 : vector<16xf32>
      %get3A_2843 = arith.index_cast %add3A_2786 : i32 to index
      %get3A_2844 = arith.constant 96 : index
      %get3A_2845 = tpu.vector_load %arg12[%get3A_2843, %get3A_2844] {strides = array<i32>} : memref<256x128xf32, #tpu.memory_space<vmem>>, vector<1x16xf32>,
      %get3A_2846 = vector.shape_cast %get3A_2845 : vector<1x16xf32> to vector<16xf32>
      %mul3A_2847 = arith.mulf %broadcast_in_dim3A_2789, %sub3A_170 : vector<16xf32>
      %add3A_2848 = arith.addf %get3A_88, %mul3A_2847 : vector<16xf32>
      %add3A_2849 = arith.addf %get3A_2846, %add3A_2848 : vector<16xf32>
      %mul3A_2850 = arith.mulf %add3A_2849, %add3A_2849 : vector<16xf32>
      %add3A_2851 = arith.addf %add3A_2842, %mul3A_2850 : vector<16xf32>
      %get3A_2852 = arith.index_cast %add3A_2786 : i32 to index
      %get3A_2853 = arith.constant 112 : index
      %get3A_2854 = tpu.vector_load %arg12[%get3A_2852, %get3A_2853] {strides = array<i32>} : memref<256x128xf32, #tpu.memory_space<vmem>>, vector<1x16xf32>,
      %get3A_2855 = vector.shape_cast %get3A_2854 : vector<1x16xf32> to vector<16xf32>
      %mul3A_2856 = arith.mulf %broadcast_in_dim3A_2789, %sub3A_181 : vector<16xf32>
      %add3A_2857 = arith.addf %get3A_93, %mul3A_2856 : vector<16xf32>
      %add3A_2858 = arith.addf %get3A_2855, %add3A_2857 : vector<16xf32>
      %mul3A_2859 = arith.mulf %add3A_2858, %add3A_2858 : vector<16xf32>
      %add3A_2860 = arith.addf %add3A_2851, %mul3A_2859 : vector<16xf32>
      %lt3A_2861 = arith.constant 0 : i32
      %lt3A_2862 = vector.broadcast %lt3A_2861 : i32 to vector<16xi32>
      %lt3A_2863 = arith.cmpi slt, %xor3A_231, %lt3A_2862 : vector<16xi32>
      %add3A_2864 = arith.constant 16 : i32
      %add3A_2865 = vector.broadcast %add3A_2864 : i32 to vector<16xi32>
      %add3A_2866 = arith.addi %xor3A_231, %add3A_2865 : vector<16xi32>
      %select_n3A_2867 = arith.select %lt3A_2863, %add3A_2866, %xor3A_231 : vector<16xi1>, vector<16xi32>
      %broadcast_in_dim3A_2868 = vector.shape_cast %select_n3A_2867 : vector<16xi32> to vector<16x1xi32>
      %gather3A_2869 = vector.shape_cast %broadcast_in_dim3A_2868 : vector<16x1xi32> to vector<16xi32>
      %gather3A_2870 = tpu.dynamic_gather %add3A_2784[%gather3A_2869] in [0] : vector<16xf32>, vector<16xi32> -> vector<16xf32>
      %add3A_2871 = arith.addf %add3A_2784, %gather3A_2870 : vector<16xf32>
      %lt3A_2872 = arith.constant 0 : i32
      %lt3A_2873 = vector.broadcast %lt3A_2872 : i32 to vector<16xi32>
      %lt3A_2874 = arith.cmpi slt, %xor3A_231, %lt3A_2873 : vector<16xi32>
      %add3A_2875 = arith.constant 16 : i32
      %add3A_2876 = vector.broadcast %add3A_2875 : i32 to vector<16xi32>
      %add3A_2877 = arith.addi %xor3A_231, %add3A_2876 : vector<16xi32>
      %select_n3A_2878 = arith.select %lt3A_2874, %add3A_2877, %xor3A_231 : vector<16xi1>, vector<16xi32>
      %broadcast_in_dim3A_2879 = vector.shape_cast %select_n3A_2878 : vector<16xi32> to vector<16x1xi32>
      %gather3A_2880 = vector.shape_cast %broadcast_in_dim3A_2879 : vector<16x1xi32> to vector<16xi32>
      %gather3A_2881 = tpu.dynamic_gather %add3A_2860[%gather3A_2880] in [0] : vector<16xf32>, vector<16xi32> -> vector<16xf32>
      %add3A_2882 = arith.addf %add3A_2860, %gather3A_2881 : vector<16xf32>
      %lt3A_2883 = arith.constant 0 : i32
      %lt3A_2884 = vector.broadcast %lt3A_2883 : i32 to vector<16xi32>
      %lt3A_2885 = arith.cmpi slt, %xor3A_234, %lt3A_2884 : vector<16xi32>
      %add3A_2886 = arith.constant 16 : i32
      %add3A_2887 = vector.broadcast %add3A_2886 : i32 to vector<16xi32>
      %add3A_2888 = arith.addi %xor3A_234, %add3A_2887 : vector<16xi32>
      %select_n3A_2889 = arith.select %lt3A_2885, %add3A_2888, %xor3A_234 : vector<16xi1>, vector<16xi32>
      %broadcast_in_dim3A_2890 = vector.shape_cast %select_n3A_2889 : vector<16xi32> to vector<16x1xi32>
      %gather3A_2891 = vector.shape_cast %broadcast_in_dim3A_2890 : vector<16x1xi32> to vector<16xi32>
      %gather3A_2892 = tpu.dynamic_gather %add3A_2871[%gather3A_2891] in [0] : vector<16xf32>, vector<16xi32> -> vector<16xf32>
      %add3A_2893 = arith.addf %add3A_2871, %gather3A_2892 : vector<16xf32>
      %lt3A_2894 = arith.constant 0 : i32
      %lt3A_2895 = vector.broadcast %lt3A_2894 : i32 to vector<16xi32>
      %lt3A_2896 = arith.cmpi slt, %xor3A_234, %lt3A_2895 : vector<16xi32>
      %add3A_2897 = arith.constant 16 : i32
      %add3A_2898 = vector.broadcast %add3A_2897 : i32 to vector<16xi32>
      %add3A_2899 = arith.addi %xor3A_234, %add3A_2898 : vector<16xi32>
      %select_n3A_2900 = arith.select %lt3A_2896, %add3A_2899, %xor3A_234 : vector<16xi1>, vector<16xi32>
      %broadcast_in_dim3A_2901 = vector.shape_cast %select_n3A_2900 : vector<16xi32> to vector<16x1xi32>
      %gather3A_2902 = vector.shape_cast %broadcast_in_dim3A_2901 : vector<16x1xi32> to vector<16xi32>
      %gather3A_2903 = tpu.dynamic_gather %add3A_2882[%gather3A_2902] in [0] : vector<16xf32>, vector<16xi32> -> vector<16xf32>
      %add3A_2904 = arith.addf %add3A_2882, %gather3A_2903 : vector<16xf32>
      %lt3A_2905 = arith.constant 0 : i32
      %lt3A_2906 = vector.broadcast %lt3A_2905 : i32 to vector<16xi32>
      %lt3A_2907 = arith.cmpi slt, %xor3A_237, %lt3A_2906 : vector<16xi32>
      %add3A_2908 = arith.constant 16 : i32
      %add3A_2909 = vector.broadcast %add3A_2908 : i32 to vector<16xi32>
      %add3A_2910 = arith.addi %xor3A_237, %add3A_2909 : vector<16xi32>
      %select_n3A_2911 = arith.select %lt3A_2907, %add3A_2910, %xor3A_237 : vector<16xi1>, vector<16xi32>
      %broadcast_in_dim3A_2912 = vector.shape_cast %select_n3A_2911 : vector<16xi32> to vector<16x1xi32>
      %gather3A_2913 = vector.shape_cast %broadcast_in_dim3A_2912 : vector<16x1xi32> to vector<16xi32>
      %gather3A_2914 = tpu.dynamic_gather %add3A_2893[%gather3A_2913] in [0] : vector<16xf32>, vector<16xi32> -> vector<16xf32>
      %add3A_2915 = arith.addf %add3A_2893, %gather3A_2914 : vector<16xf32>
      %lt3A_2916 = arith.constant 0 : i32
      %lt3A_2917 = vector.broadcast %lt3A_2916 : i32 to vector<16xi32>
      %lt3A_2918 = arith.cmpi slt, %xor3A_237, %lt3A_2917 : vector<16xi32>
      %add3A_2919 = arith.constant 16 : i32
      %add3A_2920 = vector.broadcast %add3A_2919 : i32 to vector<16xi32>
      %add3A_2921 = arith.addi %xor3A_237, %add3A_2920 : vector<16xi32>
      %select_n3A_2922 = arith.select %lt3A_2918, %add3A_2921, %xor3A_237 : vector<16xi1>, vector<16xi32>
      %broadcast_in_dim3A_2923 = vector.shape_cast %select_n3A_2922 : vector<16xi32> to vector<16x1xi32>
      %gather3A_2924 = vector.shape_cast %broadcast_in_dim3A_2923 : vector<16x1xi32> to vector<16xi32>
      %gather3A_2925 = tpu.dynamic_gather %add3A_2904[%gather3A_2924] in [0] : vector<16xf32>, vector<16xi32> -> vector<16xf32>
      %add3A_2926 = arith.addf %add3A_2904, %gather3A_2925 : vector<16xf32>
      %lt3A_2927 = arith.constant 0 : i32
      %lt3A_2928 = vector.broadcast %lt3A_2927 : i32 to vector<16xi32>
      %lt3A_2929 = arith.cmpi slt, %xor3A_240, %lt3A_2928 : vector<16xi32>
      %add3A_2930 = arith.constant 16 : i32
      %add3A_2931 = vector.broadcast %add3A_2930 : i32 to vector<16xi32>
      %add3A_2932 = arith.addi %xor3A_240, %add3A_2931 : vector<16xi32>
      %select_n3A_2933 = arith.select %lt3A_2929, %add3A_2932, %xor3A_240 : vector<16xi1>, vector<16xi32>
      %broadcast_in_dim3A_2934 = vector.shape_cast %select_n3A_2933 : vector<16xi32> to vector<16x1xi32>
      %gather3A_2935 = vector.shape_cast %broadcast_in_dim3A_2934 : vector<16x1xi32> to vector<16xi32>
      %gather3A_2936 = tpu.dynamic_gather %add3A_2915[%gather3A_2935] in [0] : vector<16xf32>, vector<16xi32> -> vector<16xf32>
      %add3A_2937 = arith.addf %add3A_2915, %gather3A_2936 : vector<16xf32>
      %lt3A_2938 = arith.constant 0 : i32
      %lt3A_2939 = vector.broadcast %lt3A_2938 : i32 to vector<16xi32>
      %lt3A_2940 = arith.cmpi slt, %xor3A_240, %lt3A_2939 : vector<16xi32>
      %add3A_2941 = arith.constant 16 : i32
      %add3A_2942 = vector.broadcast %add3A_2941 : i32 to vector<16xi32>
      %add3A_2943 = arith.addi %xor3A_240, %add3A_2942 : vector<16xi32>
      %select_n3A_2944 = arith.select %lt3A_2940, %add3A_2943, %xor3A_240 : vector<16xi1>, vector<16xi32>
      %broadcast_in_dim3A_2945 = vector.shape_cast %select_n3A_2944 : vector<16xi32> to vector<16x1xi32>
      %gather3A_2946 = vector.shape_cast %broadcast_in_dim3A_2945 : vector<16x1xi32> to vector<16xi32>
      %gather3A_2947 = tpu.dynamic_gather %add3A_2926[%gather3A_2946] in [0] : vector<16xf32>, vector<16xi32> -> vector<16xf32>
      %add3A_2948 = arith.addf %add3A_2926, %gather3A_2947 : vector<16xf32>
      %mul3A_2949 = arith.mulf %add3A_2937, %convert_element_type3A : vector<16xf32>
      %mul3A_2950 = arith.mulf %add3A_2948, %sub3A_250 : vector<16xf32>
      %add3A_2951 = arith.addf %mul3A_2949, %mul3A_2950 : vector<16xf32>
      %add3A_2952 = arith.constant 1.280000e-04 : f32
      %add3A_2953 = vector.broadcast %add3A_2952 : f32 to vector<16xf32>
      %add3A_2954 = arith.addf %add3A_2951, %add3A_2953 : vector<16xf32>
      %bitcast_convert_type3A_2955 = tpu.bitcast %add3A_2954 : vector<16xf32> -> vector<16xi32>
      %shift_right_arithmetic3A_2956 = arith.constant 1 : i32
      %shift_right_arithmetic3A_2957 = vector.broadcast %shift_right_arithmetic3A_2956 : i32 to vector<16xi32>
      %shift_right_arithmetic3A_2958 = arith.shrsi %bitcast_convert_type3A_2955, %shift_right_arithmetic3A_2957 : vector<16xi32>
      %sub3A_2959 = arith.constant 1597463007 : i32
      %sub3A_2960 = vector.broadcast %sub3A_2959 : i32 to vector<16xi32>
      %sub3A_2961 = arith.subi %sub3A_2960, %shift_right_arithmetic3A_2958 : vector<16xi32>
      %bitcast_convert_type3A_2962 = tpu.bitcast %sub3A_2961 : vector<16xi32> -> vector<16xf32>
      %mul3A_2963 = arith.constant 5.000000e-01 : f32
      %mul3A_2964 = vector.broadcast %mul3A_2963 : f32 to vector<16xf32>
      %mul3A_2965 = arith.mulf %add3A_2954, %mul3A_2964 : vector<16xf32>
      %mul3A_2966 = arith.mulf %mul3A_2965, %bitcast_convert_type3A_2962 : vector<16xf32>
      %mul3A_2967 = arith.mulf %mul3A_2966, %bitcast_convert_type3A_2962 : vector<16xf32>
      %sub3A_2968 = arith.constant 1.500000e+00 : f32
      %sub3A_2969 = vector.broadcast %sub3A_2968 : f32 to vector<16xf32>
      %sub3A_2970 = arith.subf %sub3A_2969, %mul3A_2967 : vector<16xf32>
      %mul3A_2971 = arith.mulf %bitcast_convert_type3A_2962, %sub3A_2970 : vector<16xf32>
      %mul3A_2972 = arith.mulf %mul3A_2965, %mul3A_2971 : vector<16xf32>
      %mul3A_2973 = arith.mulf %mul3A_2972, %mul3A_2971 : vector<16xf32>
      %sub3A_2974 = arith.constant 1.500000e+00 : f32
      %sub3A_2975 = vector.broadcast %sub3A_2974 : f32 to vector<16xf32>
      %sub3A_2976 = arith.subf %sub3A_2975, %mul3A_2973 : vector<16xf32>
      %mul3A_2977 = arith.mulf %mul3A_2971, %sub3A_2976 : vector<16xf32>
      %mul3A_2978 = arith.mulf %mul3A_2965, %mul3A_2977 : vector<16xf32>
      %mul3A_2979 = arith.mulf %mul3A_2978, %mul3A_2977 : vector<16xf32>
      %sub3A_2980 = arith.constant 1.500000e+00 : f32
      %sub3A_2981 = vector.broadcast %sub3A_2980 : f32 to vector<16xf32>
      %sub3A_2982 = arith.subf %sub3A_2981, %mul3A_2979 : vector<16xf32>
      %mul3A_2983 = arith.mulf %mul3A_2977, %sub3A_2982 : vector<16xf32>
      %slice3A_2984 = vector.extract_strided_slice %mul3A_2983 {offsets = [0], sizes = [1], strides = [1]} : vector<16xf32> to vector<1xf32>
      %squeeze3A_2985 = vector.extract %slice3A_2984[0] : f32 from vector<1xf32>
      %broadcast_in_dim3A_2986 = vector.broadcast %squeeze3A_2985 : f32 to vector<16xf32>
      %slice3A_2987 = vector.extract_strided_slice %mul3A_2983 {offsets = [8], sizes = [1], strides = [1]} : vector<16xf32> to vector<1xf32>
      %squeeze3A_2988 = vector.extract %slice3A_2987[0] : f32 from vector<1xf32>
      %broadcast_in_dim3A_2989 = vector.broadcast %squeeze3A_2988 : f32 to vector<16xf32>
      %add3A_2990 = arith.constant 0 : i32
      %add3A_2991 = arith.addi %add3A_2708, %add3A_2990 : i32
      %mul3A_2992 = arith.mulf %add3A_2720, %broadcast_in_dim3A_2986 : vector<16xf32>
      %mul3A_2993 = arith.mulf %mul3A_2992, %mul3A_187 : vector<16xf32>
      %swap3A_2994 = arith.index_cast %add3A_2991 : i32 to index
      %swap3A_2995 = arith.constant 0 : index
      %swap3A_2996 = tpu.vector_load %arg12[%swap3A_2994, %swap3A_2995] {strides = array<i32>} : memref<256x128xf32, #tpu.memory_space<vmem>>, vector<1x16xf32>,
      %swap3A_2997 = vector.shape_cast %swap3A_2996 : vector<1x16xf32> to vector<16xf32>
      %swap3A_2998 = vector.shape_cast %mul3A_2993 : vector<16xf32> to vector<1x16xf32>
      tpu.vector_store %arg12[%swap3A_2994, %swap3A_2995], %swap3A_2998 {strides = array<i32>} : memref<256x128xf32, #tpu.memory_space<vmem>>, vector<1x16xf32>,
      %mul3A_2999 = arith.mulf %add3A_2728, %broadcast_in_dim3A_2986 : vector<16xf32>
      %mul3A_3000 = arith.mulf %mul3A_2999, %mul3A_193 : vector<16xf32>
      %swap3A_3001 = arith.index_cast %add3A_2991 : i32 to index
      %swap3A_3002 = arith.constant 16 : index
      %swap3A_3003 = tpu.vector_load %arg12[%swap3A_3001, %swap3A_3002] {strides = array<i32>} : memref<256x128xf32, #tpu.memory_space<vmem>>, vector<1x16xf32>,
      %swap3A_3004 = vector.shape_cast %swap3A_3003 : vector<1x16xf32> to vector<16xf32>
      %swap3A_3005 = vector.shape_cast %mul3A_3000 : vector<16xf32> to vector<1x16xf32>
      tpu.vector_store %arg12[%swap3A_3001, %swap3A_3002], %swap3A_3005 {strides = array<i32>} : memref<256x128xf32, #tpu.memory_space<vmem>>, vector<1x16xf32>,
      %mul3A_3006 = arith.mulf %add3A_2737, %broadcast_in_dim3A_2986 : vector<16xf32>
      %mul3A_3007 = arith.mulf %mul3A_3006, %mul3A_199 : vector<16xf32>
      %swap3A_3008 = arith.index_cast %add3A_2991 : i32 to index
      %swap3A_3009 = arith.constant 32 : index
      %swap3A_3010 = tpu.vector_load %arg12[%swap3A_3008, %swap3A_3009] {strides = array<i32>} : memref<256x128xf32, #tpu.memory_space<vmem>>, vector<1x16xf32>,
      %swap3A_3011 = vector.shape_cast %swap3A_3010 : vector<1x16xf32> to vector<16xf32>
      %swap3A_3012 = vector.shape_cast %mul3A_3007 : vector<16xf32> to vector<1x16xf32>
      tpu.vector_store %arg12[%swap3A_3008, %swap3A_3009], %swap3A_3012 {strides = array<i32>} : memref<256x128xf32, #tpu.memory_space<vmem>>, vector<1x16xf32>,
      %mul3A_3013 = arith.mulf %add3A_2746, %broadcast_in_dim3A_2986 : vector<16xf32>
      %mul3A_3014 = arith.mulf %mul3A_3013, %mul3A_205 : vector<16xf32>
      %swap3A_3015 = arith.index_cast %add3A_2991 : i32 to index
      %swap3A_3016 = arith.constant 48 : index
      %swap3A_3017 = tpu.vector_load %arg12[%swap3A_3015, %swap3A_3016] {strides = array<i32>} : memref<256x128xf32, #tpu.memory_space<vmem>>, vector<1x16xf32>,
      %swap3A_3018 = vector.shape_cast %swap3A_3017 : vector<1x16xf32> to vector<16xf32>
      %swap3A_3019 = vector.shape_cast %mul3A_3014 : vector<16xf32> to vector<1x16xf32>
      tpu.vector_store %arg12[%swap3A_3015, %swap3A_3016], %swap3A_3019 {strides = array<i32>} : memref<256x128xf32, #tpu.memory_space<vmem>>, vector<1x16xf32>,
      %mul3A_3020 = arith.mulf %add3A_2755, %broadcast_in_dim3A_2986 : vector<16xf32>
      %mul3A_3021 = arith.mulf %mul3A_3020, %mul3A_211 : vector<16xf32>
      %swap3A_3022 = arith.index_cast %add3A_2991 : i32 to index
      %swap3A_3023 = arith.constant 64 : index
      %swap3A_3024 = tpu.vector_load %arg12[%swap3A_3022, %swap3A_3023] {strides = array<i32>} : memref<256x128xf32, #tpu.memory_space<vmem>>, vector<1x16xf32>,
      %swap3A_3025 = vector.shape_cast %swap3A_3024 : vector<1x16xf32> to vector<16xf32>
      %swap3A_3026 = vector.shape_cast %mul3A_3021 : vector<16xf32> to vector<1x16xf32>
      tpu.vector_store %arg12[%swap3A_3022, %swap3A_3023], %swap3A_3026 {strides = array<i32>} : memref<256x128xf32, #tpu.memory_space<vmem>>, vector<1x16xf32>,
      %mul3A_3027 = arith.mulf %add3A_2764, %broadcast_in_dim3A_2986 : vector<16xf32>
      %mul3A_3028 = arith.mulf %mul3A_3027, %mul3A_217 : vector<16xf32>
      %swap3A_3029 = arith.index_cast %add3A_2991 : i32 to index
      %swap3A_3030 = arith.constant 80 : index
      %swap3A_3031 = tpu.vector_load %arg12[%swap3A_3029, %swap3A_3030] {strides = array<i32>} : memref<256x128xf32, #tpu.memory_space<vmem>>, vector<1x16xf32>,
      %swap3A_3032 = vector.shape_cast %swap3A_3031 : vector<1x16xf32> to vector<16xf32>
      %swap3A_3033 = vector.shape_cast %mul3A_3028 : vector<16xf32> to vector<1x16xf32>
      tpu.vector_store %arg12[%swap3A_3029, %swap3A_3030], %swap3A_3033 {strides = array<i32>} : memref<256x128xf32, #tpu.memory_space<vmem>>, vector<1x16xf32>,
      %mul3A_3034 = arith.mulf %add3A_2773, %broadcast_in_dim3A_2986 : vector<16xf32>
      %mul3A_3035 = arith.mulf %mul3A_3034, %mul3A_223 : vector<16xf32>
      %swap3A_3036 = arith.index_cast %add3A_2991 : i32 to index
      %swap3A_3037 = arith.constant 96 : index
      %swap3A_3038 = tpu.vector_load %arg12[%swap3A_3036, %swap3A_3037] {strides = array<i32>} : memref<256x128xf32, #tpu.memory_space<vmem>>, vector<1x16xf32>,
      %swap3A_3039 = vector.shape_cast %swap3A_3038 : vector<1x16xf32> to vector<16xf32>
      %swap3A_3040 = vector.shape_cast %mul3A_3035 : vector<16xf32> to vector<1x16xf32>
      tpu.vector_store %arg12[%swap3A_3036, %swap3A_3037], %swap3A_3040 {strides = array<i32>} : memref<256x128xf32, #tpu.memory_space<vmem>>, vector<1x16xf32>,
      %mul3A_3041 = arith.mulf %add3A_2782, %broadcast_in_dim3A_2986 : vector<16xf32>
      %mul3A_3042 = arith.mulf %mul3A_3041, %mul3A_229 : vector<16xf32>
      %swap3A_3043 = arith.index_cast %add3A_2991 : i32 to index
      %swap3A_3044 = arith.constant 112 : index
      %swap3A_3045 = tpu.vector_load %arg12[%swap3A_3043, %swap3A_3044] {strides = array<i32>} : memref<256x128xf32, #tpu.memory_space<vmem>>, vector<1x16xf32>,
      %swap3A_3046 = vector.shape_cast %swap3A_3045 : vector<1x16xf32> to vector<16xf32>
      %swap3A_3047 = vector.shape_cast %mul3A_3042 : vector<16xf32> to vector<1x16xf32>
      tpu.vector_store %arg12[%swap3A_3043, %swap3A_3044], %swap3A_3047 {strides = array<i32>} : memref<256x128xf32, #tpu.memory_space<vmem>>, vector<1x16xf32>,
      %add3A_3048 = arith.constant 1 : i32
      %add3A_3049 = arith.addi %add3A_2708, %add3A_3048 : i32
      %mul3A_3050 = arith.mulf %add3A_2796, %broadcast_in_dim3A_2989 : vector<16xf32>
      %mul3A_3051 = arith.mulf %mul3A_3050, %mul3A_187 : vector<16xf32>
      %swap3A_3052 = arith.index_cast %add3A_3049 : i32 to index
      %swap3A_3053 = arith.constant 0 : index
      %swap3A_3054 = tpu.vector_load %arg12[%swap3A_3052, %swap3A_3053] {strides = array<i32>} : memref<256x128xf32, #tpu.memory_space<vmem>>, vector<1x16xf32>,
      %swap3A_3055 = vector.shape_cast %swap3A_3054 : vector<1x16xf32> to vector<16xf32>
      %swap3A_3056 = vector.shape_cast %mul3A_3051 : vector<16xf32> to vector<1x16xf32>
      tpu.vector_store %arg12[%swap3A_3052, %swap3A_3053], %swap3A_3056 {strides = array<i32>} : memref<256x128xf32, #tpu.memory_space<vmem>>, vector<1x16xf32>,
      %mul3A_3057 = arith.mulf %add3A_2804, %broadcast_in_dim3A_2989 : vector<16xf32>
      %mul3A_3058 = arith.mulf %mul3A_3057, %mul3A_193 : vector<16xf32>
      %swap3A_3059 = arith.index_cast %add3A_3049 : i32 to index
      %swap3A_3060 = arith.constant 16 : index
      %swap3A_3061 = tpu.vector_load %arg12[%swap3A_3059, %swap3A_3060] {strides = array<i32>} : memref<256x128xf32, #tpu.memory_space<vmem>>, vector<1x16xf32>,
      %swap3A_3062 = vector.shape_cast %swap3A_3061 : vector<1x16xf32> to vector<16xf32>
      %swap3A_3063 = vector.shape_cast %mul3A_3058 : vector<16xf32> to vector<1x16xf32>
      tpu.vector_store %arg12[%swap3A_3059, %swap3A_3060], %swap3A_3063 {strides = array<i32>} : memref<256x128xf32, #tpu.memory_space<vmem>>, vector<1x16xf32>,
      %mul3A_3064 = arith.mulf %add3A_2813, %broadcast_in_dim3A_2989 : vector<16xf32>
      %mul3A_3065 = arith.mulf %mul3A_3064, %mul3A_199 : vector<16xf32>
      %swap3A_3066 = arith.index_cast %add3A_3049 : i32 to index
      %swap3A_3067 = arith.constant 32 : index
      %swap3A_3068 = tpu.vector_load %arg12[%swap3A_3066, %swap3A_3067] {strides = array<i32>} : memref<256x128xf32, #tpu.memory_space<vmem>>, vector<1x16xf32>,
      %swap3A_3069 = vector.shape_cast %swap3A_3068 : vector<1x16xf32> to vector<16xf32>
      %swap3A_3070 = vector.shape_cast %mul3A_3065 : vector<16xf32> to vector<1x16xf32>
      tpu.vector_store %arg12[%swap3A_3066, %swap3A_3067], %swap3A_3070 {strides = array<i32>} : memref<256x128xf32, #tpu.memory_space<vmem>>, vector<1x16xf32>,
      %mul3A_3071 = arith.mulf %add3A_2822, %broadcast_in_dim3A_2989 : vector<16xf32>
      %mul3A_3072 = arith.mulf %mul3A_3071, %mul3A_205 : vector<16xf32>
      %swap3A_3073 = arith.index_cast %add3A_3049 : i32 to index
      %swap3A_3074 = arith.constant 48 : index
      %swap3A_3075 = tpu.vector_load %arg12[%swap3A_3073, %swap3A_3074] {strides = array<i32>} : memref<256x128xf32, #tpu.memory_space<vmem>>, vector<1x16xf32>,
      %swap3A_3076 = vector.shape_cast %swap3A_3075 : vector<1x16xf32> to vector<16xf32>
      %swap3A_3077 = vector.shape_cast %mul3A_3072 : vector<16xf32> to vector<1x16xf32>
      tpu.vector_store %arg12[%swap3A_3073, %swap3A_3074], %swap3A_3077 {strides = array<i32>} : memref<256x128xf32, #tpu.memory_space<vmem>>, vector<1x16xf32>,
      %mul3A_3078 = arith.mulf %add3A_2831, %broadcast_in_dim3A_2989 : vector<16xf32>
      %mul3A_3079 = arith.mulf %mul3A_3078, %mul3A_211 : vector<16xf32>
      %swap3A_3080 = arith.index_cast %add3A_3049 : i32 to index
      %swap3A_3081 = arith.constant 64 : index
      %swap3A_3082 = tpu.vector_load %arg12[%swap3A_3080, %swap3A_3081] {strides = array<i32>} : memref<256x128xf32, #tpu.memory_space<vmem>>, vector<1x16xf32>,
      %swap3A_3083 = vector.shape_cast %swap3A_3082 : vector<1x16xf32> to vector<16xf32>
      %swap3A_3084 = vector.shape_cast %mul3A_3079 : vector<16xf32> to vector<1x16xf32>
      tpu.vector_store %arg12[%swap3A_3080, %swap3A_3081], %swap3A_3084 {strides = array<i32>} : memref<256x128xf32, #tpu.memory_space<vmem>>, vector<1x16xf32>,
      %mul3A_3085 = arith.mulf %add3A_2840, %broadcast_in_dim3A_2989 : vector<16xf32>
      %mul3A_3086 = arith.mulf %mul3A_3085, %mul3A_217 : vector<16xf32>
      %swap3A_3087 = arith.index_cast %add3A_3049 : i32 to index
      %swap3A_3088 = arith.constant 80 : index
      %swap3A_3089 = tpu.vector_load %arg12[%swap3A_3087, %swap3A_3088] {strides = array<i32>} : memref<256x128xf32, #tpu.memory_space<vmem>>, vector<1x16xf32>,
      %swap3A_3090 = vector.shape_cast %swap3A_3089 : vector<1x16xf32> to vector<16xf32>
      %swap3A_3091 = vector.shape_cast %mul3A_3086 : vector<16xf32> to vector<1x16xf32>
      tpu.vector_store %arg12[%swap3A_3087, %swap3A_3088], %swap3A_3091 {strides = array<i32>} : memref<256x128xf32, #tpu.memory_space<vmem>>, vector<1x16xf32>,
      %mul3A_3092 = arith.mulf %add3A_2849, %broadcast_in_dim3A_2989 : vector<16xf32>
      %mul3A_3093 = arith.mulf %mul3A_3092, %mul3A_223 : vector<16xf32>
      %swap3A_3094 = arith.index_cast %add3A_3049 : i32 to index
      %swap3A_3095 = arith.constant 96 : index
      %swap3A_3096 = tpu.vector_load %arg12[%swap3A_3094, %swap3A_3095] {strides = array<i32>} : memref<256x128xf32, #tpu.memory_space<vmem>>, vector<1x16xf32>,
      %swap3A_3097 = vector.shape_cast %swap3A_3096 : vector<1x16xf32> to vector<16xf32>
      %swap3A_3098 = vector.shape_cast %mul3A_3093 : vector<16xf32> to vector<1x16xf32>
      tpu.vector_store %arg12[%swap3A_3094, %swap3A_3095], %swap3A_3098 {strides = array<i32>} : memref<256x128xf32, #tpu.memory_space<vmem>>, vector<1x16xf32>,
      %mul3A_3099 = arith.mulf %add3A_2858, %broadcast_in_dim3A_2989 : vector<16xf32>
      %mul3A_3100 = arith.mulf %mul3A_3099, %mul3A_229 : vector<16xf32>
      %swap3A_3101 = arith.index_cast %add3A_3049 : i32 to index
      %swap3A_3102 = arith.constant 112 : index
      %swap3A_3103 = tpu.vector_load %arg12[%swap3A_3101, %swap3A_3102] {strides = array<i32>} : memref<256x128xf32, #tpu.memory_space<vmem>>, vector<1x16xf32>,
      %swap3A_3104 = vector.shape_cast %swap3A_3103 : vector<1x16xf32> to vector<16xf32>
      %swap3A_3105 = vector.shape_cast %mul3A_3100 : vector<16xf32> to vector<1x16xf32>
      tpu.vector_store %arg12[%swap3A_3101, %swap3A_3102], %swap3A_3105 {strides = array<i32>} : memref<256x128xf32, #tpu.memory_space<vmem>>, vector<1x16xf32>,
      %add3A_3106 = arith.constant 14 : i32
      %add3A_3107 = arith.addi %mul3A_314, %add3A_3106 : i32
      %add3A_3108 = arith.constant 0 : i32
      %add3A_3109 = arith.addi %add3A_3107, %add3A_3108 : i32
      %slice3A_3110 = vector.extract_strided_slice %convert_element_type3A_318 {offsets = [14], sizes = [1], strides = [1]} : vector<16xf32> to vector<1xf32>
      %squeeze3A_3111 = vector.extract %slice3A_3110[0] : f32 from vector<1xf32>
      %broadcast_in_dim3A_3112 = vector.broadcast %squeeze3A_3111 : f32 to vector<16xf32>
      %get3A_3113 = arith.index_cast %add3A_3109 : i32 to index
      %get3A_3114 = arith.constant 0 : index
      %get3A_3115 = tpu.vector_load %arg12[%get3A_3113, %get3A_3114] {strides = array<i32>} : memref<256x128xf32, #tpu.memory_space<vmem>>, vector<1x16xf32>,
      %get3A_3116 = vector.shape_cast %get3A_3115 : vector<1x16xf32> to vector<16xf32>
      %mul3A_3117 = arith.mulf %broadcast_in_dim3A_3112, %sub3A_104 : vector<16xf32>
      %add3A_3118 = arith.addf %get3A_58, %mul3A_3117 : vector<16xf32>
      %add3A_3119 = arith.addf %get3A_3116, %add3A_3118 : vector<16xf32>
      %mul3A_3120 = arith.mulf %add3A_3119, %add3A_3119 : vector<16xf32>
      %get3A_3121 = arith.index_cast %add3A_3109 : i32 to index
      %get3A_3122 = arith.constant 16 : index
      %get3A_3123 = tpu.vector_load %arg12[%get3A_3121, %get3A_3122] {strides = array<i32>} : memref<256x128xf32, #tpu.memory_space<vmem>>, vector<1x16xf32>,
      %get3A_3124 = vector.shape_cast %get3A_3123 : vector<1x16xf32> to vector<16xf32>
      %mul3A_3125 = arith.mulf %broadcast_in_dim3A_3112, %sub3A_115 : vector<16xf32>
      %add3A_3126 = arith.addf %get3A_63, %mul3A_3125 : vector<16xf32>
      %add3A_3127 = arith.addf %get3A_3124, %add3A_3126 : vector<16xf32>
      %mul3A_3128 = arith.mulf %add3A_3127, %add3A_3127 : vector<16xf32>
      %add3A_3129 = arith.addf %mul3A_3120, %mul3A_3128 : vector<16xf32>
      %get3A_3130 = arith.index_cast %add3A_3109 : i32 to index
      %get3A_3131 = arith.constant 32 : index
      %get3A_3132 = tpu.vector_load %arg12[%get3A_3130, %get3A_3131] {strides = array<i32>} : memref<256x128xf32, #tpu.memory_space<vmem>>, vector<1x16xf32>,
      %get3A_3133 = vector.shape_cast %get3A_3132 : vector<1x16xf32> to vector<16xf32>
      %mul3A_3134 = arith.mulf %broadcast_in_dim3A_3112, %sub3A_126 : vector<16xf32>
      %add3A_3135 = arith.addf %get3A_68, %mul3A_3134 : vector<16xf32>
      %add3A_3136 = arith.addf %get3A_3133, %add3A_3135 : vector<16xf32>
      %mul3A_3137 = arith.mulf %add3A_3136, %add3A_3136 : vector<16xf32>
      %add3A_3138 = arith.addf %add3A_3129, %mul3A_3137 : vector<16xf32>
      %get3A_3139 = arith.index_cast %add3A_3109 : i32 to index
      %get3A_3140 = arith.constant 48 : index
      %get3A_3141 = tpu.vector_load %arg12[%get3A_3139, %get3A_3140] {strides = array<i32>} : memref<256x128xf32, #tpu.memory_space<vmem>>, vector<1x16xf32>,
      %get3A_3142 = vector.shape_cast %get3A_3141 : vector<1x16xf32> to vector<16xf32>
      %mul3A_3143 = arith.mulf %broadcast_in_dim3A_3112, %sub3A_137 : vector<16xf32>
      %add3A_3144 = arith.addf %get3A_73, %mul3A_3143 : vector<16xf32>
      %add3A_3145 = arith.addf %get3A_3142, %add3A_3144 : vector<16xf32>
      %mul3A_3146 = arith.mulf %add3A_3145, %add3A_3145 : vector<16xf32>
      %add3A_3147 = arith.addf %add3A_3138, %mul3A_3146 : vector<16xf32>
      %get3A_3148 = arith.index_cast %add3A_3109 : i32 to index
      %get3A_3149 = arith.constant 64 : index
      %get3A_3150 = tpu.vector_load %arg12[%get3A_3148, %get3A_3149] {strides = array<i32>} : memref<256x128xf32, #tpu.memory_space<vmem>>, vector<1x16xf32>,
      %get3A_3151 = vector.shape_cast %get3A_3150 : vector<1x16xf32> to vector<16xf32>
      %mul3A_3152 = arith.mulf %broadcast_in_dim3A_3112, %sub3A_148 : vector<16xf32>
      %add3A_3153 = arith.addf %get3A_78, %mul3A_3152 : vector<16xf32>
      %add3A_3154 = arith.addf %get3A_3151, %add3A_3153 : vector<16xf32>
      %mul3A_3155 = arith.mulf %add3A_3154, %add3A_3154 : vector<16xf32>
      %add3A_3156 = arith.addf %add3A_3147, %mul3A_3155 : vector<16xf32>
      %get3A_3157 = arith.index_cast %add3A_3109 : i32 to index
      %get3A_3158 = arith.constant 80 : index
      %get3A_3159 = tpu.vector_load %arg12[%get3A_3157, %get3A_3158] {strides = array<i32>} : memref<256x128xf32, #tpu.memory_space<vmem>>, vector<1x16xf32>,
      %get3A_3160 = vector.shape_cast %get3A_3159 : vector<1x16xf32> to vector<16xf32>
      %mul3A_3161 = arith.mulf %broadcast_in_dim3A_3112, %sub3A_159 : vector<16xf32>
      %add3A_3162 = arith.addf %get3A_83, %mul3A_3161 : vector<16xf32>
      %add3A_3163 = arith.addf %get3A_3160, %add3A_3162 : vector<16xf32>
      %mul3A_3164 = arith.mulf %add3A_3163, %add3A_3163 : vector<16xf32>
      %add3A_3165 = arith.addf %add3A_3156, %mul3A_3164 : vector<16xf32>
      %get3A_3166 = arith.index_cast %add3A_3109 : i32 to index
      %get3A_3167 = arith.constant 96 : index
      %get3A_3168 = tpu.vector_load %arg12[%get3A_3166, %get3A_3167] {strides = array<i32>} : memref<256x128xf32, #tpu.memory_space<vmem>>, vector<1x16xf32>,
      %get3A_3169 = vector.shape_cast %get3A_3168 : vector<1x16xf32> to vector<16xf32>
      %mul3A_3170 = arith.mulf %broadcast_in_dim3A_3112, %sub3A_170 : vector<16xf32>
      %add3A_3171 = arith.addf %get3A_88, %mul3A_3170 : vector<16xf32>
      %add3A_3172 = arith.addf %get3A_3169, %add3A_3171 : vector<16xf32>
      %mul3A_3173 = arith.mulf %add3A_3172, %add3A_3172 : vector<16xf32>
      %add3A_3174 = arith.addf %add3A_3165, %mul3A_3173 : vector<16xf32>
      %get3A_3175 = arith.index_cast %add3A_3109 : i32 to index
      %get3A_3176 = arith.constant 112 : index
      %get3A_3177 = tpu.vector_load %arg12[%get3A_3175, %get3A_3176] {strides = array<i32>} : memref<256x128xf32, #tpu.memory_space<vmem>>, vector<1x16xf32>,
      %get3A_3178 = vector.shape_cast %get3A_3177 : vector<1x16xf32> to vector<16xf32>
      %mul3A_3179 = arith.mulf %broadcast_in_dim3A_3112, %sub3A_181 : vector<16xf32>
      %add3A_3180 = arith.addf %get3A_93, %mul3A_3179 : vector<16xf32>
      %add3A_3181 = arith.addf %get3A_3178, %add3A_3180 : vector<16xf32>
      %mul3A_3182 = arith.mulf %add3A_3181, %add3A_3181 : vector<16xf32>
      %add3A_3183 = arith.addf %add3A_3174, %mul3A_3182 : vector<16xf32>
      %add3A_3184 = arith.constant 1 : i32
      %add3A_3185 = arith.addi %add3A_3107, %add3A_3184 : i32
      %slice3A_3186 = vector.extract_strided_slice %convert_element_type3A_318 {offsets = [15], sizes = [1], strides = [1]} : vector<16xf32> to vector<1xf32>
      %squeeze3A_3187 = vector.extract %slice3A_3186[0] : f32 from vector<1xf32>
      %broadcast_in_dim3A_3188 = vector.broadcast %squeeze3A_3187 : f32 to vector<16xf32>
      %get3A_3189 = arith.index_cast %add3A_3185 : i32 to index
      %get3A_3190 = arith.constant 0 : index
      %get3A_3191 = tpu.vector_load %arg12[%get3A_3189, %get3A_3190] {strides = array<i32>} : memref<256x128xf32, #tpu.memory_space<vmem>>, vector<1x16xf32>,
      %get3A_3192 = vector.shape_cast %get3A_3191 : vector<1x16xf32> to vector<16xf32>
      %mul3A_3193 = arith.mulf %broadcast_in_dim3A_3188, %sub3A_104 : vector<16xf32>
      %add3A_3194 = arith.addf %get3A_58, %mul3A_3193 : vector<16xf32>
      %add3A_3195 = arith.addf %get3A_3192, %add3A_3194 : vector<16xf32>
      %mul3A_3196 = arith.mulf %add3A_3195, %add3A_3195 : vector<16xf32>
      %get3A_3197 = arith.index_cast %add3A_3185 : i32 to index
      %get3A_3198 = arith.constant 16 : index
      %get3A_3199 = tpu.vector_load %arg12[%get3A_3197, %get3A_3198] {strides = array<i32>} : memref<256x128xf32, #tpu.memory_space<vmem>>, vector<1x16xf32>,
      %get3A_3200 = vector.shape_cast %get3A_3199 : vector<1x16xf32> to vector<16xf32>
      %mul3A_3201 = arith.mulf %broadcast_in_dim3A_3188, %sub3A_115 : vector<16xf32>
      %add3A_3202 = arith.addf %get3A_63, %mul3A_3201 : vector<16xf32>
      %add3A_3203 = arith.addf %get3A_3200, %add3A_3202 : vector<16xf32>
      %mul3A_3204 = arith.mulf %add3A_3203, %add3A_3203 : vector<16xf32>
      %add3A_3205 = arith.addf %mul3A_3196, %mul3A_3204 : vector<16xf32>
      %get3A_3206 = arith.index_cast %add3A_3185 : i32 to index
      %get3A_3207 = arith.constant 32 : index
      %get3A_3208 = tpu.vector_load %arg12[%get3A_3206, %get3A_3207] {strides = array<i32>} : memref<256x128xf32, #tpu.memory_space<vmem>>, vector<1x16xf32>,
      %get3A_3209 = vector.shape_cast %get3A_3208 : vector<1x16xf32> to vector<16xf32>
      %mul3A_3210 = arith.mulf %broadcast_in_dim3A_3188, %sub3A_126 : vector<16xf32>
      %add3A_3211 = arith.addf %get3A_68, %mul3A_3210 : vector<16xf32>
      %add3A_3212 = arith.addf %get3A_3209, %add3A_3211 : vector<16xf32>
      %mul3A_3213 = arith.mulf %add3A_3212, %add3A_3212 : vector<16xf32>
      %add3A_3214 = arith.addf %add3A_3205, %mul3A_3213 : vector<16xf32>
      %get3A_3215 = arith.index_cast %add3A_3185 : i32 to index
      %get3A_3216 = arith.constant 48 : index
      %get3A_3217 = tpu.vector_load %arg12[%get3A_3215, %get3A_3216] {strides = array<i32>} : memref<256x128xf32, #tpu.memory_space<vmem>>, vector<1x16xf32>,
      %get3A_3218 = vector.shape_cast %get3A_3217 : vector<1x16xf32> to vector<16xf32>
      %mul3A_3219 = arith.mulf %broadcast_in_dim3A_3188, %sub3A_137 : vector<16xf32>
      %add3A_3220 = arith.addf %get3A_73, %mul3A_3219 : vector<16xf32>
      %add3A_3221 = arith.addf %get3A_3218, %add3A_3220 : vector<16xf32>
      %mul3A_3222 = arith.mulf %add3A_3221, %add3A_3221 : vector<16xf32>
      %add3A_3223 = arith.addf %add3A_3214, %mul3A_3222 : vector<16xf32>
      %get3A_3224 = arith.index_cast %add3A_3185 : i32 to index
      %get3A_3225 = arith.constant 64 : index
      %get3A_3226 = tpu.vector_load %arg12[%get3A_3224, %get3A_3225] {strides = array<i32>} : memref<256x128xf32, #tpu.memory_space<vmem>>, vector<1x16xf32>,
      %get3A_3227 = vector.shape_cast %get3A_3226 : vector<1x16xf32> to vector<16xf32>
      %mul3A_3228 = arith.mulf %broadcast_in_dim3A_3188, %sub3A_148 : vector<16xf32>
      %add3A_3229 = arith.addf %get3A_78, %mul3A_3228 : vector<16xf32>
      %add3A_3230 = arith.addf %get3A_3227, %add3A_3229 : vector<16xf32>
      %mul3A_3231 = arith.mulf %add3A_3230, %add3A_3230 : vector<16xf32>
      %add3A_3232 = arith.addf %add3A_3223, %mul3A_3231 : vector<16xf32>
      %get3A_3233 = arith.index_cast %add3A_3185 : i32 to index
      %get3A_3234 = arith.constant 80 : index
      %get3A_3235 = tpu.vector_load %arg12[%get3A_3233, %get3A_3234] {strides = array<i32>} : memref<256x128xf32, #tpu.memory_space<vmem>>, vector<1x16xf32>,
      %get3A_3236 = vector.shape_cast %get3A_3235 : vector<1x16xf32> to vector<16xf32>
      %mul3A_3237 = arith.mulf %broadcast_in_dim3A_3188, %sub3A_159 : vector<16xf32>
      %add3A_3238 = arith.addf %get3A_83, %mul3A_3237 : vector<16xf32>
      %add3A_3239 = arith.addf %get3A_3236, %add3A_3238 : vector<16xf32>
      %mul3A_3240 = arith.mulf %add3A_3239, %add3A_3239 : vector<16xf32>
      %add3A_3241 = arith.addf %add3A_3232, %mul3A_3240 : vector<16xf32>
      %get3A_3242 = arith.index_cast %add3A_3185 : i32 to index
      %get3A_3243 = arith.constant 96 : index
      %get3A_3244 = tpu.vector_load %arg12[%get3A_3242, %get3A_3243] {strides = array<i32>} : memref<256x128xf32, #tpu.memory_space<vmem>>, vector<1x16xf32>,
      %get3A_3245 = vector.shape_cast %get3A_3244 : vector<1x16xf32> to vector<16xf32>
      %mul3A_3246 = arith.mulf %broadcast_in_dim3A_3188, %sub3A_170 : vector<16xf32>
      %add3A_3247 = arith.addf %get3A_88, %mul3A_3246 : vector<16xf32>
      %add3A_3248 = arith.addf %get3A_3245, %add3A_3247 : vector<16xf32>
      %mul3A_3249 = arith.mulf %add3A_3248, %add3A_3248 : vector<16xf32>
      %add3A_3250 = arith.addf %add3A_3241, %mul3A_3249 : vector<16xf32>
      %get3A_3251 = arith.index_cast %add3A_3185 : i32 to index
      %get3A_3252 = arith.constant 112 : index
      %get3A_3253 = tpu.vector_load %arg12[%get3A_3251, %get3A_3252] {strides = array<i32>} : memref<256x128xf32, #tpu.memory_space<vmem>>, vector<1x16xf32>,
      %get3A_3254 = vector.shape_cast %get3A_3253 : vector<1x16xf32> to vector<16xf32>
      %mul3A_3255 = arith.mulf %broadcast_in_dim3A_3188, %sub3A_181 : vector<16xf32>
      %add3A_3256 = arith.addf %get3A_93, %mul3A_3255 : vector<16xf32>
      %add3A_3257 = arith.addf %get3A_3254, %add3A_3256 : vector<16xf32>
      %mul3A_3258 = arith.mulf %add3A_3257, %add3A_3257 : vector<16xf32>
      %add3A_3259 = arith.addf %add3A_3250, %mul3A_3258 : vector<16xf32>
      %lt3A_3260 = arith.constant 0 : i32
      %lt3A_3261 = vector.broadcast %lt3A_3260 : i32 to vector<16xi32>
      %lt3A_3262 = arith.cmpi slt, %xor3A_231, %lt3A_3261 : vector<16xi32>
      %add3A_3263 = arith.constant 16 : i32
      %add3A_3264 = vector.broadcast %add3A_3263 : i32 to vector<16xi32>
      %add3A_3265 = arith.addi %xor3A_231, %add3A_3264 : vector<16xi32>
      %select_n3A_3266 = arith.select %lt3A_3262, %add3A_3265, %xor3A_231 : vector<16xi1>, vector<16xi32>
      %broadcast_in_dim3A_3267 = vector.shape_cast %select_n3A_3266 : vector<16xi32> to vector<16x1xi32>
      %gather3A_3268 = vector.shape_cast %broadcast_in_dim3A_3267 : vector<16x1xi32> to vector<16xi32>
      %gather3A_3269 = tpu.dynamic_gather %add3A_3183[%gather3A_3268] in [0] : vector<16xf32>, vector<16xi32> -> vector<16xf32>
      %add3A_3270 = arith.addf %add3A_3183, %gather3A_3269 : vector<16xf32>
      %lt3A_3271 = arith.constant 0 : i32
      %lt3A_3272 = vector.broadcast %lt3A_3271 : i32 to vector<16xi32>
      %lt3A_3273 = arith.cmpi slt, %xor3A_231, %lt3A_3272 : vector<16xi32>
      %add3A_3274 = arith.constant 16 : i32
      %add3A_3275 = vector.broadcast %add3A_3274 : i32 to vector<16xi32>
      %add3A_3276 = arith.addi %xor3A_231, %add3A_3275 : vector<16xi32>
      %select_n3A_3277 = arith.select %lt3A_3273, %add3A_3276, %xor3A_231 : vector<16xi1>, vector<16xi32>
      %broadcast_in_dim3A_3278 = vector.shape_cast %select_n3A_3277 : vector<16xi32> to vector<16x1xi32>
      %gather3A_3279 = vector.shape_cast %broadcast_in_dim3A_3278 : vector<16x1xi32> to vector<16xi32>
      %gather3A_3280 = tpu.dynamic_gather %add3A_3259[%gather3A_3279] in [0] : vector<16xf32>, vector<16xi32> -> vector<16xf32>
      %add3A_3281 = arith.addf %add3A_3259, %gather3A_3280 : vector<16xf32>
      %lt3A_3282 = arith.constant 0 : i32
      %lt3A_3283 = vector.broadcast %lt3A_3282 : i32 to vector<16xi32>
      %lt3A_3284 = arith.cmpi slt, %xor3A_234, %lt3A_3283 : vector<16xi32>
      %add3A_3285 = arith.constant 16 : i32
      %add3A_3286 = vector.broadcast %add3A_3285 : i32 to vector<16xi32>
      %add3A_3287 = arith.addi %xor3A_234, %add3A_3286 : vector<16xi32>
      %select_n3A_3288 = arith.select %lt3A_3284, %add3A_3287, %xor3A_234 : vector<16xi1>, vector<16xi32>
      %broadcast_in_dim3A_3289 = vector.shape_cast %select_n3A_3288 : vector<16xi32> to vector<16x1xi32>
      %gather3A_3290 = vector.shape_cast %broadcast_in_dim3A_3289 : vector<16x1xi32> to vector<16xi32>
      %gather3A_3291 = tpu.dynamic_gather %add3A_3270[%gather3A_3290] in [0] : vector<16xf32>, vector<16xi32> -> vector<16xf32>
      %add3A_3292 = arith.addf %add3A_3270, %gather3A_3291 : vector<16xf32>
      %lt3A_3293 = arith.constant 0 : i32
      %lt3A_3294 = vector.broadcast %lt3A_3293 : i32 to vector<16xi32>
      %lt3A_3295 = arith.cmpi slt, %xor3A_234, %lt3A_3294 : vector<16xi32>
      %add3A_3296 = arith.constant 16 : i32
      %add3A_3297 = vector.broadcast %add3A_3296 : i32 to vector<16xi32>
      %add3A_3298 = arith.addi %xor3A_234, %add3A_3297 : vector<16xi32>
      %select_n3A_3299 = arith.select %lt3A_3295, %add3A_3298, %xor3A_234 : vector<16xi1>, vector<16xi32>
      %broadcast_in_dim3A_3300 = vector.shape_cast %select_n3A_3299 : vector<16xi32> to vector<16x1xi32>
      %gather3A_3301 = vector.shape_cast %broadcast_in_dim3A_3300 : vector<16x1xi32> to vector<16xi32>
      %gather3A_3302 = tpu.dynamic_gather %add3A_3281[%gather3A_3301] in [0] : vector<16xf32>, vector<16xi32> -> vector<16xf32>
      %add3A_3303 = arith.addf %add3A_3281, %gather3A_3302 : vector<16xf32>
      %lt3A_3304 = arith.constant 0 : i32
      %lt3A_3305 = vector.broadcast %lt3A_3304 : i32 to vector<16xi32>
      %lt3A_3306 = arith.cmpi slt, %xor3A_237, %lt3A_3305 : vector<16xi32>
      %add3A_3307 = arith.constant 16 : i32
      %add3A_3308 = vector.broadcast %add3A_3307 : i32 to vector<16xi32>
      %add3A_3309 = arith.addi %xor3A_237, %add3A_3308 : vector<16xi32>
      %select_n3A_3310 = arith.select %lt3A_3306, %add3A_3309, %xor3A_237 : vector<16xi1>, vector<16xi32>
      %broadcast_in_dim3A_3311 = vector.shape_cast %select_n3A_3310 : vector<16xi32> to vector<16x1xi32>
      %gather3A_3312 = vector.shape_cast %broadcast_in_dim3A_3311 : vector<16x1xi32> to vector<16xi32>
      %gather3A_3313 = tpu.dynamic_gather %add3A_3292[%gather3A_3312] in [0] : vector<16xf32>, vector<16xi32> -> vector<16xf32>
      %add3A_3314 = arith.addf %add3A_3292, %gather3A_3313 : vector<16xf32>
      %lt3A_3315 = arith.constant 0 : i32
      %lt3A_3316 = vector.broadcast %lt3A_3315 : i32 to vector<16xi32>
      %lt3A_3317 = arith.cmpi slt, %xor3A_237, %lt3A_3316 : vector<16xi32>
      %add3A_3318 = arith.constant 16 : i32
      %add3A_3319 = vector.broadcast %add3A_3318 : i32 to vector<16xi32>
      %add3A_3320 = arith.addi %xor3A_237, %add3A_3319 : vector<16xi32>
      %select_n3A_3321 = arith.select %lt3A_3317, %add3A_3320, %xor3A_237 : vector<16xi1>, vector<16xi32>
      %broadcast_in_dim3A_3322 = vector.shape_cast %select_n3A_3321 : vector<16xi32> to vector<16x1xi32>
      %gather3A_3323 = vector.shape_cast %broadcast_in_dim3A_3322 : vector<16x1xi32> to vector<16xi32>
      %gather3A_3324 = tpu.dynamic_gather %add3A_3303[%gather3A_3323] in [0] : vector<16xf32>, vector<16xi32> -> vector<16xf32>
      %add3A_3325 = arith.addf %add3A_3303, %gather3A_3324 : vector<16xf32>
      %lt3A_3326 = arith.constant 0 : i32
      %lt3A_3327 = vector.broadcast %lt3A_3326 : i32 to vector<16xi32>
      %lt3A_3328 = arith.cmpi slt, %xor3A_240, %lt3A_3327 : vector<16xi32>
      %add3A_3329 = arith.constant 16 : i32
      %add3A_3330 = vector.broadcast %add3A_3329 : i32 to vector<16xi32>
      %add3A_3331 = arith.addi %xor3A_240, %add3A_3330 : vector<16xi32>
      %select_n3A_3332 = arith.select %lt3A_3328, %add3A_3331, %xor3A_240 : vector<16xi1>, vector<16xi32>
      %broadcast_in_dim3A_3333 = vector.shape_cast %select_n3A_3332 : vector<16xi32> to vector<16x1xi32>
      %gather3A_3334 = vector.shape_cast %broadcast_in_dim3A_3333 : vector<16x1xi32> to vector<16xi32>
      %gather3A_3335 = tpu.dynamic_gather %add3A_3314[%gather3A_3334] in [0] : vector<16xf32>, vector<16xi32> -> vector<16xf32>
      %add3A_3336 = arith.addf %add3A_3314, %gather3A_3335 : vector<16xf32>
      %lt3A_3337 = arith.constant 0 : i32
      %lt3A_3338 = vector.broadcast %lt3A_3337 : i32 to vector<16xi32>
      %lt3A_3339 = arith.cmpi slt, %xor3A_240, %lt3A_3338 : vector<16xi32>
      %add3A_3340 = arith.constant 16 : i32
      %add3A_3341 = vector.broadcast %add3A_3340 : i32 to vector<16xi32>
      %add3A_3342 = arith.addi %xor3A_240, %add3A_3341 : vector<16xi32>
      %select_n3A_3343 = arith.select %lt3A_3339, %add3A_3342, %xor3A_240 : vector<16xi1>, vector<16xi32>
      %broadcast_in_dim3A_3344 = vector.shape_cast %select_n3A_3343 : vector<16xi32> to vector<16x1xi32>
      %gather3A_3345 = vector.shape_cast %broadcast_in_dim3A_3344 : vector<16x1xi32> to vector<16xi32>
      %gather3A_3346 = tpu.dynamic_gather %add3A_3325[%gather3A_3345] in [0] : vector<16xf32>, vector<16xi32> -> vector<16xf32>
      %add3A_3347 = arith.addf %add3A_3325, %gather3A_3346 : vector<16xf32>
      %mul3A_3348 = arith.mulf %add3A_3336, %convert_element_type3A : vector<16xf32>
      %mul3A_3349 = arith.mulf %add3A_3347, %sub3A_250 : vector<16xf32>
      %add3A_3350 = arith.addf %mul3A_3348, %mul3A_3349 : vector<16xf32>
      %add3A_3351 = arith.constant 1.280000e-04 : f32
      %add3A_3352 = vector.broadcast %add3A_3351 : f32 to vector<16xf32>
      %add3A_3353 = arith.addf %add3A_3350, %add3A_3352 : vector<16xf32>
      %bitcast_convert_type3A_3354 = tpu.bitcast %add3A_3353 : vector<16xf32> -> vector<16xi32>
      %shift_right_arithmetic3A_3355 = arith.constant 1 : i32
      %shift_right_arithmetic3A_3356 = vector.broadcast %shift_right_arithmetic3A_3355 : i32 to vector<16xi32>
      %shift_right_arithmetic3A_3357 = arith.shrsi %bitcast_convert_type3A_3354, %shift_right_arithmetic3A_3356 : vector<16xi32>
      %sub3A_3358 = arith.constant 1597463007 : i32
      %sub3A_3359 = vector.broadcast %sub3A_3358 : i32 to vector<16xi32>
      %sub3A_3360 = arith.subi %sub3A_3359, %shift_right_arithmetic3A_3357 : vector<16xi32>
      %bitcast_convert_type3A_3361 = tpu.bitcast %sub3A_3360 : vector<16xi32> -> vector<16xf32>
      %mul3A_3362 = arith.constant 5.000000e-01 : f32
      %mul3A_3363 = vector.broadcast %mul3A_3362 : f32 to vector<16xf32>
      %mul3A_3364 = arith.mulf %add3A_3353, %mul3A_3363 : vector<16xf32>
      %mul3A_3365 = arith.mulf %mul3A_3364, %bitcast_convert_type3A_3361 : vector<16xf32>
      %mul3A_3366 = arith.mulf %mul3A_3365, %bitcast_convert_type3A_3361 : vector<16xf32>
      %sub3A_3367 = arith.constant 1.500000e+00 : f32
      %sub3A_3368 = vector.broadcast %sub3A_3367 : f32 to vector<16xf32>
      %sub3A_3369 = arith.subf %sub3A_3368, %mul3A_3366 : vector<16xf32>
      %mul3A_3370 = arith.mulf %bitcast_convert_type3A_3361, %sub3A_3369 : vector<16xf32>
      %mul3A_3371 = arith.mulf %mul3A_3364, %mul3A_3370 : vector<16xf32>
      %mul3A_3372 = arith.mulf %mul3A_3371, %mul3A_3370 : vector<16xf32>
      %sub3A_3373 = arith.constant 1.500000e+00 : f32
      %sub3A_3374 = vector.broadcast %sub3A_3373 : f32 to vector<16xf32>
      %sub3A_3375 = arith.subf %sub3A_3374, %mul3A_3372 : vector<16xf32>
      %mul3A_3376 = arith.mulf %mul3A_3370, %sub3A_3375 : vector<16xf32>
      %mul3A_3377 = arith.mulf %mul3A_3364, %mul3A_3376 : vector<16xf32>
      %mul3A_3378 = arith.mulf %mul3A_3377, %mul3A_3376 : vector<16xf32>
      %sub3A_3379 = arith.constant 1.500000e+00 : f32
      %sub3A_3380 = vector.broadcast %sub3A_3379 : f32 to vector<16xf32>
      %sub3A_3381 = arith.subf %sub3A_3380, %mul3A_3378 : vector<16xf32>
      %mul3A_3382 = arith.mulf %mul3A_3376, %sub3A_3381 : vector<16xf32>
      %slice3A_3383 = vector.extract_strided_slice %mul3A_3382 {offsets = [0], sizes = [1], strides = [1]} : vector<16xf32> to vector<1xf32>
      %squeeze3A_3384 = vector.extract %slice3A_3383[0] : f32 from vector<1xf32>
      %broadcast_in_dim3A_3385 = vector.broadcast %squeeze3A_3384 : f32 to vector<16xf32>
      %slice3A_3386 = vector.extract_strided_slice %mul3A_3382 {offsets = [8], sizes = [1], strides = [1]} : vector<16xf32> to vector<1xf32>
      %squeeze3A_3387 = vector.extract %slice3A_3386[0] : f32 from vector<1xf32>
      %broadcast_in_dim3A_3388 = vector.broadcast %squeeze3A_3387 : f32 to vector<16xf32>
      %add3A_3389 = arith.constant 0 : i32
      %add3A_3390 = arith.addi %add3A_3107, %add3A_3389 : i32
      %mul3A_3391 = arith.mulf %add3A_3119, %broadcast_in_dim3A_3385 : vector<16xf32>
      %mul3A_3392 = arith.mulf %mul3A_3391, %mul3A_187 : vector<16xf32>
      %swap3A_3393 = arith.index_cast %add3A_3390 : i32 to index
      %swap3A_3394 = arith.constant 0 : index
      %swap3A_3395 = tpu.vector_load %arg12[%swap3A_3393, %swap3A_3394] {strides = array<i32>} : memref<256x128xf32, #tpu.memory_space<vmem>>, vector<1x16xf32>,
      %swap3A_3396 = vector.shape_cast %swap3A_3395 : vector<1x16xf32> to vector<16xf32>
      %swap3A_3397 = vector.shape_cast %mul3A_3392 : vector<16xf32> to vector<1x16xf32>
      tpu.vector_store %arg12[%swap3A_3393, %swap3A_3394], %swap3A_3397 {strides = array<i32>} : memref<256x128xf32, #tpu.memory_space<vmem>>, vector<1x16xf32>,
      %mul3A_3398 = arith.mulf %add3A_3127, %broadcast_in_dim3A_3385 : vector<16xf32>
      %mul3A_3399 = arith.mulf %mul3A_3398, %mul3A_193 : vector<16xf32>
      %swap3A_3400 = arith.index_cast %add3A_3390 : i32 to index
      %swap3A_3401 = arith.constant 16 : index
      %swap3A_3402 = tpu.vector_load %arg12[%swap3A_3400, %swap3A_3401] {strides = array<i32>} : memref<256x128xf32, #tpu.memory_space<vmem>>, vector<1x16xf32>,
      %swap3A_3403 = vector.shape_cast %swap3A_3402 : vector<1x16xf32> to vector<16xf32>
      %swap3A_3404 = vector.shape_cast %mul3A_3399 : vector<16xf32> to vector<1x16xf32>
      tpu.vector_store %arg12[%swap3A_3400, %swap3A_3401], %swap3A_3404 {strides = array<i32>} : memref<256x128xf32, #tpu.memory_space<vmem>>, vector<1x16xf32>,
      %mul3A_3405 = arith.mulf %add3A_3136, %broadcast_in_dim3A_3385 : vector<16xf32>
      %mul3A_3406 = arith.mulf %mul3A_3405, %mul3A_199 : vector<16xf32>
      %swap3A_3407 = arith.index_cast %add3A_3390 : i32 to index
      %swap3A_3408 = arith.constant 32 : index
      %swap3A_3409 = tpu.vector_load %arg12[%swap3A_3407, %swap3A_3408] {strides = array<i32>} : memref<256x128xf32, #tpu.memory_space<vmem>>, vector<1x16xf32>,
      %swap3A_3410 = vector.shape_cast %swap3A_3409 : vector<1x16xf32> to vector<16xf32>
      %swap3A_3411 = vector.shape_cast %mul3A_3406 : vector<16xf32> to vector<1x16xf32>
      tpu.vector_store %arg12[%swap3A_3407, %swap3A_3408], %swap3A_3411 {strides = array<i32>} : memref<256x128xf32, #tpu.memory_space<vmem>>, vector<1x16xf32>,
      %mul3A_3412 = arith.mulf %add3A_3145, %broadcast_in_dim3A_3385 : vector<16xf32>
      %mul3A_3413 = arith.mulf %mul3A_3412, %mul3A_205 : vector<16xf32>
      %swap3A_3414 = arith.index_cast %add3A_3390 : i32 to index
      %swap3A_3415 = arith.constant 48 : index
      %swap3A_3416 = tpu.vector_load %arg12[%swap3A_3414, %swap3A_3415] {strides = array<i32>} : memref<256x128xf32, #tpu.memory_space<vmem>>, vector<1x16xf32>,
      %swap3A_3417 = vector.shape_cast %swap3A_3416 : vector<1x16xf32> to vector<16xf32>
      %swap3A_3418 = vector.shape_cast %mul3A_3413 : vector<16xf32> to vector<1x16xf32>
      tpu.vector_store %arg12[%swap3A_3414, %swap3A_3415], %swap3A_3418 {strides = array<i32>} : memref<256x128xf32, #tpu.memory_space<vmem>>, vector<1x16xf32>,
      %mul3A_3419 = arith.mulf %add3A_3154, %broadcast_in_dim3A_3385 : vector<16xf32>
      %mul3A_3420 = arith.mulf %mul3A_3419, %mul3A_211 : vector<16xf32>
      %swap3A_3421 = arith.index_cast %add3A_3390 : i32 to index
      %swap3A_3422 = arith.constant 64 : index
      %swap3A_3423 = tpu.vector_load %arg12[%swap3A_3421, %swap3A_3422] {strides = array<i32>} : memref<256x128xf32, #tpu.memory_space<vmem>>, vector<1x16xf32>,
      %swap3A_3424 = vector.shape_cast %swap3A_3423 : vector<1x16xf32> to vector<16xf32>
      %swap3A_3425 = vector.shape_cast %mul3A_3420 : vector<16xf32> to vector<1x16xf32>
      tpu.vector_store %arg12[%swap3A_3421, %swap3A_3422], %swap3A_3425 {strides = array<i32>} : memref<256x128xf32, #tpu.memory_space<vmem>>, vector<1x16xf32>,
      %mul3A_3426 = arith.mulf %add3A_3163, %broadcast_in_dim3A_3385 : vector<16xf32>
      %mul3A_3427 = arith.mulf %mul3A_3426, %mul3A_217 : vector<16xf32>
      %swap3A_3428 = arith.index_cast %add3A_3390 : i32 to index
      %swap3A_3429 = arith.constant 80 : index
      %swap3A_3430 = tpu.vector_load %arg12[%swap3A_3428, %swap3A_3429] {strides = array<i32>} : memref<256x128xf32, #tpu.memory_space<vmem>>, vector<1x16xf32>,
      %swap3A_3431 = vector.shape_cast %swap3A_3430 : vector<1x16xf32> to vector<16xf32>
      %swap3A_3432 = vector.shape_cast %mul3A_3427 : vector<16xf32> to vector<1x16xf32>
      tpu.vector_store %arg12[%swap3A_3428, %swap3A_3429], %swap3A_3432 {strides = array<i32>} : memref<256x128xf32, #tpu.memory_space<vmem>>, vector<1x16xf32>,
      %mul3A_3433 = arith.mulf %add3A_3172, %broadcast_in_dim3A_3385 : vector<16xf32>
      %mul3A_3434 = arith.mulf %mul3A_3433, %mul3A_223 : vector<16xf32>
      %swap3A_3435 = arith.index_cast %add3A_3390 : i32 to index
      %swap3A_3436 = arith.constant 96 : index
      %swap3A_3437 = tpu.vector_load %arg12[%swap3A_3435, %swap3A_3436] {strides = array<i32>} : memref<256x128xf32, #tpu.memory_space<vmem>>, vector<1x16xf32>,
      %swap3A_3438 = vector.shape_cast %swap3A_3437 : vector<1x16xf32> to vector<16xf32>
      %swap3A_3439 = vector.shape_cast %mul3A_3434 : vector<16xf32> to vector<1x16xf32>
      tpu.vector_store %arg12[%swap3A_3435, %swap3A_3436], %swap3A_3439 {strides = array<i32>} : memref<256x128xf32, #tpu.memory_space<vmem>>, vector<1x16xf32>,
      %mul3A_3440 = arith.mulf %add3A_3181, %broadcast_in_dim3A_3385 : vector<16xf32>
      %mul3A_3441 = arith.mulf %mul3A_3440, %mul3A_229 : vector<16xf32>
      %swap3A_3442 = arith.index_cast %add3A_3390 : i32 to index
      %swap3A_3443 = arith.constant 112 : index
      %swap3A_3444 = tpu.vector_load %arg12[%swap3A_3442, %swap3A_3443] {strides = array<i32>} : memref<256x128xf32, #tpu.memory_space<vmem>>, vector<1x16xf32>,
      %swap3A_3445 = vector.shape_cast %swap3A_3444 : vector<1x16xf32> to vector<16xf32>
      %swap3A_3446 = vector.shape_cast %mul3A_3441 : vector<16xf32> to vector<1x16xf32>
      tpu.vector_store %arg12[%swap3A_3442, %swap3A_3443], %swap3A_3446 {strides = array<i32>} : memref<256x128xf32, #tpu.memory_space<vmem>>, vector<1x16xf32>,
      %add3A_3447 = arith.constant 1 : i32
      %add3A_3448 = arith.addi %add3A_3107, %add3A_3447 : i32
      %mul3A_3449 = arith.mulf %add3A_3195, %broadcast_in_dim3A_3388 : vector<16xf32>
      %mul3A_3450 = arith.mulf %mul3A_3449, %mul3A_187 : vector<16xf32>
      %swap3A_3451 = arith.index_cast %add3A_3448 : i32 to index
      %swap3A_3452 = arith.constant 0 : index
      %swap3A_3453 = tpu.vector_load %arg12[%swap3A_3451, %swap3A_3452] {strides = array<i32>} : memref<256x128xf32, #tpu.memory_space<vmem>>, vector<1x16xf32>,
      %swap3A_3454 = vector.shape_cast %swap3A_3453 : vector<1x16xf32> to vector<16xf32>
      %swap3A_3455 = vector.shape_cast %mul3A_3450 : vector<16xf32> to vector<1x16xf32>
      tpu.vector_store %arg12[%swap3A_3451, %swap3A_3452], %swap3A_3455 {strides = array<i32>} : memref<256x128xf32, #tpu.memory_space<vmem>>, vector<1x16xf32>,
      %mul3A_3456 = arith.mulf %add3A_3203, %broadcast_in_dim3A_3388 : vector<16xf32>
      %mul3A_3457 = arith.mulf %mul3A_3456, %mul3A_193 : vector<16xf32>
      %swap3A_3458 = arith.index_cast %add3A_3448 : i32 to index
      %swap3A_3459 = arith.constant 16 : index
      %swap3A_3460 = tpu.vector_load %arg12[%swap3A_3458, %swap3A_3459] {strides = array<i32>} : memref<256x128xf32, #tpu.memory_space<vmem>>, vector<1x16xf32>,
      %swap3A_3461 = vector.shape_cast %swap3A_3460 : vector<1x16xf32> to vector<16xf32>
      %swap3A_3462 = vector.shape_cast %mul3A_3457 : vector<16xf32> to vector<1x16xf32>
      tpu.vector_store %arg12[%swap3A_3458, %swap3A_3459], %swap3A_3462 {strides = array<i32>} : memref<256x128xf32, #tpu.memory_space<vmem>>, vector<1x16xf32>,
      %mul3A_3463 = arith.mulf %add3A_3212, %broadcast_in_dim3A_3388 : vector<16xf32>
      %mul3A_3464 = arith.mulf %mul3A_3463, %mul3A_199 : vector<16xf32>
      %swap3A_3465 = arith.index_cast %add3A_3448 : i32 to index
      %swap3A_3466 = arith.constant 32 : index
      %swap3A_3467 = tpu.vector_load %arg12[%swap3A_3465, %swap3A_3466] {strides = array<i32>} : memref<256x128xf32, #tpu.memory_space<vmem>>, vector<1x16xf32>,
      %swap3A_3468 = vector.shape_cast %swap3A_3467 : vector<1x16xf32> to vector<16xf32>
      %swap3A_3469 = vector.shape_cast %mul3A_3464 : vector<16xf32> to vector<1x16xf32>
      tpu.vector_store %arg12[%swap3A_3465, %swap3A_3466], %swap3A_3469 {strides = array<i32>} : memref<256x128xf32, #tpu.memory_space<vmem>>, vector<1x16xf32>,
      %mul3A_3470 = arith.mulf %add3A_3221, %broadcast_in_dim3A_3388 : vector<16xf32>
      %mul3A_3471 = arith.mulf %mul3A_3470, %mul3A_205 : vector<16xf32>
      %swap3A_3472 = arith.index_cast %add3A_3448 : i32 to index
      %swap3A_3473 = arith.constant 48 : index
      %swap3A_3474 = tpu.vector_load %arg12[%swap3A_3472, %swap3A_3473] {strides = array<i32>} : memref<256x128xf32, #tpu.memory_space<vmem>>, vector<1x16xf32>,
      %swap3A_3475 = vector.shape_cast %swap3A_3474 : vector<1x16xf32> to vector<16xf32>
      %swap3A_3476 = vector.shape_cast %mul3A_3471 : vector<16xf32> to vector<1x16xf32>
      tpu.vector_store %arg12[%swap3A_3472, %swap3A_3473], %swap3A_3476 {strides = array<i32>} : memref<256x128xf32, #tpu.memory_space<vmem>>, vector<1x16xf32>,
      %mul3A_3477 = arith.mulf %add3A_3230, %broadcast_in_dim3A_3388 : vector<16xf32>
      %mul3A_3478 = arith.mulf %mul3A_3477, %mul3A_211 : vector<16xf32>
      %swap3A_3479 = arith.index_cast %add3A_3448 : i32 to index
      %swap3A_3480 = arith.constant 64 : index
      %swap3A_3481 = tpu.vector_load %arg12[%swap3A_3479, %swap3A_3480] {strides = array<i32>} : memref<256x128xf32, #tpu.memory_space<vmem>>, vector<1x16xf32>,
      %swap3A_3482 = vector.shape_cast %swap3A_3481 : vector<1x16xf32> to vector<16xf32>
      %swap3A_3483 = vector.shape_cast %mul3A_3478 : vector<16xf32> to vector<1x16xf32>
      tpu.vector_store %arg12[%swap3A_3479, %swap3A_3480], %swap3A_3483 {strides = array<i32>} : memref<256x128xf32, #tpu.memory_space<vmem>>, vector<1x16xf32>,
      %mul3A_3484 = arith.mulf %add3A_3239, %broadcast_in_dim3A_3388 : vector<16xf32>
      %mul3A_3485 = arith.mulf %mul3A_3484, %mul3A_217 : vector<16xf32>
      %swap3A_3486 = arith.index_cast %add3A_3448 : i32 to index
      %swap3A_3487 = arith.constant 80 : index
      %swap3A_3488 = tpu.vector_load %arg12[%swap3A_3486, %swap3A_3487] {strides = array<i32>} : memref<256x128xf32, #tpu.memory_space<vmem>>, vector<1x16xf32>,
      %swap3A_3489 = vector.shape_cast %swap3A_3488 : vector<1x16xf32> to vector<16xf32>
      %swap3A_3490 = vector.shape_cast %mul3A_3485 : vector<16xf32> to vector<1x16xf32>
      tpu.vector_store %arg12[%swap3A_3486, %swap3A_3487], %swap3A_3490 {strides = array<i32>} : memref<256x128xf32, #tpu.memory_space<vmem>>, vector<1x16xf32>,
      %mul3A_3491 = arith.mulf %add3A_3248, %broadcast_in_dim3A_3388 : vector<16xf32>
      %mul3A_3492 = arith.mulf %mul3A_3491, %mul3A_223 : vector<16xf32>
      %swap3A_3493 = arith.index_cast %add3A_3448 : i32 to index
      %swap3A_3494 = arith.constant 96 : index
      %swap3A_3495 = tpu.vector_load %arg12[%swap3A_3493, %swap3A_3494] {strides = array<i32>} : memref<256x128xf32, #tpu.memory_space<vmem>>, vector<1x16xf32>,
      %swap3A_3496 = vector.shape_cast %swap3A_3495 : vector<1x16xf32> to vector<16xf32>
      %swap3A_3497 = vector.shape_cast %mul3A_3492 : vector<16xf32> to vector<1x16xf32>
      tpu.vector_store %arg12[%swap3A_3493, %swap3A_3494], %swap3A_3497 {strides = array<i32>} : memref<256x128xf32, #tpu.memory_space<vmem>>, vector<1x16xf32>,
      %mul3A_3498 = arith.mulf %add3A_3257, %broadcast_in_dim3A_3388 : vector<16xf32>
      %mul3A_3499 = arith.mulf %mul3A_3498, %mul3A_229 : vector<16xf32>
      %swap3A_3500 = arith.index_cast %add3A_3448 : i32 to index
      %swap3A_3501 = arith.constant 112 : index
      %swap3A_3502 = tpu.vector_load %arg12[%swap3A_3500, %swap3A_3501] {strides = array<i32>} : memref<256x128xf32, #tpu.memory_space<vmem>>, vector<1x16xf32>,
      %swap3A_3503 = vector.shape_cast %swap3A_3502 : vector<1x16xf32> to vector<16xf32>
      %swap3A_3504 = vector.shape_cast %mul3A_3499 : vector<16xf32> to vector<1x16xf32>
      tpu.vector_store %arg12[%swap3A_3500, %swap3A_3501], %swap3A_3504 {strides = array<i32>} : memref<256x128xf32, #tpu.memory_space<vmem>>, vector<1x16xf32>,
      %eq3A_3505 = arith.constant 3 : i32
      %eq3A_3506 = arith.cmpi eq, %scan3A_308, %eq3A_3505 : i32
      %convert_element_type3A_3507 = arith.extui %eq3A_3506 : i1 to i32
      %cond3A_3508 = arith.constant 0 : i32
      %cond3A_3509 = arith.cmpi ne, %convert_element_type3A_3507, %cond3A_3508 : i32
      scf.if %cond3A_3509 {
        %dma_start3A_3520 = arith.constant 0 : i32
        %dma_start3A_3521 = arith.constant 0 : i32
        %dma_start3A_3522 = tpu.memref_slice %arg12[%dma_start3A_3520, %dma_start3A_3521] : memref<256x128xf32, #tpu.memory_space<vmem>> -> memref<64x128xf32, #tpu.memory_space<vmem>>
        %dma_start3A_3523 = arith.constant 0 : i32
        %dma_start3A_3524 = tpu.memref_slice %arg7[%select_n3A, %add3A_252, %dma_start3A_3523] : memref<4x2048x128xf32, #tpu.memory_space<hbm>> -> memref<1x64x128xf32, #tpu.memory_space<hbm>>
        %dma_start3A_3525 = tpu.memref_squeeze %dma_start3A_3524 : memref<1x64x128xf32, #tpu.memory_space<hbm>> -> memref<64x128xf32, #tpu.memory_space<hbm>>
        %dma_start3A_3526 = arith.constant 0 : i32
        %dma_start3A_3527 = tpu.memref_slice %arg7[%select_n3A, %add3A_252, %dma_start3A_3526] : memref<4x2048x128xf32, #tpu.memory_space<hbm>> -> memref<1x64x128xf32, #tpu.memory_space<hbm>>
        %dma_start3A_3528 = tpu.memref_squeeze %dma_start3A_3527 : memref<1x64x128xf32, #tpu.memory_space<hbm>> -> memref<64x128xf32, #tpu.memory_space<hbm>>
        %dma_start3A_3529 = arith.constant 0 : i32
        %dma_start3A_3530 = arith.constant 0 : i32
        %dma_start3A_3531 = tpu.memref_slice %arg12[%dma_start3A_3529, %dma_start3A_3530] : memref<256x128xf32, #tpu.memory_space<vmem>> -> memref<64x128xf32, #tpu.memory_space<vmem>>
        tpu.enqueue_dma source(%dma_start3A_3531 : memref<64x128xf32, #tpu.memory_space<vmem>>) target(%dma_start3A_3528 : memref<64x128xf32, #tpu.memory_space<hbm>>) target_semaphore(%arg16 : memref<!tpu.dma_semaphore, #tpu.memory_space<semaphore_mem>>)
      } else {
      }
      %eq3A_3510 = arith.constant 7 : i32
      %eq3A_3511 = arith.cmpi eq, %scan3A_308, %eq3A_3510 : i32
      %convert_element_type3A_3512 = arith.extui %eq3A_3511 : i1 to i32
      %cond3A_3513 = arith.constant 0 : i32
      %cond3A_3514 = arith.cmpi ne, %convert_element_type3A_3512, %cond3A_3513 : i32
      scf.if %cond3A_3514 {
        %dma_start3A_3520 = arith.constant 64 : i32
        %dma_start3A_3521 = arith.constant 0 : i32
        %dma_start3A_3522 = tpu.memref_slice %arg12[%dma_start3A_3520, %dma_start3A_3521] : memref<256x128xf32, #tpu.memory_space<vmem>> -> memref<64x128xf32, #tpu.memory_space<vmem>>
        %dma_start3A_3523 = arith.constant 0 : i32
        %dma_start3A_3524 = tpu.memref_slice %arg7[%select_n3A, %add3A_254, %dma_start3A_3523] : memref<4x2048x128xf32, #tpu.memory_space<hbm>> -> memref<1x64x128xf32, #tpu.memory_space<hbm>>
        %dma_start3A_3525 = tpu.memref_squeeze %dma_start3A_3524 : memref<1x64x128xf32, #tpu.memory_space<hbm>> -> memref<64x128xf32, #tpu.memory_space<hbm>>
        %dma_start3A_3526 = arith.constant 0 : i32
        %dma_start3A_3527 = tpu.memref_slice %arg7[%select_n3A, %add3A_254, %dma_start3A_3526] : memref<4x2048x128xf32, #tpu.memory_space<hbm>> -> memref<1x64x128xf32, #tpu.memory_space<hbm>>
        %dma_start3A_3528 = tpu.memref_squeeze %dma_start3A_3527 : memref<1x64x128xf32, #tpu.memory_space<hbm>> -> memref<64x128xf32, #tpu.memory_space<hbm>>
        %dma_start3A_3529 = arith.constant 64 : i32
        %dma_start3A_3530 = arith.constant 0 : i32
        %dma_start3A_3531 = tpu.memref_slice %arg12[%dma_start3A_3529, %dma_start3A_3530] : memref<256x128xf32, #tpu.memory_space<vmem>> -> memref<64x128xf32, #tpu.memory_space<vmem>>
        tpu.enqueue_dma source(%dma_start3A_3531 : memref<64x128xf32, #tpu.memory_space<vmem>>) target(%dma_start3A_3528 : memref<64x128xf32, #tpu.memory_space<hbm>>) target_semaphore(%arg16 : memref<!tpu.dma_semaphore, #tpu.memory_space<semaphore_mem>>)
      } else {
      }
      %eq3A_3515 = arith.constant 11 : i32
      %eq3A_3516 = arith.cmpi eq, %scan3A_308, %eq3A_3515 : i32
      %convert_element_type3A_3517 = arith.extui %eq3A_3516 : i1 to i32
      %cond3A_3518 = arith.constant 0 : i32
      %cond3A_3519 = arith.cmpi ne, %convert_element_type3A_3517, %cond3A_3518 : i32
      scf.if %cond3A_3519 {
        %dma_start3A_3520 = arith.constant 128 : i32
        %dma_start3A_3521 = arith.constant 0 : i32
        %dma_start3A_3522 = tpu.memref_slice %arg12[%dma_start3A_3520, %dma_start3A_3521] : memref<256x128xf32, #tpu.memory_space<vmem>> -> memref<64x128xf32, #tpu.memory_space<vmem>>
        %dma_start3A_3523 = arith.constant 0 : i32
        %dma_start3A_3524 = tpu.memref_slice %arg7[%select_n3A, %add3A_256, %dma_start3A_3523] : memref<4x2048x128xf32, #tpu.memory_space<hbm>> -> memref<1x64x128xf32, #tpu.memory_space<hbm>>
        %dma_start3A_3525 = tpu.memref_squeeze %dma_start3A_3524 : memref<1x64x128xf32, #tpu.memory_space<hbm>> -> memref<64x128xf32, #tpu.memory_space<hbm>>
        %dma_start3A_3526 = arith.constant 0 : i32
        %dma_start3A_3527 = tpu.memref_slice %arg7[%select_n3A, %add3A_256, %dma_start3A_3526] : memref<4x2048x128xf32, #tpu.memory_space<hbm>> -> memref<1x64x128xf32, #tpu.memory_space<hbm>>
        %dma_start3A_3528 = tpu.memref_squeeze %dma_start3A_3527 : memref<1x64x128xf32, #tpu.memory_space<hbm>> -> memref<64x128xf32, #tpu.memory_space<hbm>>
        %dma_start3A_3529 = arith.constant 128 : i32
        %dma_start3A_3530 = arith.constant 0 : i32
        %dma_start3A_3531 = tpu.memref_slice %arg12[%dma_start3A_3529, %dma_start3A_3530] : memref<256x128xf32, #tpu.memory_space<vmem>> -> memref<64x128xf32, #tpu.memory_space<vmem>>
        tpu.enqueue_dma source(%dma_start3A_3531 : memref<64x128xf32, #tpu.memory_space<vmem>>) target(%dma_start3A_3528 : memref<64x128xf32, #tpu.memory_space<hbm>>) target_semaphore(%arg16 : memref<!tpu.dma_semaphore, #tpu.memory_space<semaphore_mem>>)
      } else {
      }
    }
    %scan3A_269 = arith.constant 16 : i32
    %add3A_270 = arith.constant 192 : i32
    %add3A_271 = arith.addi %mul3A_32, %add3A_270 : i32
    "tpu.region"() ({
      %run_scoped3A = tpu.sem_alloc : memref<!tpu.dma_semaphore, #tpu.memory_space<semaphore_mem>>
      %dma_start3A_308 = arith.constant 192 : i32
      %dma_start3A_309 = arith.constant 0 : i32
      %dma_start3A_310 = tpu.memref_slice %arg12[%dma_start3A_308, %dma_start3A_309] : memref<256x128xf32, #tpu.memory_space<vmem>> -> memref<64x128xf32, #tpu.memory_space<vmem>>
      %dma_start3A_311 = arith.constant 0 : i32
      %dma_start3A_312 = tpu.memref_slice %arg7[%select_n3A, %add3A_271, %dma_start3A_311] : memref<4x2048x128xf32, #tpu.memory_space<hbm>> -> memref<1x64x128xf32, #tpu.memory_space<hbm>>
      %dma_start3A_313 = tpu.memref_squeeze %dma_start3A_312 : memref<1x64x128xf32, #tpu.memory_space<hbm>> -> memref<64x128xf32, #tpu.memory_space<hbm>>
      %dma_start3A_314 = arith.constant 0 : i32
      %dma_start3A_315 = tpu.memref_slice %arg7[%select_n3A, %add3A_271, %dma_start3A_314] : memref<4x2048x128xf32, #tpu.memory_space<hbm>> -> memref<1x64x128xf32, #tpu.memory_space<hbm>>
      %dma_start3A_316 = tpu.memref_squeeze %dma_start3A_315 : memref<1x64x128xf32, #tpu.memory_space<hbm>> -> memref<64x128xf32, #tpu.memory_space<hbm>>
      %dma_start3A_317 = arith.constant 192 : i32
      %dma_start3A_318 = arith.constant 0 : i32
      %dma_start3A_319 = tpu.memref_slice %arg12[%dma_start3A_317, %dma_start3A_318] : memref<256x128xf32, #tpu.memory_space<vmem>> -> memref<64x128xf32, #tpu.memory_space<vmem>>
      tpu.enqueue_dma source(%dma_start3A_319 : memref<64x128xf32, #tpu.memory_space<vmem>>) target(%dma_start3A_316 : memref<64x128xf32, #tpu.memory_space<hbm>>) target_semaphore(%run_scoped3A : memref<!tpu.dma_semaphore, #tpu.memory_space<semaphore_mem>>)
      %dma_wait3A_320 = arith.constant 192 : i32
      %dma_wait3A_321 = arith.constant 0 : i32
      %dma_wait3A_322 = tpu.memref_slice %arg12[%dma_wait3A_320, %dma_wait3A_321] : memref<256x128xf32, #tpu.memory_space<vmem>> -> memref<64x128xf32, #tpu.memory_space<vmem>>
      %dma_wait3A_323 = arith.constant 0 : i32
      %dma_wait3A_324 = tpu.memref_slice %arg7[%select_n3A, %add3A_271, %dma_wait3A_323] : memref<4x2048x128xf32, #tpu.memory_space<hbm>> -> memref<1x64x128xf32, #tpu.memory_space<hbm>>
      %dma_wait3A_325 = tpu.memref_squeeze %dma_wait3A_324 : memref<1x64x128xf32, #tpu.memory_space<hbm>> -> memref<64x128xf32, #tpu.memory_space<hbm>>
      %dma_wait3A_326 = arith.constant 0 : i32
      %dma_wait3A_327 = tpu.memref_slice %arg7[%select_n3A, %add3A_271, %dma_wait3A_326] : memref<4x2048x128xf32, #tpu.memory_space<hbm>> -> memref<1x64x128xf32, #tpu.memory_space<hbm>>
      %dma_wait3A_328 = tpu.memref_squeeze %dma_wait3A_327 : memref<1x64x128xf32, #tpu.memory_space<hbm>> -> memref<64x128xf32, #tpu.memory_space<hbm>>
      %dma_wait3A_329 = arith.constant 192 : i32
      %dma_wait3A_330 = arith.constant 0 : i32
      %dma_wait3A_331 = tpu.memref_slice %arg12[%dma_wait3A_329, %dma_wait3A_330] : memref<256x128xf32, #tpu.memory_space<vmem>> -> memref<64x128xf32, #tpu.memory_space<vmem>>
      tpu.wait_dma2 semaphore(%run_scoped3A : memref<!tpu.dma_semaphore, #tpu.memory_space<semaphore_mem>>) src(%dma_wait3A_331 : memref<64x128xf32, #tpu.memory_space<vmem>>) dst(%dma_wait3A_328 : memref<64x128xf32, #tpu.memory_space<hbm>>)
      tpu.yield
    }) : () -> ()
    %dma_wait3A_272 = arith.constant 0 : i32
    %dma_wait3A_273 = arith.constant 0 : i32
    %dma_wait3A_274 = tpu.memref_slice %arg12[%dma_wait3A_272, %dma_wait3A_273] : memref<256x128xf32, #tpu.memory_space<vmem>> -> memref<64x128xf32, #tpu.memory_space<vmem>>
    %dma_wait3A_275 = arith.constant 0 : i32
    %dma_wait3A_276 = tpu.memref_slice %arg7[%select_n3A, %add3A_252, %dma_wait3A_275] : memref<4x2048x128xf32, #tpu.memory_space<hbm>> -> memref<1x64x128xf32, #tpu.memory_space<hbm>>
    %dma_wait3A_277 = tpu.memref_squeeze %dma_wait3A_276 : memref<1x64x128xf32, #tpu.memory_space<hbm>> -> memref<64x128xf32, #tpu.memory_space<hbm>>
    %dma_wait3A_278 = arith.constant 0 : i32
    %dma_wait3A_279 = tpu.memref_slice %arg7[%select_n3A, %add3A_252, %dma_wait3A_278] : memref<4x2048x128xf32, #tpu.memory_space<hbm>> -> memref<1x64x128xf32, #tpu.memory_space<hbm>>
    %dma_wait3A_280 = tpu.memref_squeeze %dma_wait3A_279 : memref<1x64x128xf32, #tpu.memory_space<hbm>> -> memref<64x128xf32, #tpu.memory_space<hbm>>
    %dma_wait3A_281 = arith.constant 0 : i32
    %dma_wait3A_282 = arith.constant 0 : i32
    %dma_wait3A_283 = tpu.memref_slice %arg12[%dma_wait3A_281, %dma_wait3A_282] : memref<256x128xf32, #tpu.memory_space<vmem>> -> memref<64x128xf32, #tpu.memory_space<vmem>>
    tpu.wait_dma2 semaphore(%arg16 : memref<!tpu.dma_semaphore, #tpu.memory_space<semaphore_mem>>) src(%dma_wait3A_283 : memref<64x128xf32, #tpu.memory_space<vmem>>) dst(%dma_wait3A_280 : memref<64x128xf32, #tpu.memory_space<hbm>>)
    %dma_wait3A_284 = arith.constant 64 : i32
    %dma_wait3A_285 = arith.constant 0 : i32
    %dma_wait3A_286 = tpu.memref_slice %arg12[%dma_wait3A_284, %dma_wait3A_285] : memref<256x128xf32, #tpu.memory_space<vmem>> -> memref<64x128xf32, #tpu.memory_space<vmem>>
    %dma_wait3A_287 = arith.constant 0 : i32
    %dma_wait3A_288 = tpu.memref_slice %arg7[%select_n3A, %add3A_254, %dma_wait3A_287] : memref<4x2048x128xf32, #tpu.memory_space<hbm>> -> memref<1x64x128xf32, #tpu.memory_space<hbm>>
    %dma_wait3A_289 = tpu.memref_squeeze %dma_wait3A_288 : memref<1x64x128xf32, #tpu.memory_space<hbm>> -> memref<64x128xf32, #tpu.memory_space<hbm>>
    %dma_wait3A_290 = arith.constant 0 : i32
    %dma_wait3A_291 = tpu.memref_slice %arg7[%select_n3A, %add3A_254, %dma_wait3A_290] : memref<4x2048x128xf32, #tpu.memory_space<hbm>> -> memref<1x64x128xf32, #tpu.memory_space<hbm>>
    %dma_wait3A_292 = tpu.memref_squeeze %dma_wait3A_291 : memref<1x64x128xf32, #tpu.memory_space<hbm>> -> memref<64x128xf32, #tpu.memory_space<hbm>>
    %dma_wait3A_293 = arith.constant 64 : i32
    %dma_wait3A_294 = arith.constant 0 : i32
    %dma_wait3A_295 = tpu.memref_slice %arg12[%dma_wait3A_293, %dma_wait3A_294] : memref<256x128xf32, #tpu.memory_space<vmem>> -> memref<64x128xf32, #tpu.memory_space<vmem>>
    tpu.wait_dma2 semaphore(%arg16 : memref<!tpu.dma_semaphore, #tpu.memory_space<semaphore_mem>>) src(%dma_wait3A_295 : memref<64x128xf32, #tpu.memory_space<vmem>>) dst(%dma_wait3A_292 : memref<64x128xf32, #tpu.memory_space<hbm>>)
    %dma_wait3A_296 = arith.constant 128 : i32
    %dma_wait3A_297 = arith.constant 0 : i32
    %dma_wait3A_298 = tpu.memref_slice %arg12[%dma_wait3A_296, %dma_wait3A_297] : memref<256x128xf32, #tpu.memory_space<vmem>> -> memref<64x128xf32, #tpu.memory_space<vmem>>
    %dma_wait3A_299 = arith.constant 0 : i32
    %dma_wait3A_300 = tpu.memref_slice %arg7[%select_n3A, %add3A_256, %dma_wait3A_299] : memref<4x2048x128xf32, #tpu.memory_space<hbm>> -> memref<1x64x128xf32, #tpu.memory_space<hbm>>
    %dma_wait3A_301 = tpu.memref_squeeze %dma_wait3A_300 : memref<1x64x128xf32, #tpu.memory_space<hbm>> -> memref<64x128xf32, #tpu.memory_space<hbm>>
    %dma_wait3A_302 = arith.constant 0 : i32
    %dma_wait3A_303 = tpu.memref_slice %arg7[%select_n3A, %add3A_256, %dma_wait3A_302] : memref<4x2048x128xf32, #tpu.memory_space<hbm>> -> memref<1x64x128xf32, #tpu.memory_space<hbm>>
    %dma_wait3A_304 = tpu.memref_squeeze %dma_wait3A_303 : memref<1x64x128xf32, #tpu.memory_space<hbm>> -> memref<64x128xf32, #tpu.memory_space<hbm>>
    %dma_wait3A_305 = arith.constant 128 : i32
    %dma_wait3A_306 = arith.constant 0 : i32
    %dma_wait3A_307 = tpu.memref_slice %arg12[%dma_wait3A_305, %dma_wait3A_306] : memref<256x128xf32, #tpu.memory_space<vmem>> -> memref<64x128xf32, #tpu.memory_space<vmem>>
    tpu.wait_dma2 semaphore(%arg16 : memref<!tpu.dma_semaphore, #tpu.memory_space<semaphore_mem>>) src(%dma_wait3A_307 : memref<64x128xf32, #tpu.memory_space<vmem>>) dst(%dma_wait3A_304 : memref<64x128xf32, #tpu.memory_space<hbm>>)
    return
  }
}

</mosaic_0001>

<sc_bundles>
// kernel: kernel.3.cloned.1.call-start
scs
__scs_entry_jumppad:
0x0: {  	(pc) =	sbr.rel $0x88, $3  }
0x1: {  	(tag) =	ssettag $0x0;
	lr =	simm.s32 $0x1  }
0x2: {  	[smem:$0x3F9C] =	sst lr;
	_ =	strace $0xD0000000  }
0x3: {  	_ = 	snop  }
0x4: {  	_ = 	snop  }
0x5: {  	_ = 	snop  }
0x6: {  	_ = 	snop  }
0x7: {  	_ = 	snop  }
__scs_overlays_trampoline_lowered:
0x8: {  	[smem:$0x3FAB] =	sst s0  }
0x9: {  	[smem:$0x3FAC] =	sst s1  }
0xa: {  	[smem:$0x3FAD] =	sst s2  }
0xb: {  	[smem:$0x3FAE] =	sst s3  }
0xc: {  	[smem:$0x3FAF] =	sst s4  }
0xd: {  	[smem:$0x3FB0] =	sst s5  }
0xe: {  	[smem:$0x3FB1] =	sst s6  }
0xf: {  	[smem:$0x3FB2] =	sst s7  }
0x10: {  	[smem:$0x3FB3] =	sst s8  }
0x11: {  	[smem:$0x3FB4] =	sst s9;
	s0 =	simm.s32 @!p0 $0x0  }
0x12: {  	s1 =	sld [smem:$0x3F9A];
	s0 =	simm.s32 @p0 $0x1  }
0x13: {  	[smem:$0x3FB5] =	sst s0;
	s0 =	simm.s32 @!p1 $0x0  }
0x14: {  	s2 =	sld [smem:$0x3F99];
	s0 =	simm.s32 @p1 $0x1  }
0x15: {  	[smem:$0x3FB6] =	sst s0;
	s0 =	simm.s32 @!p2 $0x0  }
0x16: {  	s3 =	sld [smem:$0x3FDB];
	s0 =	simm.s32 @p2 $0x1  }
0x17: {  	s4 =	simm.s32 $0x1BF5;
	[smem:$0x3FB8] =	sst s0  }
0x18: {  	s0 =	sld [smem:$0x3F9B];
	_ =	swait.ge [sflag:s4], $0x0  }
0x19: {  	s7 =	sld [smem:$0x3F9C]  }
0x1a: {  	s8 =	sadd.s32 $0xFFFFE003, lr  }
0x1b: {  	s9 =	sadd.s32 $0xFFFFFEF7, lr;
	s5 =	simm.s32 $0xFFFFFFFF;
	p2 =	slt.u32 s8, $0xFFFFF086  }
0x1c: {  	p1 =	slt.u32 s9, $0xF7A;
	s5 =	simm.s32 @!p2 $0x0  }
0x1d: {  	s5 =	simm.s32 @p1 $0x1;
	p0 =	seq.s32 s7, s2  }
0x1e: {  	s7 =	smul.u32 @!p0 $0xF7A, s2;
	p2 =	seq.s32 @!p0 s5, $0x0  }
0x1f: {  	s9 =	smul.u32 $0xF7A, s1;
	s8 =	simm.s32 @!p0 $0x1BF5;
	p2 =	por !p2, p0  }
0x20: {  	[sflag:s8] =	ssyncset.s32 @!p0 $0xFFFFF086;
	s6 =	sadd.s32 @!p0 s3, s7;
	s7 =	simm.s32 @!p0 $0x108  }
0x21: {  	s3 =	sadd.s32 s3, s9;
	s6 =	sadd.s32 @!p0 $0x88, s6;
	s7 =	simm.s32 @p2 $0x1082  }
0x22: {  	[simem:s7], [sflag:s8] =	dma.local @!p0 [hbm:s6], $0xF7A  }
0x23: {  	s9 =	sor.u32 $0xD0000000, s2;
	s6 =	simm.s32 $0x108;
	_ =	swait.ge @!p0 [sflag:s8], $0x0  }
0x24: {  	s3 =	sadd.s32 $0x88, s3;
	s6 =	simm.s32 @!p1 $0x1082;
	[sflag:s4] =	ssyncset.s32 $0xFFFFF086  }
0x25: {  	[simem:s6], [sflag:s4] =	dma.local [hbm:s3], $0xF7A  }
0x26: {  	[smem:$0x3F9C] =	sst s1;
	(tag) =	ssettag s2;
	_ =	strace s9  }
0x27: {  	s1 =	sld [smem:$0x3FAC]  }
0x28: {  	s2 =	sld [smem:$0x3FAD]  }
0x29: {  	s4 =	sld [smem:$0x3FAF]  }
0x2a: {  	p0 =	seq.s32 s5, $0x0;
	s5 =	sld [smem:$0x3FB0]  }
0x2b: {  	s6 =	sld [smem:$0x3FB1]  }
0x2c: {  	s7 =	sld [smem:$0x3FB2]  }
0x2d: {  	s3 =	simm.s32 $0x108;
	s8 =	sld [smem:$0x3FB3]  }
0x2e: {  	s3 =	simm.s32 @!p0 $0x1082;
	s9 =	sld [smem:$0x3FB4]  }
0x2f: {  	lr =	sadd.s32 s0, s3;
	s0 =	sld [smem:$0x3FAB]  }
0x30: {  	s3 =	sld [smem:$0x3FAE]  }
0x31: {  	[smem:$0x3FB7] =	sst s10  }
0x32: {  	s10 =	sld [smem:$0x3FB5];
	_ =	sdelay $0x3  }
0x33: {  	p0 =	seq.s32 s10, $0x1;
	s10 =	sld [smem:$0x3FB7];
	_ =	sdelay $0x3  }
0x34: {  	[smem:$0x3FB7] =	sst s10  }
0x35: {  	s10 =	sld [smem:$0x3FB6];
	_ =	sdelay $0x3  }
0x36: {  	p1 =	seq.s32 s10, $0x1;
	s10 =	sld [smem:$0x3FB7];
	_ =	sdelay $0x3  }
0x37: {  	[smem:$0x3FB7] =	sst s10  }
0x38: {  	s10 =	sld [smem:$0x3FB8]  }
0x39: {  	_ = 	snop;
	(pc) =	sbr.ind lr, $3  }
0x3a: {  	_ = 	snop  }
0x3b: {  	_ = 	snop  }
0x3c: {  	p2 =	seq.s32 s10, $0x1;
	s10 =	sld [smem:$0x3FB7]  }
0x3d: {  	_ =	shalt  }
0x3e: {  	_ =	shalt  }
0x3f: {  	_ =	shalt  }
0x40: {  	_ =	shalt  }
0x41: {  	_ =	shalt  }
0x42: {  	_ =	shalt  }
0x43: {  	_ =	shalt  }
0x44: {  	_ =	shalt  }
0x45: {  	_ =	shalt  }
0x46: {  	_ =	shalt  }
0x47: {  	_ =	shalt  }
0x48: {  	_ =	shalt  }
0x49: {  	_ =	shalt  }
0x4a: {  	_ =	shalt  }
0x4b: {  	_ =	shalt  }
0x4c: {  	_ =	shalt  }
0x4d: {  	_ =	shalt  }
0x4e: {  	_ =	shalt  }
0x4f: {  	_ =	shalt  }
0x50: {  	_ =	shalt  }
0x51: {  	_ =	shalt  }
0x52: {  	_ =	shalt  }
0x53: {  	_ =	shalt  }
0x54: {  	_ =	shalt  }
0x55: {  	_ =	shalt  }
0x56: {  	_ =	shalt  }
0x57: {  	_ =	shalt  }
0x58: {  	_ =	shalt  }
0x59: {  	_ =	shalt  }
0x5a: {  	_ =	shalt  }
0x5b: {  	_ =	shalt  }
0x5c: {  	_ =	shalt  }
0x5d: {  	_ =	shalt  }
0x5e: {  	_ =	shalt  }
0x5f: {  	_ =	shalt  }
0x60: {  	_ =	shalt  }
0x61: {  	_ =	shalt  }
0x62: {  	_ =	shalt  }
0x63: {  	_ =	shalt  }
0x64: {  	_ =	shalt  }
0x65: {  	_ =	shalt  }
0x66: {  	_ =	shalt  }
0x67: {  	_ =	shalt  }
0x68: {  	_ =	shalt  }
0x69: {  	_ =	shalt  }
0x6a: {  	_ =	shalt  }
0x6b: {  	_ =	shalt  }
0x6c: {  	_ =	shalt  }
0x6d: {  	_ =	shalt  }
0x6e: {  	_ =	shalt  }
0x6f: {  	_ =	shalt  }
0x70: {  	_ =	shalt  }
0x71: {  	_ =	shalt  }
0x72: {  	_ =	shalt  }
0x73: {  	_ =	shalt  }
0x74: {  	_ =	shalt  }
0x75: {  	_ =	shalt  }
0x76: {  	_ =	shalt  }
0x77: {  	_ =	shalt  }
0x78: {  	_ =	shalt  }
0x79: {  	_ =	shalt  }
0x7a: {  	_ =	shalt  }
0x7b: {  	_ =	shalt  }
0x7c: {  	_ =	shalt  }
0x7d: {  	_ =	shalt  }
0x7e: {  	_ =	shalt  }
0x7f: {  	_ =	shalt  }
0x80: {  	_ =	shalt  }
0x81: {  	_ =	shalt  }
0x82: {  	_ =	shalt  }
0x83: {  	_ =	shalt  }
0x84: {  	_ =	shalt  }
0x85: {  	_ =	shalt  }
0x86: {  	_ =	shalt  }
0x87: {  	_ =	shalt  }
.Lfunc_end0:
.L_simem_size_0:
called_computation_lowered:
.L_overlay_start_0:
0x88: {  	s2 =	sld [smem:$0x3FD9]  }
0x89: {  	s3 =	sld [smem:$0x3FFE];
	_ =	sdelay $0x1  }
0x8a: {  	s1 =	srdreg.scid  }
0x8b: {  	s0 =	sand.u32 $0x1, s1  }
0x8c: {  	s18 =	sshll.u32 s0, $0xA;
	s2 =	sadd.s32 s3, s2  }
0x8d: {  	s2 =	sadd.s32 s2, s18  }
0x8e: {  	[smem:$0x3FC3] =	sst s2  }
0x8f: {  	_ = 	snop  }
0x90: {  	s2 =	sld [smem:$0x3FC9]  }
0x91: {  	s19 =	sld [smem:$0x3FC8]  }
0x92: {  	s4 =	sld [smem:$0x3FC7]  }
0x93: {  	s5 =	sld [smem:$0x3FC6]  }
0x94: {  	s6 =	sld [smem:$0x3FC5]  }
0x95: {  	s7 =	sld [smem:$0x3FD0];
	(tm) =	ssettm $0x1  }
0x96: {  	s8 =	sld [smem:$0x3FFB];
	_ =	sdelay $0x3  }
0x97: {  	_ =	strace s8  }
0x98: {  	s8 =	sld [smem:$0x3FFC];
	_ =	sdelay $0x3  }
0x99: {  	_ =	strace s8  }
0x9a: {  	s8 =	sld [smem:$0x3FFD];
	_ =	sdelay $0x3  }
0x9b: {  	_ =	strace s8  }
0x9c: {  	_ =	strace $0x8FFFFFFF  }
0x9d: {  	s20 =	sld [smem:$0x3FDB];
	_ =	sdelay $0x1  }
0x9e: {  	s9 =	simm.s32 $_scs_section_size  }
0x9f: {  	s10 =	simm.s32 $_size__tile_overlayer_lowered;
	s11 =	simm.s32 $_tile_overlayer_lowered  }
0xa0: {  	s23 =	simm.s32 $0x1BFF;
	s22 =	sshll.u32 s11, $0x1;
	s8 =	sadd.s32 s9, s20  }
0xa1: {  	s12 =	simm.s32 $0x0;
	s21 =	sshll.u32 s10, $0x1;
	s10 =	sadd.s32 s22, s8  }
0xa2: {  	[timem:s12], [sflag:s23] =	dma.local [hbm:s10], s21  }
0xa3: {  	_ =	swait.ge [sflag:s23], s21  }
0xa4: {  	s9 =	ssub.s32 $0x0, s21;
	[sflag:s23] =	ssyncset.done $0x0  }
0xa5: {  	[sflag:s23] =	ssyncadd.s32 s9;
	_ =	sdelay $0x1  }
0xa6: {  	s24 =	simm.s32 $0x1B8B  }
0xa7: {  	_ =	swait.ge [sflag:s24], $0x1  }
0xa8: {  	[sflag:s24] =	ssyncset.done $0x0  }
0xa9: {  	s25 =	simm.s32 $0x1B8E;
	[sflag:s24] =	ssyncadd.s32 $0xFFFFFFFF  }
0xaa: {  	s26 =	simm.s32 $execute0_lowered;
	[smem:$0x3FD2] =	sst s25  }
0xab: {  	s9 =	sshll.u32 s26, $0x1;
	_ =	strace $0x80000046;
	[dreg:$0x1] =	wrdreg $0xFFFFFFFF  }
0xac: {  	s28 =	simm.s32 $_size_execute0_lowered;
	s8 =	sadd.s32 s8, s9;
	[dreg:$0x0] =	wrdreg $0x0  }
0xad: {  	s9 =	sshll.u32 s28, $0x1;
	[dreg:$0x2] =	wrdreg s8  }
0xae: {  	[dreg:$0x3] =	wrdreg s9  }
0xaf: {  	[dreg:$0x4] =	wrdreg $0xC0  }
0xb0: {  	_ =	task [dreg:s12], $0x5FFFF  }
0xb1: {  	[dreg:$0x1] =	wrdreg $0xFFFFFFFF  }
0xb2: {  	[dreg:$0x0] =	wrdreg $0x60  }
0xb3: {  	[dreg:$0x2] =	wrdreg s4  }
0xb4: {  	[dreg:$0x3] =	wrdreg s2  }
0xb5: {  	[dreg:$0x4] =	wrdreg s19  }
0xb6: {  	[dreg:$0x5] =	wrdreg s5  }
0xb7: {  	[dreg:$0x6] =	wrdreg s6  }
0xb8: {  	[dreg:$0x7] =	wrdreg s7  }
0xb9: {  	[dreg:$0x8] =	wrdreg $0x9  }
0xba: {  	_ =	task.clear_ibuf [dreg:s12], $0x9FFFF;
	_ =	strace $0x90000046  }
0xbb: {  	s29 =	simm.s32 $0x9;
	_ =	strace $0x80000048  }
0xbc: {  	_ =	swait.ge [sflag:s29], $0x1  }
0xbd: {  	[sflag:s29] =	ssyncadd.s32 $0xFFFFFFFF  }
0xbe: {  	_ =	strace $0x90000048  }
0xbf: {  	_ =	sfence  }
0xc0: {  	s30 =	sld [smem:$0x0];
	_ =	sdelay $0x2  }
0xc1: {  	s31 =	sshll.u32 s1, $0xD;
	s1 =	sshrl.u32 s1, $0x2  }
0xc2: {  	s3 =	sand.u32 $0x4000, s31;
	s1 =	sadd.s32 s1, s30  }
0xc3: {  	s0 =	sor.u32 s3, s0;
	s1 =	sshll.u32 s1, $0x11  }
0xc4: {  	s0 =	sor.u32 s1, s0  }
0xc5: {  	s0 =	sadd.s32 $0x8F2B, s0  }
0xc6: {  	[sflag:s0] =	ssyncadd.remote.s32 $0x1  }
0xc7: {  	_ =	sfence.sel $0xFFFF  }
0xc8: {  	[dreg:$0x0] =	wrdreg $0xFFFFFFFF;
	(pc) =	sbr.abs _section_cstart, $3  }
0xc9: {  	[dreg:$0x1] =	wrdreg $0xFFFFFFFF  }
0xca: {  	_ =	task.clear_ibuf [dreg:s12], $0x2FFFF;
	_ =	strace $0x9FFFFFFF  }
0xcb: {  	(tm) =	ssettm $0x7FFFFFFF  }
tec
execute0_lowered:
.L_overlay_start_1:
0x0: {  	(tag) =	ssettag $0x1  }
0x1: {  	s1 =	rddreg [dreg:$0x0]  }
0x2: {  	s7 =	rddreg [dreg:$0x1]  }
0x3: {  	s8 =	rddreg [dreg:$0x2]  }
0x4: {  	s2 =	rddreg [dreg:$0x3]  }
0x5: {  	s3 =	rddreg [dreg:$0x4];
	v0 =	vimm.s32 $0xEFCDAB89  }
0x6: {  	s6 =	rddreg [dreg:$0x5];
	v1 =	vimm.s32 $0x67452301;
	v2 =	vimm.s32 $0xDCFE98BA;
	v3 =	vimm.s32 $0x54761032  }
0x7: {  	s0 =	rddreg [dreg:$0x6];
	v4 =	vimm.s32 $0xBA98FEDC;
	v5 =	vimm.s32 $0xFEDCBA98;
	v6 =	vimm.s32 $0x32107654  }
0x8: {  	s9 =	srdreg.scid;
	s4 =	stileid.u32;
	s5 =	simm.s32 $0x0;
	v7 =	vimm.s32 $0x76543210;
	vm0 =	vcmask $0x1F00;
	v61 =	vimm.f32 $1.000000000e+00  }
0x9: {  	s15 =	simm.s32 $0x5;
	s16 =	simm.s32 $0x380;
	s17 =	simm.s32 $0x4380;
	v0 =	vunpack.c.l.s4.s8 v0;
	v1 =	vunpack.c.l.s4.s8 v1;
	v2 =	vunpack.c.l.s4.s8 v2  }
0xa: {  	s18 =	simm.s32 $0x100;
	s19 =	simm.s32 $0x300;
	s20 =	simm.s32 $0x3;
	v3 =	vunpack.c.l.s4.s8 v3;
	v5 =	vunpack.c.l.s4.s8 v5;
	v4 =	vunpack.c.l.s4.s8 v4  }
0xb: {  	s21 =	simm.s32 $0x1;
	s22 =	simm.s32 $0x6380;
	s23 =	simm.s32 $0x4;
	v6 =	vunpack.c.l.s4.s8 v6;
	v0 =	vunpack.c.0.s8.s32 v0;
	v1 =	vunpack.c.0.s8.s32 v1  }
0xc: {  	s24 =	simm.s32 $0x0;
	s9 =	sand.u32 $0x1, s9;
	s10 =	sshll.u32 s4, $0x1;
	v7 =	vunpack.c.l.s4.s8 v7;
	v2 =	vunpack.c.0.s8.s32 v2;
	v3 =	vunpack.c.0.s8.s32 v3  }
0xd: {  	[smem:$0x7FF] =	sst s5;
	s31 =	sshrl.u32 s4, $0x2;
	s11 =	ssub.s32 $0x2, s9;
	v56 =	vunpack.c.0.s8.s32 v4;
	v57 =	vunpack.c.0.s8.s32 v6;
	v0 =	vcombine.low v1, v0  }
0xe: {  	v63 =	vsel vm0, $0x0, v61;
	s10 =	sand.u32 $0x6, s10;
	_ =	strace $0x80000047;
	s14 =	sshll.u32 s31, $0x4;
	v55 =	vunpack.c.0.s8.s32 v5;
	v54 =	vcombine.low v3, v2  }
0xf: {  	[tilespmem:$0x1FFF0] =	vst v63;
	s12 =	sshrl.u32 s11, $0x1;
	s9 =	sor.u32 s9, s10;
	s10 =	sshll.u32 s31, $0xF;
	v58 =	vunpack.c.0.s8.s32 v7;
	v3 =	vcombine.low v57, v56;
	v0 =	vand.u32 $0xF, v0  }
.Ltmp0:
0x10: {  	s13 =	sshll.u32 s9, $0xC;
	s9 =	sshll.u32 s9, $0x7;
	v59 =	vand.u32 $0xF, v55;
	v1 =	vand.u32 $0xF, v54;
	[tilespmem:$0x1FFA0] =	vst v0;
	(pc) =	sbr.rel .LBB2_1-.Ltmp0, $4  }
0x11: {  	s12 =	ssub.s32 s11, s12;
	s6 =	sadd.s32 s13, s6;
	s9 =	sor.u32 s14, s9;
	v62 =	vand.u32 $0xF, v3;
	[tilespmem:$0x1FFB0] =	vst v1;
	v0 =	vcombine.low v59, v58  }
0x12: {  	v60 =	vimm.f32 $0.0e+00;
	s12 =	smax.u32 s12, $0x1;
	s13 =	simm.s32 $0x80;
	s14 =	simm.s32 $0x200;
	[tilespmem:$0x1FFD0] =	vst v62  }
0x13: {  	s6 =	sadd.s32 s6, s10;
	s7 =	sadd.s32 s7, s9;
	s8 =	sadd.s32 s8, s9;
	[tilespmem:$0x1FFC0] =	vst v0;
	v0 =	vsel vm0, $0x3F800000, v60  }
0x14: {  	s9 =	sadd.s32 $0x800, s6;
	s10 =	sadd.s32 $0x400, s6;
	s11 =	sadd.s32 $0xC00, s6;
	[tilespmem:$0x1FFE0] =	vst v0  }
.LBB2_10:
0x15: {  	[hbm4b:s11+s5] =	stream.linear.scatter [tilespmem:s22], [sflag:$0x5], $0x2000, $0x38;
	[tilespmem:$0x8380] =	vst v63  }
0x16: {  	_ =	swait.ge [sflag:s15], $0x2000  }
0x17: {  	[sflag:s15] =	ssyncset.done $0x0  }
0x18: {  	[sflag:s15] =	ssyncadd.s32 $0xFFFFE000  }
0x19: {  	_ =	swait.ge [sflag:s23], $0x2000  }
0x1a: {  	[sflag:s23] =	ssyncset.done $0x0  }
0x1b: {  	s24 =	sadd.s32 $0x1, s24;
	[sflag:s23] =	ssyncadd.s32 $0xFFFFE000  }
0x1c: {  	p0 =	sne.s32 s24, s12;
	_ =	swait.ge [sflag:s23], $0x2000  }
.Ltmp1:
0x1d: {  	[sflag:s23] =	ssyncset.done $0x0;
	(pc) =	sbr.rel @!p0 .LBB2_11-.Ltmp1, $4  }
0x1e: {  	[sflag:s23] =	ssyncadd.s32 $0xFFFFE000  }
0x1f: {  	_ =	swait.ge [sflag:s23], $0x2000  }
0x20: {  	[sflag:s23] =	ssyncset.done $0x0  }
0x21: {  	[sflag:s23] =	ssyncadd.s32 $0xFFFFE000  }
.LBB2_1:
0x22: {  	[tilespmem:s5], [sflag:$0x5] =	stream.strided.gather [hbm4b:s7+s13], $0x100, s14, s13, $0x38;
	[tilespmem:$0x8380] =	vst v63  }
0x23: {  	_ =	swait.ge [sflag:s15], $0x100  }
0x24: {  	[sflag:s15] =	ssyncset.done $0x0  }
0x25: {  	[sflag:s15] =	ssyncadd.s32 $0xFFFFFF00  }
0x26: {  	[tilespmem:s16], [sflag:$0x1] =	stream.indirect.gather [hbm4b:s1+s13], $0x80, s5, s13, $0xb8;
	[tilespmem:$0x8380] =	vst v63  }
0x27: {  	_ = 	snop  }
0x28: {  	[tilespmem:s17], [sflag:$0x2] =	stream.indirect.gather [hbm4b:s1+s13], $0x80, s13, s13, $0xb8;
	[tilespmem:$0x8380] =	vst v63  }
0x29: {  	_ = 	snop  }
0x2a: {  	[tilespmem:s18], [sflag:$0x3] =	stream.strided.gather [hbm4b:s8+s13], $0x100, s14, s13, $0x38;
	[tilespmem:$0x8380] =	vst v63  }
0x2b: {  	_ = 	snop  }
0x2c: {  	[tilespmem:s14], [sflag:$0x3] =	stream.linear.gather [hbm4b:s2+s5], $0x100, $0x38;
	[tilespmem:$0x8380] =	vst v63  }
0x2d: {  	_ = 	snop  }
0x2e: {  	[tilespmem:s19], [sflag:$0x3] =	stream.linear.gather [hbm4b:s3+s5], $0x80, $0x38;
	[tilespmem:$0x8380] =	vst v63  }
0x2f: {  	_ =	swait.ge [sflag:s20], $0x100  }
0x30: {  	[sflag:s20] =	ssyncset.done $0x0  }
0x31: {  	[sflag:s20] =	ssyncadd.s32 $0xFFFFFF00  }
0x32: {  	_ =	swait.ge [sflag:s20], $0x100  }
0x33: {  	[sflag:s20] =	ssyncset.done $0x0  }
0x34: {  	[sflag:s20] =	ssyncadd.s32 $0xFFFFFF00  }
0x35: {  	_ =	swait.ge [sflag:s20], $0x80  }
0x36: {  	[sflag:s20] =	ssyncset.done $0x0  }
0x37: {  	[sflag:s20] =	ssyncadd.s32 $0xFFFFFF80  }
0x38: {  	v1 =	vld [tilespmem:$0x200]  }
0x39: {  	v2 =	vld [tilespmem:$0x210]  }
0x3a: {  	v3 =	vld [tilespmem:$0x220]  }
0x3b: {  	v6 =	vld [tilespmem:$0x230]  }
0x3c: {  	v7 =	vld [tilespmem:$0x240]  }
0x3d: {  	v8 =	vld [tilespmem:$0x250]  }
0x3e: {  	v0 =	vld [tilespmem:$0x280]  }
0x3f: {  	v4 =	vld [tilespmem:$0x290];
	[tilespmem:$0x1FE20] =	vst v1  }
0x40: {  	v5 =	vld [tilespmem:$0x2A0];
	[tilespmem:$0x1FE40] =	vst v2  }
0x41: {  	v17 =	vld [tilespmem:$0x2B0];
	[tilespmem:$0x1FE60] =	vst v3  }
0x42: {  	v18 =	vld [tilespmem:$0x2C0];
	[tilespmem:$0x1FE80] =	vst v6  }
0x43: {  	v19 =	vld [tilespmem:$0x300];
	v0 =	vsub.f32 v0, v1;
	[tilespmem:$0x1FEA0] =	vst v7  }
0x44: {  	v20 =	vld [tilespmem:$0x310];
	v49 =	vsub.f32 v4, v2;
	[tilespmem:$0x1FEE0] =	vst v8  }
0x45: {  	v21 =	vld [tilespmem:$0x2D0];
	v51 =	vsub.f32 v5, v3;
	[tilespmem:$0x1FE30] =	vst v0  }
0x46: {  	v22 =	vld [tilespmem:$0x320];
	v52 =	vsub.f32 v17, v6;
	[tilespmem:$0x1FE50] =	vst v49  }
0x47: {  	v23 =	vld [tilespmem:$0x330];
	v53 =	vsub.f32 v18, v7;
	[tilespmem:$0x1FE70] =	vst v51  }
0x48: {  	v9 =	vld [tilespmem:$0x260];
	v54 =	vmul.f32 $1.131370830e+01, v19;
	[tilespmem:$0x1FE90] =	vst v52  }
0x49: {  	v10 =	vld [tilespmem:$0x270];
	v55 =	vmul.f32 $1.131370830e+01, v20;
	[tilespmem:$0x1FEB0] =	vst v53  }
0x4a: {  	v24 =	vld [tilespmem:$0x2E0];
	v56 =	vsub.f32 v21, v8;
	[tilespmem:$0x1FEC0] =	vst v54  }
0x4b: {  	v25 =	vld [tilespmem:$0x340];
	v57 =	vmul.f32 $1.131370830e+01, v22;
	[tilespmem:$0x1FED0] =	vst v55  }
0x4c: {  	v26 =	vld [tilespmem:$0x350];
	v58 =	vmul.f32 $1.131370830e+01, v23;
	[tilespmem:$0x1FEF0] =	vst v56  }
0x4d: {  	v27 =	vld [tilespmem:$0x2F0];
	[tilespmem:$0x1FF00] =	vst v57  }
0x4e: {  	v28 =	vld [tilespmem:$0x360];
	[tilespmem:$0x1FF10] =	vst v58  }
0x4f: {  	v50 =	vld [tilespmem:$0x370];
	v59 =	vsub.f32 v24, v9;
	_ =	swait.ge [sflag:s21], $0x4000  }
0x50: {  	v60 =	vmul.f32 $1.131370830e+01, v25;
	[tilespmem:$0x1FF20] =	vst v9  }
0x51: {  	v61 =	vmul.f32 $1.131370830e+01, v26;
	[tilespmem:$0x1FF30] =	vst v59  }
0x52: {  	[tilespmem:$0x1FF40] =	vst v60  }
.Ltmp2:
0x53: {  	v62 =	vsub.f32 v27, v10;
	[tilespmem:$0x1FF50] =	vst v61;
	(pc) =	sbr.rel .LBB2_2-.Ltmp2, $4  }
0x54: {  	v63 =	vmul.f32 $1.131370830e+01, v28;
	[tilespmem:$0x1FF60] =	vst v10  }
0x55: {  	v0 =	vmul.f32 $1.131370830e+01, v50;
	[tilespmem:$0x1FF70] =	vst v62  }
0x56: {  	[sflag:s21] =	ssyncset.done $0x0;
	[tilespmem:$0x1FF80] =	vst v63  }
0x57: {  	s25 =	simm.s32 $0x0;
	[tilespmem:$0x1FF90] =	vst v0;
	[sflag:s21] =	ssyncadd.s32 $0xFFFFC000  }
.LBB2_7:
0x58: {  	s26 =	simm.s32 $0x4380;
	s28 =	smov.u32 s9  }
.LBB2_8:
0x59: {  	[hbm4b:s28+s5] =	stream.linear.scatter [tilespmem:s26], [sflag:$0x4], $0x2000, $0x38;
	[tilespmem:$0x8380] =	vst v63  }
.LBB2_9:
0x5a: {  	s25 =	sadd.s32 $0x1, s25  }
0x5b: {  	p0 =	sne.s32 s25, $0x10  }
.Ltmp3:
0x5c: {  	_ = 	snop;
	(pc) =	sbr.rel @!p0 .LBB2_10-.Ltmp3, $1  }
0x5d: {  	_ =	sdelay $0x3  }
.LBB2_2:
0x5e: {  	p0 =	sne.s32 s25, $0x8  }
0x5f: {  	s26 =	simm.s32 @!p0 $0x2  }
0x60: {  	_ =	swait.ge @!p0 [sflag:s26], $0x4000  }
0x61: {  	v23 =	vld [tilespmem:$0x1FE30]  }
0x62: {  	v24 =	vld [tilespmem:$0x1FE50]  }
0x63: {  	v11 =	vld [tilespmem:$0x1FE20]  }
0x64: {  	s28 =	sshll.u32 s25, $0x4;
	[sflag:s26] =	ssyncset.done @!p0 $0x0;
	v18 =	vld [tilespmem:$0x1FE40]  }
0x65: {  	s30 =	sand.u32 $0x3FFFFFF0, s28;
	v27 =	vld [tilespmem:$0x1FE70];
	[sflag:s26] =	ssyncadd.s32 @!p0 $0xFFFFC000  }
0x66: {  	v0 =	vld [tilespmem:s30+$0x100]  }
0x67: {  	v15 =	vld [tilespmem:$0x1FE60]  }
0x68: {  	v16 =	vld [tilespmem:$0x1FE90]  }
0x69: {  	v13 =	vld [tilespmem:$0x1FE80]  }
0x6a: {  	v8 =	vld [tilespmem:$0x1FEB0]  }
0x6b: {  	s31 =	sshll.u32 s25, $0xB;
	v2 =	vld [tilespmem:$0x1FEA0];
	v30 =	vcvt.s32.f32 v0  }
0x6c: {  	v21 =	vld [tilespmem:$0x1FEF0];
	s26 =	sand.u32 $0x3FFFF800, s31  }
0x6d: {  	v4 =	vld [tilespmem:s26+$0x380];
	v0 =	vbroadcast v30, $0x0  }
0x6e: {  	v5 =	vld [tilespmem:s26+$0x390];
	v43 =	vbroadcast v30, $0x1  }
0x6f: {  	v20 =	vld [tilespmem:$0x1FEE0];
	v31 =	vmul.f32 v0, v23;
	v32 =	vmul.f32 v0, v24  }
0x70: {  	v33 =	vld [tilespmem:s26+$0x3A0];
	v34 =	vmul.f32 v0, v27;
	v46 =	vmul.f32 v0, v16  }
0x71: {  	v25 =	vld [tilespmem:$0x1FF30];
	v38 =	vmul.f32 v0, v8;
	v31 =	vadd.f32 v31, v11;
	v32 =	vadd.f32 v32, v18  }
0x72: {  	v29 =	vld [tilespmem:s26+$0x3B0];
	v51 =	vmul.f32 v43, v23;
	v40 =	vmul.f32 v43, v24;
	v45 =	vadd.f32 v34, v15  }
0x73: {  	v26 =	vld [tilespmem:$0x1FF20];
	v42 =	vmul.f32 v43, v27;
	v31 =	vadd.f32 v31, v4;
	v5 =	vadd.f32 v32, v5  }
0x74: {  	v37 =	vld [tilespmem:s26+$0x3C0];
	v57 =	vmul.f32 v0, v21;
	v47 =	vadd.f32 v46, v13;
	v49 =	vadd.f32 v38, v2  }
0x75: {  	v39 =	vld [tilespmem:s26+$0x400];
	v33 =	vadd.f32 v45, v33;
	v35 =	vmul.f32 v31, v31;
	v36 =	vmul.f32 v5, v5  }
0x76: {  	v50 =	vld [tilespmem:s26+$0x410];
	v59 =	vmul.f32 v43, v16;
	v52 =	vadd.f32 v51, v11;
	v53 =	vadd.f32 v40, v18  }
0x77: {  	v55 =	vld [tilespmem:s26+$0x430];
	v34 =	vadd.f32 v47, v29;
	v48 =	vmul.f32 v33, v33;
	v35 =	vadd.f32 v36, v35  }
0x78: {  	v54 =	vld [tilespmem:s26+$0x420];
	v62 =	vmul.f32 v43, v8;
	v58 =	vadd.f32 v42, v15;
	v61 =	vadd.f32 v59, v13  }
0x79: {  	v56 =	vld [tilespmem:s26+$0x3D0];
	v38 =	vadd.f32 v57, v20;
	v41 =	vmul.f32 v34, v34;
	v35 =	vadd.f32 v35, v48  }
0x7a: {  	v63 =	vmul.f32 v0, v25;
	v1 =	vadd.f32 v39, v52;
	v36 =	vadd.f32 v37, v49  }
0x7b: {  	v19 =	vld [tilespmem:$0x1FF70];
	v22 =	vmul.f32 v43, v25;
	v35 =	vadd.f32 v35, v41;
	v41 =	vadd.f32 v50, v53  }
0x7c: {  	v46 =	vld [tilespmem:s26+$0x440];
	v3 =	vadd.f32 v62, v2;
	v4 =	vadd.f32 v55, v61;
	v60 =	vmul.f32 v1, v1  }
0x7d: {  	v47 =	vld [tilespmem:s26+$0x3E0];
	v37 =	vadd.f32 v54, v58;
	v44 =	vmul.f32 v36, v36;
	v45 =	vmul.f32 v41, v41  }
0x7e: {  	v7 =	vmul.f32 v43, v21;
	v40 =	vadd.f32 v56, v38;
	v38 =	vadd.f32 v22, v26;
	v48 =	vld [tilespmem:s26+$0x450]  }
0x7f: {  	v22 =	vld [tilespmem:$0x1FF60];
	[tilespmem:$0x1F5A0] =	vst v1;
	v1 =	vmul.f32 v37, v37;
	v44 =	vadd.f32 v35, v44;
	v35 =	vadd.f32 v45, v60  }
0x80: {  	v10 =	vld [tilespmem:s26+$0x460];
	v6 =	vadd.f32 v63, v26;
	v14 =	vadd.f32 v7, v20  }
0x81: {  	v12 =	vld [tilespmem:s26+$0x3F0];
	v9 =	vmul.f32 v4, v4;
	v42 =	vadd.f32 v46, v3;
	v35 =	vadd.f32 v1, v35  }
0x82: {  	v0 =	vmul.f32 v0, v19;
	v43 =	vmul.f32 v43, v19;
	v49 =	vld [tilespmem:s26+$0x470];
	v39 =	vadd.f32 v47, v6  }
0x83: {  	v28 =	vmul.f32 v42, v42;
	v32 =	vadd.f32 v48, v14;
	v35 =	vadd.f32 v9, v35  }
0x84: {  	v29 =	vmul.f32 v40, v40;
	v0 =	vadd.f32 v0, v22;
	v51 =	vadd.f32 v43, v22  }
0x85: {  	v50 =	vmul.f32 v32, v32;
	v45 =	vadd.f32 v28, v35;
	v35 =	vadd.f32 v10, v38  }
0x86: {  	v52 =	vmul.f32 v39, v39;
	v43 =	vadd.f32 v12, v0;
	v44 =	vadd.f32 v44, v29  }
0x87: {  	v38 =	vadd.f32 v49, v51;
	v53 =	vadd.f32 v50, v45;
	v54 =	vmul.f32 v35, v35  }
0x88: {  	v12 =	vld [tilespmem:$0x1FFA0];
	v55 =	vmul.f32 v43, v43  }
0x89: {  	v44 =	vadd.f32 v44, v52;
	v56 =	vmul.f32 v38, v38;
	v0 =	vadd.f32 v54, v53;
	_ =	sdelay $0x1  }
0x8a: {  	v44 =	vadd.f32 v44, v55;
	v0 =	vadd.f32 v56, v0  }
0x8b: {  	v7 =	vld [tilespmem:$0x1FFB0]  }
0x8c: {  	v57 =	vperm.xlane v44, v12;
	v58 =	vperm.xlane v0, v12;
	_ =	sdelay $0x1  }
0x8d: {  	v44 =	vadd.f32 v57, v44;
	v0 =	vadd.f32 v0, v58  }
0x8e: {  	v6 =	vld [tilespmem:$0x1FFD0]  }
0x8f: {  	v45 =	vperm.xlane v44, v7;
	v46 =	vperm.xlane v0, v7;
	_ =	sdelay $0x1  }
0x90: {  	v44 =	vadd.f32 v45, v44;
	v0 =	vadd.f32 v46, v0  }
0x91: {  	v3 =	vld [tilespmem:$0x1FFC0]  }
0x92: {  	v45 =	vperm.xlane v44, v6;
	v46 =	vperm.xlane v0, v6;
	_ =	sdelay $0x1  }
0x93: {  	v9 =	vld [tilespmem:$0x1FFE0];
	v44 =	vadd.f32 v45, v44;
	v0 =	vadd.f32 v46, v0  }
0x94: {  	v10 =	vld [tilespmem:$0x1FFF0]  }
0x95: {  	v45 =	vperm.xlane v44, v3;
	v46 =	vperm.xlane v0, v3;
	_ =	sdelay $0x1  }
0x96: {  	v44 =	vadd.f32 v45, v44;
	v0 =	vadd.f32 v46, v0;
	_ =	sdelay $0x1  }
0x97: {  	v44 =	vmul.f32 v9, v44;
	v0 =	vmul.f32 v10, v0;
	_ =	sdelay $0x1  }
0x98: {  	v0 =	vadd.f32 v0, v44;
	_ =	sdelay $0x1  }
0x99: {  	v0 =	vadd.f32 $1.280000000e-04, v0;
	_ =	sdelay $0x1  }
0x9a: {  	v59 =	vshra.s32 v0, $0x1;
	v0 =	vmul.f32 $5.000000000e-01, v0  }
0x9b: {  	v44 =	vsub.s32 $0x5F3759DF, v59  }
0x9c: {  	v60 =	vmul.f32 v44, v0;
	_ =	sdelay $0x1  }
0x9d: {  	v46 =	vbroadcast v30, $0x2;
	v45 =	vmul.f32 v44, v60  }
0x9e: {  	v63 =	vld [tilespmem:s26+$0x490]  }
0x9f: {  	v61 =	vld [tilespmem:s26+$0x480];
	v1 =	vmul.f32 v46, v24;
	v45 =	vsub.f32 $1.500000000e+00, v45  }
0xa0: {  	v29 =	vld [tilespmem:s26+$0x4B0]  }
0xa1: {  	v51 =	vld [tilespmem:s26+$0x4A0];
	v62 =	vmul.f32 v46, v23;
	v49 =	vadd.f32 v1, v18;
	v44 =	vmul.f32 v44, v45  }
0xa2: {  	v52 =	vmul.f32 v46, v27;
	v57 =	vmul.f32 v46, v16  }
0xa3: {  	v17 =	vadd.f32 v63, v49;
	v45 =	vadd.f32 v62, v11;
	v14 =	vmul.f32 v44, v0  }
0xa4: {  	v28 =	vadd.f32 v52, v15;
	v49 =	vadd.f32 v57, v13;
	v57 =	vmul.f32 v46, v21  }
0xa5: {  	v59 =	vmul.f32 v17, v17;
	v50 =	vmul.f32 v14, v44;
	v14 =	vadd.f32 v61, v45;
	v61 =	vld [tilespmem:s26+$0x4C0]  }
0xa6: {  	v60 =	vadd.f32 v51, v28;
	v28 =	vadd.f32 v29, v49;
	v62 =	vmul.f32 v46, v8  }
0xa7: {  	[tilespmem:$0x1F5C0] =	vst v17;
	v17 =	vld [tilespmem:s26+$0x4D0];
	v51 =	vbroadcast v30, $0x3;
	v58 =	vmul.f32 v14, v14  }
0xa8: {  	[tilespmem:$0x1F5D0] =	vst v60;
	v54 =	vmul.f32 v28, v28;
	v29 =	vadd.f32 v62, v2;
	v56 =	vsub.f32 $1.500000000e+00, v50  }
0xa9: {  	v55 =	vmul.f32 v51, v24;
	[tilespmem:$0x1F5B0] =	vst v14;
	v14 =	vmul.f32 v60, v60;
	v60 =	vld [tilespmem:s26+$0x510];
	v63 =	vadd.f32 v59, v58  }
0xaa: {  	v50 =	vld [tilespmem:s26+$0x500];
	v44 =	vmul.f32 v56, v44;
	v59 =	vadd.f32 v57, v20;
	v58 =	vadd.f32 v61, v29  }
0xab: {  	v61 =	vmul.f32 v51, v23;
	v29 =	vmul.f32 v51, v27;
	v48 =	vadd.f32 v14, v63  }
0xac: {  	v0 =	vmul.f32 v44, v0;
	v63 =	vadd.f32 v17, v59;
	v17 =	vadd.f32 v55, v18  }
0xad: {  	[tilespmem:$0x1F5E0] =	vst v28;
	v28 =	vld [tilespmem:s26+$0x520];
	v62 =	vmul.f32 v58, v58;
	v14 =	vadd.f32 v61, v11;
	v48 =	vadd.f32 v54, v48  }
0xae: {  	[tilespmem:$0x1F5F0] =	vst v58;
	v61 =	vmul.f32 v46, v25;
	v46 =	vmul.f32 v46, v19;
	v59 =	vadd.f32 v60, v17  }
0xaf: {  	[tilespmem:$0x1F600] =	vst v63;
	v57 =	vmul.f32 v63, v63;
	v60 =	vld [tilespmem:s26+$0x530];
	v58 =	vadd.f32 v50, v14;
	v48 =	vadd.f32 v62, v48  }
0xb0: {  	v47 =	vld [tilespmem:s26+$0x4E0];
	v63 =	vmul.f32 v51, v16;
	v49 =	vadd.f32 v61, v26;
	[tilespmem:$0x1F620] =	vst v59;
	v62 =	vadd.f32 v29, v15  }
0xb1: {  	v0 =	vmul.f32 v0, v44;
	v46 =	vadd.f32 v46, v22;
	[tilespmem:$0x1F610] =	vst v58;
	v48 =	vadd.f32 v57, v48  }
0xb2: {  	v29 =	vmul.f32 v51, v8;
	v57 =	vld [tilespmem:s26+$0x540];
	v17 =	vadd.f32 v28, v62;
	v28 =	vadd.f32 v63, v13  }
0xb3: {  	v56 =	vmul.f32 v59, v59;
	v0 =	vsub.f32 $1.500000000e+00, v0;
	v14 =	vmul.f32 v58, v58;
	v54 =	vld [tilespmem:s26+$0x4F0]  }
0xb4: {  	v61 =	vadd.f32 v29, v2;
	v52 =	vld [tilespmem:s26+$0x550];
	v62 =	vmul.f32 v51, v21;
	v60 =	vadd.f32 v60, v28  }
0xb5: {  	v56 =	vadd.f32 v56, v14;
	[tilespmem:$0x1F630] =	vst v17;
	v59 =	vmul.f32 v17, v17;
	v17 =	vadd.f32 v47, v49  }
0xb6: {  	v47 =	vadd.f32 v62, v20;
	v49 =	vbroadcast v30, $0x4;
	v14 =	vmul.f32 v60, v60  }
0xb7: {  	v45 =	vld [tilespmem:s26+$0x560];
	[tilespmem:$0x1F640] =	vst v60;
	v63 =	vadd.f32 v59, v56;
	v29 =	vmul.f32 v17, v17;
	v60 =	vmul.f32 v51, v25  }
0xb8: {  	v51 =	vmul.f32 v51, v19;
	v28 =	vadd.f32 v57, v61;
	v50 =	vadd.f32 v54, v46  }
0xb9: {  	v1 =	vmul.f32 v49, v23;
	v61 =	vadd.f32 v14, v63;
	v63 =	vld [tilespmem:s26+$0x570];
	v14 =	vadd.f32 v52, v47  }
0xba: {  	v48 =	vadd.f32 v29, v48;
	[tilespmem:$0x1F650] =	vst v28;
	v62 =	vmul.f32 v28, v28;
	v28 =	vadd.f32 v60, v26  }
0xbb: {  	v56 =	vadd.f32 v51, v22;
	v52 =	vmul.f32 v49, v16;
	v29 =	vmul.f32 v50, v50  }
0xbc: {  	v53 =	vmul.f32 v14, v14;
	v46 =	vadd.f32 v62, v61;
	v55 =	vadd.f32 v45, v28  }
0xbd: {  	[tilespmem:$0x1F660] =	vst v14;
	v14 =	vmul.f32 v0, v44;
	v0 =	vld [tilespmem:s26+$0x580];
	v57 =	vadd.f32 v29, v48;
	v28 =	vmul.f32 v49, v24  }
0xbe: {  	v46 =	vadd.f32 v53, v46;
	v58 =	vmul.f32 v55, v55;
	v59 =	vadd.f32 v63, v56  }
0xbf: {  	v44 =	vbroadcast v14, $0x0;
	v62 =	vperm.xlane v57, v12;
	v63 =	vld [tilespmem:s26+$0x590]  }
0xc0: {  	v29 =	vadd.f32 v1, v11;
	v60 =	vadd.f32 v58, v46;
	v61 =	vmul.f32 v59, v59  }
0xc1: {  	v54 =	vld [tilespmem:s26+$0x5A0];
	v45 =	vadd.f32 v28, v18;
	v5 =	vmul.f32 v44, v5;
	v47 =	vadd.f32 v62, v57  }
0xc2: {  	v48 =	vld [tilespmem:s26+$0x5B0];
	v62 =	vadd.f32 v0, v29;
	v0 =	vmul.f32 v49, v8;
	v46 =	vadd.f32 v61, v60  }
0xc3: {  	[tilespmem:$0x1F680] =	vst v59;
	v59 =	vbroadcast v30, $0x5;
	v60 =	vmul.f32 v49, v27  }
0xc4: {  	v61 =	vperm.xlane v47, v7;
	v63 =	vadd.f32 v63, v45;
	v53 =	vperm.xlane v46, v12  }
0xc5: {  	v28 =	vmul.f32 v62, v62;
	v45 =	vadd.f32 v52, v13;
	v51 =	vadd.f32 v60, v15  }
0xc6: {  	v58 =	vmul.f32 v59, v24;
	v47 =	vadd.f32 v61, v47;
	v60 =	vld [tilespmem:s26+$0x5C0];
	v46 =	vadd.f32 v46, v53  }
0xc7: {  	v52 =	vld [tilespmem:s26+$0x610];
	[tilespmem:$0x1F6A0] =	vst v63;
	v29 =	vmul.f32 v63, v63;
	v63 =	vadd.f32 v54, v51;
	v51 =	vadd.f32 v48, v45  }
0xc8: {  	v61 =	vld [tilespmem:s26+$0x600];
	v48 =	vmul.f32 v44, v31;
	v53 =	vadd.f32 v58, v18;
	v58 =	vperm.xlane v47, v6  }
0xc9: {  	v57 =	vadd.f32 v29, v28;
	v28 =	vadd.f32 v0, v2;
	v29 =	vmul.f32 v59, v23  }
0xca: {  	[tilespmem:$0x1F690] =	vst v62;
	v1 =	vperm.xlane v46, v7;
	v62 =	vmul.f32 v63, v63  }
0xcb: {  	v45 =	vmul.f32 v51, v51;
	[tilespmem:$0x1F7B0] =	vst v48;
	v48 =	vld [tilespmem:s26+$0x620];
	v54 =	vadd.f32 v60, v28;
	v0 =	vadd.f32 v29, v11  }
0xcc: {  	[tilespmem:$0x1F670] =	vst v55;
	v60 =	vmul.f32 v59, v27;
	v46 =	vadd.f32 v1, v46;
	v57 =	vadd.f32 v62, v57  }
0xcd: {  	v55 =	vmovc v2;
	v1 =	vadd.f32 v52, v53;
	v62 =	vmul.f32 v54, v54;
	v2 =	vadd.f32 v61, v0  }
0xce: {  	v56 =	vmovc v15;
	v0 =	vld [tilespmem:s26+$0x630];
	v60 =	vadd.f32 v60, v15;
	v15 =	vmul.f32 v59, v16;
	v57 =	vadd.f32 v45, v57  }
0xcf: {  	v31 =	vld [tilespmem:s26+$0x5D0];
	v58 =	vadd.f32 v58, v47;
	v45 =	vmul.f32 v49, v21;
	v53 =	vmul.f32 v1, v1  }
0xd0: {  	[tilespmem:$0x1F6C0] =	vst v1;
	v1 =	vld [tilespmem:s26+$0x640];
	v28 =	vadd.f32 v48, v60;
	v57 =	vadd.f32 v62, v57;
	v62 =	vmul.f32 v2, v2  }
0xd1: {  	v29 =	vmul.f32 v59, v8;
	[tilespmem:$0x1F6B0] =	vst v2;
	v48 =	vadd.f32 v15, v13;
	v2 =	vld [tilespmem:s26+$0x5E0];
	v52 =	vadd.f32 v45, v20  }
0xd2: {  	v45 =	vmul.f32 v49, v25;
	v49 =	vmul.f32 v49, v19;
	v15 =	vmovc v13;
	v53 =	vadd.f32 v53, v62  }
0xd3: {  	v13 =	vmovc v8;
	v62 =	vmul.f32 v28, v28;
	v8 =	vadd.f32 v0, v48;
	v0 =	vadd.f32 v29, v55;
	v48 =	vld [tilespmem:s26+$0x650]  }
0xd4: {  	[tilespmem:$0x1F6D0] =	vst v28;
	v29 =	vadd.f32 v31, v52;
	v45 =	vadd.f32 v45, v26;
	v28 =	vmul.f32 v59, v21  }
0xd5: {  	[tilespmem:$0x1F6E0] =	vst v8;
	v53 =	vadd.f32 v62, v53;
	v62 =	vmul.f32 v8, v8;
	v8 =	vadd.f32 v1, v0;
	v0 =	vld [tilespmem:s26+$0x660]  }
0xd6: {  	v1 =	vld [tilespmem:s26+$0x5F0];
	v61 =	vadd.f32 v2, v45;
	v2 =	vadd.f32 v28, v20;
	v45 =	vmul.f32 v59, v25  }
0xd7: {  	v49 =	vadd.f32 v49, v22;
	v52 =	vadd.f32 v62, v53;
	v53 =	vmul.f32 v8, v8;
	v62 =	vld [tilespmem:s26+$0x670]  }
0xd8: {  	[tilespmem:$0x1F6F0] =	vst v8;
	v8 =	vadd.f32 v48, v2;
	v60 =	vadd.f32 v45, v26;
	v45 =	vmul.f32 v59, v19  }
0xd9: {  	v59 =	vmul.f32 v29, v29;
	v48 =	vmul.f32 v44, v36;
	v52 =	vadd.f32 v53, v52  }
0xda: {  	v53 =	vmul.f32 v8, v8;
	v60 =	vadd.f32 v0, v60;
	v45 =	vadd.f32 v45, v22  }
0xdb: {  	v2 =	vadd.f32 v59, v57;
	v59 =	vmul.f32 v61, v61;
	v31 =	vadd.f32 v1, v49  }
0xdc: {  	v52 =	vadd.f32 v53, v52;
	v53 =	vmul.f32 v60, v60;
	v57 =	vadd.f32 v62, v45  }
0xdd: {  	[tilespmem:$0x1F710] =	vst v60;
	v60 =	vperm.xlane v46, v6;
	v2 =	vadd.f32 v59, v2;
	v62 =	vmul.f32 v31, v31  }
0xde: {  	v49 =	vmul.f32 v44, v40;
	v59 =	vperm.xlane v58, v3;
	v1 =	vadd.f32 v53, v52  }
0xdf: {  	v28 =	vmul.f32 v57, v57;
	v53 =	vadd.f32 v60, v46;
	v2 =	vadd.f32 v62, v2  }
0xe0: {  	v52 =	vmul.f32 v44, v33;
	v60 =	vmul.f32 v44, v34;
	v0 =	vadd.f32 v59, v58  }
0xe1: {  	[tilespmem:$0x1F700] =	vst v8;
	v1 =	vadd.f32 v28, v1;
	v62 =	vperm.xlane v53, v3;
	v8 =	vperm.xlane v2, v12  }
0xe2: {  	[tilespmem:$0x1F7C0] =	vst v5;
	v33 =	vbroadcast v30, $0x6;
	v0 =	vmul.f32 v9, v0  }
0xe3: {  	[tilespmem:$0x1F7F0] =	vst v48;
	v28 =	vperm.xlane v1, v12;
	v5 =	vadd.f32 v62, v53;
	v2 =	vadd.f32 v8, v2  }
0xe4: {  	[tilespmem:$0x1F720] =	vst v57;
	v34 =	vld [tilespmem:s26+$0x680];
	v59 =	vmul.f32 v33, v23;
	v62 =	vmul.f32 v33, v24  }
0xe5: {  	v58 =	vld [tilespmem:s26+$0x690];
	[tilespmem:$0x1F7D0] =	vst v52;
	v1 =	vadd.f32 v1, v28;
	v5 =	vmul.f32 v10, v5;
	v52 =	vperm.xlane v2, v7  }
0xe6: {  	v57 =	vmovc v12;
	v48 =	vmul.f32 v33, v27;
	v12 =	vadd.f32 v62, v18;
	v62 =	vmul.f32 v33, v16  }
0xe7: {  	[tilespmem:$0x1F7E0] =	vst v60;
	v53 =	vperm.xlane v1, v7;
	v0 =	vadd.f32 v5, v0;
	v2 =	vadd.f32 v52, v2  }
0xe8: {  	v60 =	vmovc v7;
	v7 =	vmul.f32 v44, v39;
	v5 =	vadd.f32 v59, v11;
	v39 =	vld [tilespmem:s26+$0x6A0];
	v59 =	vadd.f32 v48, v56  }
0xe9: {  	v8 =	vmul.f32 v44, v43;
	v48 =	vadd.f32 v62, v15;
	v1 =	vadd.f32 v53, v1  }
0xea: {  	[tilespmem:$0x1F800] =	vst v49;
	v28 =	vperm.xlane v2, v6;
	v52 =	vadd.f32 v34, v5;
	v53 =	vadd.f32 v58, v12;
	v58 =	vld [tilespmem:s26+$0x6B0]  }
0xeb: {  	v47 =	vmovc v6;
	[tilespmem:$0x1F810] =	vst v7;
	v0 =	vadd.f32 $1.280000000e-04, v0;
	v7 =	vmul.f32 v33, v25;
	v49 =	vperm.xlane v1, v6  }
0xec: {  	v2 =	vadd.f32 v28, v2;
	v6 =	vmovc v16;
	v12 =	vmul.f32 v52, v52;
	v16 =	vmul.f32 v53, v53;
	v28 =	vld [tilespmem:s26+$0x6C0]  }
0xed: {  	v46 =	vadd.f32 v39, v59;
	v1 =	vadd.f32 v49, v1;
	v49 =	vmul.f32 v33, v13  }
0xee: {  	[tilespmem:$0x1F730] =	vst v52;
	v52 =	vshra.s32 v0, $0x1;
	v0 =	vmul.f32 $5.000000000e-01, v0;
	v40 =	vadd.f32 v16, v12  }
0xef: {  	v45 =	vmovc v3;
	v58 =	vadd.f32 v58, v48;
	v59 =	vmul.f32 v46, v46;
	v62 =	vadd.f32 v49, v55  }
0xf0: {  	[tilespmem:$0x1F740] =	vst v53;
	v39 =	vsub.s32 $0x5F3759DF, v52;
	v53 =	vperm.xlane v2, v45;
	v12 =	vperm.xlane v1, v45  }
0xf1: {  	v3 =	vmovc v15;
	v5 =	vadd.f32 v59, v40;
	v15 =	vmul.f32 v58, v58;
	v62 =	vadd.f32 v28, v62  }
0xf2: {  	v16 =	vld [tilespmem:s26+$0x6D0];
	v2 =	vadd.f32 v53, v2;
	v49 =	vbroadcast v30, $0x7;
	[tilespmem:$0x1F760] =	vst v58;
	v58 =	vmul.f32 v33, v21  }
0xf3: {  	[tilespmem:$0x1F750] =	vst v46;
	v46 =	vld [tilespmem:s26+$0x700];
	v59 =	vmul.f32 v39, v0;
	v5 =	vadd.f32 v15, v5;
	v44 =	vmul.f32 v62, v62  }
0xf4: {  	v53 =	vld [tilespmem:s26+$0x710];
	v1 =	vadd.f32 v12, v1;
	v12 =	vmul.f32 v49, v23;
	v28 =	vmul.f32 v49, v24  }
0xf5: {  	[tilespmem:$0x1F820] =	vst v8;
	v8 =	vadd.f32 v58, v20;
	v40 =	vmul.f32 v39, v59;
	v5 =	vadd.f32 v44, v5;
	v44 =	vld [tilespmem:s26+$0x6E0]  }
0xf6: {  	v15 =	vadd.f32 v7, v26;
	v59 =	vmul.f32 v49, v6;
	v52 =	vadd.f32 v12, v11  }
0xf7: {  	v43 =	vld [tilespmem:s26+$0x720];
	v16 =	vadd.f32 v16, v8;
	v8 =	vadd.f32 v28, v18  }
0xf8: {  	v58 =	vld [tilespmem:s26+$0x730];
	v12 =	vmul.f32 v49, v27;
	v40 =	vsub.f32 $1.500000000e+00, v40;
	v34 =	vadd.f32 v59, v3  }
0xf9: {  	v28 =	vadd.f32 v46, v52;
	v48 =	vmul.f32 v16, v16;
	v53 =	vadd.f32 v53, v8  }
0xfa: {  	v52 =	vadd.f32 v12, v56;
	v46 =	vmul.f32 v39, v40;
	v12 =	vadd.f32 v44, v15  }
0xfb: {  	v7 =	vmul.f32 v28, v28;
	v5 =	vadd.f32 v48, v5;
	v8 =	vmul.f32 v53, v53  }
0xfc: {  	v15 =	vadd.f32 v43, v52;
	v44 =	vmovc v3;
	v43 =	vmul.f32 v46, v0;
	v3 =	vld [tilespmem:s26+$0x740];
	v48 =	vmul.f32 v12, v12  }
0xfd: {  	v58 =	vadd.f32 v58, v34;
	v36 =	vadd.f32 v8, v7;
	v52 =	vmul.f32 v49, v13  }
0xfe: {  	v34 =	vld [tilespmem:s26+$0x750];
	v40 =	vmul.f32 v15, v15;
	v59 =	vadd.f32 v48, v5;
	v48 =	vmul.f32 v43, v46  }
0xff: {  	v33 =	vmul.f32 v33, v19;
	v39 =	vmovc v6;
	v6 =	vadd.f32 v52, v55;
	v52 =	vmul.f32 v49, v21;
	v43 =	vld [tilespmem:s26+$0x6F0]  }
0x100: {  	v7 =	vmul.f32 v58, v58;
	v40 =	vadd.f32 v40, v36;
	v5 =	vsub.f32 $1.500000000e+00, v48  }
0x101: {  	v8 =	vld [tilespmem:s26+$0x760];
	v3 =	vadd.f32 v3, v6;
	v48 =	vadd.f32 v52, v20;
	v52 =	vmul.f32 v49, v25  }
0x102: {  	v7 =	vadd.f32 v7, v40;
	v40 =	vadd.f32 v33, v22;
	v46 =	vmul.f32 v5, v46  }
0x103: {  	v36 =	vld [tilespmem:s26+$0x770];
	v34 =	vadd.f32 v34, v48;
	v48 =	vadd.f32 v52, v26;
	v52 =	vmul.f32 v3, v3  }
0x104: {  	v5 =	vadd.f32 v43, v40;
	v40 =	vbroadcast v14, $0x8;
	v14 =	vmul.f32 v49, v19;
	v49 =	vld [tilespmem:$0x1F5A0];
	_ =	sdelay $0x1  }
0x105: {  	v7 =	vadd.f32 v52, v7;
	v33 =	vadd.f32 v8, v48;
	v48 =	vmul.f32 v34, v34  }
0x106: {  	v2 =	vmul.f32 v9, v2;
	v52 =	vmul.f32 v40, v41;
	v14 =	vadd.f32 v14, v22  }
0x107: {  	v43 =	vmul.f32 v5, v5;
	v4 =	vmul.f32 v40, v4;
	v6 =	vadd.f32 v48, v7  }
0x108: {  	[tilespmem:$0x1F840] =	vst v52;
	v52 =	vmul.f32 v33, v33;
	v8 =	vmul.f32 v40, v49;
	v49 =	vadd.f32 v36, v14  }
0x109: {  	v1 =	vmul.f32 v10, v1;
	v0 =	vmul.f32 v46, v0;
	v7 =	vadd.f32 v43, v59  }
0x10a: {  	[tilespmem:$0x1F860] =	vst v4;
	v14 =	vmul.f32 v40, v32;
	v4 =	vadd.f32 v52, v6;
	v32 =	vmul.f32 v49, v49  }
0x10b: {  	v41 =	vmul.f32 v40, v37;
	v36 =	vperm.xlane v7, v57  }
0x10c: {  	v0 =	vmul.f32 v0, v46;
	v4 =	vadd.f32 v32, v4  }
0x10d: {  	v1 =	vadd.f32 v1, v2;
	[tilespmem:$0x1F850] =	vst v41;
	v59 =	vmul.f32 v40, v42;
	v42 =	vadd.f32 v36, v7  }
0x10e: {  	v41 =	vmul.f32 v40, v38;
	v0 =	vsub.f32 $1.500000000e+00, v0;
	[tilespmem:$0x1F830] =	vst v8;
	v43 =	vperm.xlane v4, v57  }
0x10f: {  	v1 =	vadd.f32 $1.280000000e-04, v1;
	[tilespmem:$0x1F880] =	vst v14;
	v8 =	vbroadcast v30, $0x8;
	v14 =	vld [tilespmem:s26+$0x790];
	v7 =	vperm.xlane v42, v60  }
0x110: {  	v37 =	vmul.f32 v40, v35;
	v36 =	vmul.f32 v0, v46;
	v32 =	vld [tilespmem:s26+$0x780];
	v52 =	vadd.f32 v4, v43  }
0x111: {  	[tilespmem:$0x1F8A0] =	vst v41;
	v40 =	vmul.f32 v8, v23;
	v41 =	vmul.f32 v8, v24;
	v4 =	vadd.f32 v7, v42  }
0x112: {  	v42 =	vshra.s32 v1, $0x1;
	v1 =	vmul.f32 $5.000000000e-01, v1;
	v43 =	vperm.xlane v52, v60  }
0x113: {  	v38 =	vld [tilespmem:s26+$0x7A0];
	v6 =	vadd.f32 v40, v11;
	v7 =	vadd.f32 v41, v18;
	v35 =	vsub.s32 $0x5F3759DF, v42  }
0x114: {  	v46 =	vmul.f32 v35, v1;
	v0 =	vadd.f32 v43, v52;
	v52 =	vmul.f32 v8, v27  }
0x115: {  	v41 =	vadd.f32 v32, v6;
	v6 =	vld [tilespmem:s26+$0x7B0];
	v42 =	vadd.f32 v14, v7;
	v43 =	vperm.xlane v4, v47  }
0x116: {  	v7 =	vmul.f32 v35, v46;
	v46 =	vadd.f32 v52, v56;
	v52 =	vmul.f32 v8, v39  }
0x117: {  	v40 =	vmul.f32 v42, v42;
	v2 =	vadd.f32 v43, v4  }
0x118: {  	v4 =	vmul.f32 v41, v41;
	v14 =	vadd.f32 v38, v46;
	v46 =	vadd.f32 v52, v44  }
0x119: {  	[tilespmem:$0x1F770] =	vst v41;
	v41 =	vld [tilespmem:s26+$0x7C0];
	v7 =	vsub.f32 $1.500000000e+00, v7;
	v38 =	vperm.xlane v0, v47  }
0x11a: {  	v52 =	vmul.f32 v8, v13;
	v4 =	vadd.f32 v40, v4;
	v46 =	vadd.f32 v6, v46  }
0x11b: {  	v7 =	vmul.f32 v35, v7;
	[tilespmem:$0x1F790] =	vst v14;
	v14 =	vmul.f32 v14, v14;
	v35 =	vadd.f32 v38, v0  }
0x11c: {  	v32 =	vld [tilespmem:s26+$0x7D0];
	v52 =	vadd.f32 v52, v55;
	v43 =	vmul.f32 v46, v46  }
0x11d: {  	[tilespmem:$0x1F7A0] =	vst v46;
	v4 =	vadd.f32 v14, v4;
	v14 =	vperm.xlane v35, v45;
	v46 =	vmul.f32 v8, v21  }
0x11e: {  	[tilespmem:$0x1F780] =	vst v42;
	v42 =	vperm.xlane v2, v45;
	v52 =	vadd.f32 v41, v52  }
0x11f: {  	v35 =	vadd.f32 v14, v35;
	v14 =	vadd.f32 v46, v20  }
0x120: {  	v40 =	vbroadcast v30, $0x9;
	v2 =	vadd.f32 v42, v2;
	v46 =	vmul.f32 v8, v25  }
0x121: {  	v4 =	vadd.f32 v43, v4;
	v0 =	vmul.f32 v52, v52;
	v14 =	vadd.f32 v32, v14  }
0x122: {  	[tilespmem:$0x1F870] =	vst v59;
	v43 =	vadd.f32 v46, v26;
	v46 =	vmul.f32 v40, v24  }
0x123: {  	v59 =	vmovc v9;
	v41 =	vld [tilespmem:s26+$0x7E0];
	v2 =	vmul.f32 v9, v2;
	v4 =	vadd.f32 v0, v4;
	v9 =	vmul.f32 v14, v14  }
0x124: {  	v48 =	vmov v10;
	v0 =	vmul.f32 v10, v35;
	v10 =	vadd.f32 v46, v18;
	v46 =	vld [tilespmem:s26+$0x820]  }
0x125: {  	v4 =	vadd.f32 v9, v4;
	v9 =	vmul.f32 v40, v27  }
0x126: {  	v6 =	vmul.f32 v7, v1;
	v42 =	vld [tilespmem:s26+$0x800]  }
0x127: {  	[tilespmem:$0x1F890] =	vst v37;
	v37 =	vld [tilespmem:s26+$0x810];
	v38 =	vmul.f32 v40, v23;
	v32 =	vadd.f32 v9, v56  }
0x128: {  	v6 =	vmul.f32 v6, v7;
	v43 =	vadd.f32 v41, v43  }
0x129: {  	v41 =	vadd.f32 v38, v11;
	v38 =	vadd.f32 v46, v32;
	v32 =	vld [tilespmem:$0x1F5B0]  }
0x12a: {  	v6 =	vsub.f32 $1.500000000e+00, v6  }
0x12b: {  	v2 =	vadd.f32 v0, v2;
	v0 =	vbroadcast v36, $0x0;
	v41 =	vadd.f32 v42, v41  }
0x12c: {  	v42 =	vadd.f32 v37, v10;
	v10 =	vmul.f32 v43, v43;
	v37 =	vmul.f32 v40, v39  }
0x12d: {  	v6 =	vmul.f32 v6, v7;
	v35 =	vld [tilespmem:s26+$0x830]  }
0x12e: {  	v7 =	vadd.f32 v10, v4;
	v10 =	vmul.f32 v0, v32;
	v32 =	vadd.f32 v37, v44;
	v37 =	vld [tilespmem:$0x1F5C0];
	_ =	sdelay $0x2  }
0x12f: {  	v4 =	vmul.f32 v41, v41;
	v9 =	vmul.f32 v42, v42;
	_ =	sdelay $0x1  }
0x130: {  	v4 =	vadd.f32 v9, v4;
	v9 =	vmul.f32 v0, v37;
	v37 =	vadd.f32 v35, v32;
	v32 =	vld [tilespmem:$0x1F5D0];
	_ =	sdelay $0x1  }
0x131: {  	v35 =	vld [tilespmem:$0x1F5E0];
	_ =	sdelay $0x2  }
0x132: {  	[tilespmem:$0x1F8B0] =	vst v10;
	v10 =	vmul.f32 v0, v32;
	_ =	sdelay $0x1  }
0x133: {  	v32 =	vmul.f32 v38, v38;
	[tilespmem:$0x1F8D0] =	vst v10;
	v10 =	vmul.f32 v0, v35;
	v35 =	vld [tilespmem:$0x1F5F0];
	_ =	sdelay $0x1  }
0x134: {  	v4 =	vadd.f32 v32, v4;
	v32 =	vld [tilespmem:$0x1F600];
	_ =	sdelay $0x2  }
0x135: {  	v46 =	vld [tilespmem:s26+$0x840];
	[tilespmem:$0x1F8E0] =	vst v10;
	v10 =	vmul.f32 v0, v35  }
0x136: {  	[tilespmem:$0x1F8C0] =	vst v9;
	v9 =	vmul.f32 v40, v13  }
0x137: {  	[tilespmem:$0x1F8F0] =	vst v10;
	v10 =	vmul.f32 v0, v32  }
0x138: {  	v9 =	vadd.f32 v9, v55;
	v35 =	vld [tilespmem:s26+$0x850]  }
0x139: {  	v32 =	vld [tilespmem:s26+$0x7F0];
	[tilespmem:$0x1F900] =	vst v10;
	v10 =	vmul.f32 v40, v21  }
0x13a: {  	v8 =	vmul.f32 v8, v19;
	v17 =	vmul.f32 v0, v17;
	v9 =	vadd.f32 v46, v9  }
0x13b: {  	v46 =	vmul.f32 v37, v37;
	v0 =	vmul.f32 v0, v50;
	v10 =	vadd.f32 v10, v20  }
0x13c: {  	[tilespmem:$0x1F910] =	vst v17;
	v50 =	vadd.f32 v8, v22  }
0x13d: {  	v17 =	vmul.f32 v9, v9;
	[tilespmem:$0x1F920] =	vst v0;
	v0 =	vadd.f32 v46, v4;
	v8 =	vadd.f32 v35, v10;
	v35 =	vld [tilespmem:s26+$0x870]  }
0x13e: {  	v4 =	vadd.f32 v32, v50;
	v50 =	vmul.f32 v40, v25;
	v40 =	vmul.f32 v40, v19;
	_ =	sdelay $0x1  }
0x13f: {  	v0 =	vadd.f32 v17, v0;
	v40 =	vadd.f32 v40, v22;
	v17 =	vmul.f32 v8, v8  }
0x140: {  	v1 =	vmul.f32 v6, v1  }
0x141: {  	v0 =	vadd.f32 v17, v0;
	v17 =	vadd.f32 v35, v40;
	v40 =	vld [tilespmem:$0x1F610]  }
0x142: {  	v1 =	vmul.f32 v1, v6;
	_ =	sdelay $0x1  }
0x143: {  	v36 =	vbroadcast v36, $0x8;
	v1 =	vsub.f32 $1.500000000e+00, v1  }
0x144: {  	v46 =	vld [tilespmem:s26+$0x860]  }
0x145: {  	v1 =	vmul.f32 v1, v6;
	v6 =	vmul.f32 v36, v40;
	v40 =	vld [tilespmem:$0x1F620];
	_ =	sdelay $0x2  }
0x146: {  	v32 =	vadd.f32 v50, v26  }
0x147: {  	v2 =	vadd.f32 $1.280000000e-04, v2  }
0x148: {  	v50 =	vadd.f32 v46, v32;
	v32 =	vmul.f32 v36, v40;
	v40 =	vld [tilespmem:$0x1F640]  }
0x149: {  	v46 =	vshra.s32 v2, $0x1  }
0x14a: {  	[tilespmem:$0x1F930] =	vst v6;
	v6 =	vsub.s32 $0x5F3759DF, v46;
	v46 =	vmul.f32 v50, v50;
	_ =	sdelay $0x1  }
0x14b: {  	v35 =	vld [tilespmem:$0x1F630];
	v0 =	vadd.f32 v46, v0;
	v46 =	vmul.f32 v17, v17  }
0x14c: {  	[tilespmem:$0x1F940] =	vst v32;
	v32 =	vmul.f32 v36, v40;
	v40 =	vld [tilespmem:$0x1F650]  }
0x14d: {  	v0 =	vadd.f32 v46, v0;
	v46 =	vld [tilespmem:$0x1F660];
	_ =	sdelay $0x1  }
0x14e: {  	v10 =	vmul.f32 v4, v4;
	_ =	sdelay $0x1  }
0x14f: {  	v7 =	vadd.f32 v10, v7;
	v10 =	vmul.f32 v36, v35;
	v35 =	vmul.f32 v36, v40;
	v40 =	vld [tilespmem:$0x1F670]  }
0x150: {  	[tilespmem:$0x1F960] =	vst v32;
	v32 =	vmul.f32 v36, v46;
	v46 =	vld [tilespmem:$0x1F680]  }
0x151: {  	v2 =	vmul.f32 $5.000000000e-01, v2  }
0x152: {  	[tilespmem:$0x1F950] =	vst v10  }
0x153: {  	v10 =	vmul.f32 v6, v2;
	[tilespmem:$0x1F980] =	vst v32  }
0x154: {  	v32 =	vperm.xlane v7, v57;
	[tilespmem:$0x1F970] =	vst v35;
	v35 =	vmul.f32 v36, v40  }
0x155: {  	v10 =	vmul.f32 v6, v10;
	v36 =	vmul.f32 v36, v46;
	v46 =	vld [tilespmem:$0x1F690]  }
0x156: {  	v7 =	vadd.f32 v32, v7;
	v40 =	vperm.xlane v0, v57;
	[tilespmem:$0x1F990] =	vst v35  }
0x157: {  	v10 =	vsub.f32 $1.500000000e+00, v10;
	v35 =	vbroadcast v1, $0x0;
	[tilespmem:$0x1F9A0] =	vst v36;
	v36 =	vld [tilespmem:$0x1F6A0]  }
0x158: {  	v0 =	vadd.f32 v0, v40;
	v40 =	vperm.xlane v7, v60  }
0x159: {  	v6 =	vmul.f32 v6, v10;
	v29 =	vmul.f32 v35, v29  }
0x15a: {  	v7 =	vadd.f32 v40, v7;
	v40 =	vperm.xlane v0, v60;
	v10 =	vmul.f32 v35, v46  }
0x15b: {  	v46 =	vmul.f32 v35, v63;
	v63 =	vmul.f32 v35, v51;
	[tilespmem:$0x1FA00] =	vst v29  }
0x15c: {  	v51 =	vmul.f32 v35, v61;
	[tilespmem:$0x1F9B0] =	vst v10;
	v10 =	vmul.f32 v35, v36  }
0x15d: {  	[tilespmem:$0x1F9D0] =	vst v46;
	v36 =	vmul.f32 v35, v54;
	v46 =	vmul.f32 v6, v2  }
0x15e: {  	v61 =	vmul.f32 v35, v31;
	v0 =	vadd.f32 v40, v0;
	[tilespmem:$0x1F9E0] =	vst v63;
	v54 =	vperm.xlane v7, v47  }
0x15f: {  	v31 =	vld [tilespmem:s26+$0x890];
	[tilespmem:$0x1F9F0] =	vst v36;
	v32 =	vmul.f32 v46, v6;
	v36 =	vbroadcast v30, $0xA  }
0x160: {  	v40 =	vld [tilespmem:s26+$0x880];
	[tilespmem:$0x1FA10] =	vst v51;
	v63 =	vperm.xlane v0, v47;
	v7 =	vadd.f32 v54, v7  }
0x161: {  	[tilespmem:$0x1FA20] =	vst v61;
	v51 =	vld [tilespmem:s26+$0x8A0];
	v32 =	vsub.f32 $1.500000000e+00, v32;
	v29 =	vmul.f32 v36, v23;
	v61 =	vmul.f32 v36, v24  }
0x162: {  	[tilespmem:$0x1F9C0] =	vst v10;
	v0 =	vadd.f32 v63, v0;
	v10 =	vperm.xlane v7, v45;
	v63 =	vmul.f32 v36, v27  }
0x163: {  	v6 =	vmul.f32 v32, v6;
	v29 =	vadd.f32 v29, v11;
	v61 =	vadd.f32 v61, v18  }
0x164: {  	v54 =	vld [tilespmem:s26+$0x8B0];
	v7 =	vadd.f32 v10, v7;
	v10 =	vadd.f32 v63, v56;
	v63 =	vperm.xlane v0, v45  }
0x165: {  	v32 =	vadd.f32 v40, v29;
	v35 =	vadd.f32 v31, v61;
	v61 =	vmul.f32 v36, v39  }
0x166: {  	v0 =	vadd.f32 v63, v0;
	v29 =	vadd.f32 v51, v10;
	v7 =	vmul.f32 v59, v7  }
0x167: {  	[tilespmem:$0x1FBE0] =	vst v35;
	v63 =	vadd.f32 v61, v44;
	v46 =	vmul.f32 v32, v32;
	v51 =	vmul.f32 v35, v35;
	v35 =	vld [tilespmem:s26+$0x8C0]  }
0x168: {  	v2 =	vmul.f32 v6, v2;
	v61 =	vmul.f32 v36, v13  }
0x169: {  	[tilespmem:$0x1FBD0] =	vst v32;
	v32 =	vld [tilespmem:s26+$0x8D0];
	v31 =	vadd.f32 v51, v46;
	v63 =	vadd.f32 v54, v63;
	v51 =	vmul.f32 v29, v29  }
0x16a: {  	v0 =	vmul.f32 v48, v0;
	v54 =	vadd.f32 v61, v55;
	v61 =	vmul.f32 v36, v21  }
0x16b: {  	v2 =	vmul.f32 v2, v6;
	v46 =	vld [tilespmem:s26+$0x8E0];
	[tilespmem:$0x1FC00] =	vst v63;
	v10 =	vadd.f32 v51, v31;
	v63 =	vmul.f32 v63, v63  }
0x16c: {  	[tilespmem:$0x1FBF0] =	vst v29;
	v51 =	vadd.f32 v61, v20;
	v29 =	vadd.f32 v35, v54;
	v54 =	vmul.f32 v36, v25  }
0x16d: {  	v40 =	vld [tilespmem:s26+$0x900];
	v0 =	vadd.f32 v0, v7;
	v31 =	vbroadcast v30, $0xB;
	v10 =	vadd.f32 v63, v10  }
0x16e: {  	v35 =	vld [tilespmem:s26+$0x910];
	v61 =	vadd.f32 v32, v51;
	[tilespmem:$0x1FC10] =	vst v29;
	v63 =	vadd.f32 v54, v26;
	v29 =	vmul.f32 v29, v29  }
0x16f: {  	v2 =	vsub.f32 $1.500000000e+00, v2;
	v51 =	vmul.f32 v31, v23;
	v54 =	vmul.f32 v31, v24  }
0x170: {  	v10 =	vadd.f32 v29, v10;
	v29 =	vadd.f32 v46, v63;
	v63 =	vmul.f32 v61, v61  }
0x171: {  	v2 =	vmul.f32 v2, v6;
	v6 =	vadd.f32 v51, v11;
	v32 =	vadd.f32 v54, v18;
	v46 =	vld [tilespmem:s26+$0x920]  }
0x172: {  	[tilespmem:$0x1FC20] =	vst v61;
	v7 =	vadd.f32 v63, v10;
	v61 =	vmul.f32 v29, v29;
	v63 =	vmul.f32 v31, v27  }
0x173: {  	v36 =	vmul.f32 v36, v19;
	v51 =	vld [tilespmem:s26+$0x8F0];
	[tilespmem:$0x1FC30] =	vst v29;
	v29 =	vadd.f32 v40, v6;
	v40 =	vadd.f32 v35, v32  }
0x174: {  	v7 =	vadd.f32 v61, v7;
	v61 =	vadd.f32 v63, v56  }
0x175: {  	v32 =	vld [tilespmem:s26+$0x930];
	v6 =	vadd.f32 v36, v22;
	v63 =	vmul.f32 v31, v39  }
0x176: {  	[tilespmem:$0x1FCF0] =	vst v40;
	v54 =	vmul.f32 v29, v29;
	v40 =	vmul.f32 v40, v40;
	v61 =	vadd.f32 v46, v61  }
0x177: {  	v63 =	vadd.f32 v63, v44  }
0x178: {  	v46 =	vadd.f32 v51, v6;
	v6 =	vadd.f32 v40, v54;
	[tilespmem:$0x1FD00] =	vst v61;
	v54 =	vmul.f32 v61, v61;
	v61 =	vld [tilespmem:$0x1F6C0];
	_ =	sdelay $0x1  }
0x179: {  	v40 =	vadd.f32 v32, v63;
	v63 =	vld [tilespmem:$0x1F6D0]  }
0x17a: {  	v1 =	vbroadcast v1, $0x8;
	_ =	sdelay $0x1  }
0x17b: {  	[tilespmem:$0x1FCE0] =	vst v29;
	v29 =	vmul.f32 v1, v61  }
0x17c: {  	v51 =	vld [tilespmem:$0x1F6B0]  }
0x17d: {  	v36 =	vmul.f32 v31, v13;
	[tilespmem:$0x1FA40] =	vst v29;
	v29 =	vmul.f32 v1, v63;
	_ =	sdelay $0x1  }
0x17e: {  	[tilespmem:$0x1FA50] =	vst v29;
	v29 =	vadd.f32 v36, v55;
	v36 =	vld [tilespmem:$0x1F6E0]  }
0x17f: {  	v35 =	vld [tilespmem:s26+$0x940]  }
0x180: {  	v6 =	vadd.f32 v54, v6;
	v54 =	vld [tilespmem:$0x1F6F0];
	v10 =	vmul.f32 v1, v51;
	v51 =	vmul.f32 v46, v46;
	_ =	sdelay $0x1  }
0x181: {  	v61 =	vmul.f32 v40, v40;
	v7 =	vadd.f32 v51, v7;
	v51 =	vld [tilespmem:$0x1F700]  }
0x182: {  	[tilespmem:$0x1FA30] =	vst v10;
	v63 =	vmul.f32 v31, v21;
	v10 =	vmul.f32 v1, v36;
	v36 =	vld [tilespmem:s26+$0x950]  }
0x183: {  	[tilespmem:$0x1FC40] =	vst v46;
	v46 =	vmul.f32 v31, v25;
	v6 =	vadd.f32 v61, v6;
	v61 =	vld [tilespmem:$0x1F710]  }
0x184: {  	v32 =	vmul.f32 v1, v54;
	v29 =	vadd.f32 v35, v29;
	[tilespmem:$0x1FA60] =	vst v10;
	v10 =	vadd.f32 v63, v20;
	v63 =	vld [tilespmem:$0x1F720]  }
0x185: {  	v0 =	vadd.f32 $1.280000000e-04, v0;
	[tilespmem:$0x1FD10] =	vst v40;
	v31 =	vmul.f32 v31, v19;
	v35 =	vld [tilespmem:s26+$0x960]  }
0x186: {  	v40 =	vadd.f32 v46, v26;
	[tilespmem:$0x1FA70] =	vst v32;
	v32 =	vmul.f32 v1, v51;
	v54 =	vmul.f32 v29, v29  }
0x187: {  	v51 =	vshra.s32 v0, $0x1;
	v0 =	vmul.f32 $5.000000000e-01, v0;
	v36 =	vadd.f32 v36, v10  }
0x188: {  	[tilespmem:$0x1FD20] =	vst v29;
	v29 =	vmul.f32 v1, v61;
	v46 =	vadd.f32 v54, v6;
	v6 =	vbroadcast v2, $0x0;
	v54 =	vld [tilespmem:$0x1F730]  }
0x189: {  	[tilespmem:$0x1FA80] =	vst v32;
	v32 =	vsub.s32 $0x5F3759DF, v51;
	v10 =	vld [tilespmem:s26+$0x970];
	v1 =	vmul.f32 v1, v63;
	v61 =	vmul.f32 v36, v36  }
0x18a: {  	[tilespmem:$0x1FA90] =	vst v29;
	v2 =	vbroadcast v2, $0x8;
	v29 =	vadd.f32 v35, v40;
	v40 =	vmul.f32 v32, v0;
	v63 =	vld [tilespmem:$0x1F740]  }
0x18b: {  	v16 =	vmul.f32 v6, v16;
	v12 =	vmul.f32 v6, v12;
	[tilespmem:$0x1FAA0] =	vst v1;
	v1 =	vadd.f32 v61, v46;
	v46 =	vld [tilespmem:$0x1F750]  }
0x18c: {  	v31 =	vadd.f32 v31, v22;
	v5 =	vmul.f32 v6, v5;
	v51 =	vmul.f32 v29, v29;
	v61 =	vld [tilespmem:$0x1F760]  }
0x18d: {  	v3 =	vmul.f32 v2, v3;
	[tilespmem:$0x1FD40] =	vst v29;
	v35 =	vmul.f32 v6, v54  }
0x18e: {  	[tilespmem:$0x1FB00] =	vst v16;
	v54 =	vadd.f32 v10, v31;
	v1 =	vadd.f32 v51, v1;
	v51 =	vmul.f32 v2, v28  }
0x18f: {  	[tilespmem:$0x1FD30] =	vst v36;
	v36 =	vmul.f32 v6, v63;
	v63 =	vmul.f32 v32, v40  }
0x190: {  	[tilespmem:$0x1FD50] =	vst v54;
	v40 =	vmul.f32 v54, v54;
	v54 =	vmul.f32 v2, v53  }
0x191: {  	[tilespmem:$0x1FAB0] =	vst v35;
	v35 =	vmul.f32 v6, v46;
	v10 =	vmul.f32 v6, v61  }
0x192: {  	[tilespmem:$0x1FAC0] =	vst v36;
	v36 =	vmul.f32 v6, v62;
	v1 =	vadd.f32 v40, v1;
	v46 =	vperm.xlane v7, v57  }
0x193: {  	v61 =	vmul.f32 v2, v15;
	v15 =	vmul.f32 v2, v33;
	[tilespmem:$0x1FAE0] =	vst v10;
	v10 =	vsub.f32 $1.500000000e+00, v63  }
0x194: {  	[tilespmem:$0x1FB10] =	vst v12;
	v6 =	vadd.f32 v46, v7;
	v62 =	vperm.xlane v1, v57;
	v63 =	vmul.f32 v2, v58  }
0x195: {  	[tilespmem:$0x1FB20] =	vst v5;
	v7 =	vbroadcast v30, $0xC;
	v5 =	vmul.f32 v32, v10  }
0x196: {  	v16 =	vld [tilespmem:s26+$0x980];
	[tilespmem:$0x1FB30] =	vst v51;
	v10 =	vmul.f32 v2, v34;
	v12 =	vperm.xlane v6, v60  }
0x197: {  	v51 =	vld [tilespmem:s26+$0x990];
	[tilespmem:$0x1FB40] =	vst v54;
	v1 =	vadd.f32 v1, v62;
	v53 =	vmul.f32 v7, v23;
	v54 =	vmul.f32 v7, v24  }
0x198: {  	[tilespmem:$0x1FB70] =	vst v3;
	v58 =	vld [tilespmem:s26+$0x9A0];
	v62 =	vmul.f32 v7, v27;
	v2 =	vmul.f32 v2, v49  }
0x199: {  	[tilespmem:$0x1FAF0] =	vst v36;
	v29 =	vmul.f32 v7, v13;
	v3 =	vadd.f32 v12, v6;
	v46 =	vperm.xlane v1, v60  }
0x19a: {  	[tilespmem:$0x1FB60] =	vst v63;
	v40 =	vmul.f32 v5, v0;
	v63 =	vadd.f32 v53, v11;
	v12 =	vadd.f32 v54, v18  }
0x19b: {  	[tilespmem:$0x1FB80] =	vst v10;
	v36 =	vadd.f32 v62, v56;
	v10 =	vbroadcast v30, $0xD;
	v1 =	vadd.f32 v46, v1  }
0x19c: {  	[tilespmem:$0x1FB50] =	vst v61;
	v61 =	vperm.xlane v3, v47;
	v6 =	vmul.f32 v40, v5;
	v46 =	vadd.f32 v16, v63  }
0x19d: {  	v40 =	vld [tilespmem:s26+$0x9B0];
	v49 =	vadd.f32 v51, v12;
	v51 =	vmul.f32 v7, v39;
	v53 =	vadd.f32 v58, v36  }
0x19e: {  	[tilespmem:$0x1FBA0] =	vst v2;
	v16 =	vld [tilespmem:s26+$0x9C0];
	v3 =	vadd.f32 v61, v3;
	v6 =	vsub.f32 $1.500000000e+00, v6;
	v54 =	vperm.xlane v1, v47  }
0x19f: {  	[tilespmem:$0x1FD60] =	vst v46;
	v2 =	vadd.f32 v51, v44;
	v58 =	vmul.f32 v46, v46;
	v32 =	vmul.f32 v49, v49  }
0x1a0: {  	[tilespmem:$0x1FD70] =	vst v49;
	v12 =	vmul.f32 v53, v53;
	v46 =	vadd.f32 v29, v55;
	v49 =	vmul.f32 v7, v21  }
0x1a1: {  	v5 =	vmul.f32 v6, v5;
	v1 =	vadd.f32 v54, v1;
	v61 =	vperm.xlane v3, v45  }
0x1a2: {  	v62 =	vadd.f32 v32, v58;
	v54 =	vadd.f32 v49, v20;
	v49 =	vmul.f32 v10, v27  }
0x1a3: {  	[tilespmem:$0x1FD80] =	vst v53;
	v51 =	vld [tilespmem:s26+$0xA00];
	v63 =	vadd.f32 v40, v2;
	v53 =	vadd.f32 v16, v46;
	v28 =	vperm.xlane v1, v45  }
0x1a4: {  	v40 =	vld [tilespmem:s26+$0x9D0];
	v3 =	vadd.f32 v61, v3;
	v0 =	vmul.f32 v5, v0;
	v61 =	vmul.f32 v10, v23  }
0x1a5: {  	v58 =	vld [tilespmem:s26+$0xA10];
	v2 =	vadd.f32 v12, v62;
	v62 =	vmul.f32 v10, v24;
	v36 =	vmul.f32 v63, v63  }
0x1a6: {  	v1 =	vadd.f32 v28, v1;
	v0 =	vmul.f32 v0, v5;
	v3 =	vmul.f32 v59, v3  }
0x1a7: {  	v28 =	vmul.f32 v53, v53;
	v29 =	vadd.f32 v61, v11;
	v2 =	vadd.f32 v36, v2  }
0x1a8: {  	v61 =	vmul.f32 v10, v39;
	v36 =	vadd.f32 v62, v18;
	v0 =	vsub.f32 $1.500000000e+00, v0  }
0x1a9: {  	[tilespmem:$0x1FD90] =	vst v63;
	v63 =	vadd.f32 v40, v54;
	v1 =	vmul.f32 v48, v1;
	v40 =	vld [tilespmem:s26+$0xA20];
	v51 =	vadd.f32 v51, v29  }
0x1aa: {  	[tilespmem:$0x1FDA0] =	vst v53;
	v46 =	vadd.f32 v28, v2;
	v53 =	vadd.f32 v58, v36;
	v58 =	vmul.f32 v7, v25  }
0x1ab: {  	v31 =	vld [tilespmem:s26+$0x9E0];
	v2 =	vadd.f32 v49, v56;
	v49 =	vmul.f32 v10, v13;
	v7 =	vmul.f32 v7, v19  }
0x1ac: {  	v6 =	vld [tilespmem:s26+$0xA30];
	v0 =	vmul.f32 v0, v5;
	v3 =	vadd.f32 v1, v3;
	v54 =	vmul.f32 v63, v63  }
0x1ad: {  	v16 =	vld [tilespmem:s26+$0xA40];
	v62 =	vmul.f32 v51, v51;
	v32 =	vadd.f32 v58, v26;
	v58 =	vadd.f32 v49, v55  }
0x1ae: {  	[tilespmem:$0x1FDB0] =	vst v63;
	v63 =	vmul.f32 v53, v53;
	v5 =	vadd.f32 v54, v46;
	v46 =	vld [tilespmem:s26+$0x9F0];
	v29 =	vadd.f32 v40, v2  }
0x1af: {  	v7 =	vadd.f32 v7, v22;
	v40 =	vadd.f32 v61, v44  }
0x1b0: {  	[tilespmem:$0x1FAD0] =	vst v35;
	v49 =	vmul.f32 v10, v25;
	v35 =	vadd.f32 v63, v62;
	v62 =	vld [tilespmem:s26+$0xA50];
	v61 =	vmul.f32 v29, v29  }
0x1b1: {  	[tilespmem:$0x1FB90] =	vst v15;
	v1 =	vadd.f32 v31, v32;
	v63 =	vmul.f32 v10, v21;
	v54 =	vadd.f32 v6, v40;
	v40 =	vld [tilespmem:s26+$0xA60]  }
0x1b2: {  	v16 =	vadd.f32 v16, v58;
	v10 =	vmul.f32 v10, v19;
	[tilespmem:$0x1FDE0] =	vst v29;
	v29 =	vld [tilespmem:$0x1F770];
	v6 =	vadd.f32 v61, v35  }
0x1b3: {  	v33 =	vld [tilespmem:$0x1F780];
	[tilespmem:$0x1FDC0] =	vst v51;
	v36 =	vmul.f32 v54, v54;
	v51 =	vadd.f32 v46, v7;
	v7 =	vbroadcast v0, $0x8  }
0x1b4: {  	[tilespmem:$0x1FDF0] =	vst v54;
	v46 =	vadd.f32 v63, v20;
	v54 =	vmul.f32 v16, v16;
	v63 =	vadd.f32 v49, v26  }
0x1b5: {  	[tilespmem:$0x1FDD0] =	vst v53;
	v2 =	vadd.f32 v36, v6;
	v6 =	vbroadcast v0, $0x0;
	v15 =	vmul.f32 v7, v42  }
0x1b6: {  	[tilespmem:$0x1FE00] =	vst v16;
	v16 =	vld [tilespmem:s26+$0xA70];
	v58 =	vadd.f32 v62, v46;
	v31 =	vmul.f32 v7, v37;
	v42 =	vmul.f32 v7, v17  }
0x1b7: {  	v53 =	vmovc v13;
	v35 =	vld [tilespmem:$0x1F790];
	v62 =	vadd.f32 v40, v63;
	v40 =	vmul.f32 v1, v1;
	v13 =	vmul.f32 v6, v29  }
0x1b8: {  	v36 =	vld [tilespmem:$0x1F7A0];
	v2 =	vadd.f32 v54, v2;
	v54 =	vmul.f32 v6, v33;
	v34 =	vmul.f32 v58, v58  }
0x1b9: {  	v3 =	vadd.f32 $1.280000000e-04, v3;
	v61 =	vmul.f32 v6, v52;
	v46 =	vmul.f32 v6, v14  }
0x1ba: {  	v10 =	vadd.f32 v10, v22;
	v63 =	vmul.f32 v6, v43;
	v4 =	vmul.f32 v6, v4  }
0x1bb: {  	v28 =	vshra.s32 v3, $0x1;
	[tilespmem:$0x1FE10] =	vst v58;
	v14 =	vmul.f32 v7, v41;
	v33 =	vmul.f32 v7, v9  }
0x1bc: {  	v58 =	vmul.f32 v6, v35;
	v49 =	vadd.f32 v16, v10;
	v52 =	vmul.f32 v62, v62;
	[tilespmem:$0x1FBB0] =	vst v13  }
0x1bd: {  	v17 =	vld [tilespmem:s26+$0xAB0];
	v0 =	vadd.f32 v34, v2;
	[tilespmem:$0x1FC50] =	vst v46;
	v12 =	vmul.f32 v6, v36;
	v6 =	vbroadcast v30, $0xE  }
0x1be: {  	v35 =	vmul.f32 v7, v50;
	v2 =	vadd.f32 v40, v5;
	[tilespmem:$0x1FC80] =	vst v14;
	v46 =	vld [tilespmem:s26+$0xA90];
	v13 =	vmul.f32 v49, v49  }
0x1bf: {  	v14 =	vld [tilespmem:s26+$0xAA0];
	v0 =	vadd.f32 v52, v0;
	[tilespmem:$0x1FBC0] =	vst v12;
	v12 =	vmul.f32 v51, v51;
	v50 =	vmul.f32 v6, v23  }
0x1c0: {  	[tilespmem:$0x1FC90] =	vst v15;
	v41 =	vld [tilespmem:s26+$0xAC0];
	v5 =	vsub.s32 $0x5F3759DF, v28;
	v52 =	vmul.f32 v6, v24;
	v15 =	vmul.f32 v6, v27  }
0x1c1: {  	[tilespmem:$0x1FC70] =	vst v4;
	v28 =	vld [tilespmem:$0x1FEC0];
	v4 =	vadd.f32 v13, v0;
	v0 =	vmul.f32 $5.000000000e-01, v3;
	v2 =	vadd.f32 v12, v2  }
0x1c2: {  	[tilespmem:$0x1FCC0] =	vst v33;
	v36 =	vld [tilespmem:s26+$0xA80];
	v13 =	vadd.f32 v52, v18;
	v33 =	vadd.f32 v15, v56;
	v52 =	vmul.f32 v6, v53  }
0x1c3: {  	v12 =	vadd.f32 v50, v11;
	v50 =	vld [tilespmem:$0x1F7C0];
	v32 =	vperm.xlane v4, v57;
	v34 =	vmul.f32 v5, v0  }
0x1c4: {  	[tilespmem:$0x1FCB0] =	vst v31;
	v15 =	vld [tilespmem:$0x1FF00];
	v29 =	vperm.xlane v2, v57;
	v46 =	vadd.f32 v46, v13;
	v31 =	vadd.f32 v14, v33  }
0x1c5: {  	v13 =	vld [tilespmem:$0x1F7D0];
	v33 =	vadd.f32 v52, v55;
	v3 =	vmul.f32 v5, v34;
	v34 =	vmul.f32 v6, v39  }
0x1c6: {  	v4 =	vadd.f32 v4, v32;
	v2 =	vadd.f32 v29, v2;
	v29 =	vld [tilespmem:$0x1FED0]  }
0x1c7: {  	v33 =	vadd.f32 v41, v33;
	v41 =	vld [tilespmem:$0x1F830];
	v40 =	vadd.f32 v34, v44  }
0x1c8: {  	v16 =	vmul.f32 v7, v38;
	v38 =	vperm.xlane v4, v60;
	v3 =	vsub.f32 $1.500000000e+00, v3;
	v34 =	vld [tilespmem:$0x1F7E0]  }
0x1c9: {  	v37 =	vperm.xlane v2, v60;
	v32 =	vadd.f32 v17, v40;
	v17 =	vld [tilespmem:$0x1FF40]  }
0x1ca: {  	[tilespmem:$0x1FC60] =	vst v63;
	v4 =	vadd.f32 v38, v4;
	v63 =	vmul.f32 v5, v3;
	v5 =	vmul.f32 v13, v15;
	v13 =	vld [tilespmem:$0x1FF80]  }
0x1cb: {  	v38 =	vadd.f32 v36, v12;
	v12 =	vld [tilespmem:$0x1FF90]  }
0x1cc: {  	[tilespmem:$0x1FCA0] =	vst v16;
	v36 =	vmul.f32 v46, v46;
	v2 =	vadd.f32 v37, v2;
	v37 =	vld [tilespmem:$0x1F7B0];
	v16 =	vperm.xlane v4, v47  }
0x1cd: {  	[tilespmem:$0x1FCD0] =	vst v35;
	v35 =	vmul.f32 v38, v38;
	v10 =	vmul.f32 v50, v29;
	v50 =	vld [tilespmem:$0x1F810]  }
0x1ce: {  	v3 =	vadd.f32 v16, v4;
	v16 =	vld [tilespmem:$0x1FF10]  }
0x1cf: {  	v14 =	vmul.f32 v31, v31;
	v4 =	vadd.f32 v36, v35;
	v35 =	vld [tilespmem:$0x1F7F0]  }
0x1d0: {  	v36 =	vld [tilespmem:$0x1F800]  }
0x1d1: {  	v43 =	vmul.f32 v7, v8;
	v52 =	vmul.f32 v32, v32;
	v4 =	vadd.f32 v14, v4;
	v14 =	vld [tilespmem:$0x1FF50]  }
0x1d2: {  	v40 =	vld [tilespmem:$0x1F820];
	v9 =	vperm.xlane v2, v47;
	v7 =	vmul.f32 v37, v28  }
0x1d3: {  	[tilespmem:s26+$0x3A0] =	vst v5;
	v37 =	vmul.f32 v6, v21;
	v8 =	vmul.f32 v34, v16;
	v34 =	vld [tilespmem:s26+$0xAD0]  }
0x1d4: {  	[tilespmem:s26+$0x390] =	vst v10;
	v10 =	vmul.f32 v35, v17;
	v35 =	vmul.f32 v41, v28;
	v41 =	vld [tilespmem:$0x1F860]  }
0x1d5: {  	v4 =	vadd.f32 v52, v4;
	v52 =	vmul.f32 v6, v25;
	[tilespmem:s26+$0x3B0] =	vst v8;
	v8 =	vmul.f32 v50, v13;
	v50 =	vld [tilespmem:$0x1F840]  }
0x1d6: {  	[tilespmem:s26+$0x380] =	vst v7;
	v7 =	vadd.f32 v37, v20;
	v37 =	vmul.f32 v33, v33;
	v5 =	vmul.f32 v36, v14;
	v36 =	vld [tilespmem:s26+$0xAE0]  }
0x1d7: {  	v2 =	vadd.f32 v9, v2;
	[tilespmem:s26+$0x3C0] =	vst v10  }
0x1d8: {  	v9 =	vadd.f32 v52, v26;
	v4 =	vadd.f32 v37, v4;
	v37 =	vld [tilespmem:$0x1F880];
	v10 =	vmul.f32 v40, v12;
	[tilespmem:s26+$0x3D0] =	vst v5  }
0x1d9: {  	v52 =	vperm.xlane v2, v45;
	[tilespmem:s26+$0x3E0] =	vst v8;
	v8 =	vbroadcast v30, $0xF;
	v40 =	vadd.f32 v34, v7;
	v34 =	vld [tilespmem:$0x1F850]  }
0x1da: {  	[tilespmem:s26+$0x3F0] =	vst v10;
	v10 =	vmul.f32 v41, v16;
	v5 =	vmul.f32 v50, v29;
	v50 =	vld [tilespmem:$0x1F870]  }
0x1db: {  	v2 =	vadd.f32 v52, v2;
	v52 =	vmul.f32 v8, v23;
	v30 =	vadd.f32 v36, v9;
	v36 =	vld [tilespmem:s26+$0xB00]  }
0x1dc: {  	v41 =	vmul.f32 v40, v40;
	[tilespmem:s26+$0x430] =	vst v10;
	v10 =	vld [tilespmem:s26+$0xAF0]  }
0x1dd: {  	v52 =	vadd.f32 v52, v11;
	v11 =	vld [tilespmem:$0x1F8A0];
	[tilespmem:s26+$0x410] =	vst v5;
	v5 =	vmul.f32 v37, v14;
	v23 =	vmul.f32 v30, v30  }
0x1de: {  	v37 =	vld [tilespmem:s26+$0xB10];
	v4 =	vadd.f32 v41, v4;
	v41 =	vmul.f32 v8, v24;
	v7 =	vmul.f32 v34, v15  }
0x1df: {  	v24 =	vld [tilespmem:$0x1F8C0];
	v34 =	vmul.f32 v50, v17;
	v50 =	vperm.xlane v3, v45  }
0x1e0: {  	v9 =	vadd.f32 v23, v4;
	v23 =	vld [tilespmem:$0x1F8B0]  }
0x1e1: {  	v3 =	vadd.f32 v50, v3;
	v50 =	vld [tilespmem:$0x1F890]  }
0x1e2: {  	[tilespmem:s26+$0x440] =	vst v34;
	v34 =	vadd.f32 v36, v52;
	v52 =	vld [tilespmem:$0x1F8E0]  }
0x1e3: {  	v21 =	vmul.f32 v8, v21;
	v4 =	vmul.f32 v11, v12;
	v11 =	vld [tilespmem:$0x1F900]  }
0x1e4: {  	[tilespmem:s26+$0x400] =	vst v35;
	v18 =	vadd.f32 v41, v18;
	v36 =	vld [tilespmem:s26+$0xB20]  }
0x1e5: {  	[tilespmem:s26+$0x470] =	vst v4;
	v4 =	vmul.f32 v24, v29;
	v24 =	vmul.f32 v8, v39;
	v39 =	vadd.f32 v21, v20;
	v20 =	vld [tilespmem:$0x1F970]  }
0x1e6: {  	[tilespmem:s26+$0x420] =	vst v7;
	v35 =	vadd.f32 v37, v18;
	v37 =	vmul.f32 v8, v27;
	v7 =	vmul.f32 v50, v13;
	v50 =	vld [tilespmem:$0x1F8D0]  }
0x1e7: {  	[tilespmem:s26+$0x450] =	vst v5;
	v18 =	vmul.f32 v52, v16;
	v52 =	vld [tilespmem:s26+$0xB40]  }
0x1e8: {  	v5 =	vadd.f32 v37, v56;
	[tilespmem:s26+$0x460] =	vst v7;
	v7 =	vmul.f32 v23, v28;
	v23 =	vld [tilespmem:$0x1F8F0]  }
0x1e9: {  	[tilespmem:s26+$0x4B0] =	vst v18;
	v18 =	vadd.f32 v24, v44;
	v44 =	vld [tilespmem:$0x1F920]  }
0x1ea: {  	v27 =	vmul.f32 v34, v34;
	v36 =	vadd.f32 v36, v5;
	v5 =	vmul.f32 v11, v14;
	v11 =	vld [tilespmem:$0x1F960]  }
0x1eb: {  	v56 =	vmul.f32 v35, v35;
	[tilespmem:s26+$0x480] =	vst v7;
	v7 =	vmul.f32 v50, v15;
	v50 =	vld [tilespmem:s26+$0xB30]  }
0x1ec: {  	v6 =	vmul.f32 v6, v19;
	v24 =	vld [tilespmem:$0x1F910]  }
0x1ed: {  	[tilespmem:s26+$0x490] =	vst v4;
	v4 =	vmul.f32 v23, v17;
	v23 =	vadd.f32 v56, v27;
	v27 =	vmul.f32 v8, v53;
	v53 =	vld [tilespmem:s26+$0xB50]  }
0x1ee: {  	[tilespmem:s26+$0x4D0] =	vst v5;
	v5 =	vmul.f32 v44, v12;
	v44 =	vld [tilespmem:s26+$0xB60]  }
0x1ef: {  	v6 =	vadd.f32 v6, v22;
	v56 =	vld [tilespmem:$0x1F9C0]  }
0x1f0: {  	[tilespmem:s26+$0x4A0] =	vst v7;
	v7 =	vadd.f32 v27, v55;
	v27 =	vld [tilespmem:$0x1F950];
	v41 =	vadd.f32 v50, v18;
	v50 =	vmul.f32 v36, v36  }
0x1f1: {  	v18 =	vld [tilespmem:$0x1F930]  }
0x1f2: {  	v37 =	vadd.f32 v10, v6;
	v6 =	vmul.f32 v24, v13;
	[tilespmem:s26+$0x4C0] =	vst v4;
	v4 =	vadd.f32 v50, v23;
	v23 =	vld [tilespmem:$0x1F940]  }
0x1f3: {  	v24 =	vmul.f32 v41, v41;
	v50 =	vadd.f32 v52, v7;
	v55 =	vadd.f32 v53, v39;
	v39 =	vld [tilespmem:$0x1F9B0]  }
0x1f4: {  	v52 =	vld [tilespmem:$0x1F9F0]  }
0x1f5: {  	v53 =	vld [tilespmem:$0x1FA00];
	v4 =	vadd.f32 v24, v4;
	v21 =	vmul.f32 v50, v50  }
0x1f6: {  	[tilespmem:s26+$0x4E0] =	vst v6;
	v24 =	vld [tilespmem:$0x1F990];
	v6 =	vmul.f32 v18, v28;
	v18 =	vmul.f32 v8, v25  }
0x1f7: {  	[tilespmem:s26+$0x4F0] =	vst v5;
	v4 =	vadd.f32 v21, v4;
	v21 =	vmul.f32 v56, v29;
	v5 =	vmul.f32 v23, v29;
	v23 =	vld [tilespmem:$0x1F980]  }
0x1f8: {  	[tilespmem:s26+$0x500] =	vst v6;
	v6 =	vmul.f32 v27, v15;
	v10 =	vadd.f32 v18, v26;
	v26 =	vld [tilespmem:$0x1F9A0]  }
0x1f9: {  	v27 =	vmul.f32 v8, v19;
	v8 =	vmul.f32 v39, v28;
	v39 =	vld [tilespmem:$0x1F9E0];
	[tilespmem:s26+$0x590] =	vst v21  }
0x1fa: {  	v42 =	vmul.f32 v42, v12;
	v19 =	vld [tilespmem:$0x1FA10];
	[tilespmem:s26+$0x510] =	vst v5;
	v5 =	vmul.f32 v11, v16  }
0x1fb: {  	v2 =	vmul.f32 v59, v2;
	v21 =	vld [tilespmem:$0x1FA20];
	[tilespmem:s26+$0x520] =	vst v6;
	v6 =	vmul.f32 v20, v17  }
0x1fc: {  	v3 =	vmul.f32 v48, v3;
	v11 =	vld [tilespmem:s26+$0xB70];
	[tilespmem:s26+$0x530] =	vst v5;
	v5 =	vmul.f32 v23, v14  }
0x1fd: {  	v25 =	vmul.f32 v24, v13;
	v7 =	vadd.f32 v27, v22;
	[tilespmem:s26+$0x540] =	vst v6;
	v6 =	vmul.f32 v26, v12;
	v23 =	vld [tilespmem:$0x1F9D0]  }
0x1fe: {  	v22 =	vld [tilespmem:$0x1FA30];
	v26 =	vmul.f32 v63, v0;
	[tilespmem:s26+$0x550] =	vst v5;
	v5 =	vadd.f32 v44, v10;
	v44 =	vmul.f32 v55, v55  }
0x1ff: {  	v2 =	vadd.f32 v3, v2;
	v27 =	vmul.f32 v37, v37;
	[tilespmem:s26+$0x580] =	vst v8;
	v8 =	vmul.f32 v39, v16;
	v39 =	vld [tilespmem:$0x1FA80]  }
0x200: {  	[tilespmem:s26+$0x560] =	vst v25;
	v3 =	vmul.f32 v21, v12;
	v21 =	vld [tilespmem:$0x1FAA0];
	v10 =	vmul.f32 v26, v63;
	v25 =	vadd.f32 v44, v4  }
0x201: {  	[tilespmem:s26+$0x570] =	vst v6;
	v26 =	vld [tilespmem:$0x1FA60];
	v44 =	vmul.f32 v5, v5;
	v4 =	vadd.f32 v27, v9;
	v9 =	vmul.f32 v52, v17  }
0x202: {  	v7 =	vadd.f32 v11, v7;
	v11 =	vmul.f32 v53, v14;
	[tilespmem:s26+$0x5B0] =	vst v8;
	v27 =	vld [tilespmem:$0x1FA70];
	v24 =	vmul.f32 v23, v15  }
0x203: {  	v18 =	vsub.f32 $1.500000000e+00, v10;
	v6 =	vadd.f32 v44, v25;
	[tilespmem:s26+$0x5C0] =	vst v9;
	v9 =	vmul.f32 v19, v13;
	v25 =	vld [tilespmem:$0x1FA50]  }
0x204: {  	v2 =	vadd.f32 $1.280000000e-04, v2;
	v56 =	vmul.f32 v7, v7;
	v20 =	vperm.xlane v4, v57;
	v19 =	vld [tilespmem:$0x1FA90];
	[tilespmem:s26+$0x5A0] =	vst v24  }
0x205: {  	v8 =	vmul.f32 v18, v63;
	v24 =	vld [tilespmem:$0x1FA40];
	[tilespmem:s26+$0x5E0] =	vst v9;
	v9 =	vmul.f32 v22, v28  }
0x206: {  	[tilespmem:s26+$0x870] =	vst v42;
	v44 =	vshra.s32 v2, $0x1;
	v2 =	vmul.f32 $5.000000000e-01, v2;
	v6 =	vadd.f32 v56, v6;
	v22 =	vld [tilespmem:$0x1FAB0]  }
0x207: {  	v10 =	vmul.f32 v27, v17;
	[tilespmem:s26+$0x600] =	vst v9;
	v9 =	vmul.f32 v26, v16;
	v26 =	vld [tilespmem:$0x1FAF0]  }
0x208: {  	[tilespmem:s26+$0x5D0] =	vst v11;
	v4 =	vadd.f32 v20, v4;
	v23 =	vperm.xlane v6, v57;
	v11 =	vmul.f32 v25, v15;
	v25 =	vld [tilespmem:$0x1FAE0]  }
0x209: {  	v0 =	vmul.f32 v8, v0;
	v56 =	vsub.s32 $0x5F3759DF, v44;
	[tilespmem:s26+$0x640] =	vst v10;
	v10 =	vmul.f32 v19, v13;
	v19 =	vld [tilespmem:$0x1FB90]  }
0x20a: {  	[tilespmem:s26+$0x5F0] =	vst v3;
	v63 =	vmul.f32 v56, v2;
	v57 =	vperm.xlane v4, v60;
	v6 =	vadd.f32 v6, v23;
	v23 =	vld [tilespmem:$0x1FAC0]  }
0x20b: {  	v0 =	vmul.f32 v0, v8;
	v3 =	vmul.f32 v24, v29;
	[tilespmem:s26+$0x630] =	vst v9;
	v24 =	vld [tilespmem:$0x1FAD0]  }
0x20c: {  	v4 =	vadd.f32 v57, v4;
	v9 =	vmul.f32 v56, v63;
	v57 =	vld [tilespmem:$0x1FB60];
	[tilespmem:s26+$0x660] =	vst v10;
	v10 =	vmul.f32 v22, v28  }
0x20d: {  	v63 =	vld [tilespmem:$0x1FB70];
	v22 =	vmul.f32 v54, v29;
	[tilespmem:s26+$0x610] =	vst v3;
	v3 =	vmul.f32 v39, v14  }
0x20e: {  	[tilespmem:s26+$0x620] =	vst v11;
	v18 =	vperm.xlane v6, v60;
	v52 =	vperm.xlane v4, v47;
	v39 =	vld [tilespmem:$0x1FB00]  }
0x20f: {  	v0 =	vsub.f32 $1.500000000e+00, v0;
	[tilespmem:s26+$0x790] =	vst v22;
	v22 =	vld [tilespmem:$0x1FC40]  }
0x210: {  	[tilespmem:s26+$0x680] =	vst v10;
	v20 =	vadd.f32 v18, v6;
	v6 =	vmul.f32 v21, v12;
	v4 =	vadd.f32 v52, v4;
	v52 =	vld [tilespmem:$0x1FB30]  }
0x211: {  	v0 =	vmul.f32 v0, v8;
	[tilespmem:s26+$0x650] =	vst v3;
	v18 =	vld [tilespmem:$0x1FB80];
	v8 =	vmul.f32 v24, v15  }
0x212: {  	v43 =	vmul.f32 v43, v14;
	v21 =	vld [tilespmem:$0x1FBB0];
	v60 =	vmul.f32 v57, v16;
	[tilespmem:s26+$0x670] =	vst v6  }
0x213: {  	v9 =	vsub.f32 $1.500000000e+00, v9;
	v6 =	vmul.f32 v23, v29;
	v53 =	vperm.xlane v20, v47;
	v47 =	vld [tilespmem:$0x1FB20];
	[tilespmem:s26+$0x6A0] =	vst v8  }
0x214: {  	v24 =	vbroadcast v0, $0x0;
	v23 =	vmul.f32 v58, v15;
	[tilespmem:s26+$0x730] =	vst v60;
	v60 =	vld [tilespmem:$0x1FC10]  }
0x215: {  	[tilespmem:s26+$0x690] =	vst v6;
	v6 =	vmul.f32 v56, v9;
	v3 =	vadd.f32 v53, v20;
	v9 =	vmul.f32 v25, v16;
	v53 =	vld [tilespmem:$0x1FB40]  }
0x216: {  	v27 =	vperm.xlane v4, v45;
	v8 =	vmul.f32 v26, v17;
	v56 =	vld [tilespmem:$0x1FB50];
	[tilespmem:s26+$0x7A0] =	vst v23  }
0x217: {  	v0 =	vbroadcast v0, $0x8;
	v20 =	vld [tilespmem:$0x1FBA0];
	[tilespmem:s26+$0x6B0] =	vst v9;
	v9 =	vmul.f32 v39, v14  }
0x218: {  	v4 =	vadd.f32 v27, v4;
	[tilespmem:s26+$0x6C0] =	vst v8;
	v44 =	vperm.xlane v3, v45;
	v45 =	vld [tilespmem:$0x1FB10];
	v10 =	vmul.f32 v47, v12  }
0x219: {  	v26 =	vmul.f32 v61, v17;
	v27 =	vld [tilespmem:$0x1FBD0];
	[tilespmem:s26+$0x6D0] =	vst v9;
	v9 =	vmul.f32 v52, v28  }
0x21a: {  	v25 =	vld [tilespmem:$0x1FBC0];
	v4 =	vmul.f32 v59, v4;
	v3 =	vadd.f32 v44, v3;
	v11 =	vmul.f32 v53, v29;
	[tilespmem:s26+$0x6F0] =	vst v10  }
0x21b: {  	v47 =	vld [tilespmem:$0x1FBF0];
	v10 =	vmul.f32 v18, v14;
	v53 =	vmul.f32 v24, v60;
	[tilespmem:s26+$0x700] =	vst v9  }
0x21c: {  	v57 =	vld [tilespmem:$0x1FC00];
	v3 =	vmul.f32 v48, v3;
	v9 =	vmul.f32 v63, v17;
	[tilespmem:s26+$0x710] =	vst v11  }
0x21d: {  	v44 =	vld [tilespmem:$0x1FBE0];
	v8 =	vmul.f32 v45, v13;
	v11 =	vmul.f32 v20, v12;
	[tilespmem:s26+$0x750] =	vst v10  }
0x21e: {  	v60 =	vld [tilespmem:$0x1FD30];
	v10 =	vmul.f32 v24, v27;
	v45 =	vmul.f32 v6, v2;
	[tilespmem:s26+$0x740] =	vst v9  }
0x21f: {  	v63 =	vld [tilespmem:$0x1FC20];
	v3 =	vadd.f32 v3, v4;
	v4 =	vmul.f32 v19, v13;
	v9 =	vmul.f32 v25, v16;
	[tilespmem:s26+$0x6E0] =	vst v8  }
0x220: {  	v23 =	vld [tilespmem:$0x1FC50];
	v8 =	vmul.f32 v56, v15;
	[tilespmem:s26+$0x770] =	vst v11;
	v11 =	vmul.f32 v24, v47  }
0x221: {  	v25 =	vld [tilespmem:$0x1FC60];
	v59 =	vmul.f32 v45, v6;
	v10 =	vmul.f32 v10, v28;
	[tilespmem:s26+$0x760] =	vst v4  }
0x222: {  	v27 =	vld [tilespmem:$0x1FC70];
	v4 =	vmul.f32 v24, v44;
	[tilespmem:s26+$0x7B0] =	vst v9;
	v9 =	vmul.f32 v24, v22  }
0x223: {  	v3 =	vadd.f32 $1.280000000e-04, v3;
	v44 =	vld [tilespmem:$0x1FC80];
	v42 =	vmul.f32 v0, v60;
	[tilespmem:s26+$0x720] =	vst v8;
	v8 =	vmul.f32 v21, v28  }
0x224: {  	v52 =	vmul.f32 v24, v63;
	v21 =	vld [tilespmem:$0x1FC30];
	v59 =	vsub.f32 $1.500000000e+00, v59;
	v11 =	vmul.f32 v11, v15  }
0x225: {  	[tilespmem:s26+$0x7C0] =	vst v26;
	v47 =	vld [tilespmem:$0x1FC90];
	v39 =	vshra.s32 v3, $0x1;
	v3 =	vmul.f32 $5.000000000e-01, v3;
	v4 =	vmul.f32 v4, v29  }
0x226: {  	[tilespmem:s26+$0x780] =	vst v8;
	v8 =	vmul.f32 v24, v57;
	v26 =	vmul.f32 v25, v13;
	v25 =	vld [tilespmem:$0x1FCC0]  }
0x227: {  	[tilespmem:s26+$0x850] =	vst v43;
	v58 =	vsub.s32 $0x5F3759DF, v39;
	v6 =	vmul.f32 v59, v6;
	v39 =	vmul.f32 v27, v12;
	v27 =	vld [tilespmem:$0x1FCD0]  }
0x228: {  	[tilespmem:s26+$0x880] =	vst v10;
	v48 =	vmul.f32 v58, v3;
	v45 =	vmul.f32 v44, v28;
	v44 =	vld [tilespmem:$0x1FCE0]  }
0x229: {  	[tilespmem:s26+$0x8A0] =	vst v11;
	v2 =	vmul.f32 v6, v2;
	v63 =	vmul.f32 v24, v21;
	v21 =	vld [tilespmem:$0x1FCA0]  }
0x22a: {  	[tilespmem:s26+$0x890] =	vst v4;
	v61 =	vmul.f32 v58, v48;
	v24 =	vmul.f32 v23, v14;
	v23 =	vld [tilespmem:$0x1FCB0]  }
0x22b: {  	v59 =	vmul.f32 v42, v14;
	[tilespmem:s26+$0x7E0] =	vst v26;
	v48 =	vmul.f32 v47, v29;
	v47 =	vld [tilespmem:$0x1FCF0]  }
0x22c: {  	[tilespmem:s26+$0x7F0] =	vst v39;
	v20 =	vmul.f32 v8, v16;
	v2 =	vmul.f32 v2, v6;
	v61 =	vsub.f32 $1.500000000e+00, v61  }
0x22d: {  	[tilespmem:s26+$0x950] =	vst v59;
	v26 =	vmul.f32 v25, v17;
	v39 =	vmul.f32 v27, v13  }
0x22e: {  	[tilespmem:s26+$0x7D0] =	vst v24;
	v27 =	vld [tilespmem:$0x1FD00];
	v25 =	vmul.f32 v9, v12;
	v54 =	vmul.f32 v58, v61  }
0x22f: {  	v19 =	vld [tilespmem:$0x1FD50];
	[tilespmem:s26+$0x810] =	vst v48;
	v2 =	vsub.f32 $1.500000000e+00, v2;
	v56 =	vmul.f32 v0, v44;
	v22 =	vmul.f32 v21, v15  }
0x230: {  	[tilespmem:s26+$0x860] =	vst v39;
	v39 =	vld [tilespmem:$0x1FD10];
	v24 =	vmul.f32 v23, v16;
	v48 =	vmul.f32 v0, v47  }
0x231: {  	[tilespmem:s26+$0x800] =	vst v45;
	v44 =	vld [tilespmem:$0x1FD20];
	v21 =	vmul.f32 v53, v17;
	v2 =	vmul.f32 v2, v6  }
0x232: {  	[tilespmem:s26+$0x8B0] =	vst v20;
	v61 =	vld [tilespmem:$0x1FD40];
	v23 =	vmul.f32 v52, v14;
	v18 =	vmul.f32 v54, v3  }
0x233: {  	[tilespmem:s26+$0x830] =	vst v24;
	v43 =	vmul.f32 v0, v27;
	v24 =	vmul.f32 v63, v13  }
0x234: {  	v57 =	vld [tilespmem:$0x1FD60];
	[tilespmem:s26+$0x840] =	vst v26;
	v27 =	vmul.f32 v56, v28;
	v52 =	vbroadcast v2, $0x0  }
0x235: {  	v59 =	vld [tilespmem:$0x1FE00];
	[tilespmem:s26+$0x820] =	vst v22;
	v2 =	vbroadcast v2, $0x8;
	v22 =	vmul.f32 v18, v54  }
0x236: {  	[tilespmem:s26+$0x8F0] =	vst v25;
	v45 =	vmul.f32 v0, v39;
	v47 =	vmul.f32 v0, v44  }
0x237: {  	[tilespmem:s26+$0x8C0] =	vst v21;
	v10 =	vmul.f32 v0, v61;
	v0 =	vmul.f32 v0, v19  }
0x238: {  	[tilespmem:s26+$0x8D0] =	vst v23;
	v39 =	vmul.f32 v48, v29;
	v53 =	vmul.f32 v43, v15  }
0x239: {  	v21 =	vld [tilespmem:$0x1FD80];
	[tilespmem:s26+$0x900] =	vst v27;
	v58 =	vmul.f32 v52, v57;
	v27 =	vmul.f32 v52, v51  }
0x23a: {  	v25 =	vld [tilespmem:$0x1FDB0];
	[tilespmem:s26+$0x8E0] =	vst v24;
	v9 =	vmul.f32 v2, v59;
	v19 =	vmul.f32 v2, v62  }
0x23b: {  	v61 =	vld [tilespmem:$0x1FD70];
	v26 =	vsub.f32 $1.500000000e+00, v22;
	v56 =	vmul.f32 v47, v17;
	[tilespmem:s26+$0x910] =	vst v39;
	v10 =	vmul.f32 v10, v13  }
0x23c: {  	v24 =	vld [tilespmem:$0x1FDA0];
	[tilespmem:s26+$0x920] =	vst v53;
	v0 =	vmul.f32 v0, v12;
	v60 =	vmul.f32 v58, v28  }
0x23d: {  	v18 =	vld [tilespmem:$0x1FE10];
	v48 =	vmul.f32 v26, v54;
	v54 =	vmul.f32 v45, v16;
	[tilespmem:s26+$0x940] =	vst v56  }
0x23e: {  	v22 =	vld [tilespmem:$0x1FD90];
	v4 =	vmul.f32 v52, v21;
	v26 =	vmul.f32 v52, v1;
	[tilespmem:s26+$0x960] =	vst v10  }
0x23f: {  	v21 =	vmul.f32 v19, v13;
	v10 =	vmul.f32 v52, v25;
	[tilespmem:s26+$0x970] =	vst v0  }
0x240: {  	v53 =	vld [tilespmem:$0x1FDD0];
	[tilespmem:s26+$0x980] =	vst v60;
	v0 =	vmul.f32 v27, v12;
	v63 =	vmul.f32 v52, v61  }
0x241: {  	v58 =	vld [tilespmem:$0x1FDF0];
	[tilespmem:s26+$0x930] =	vst v54;
	v3 =	vmul.f32 v48, v3;
	v11 =	vmul.f32 v52, v24  }
0x242: {  	v45 =	vld [tilespmem:$0x1FDC0];
	v4 =	vmul.f32 v4, v15;
	v51 =	vmul.f32 v26, v13;
	[tilespmem:s26+$0xA60] =	vst v21  }
0x243: {  	v56 =	vld [tilespmem:$0x1FDE0];
	v23 =	vmul.f32 v52, v22;
	[tilespmem:s26+$0x9F0] =	vst v0;
	v0 =	vmul.f32 v2, v18  }
0x244: {  	v3 =	vmul.f32 v3, v48;
	v39 =	vmul.f32 v63, v29;
	[tilespmem:s26+$0x9A0] =	vst v4  }
0x245: {  	v43 =	vmul.f32 v11, v17;
	v54 =	vmul.f32 v2, v53;
	[tilespmem:s26+$0x9E0] =	vst v51  }
0x246: {  	v1 =	vmul.f32 v2, v58;
	v63 =	vmul.f32 v9, v17;
	[tilespmem:s26+$0x990] =	vst v39  }
0x247: {  	v42 =	vmul.f32 v23, v16;
	v47 =	vmul.f32 v2, v45;
	v3 =	vsub.f32 $1.500000000e+00, v3;
	[tilespmem:s26+$0x9C0] =	vst v43  }
0x248: {  	v0 =	vmul.f32 v0, v14;
	v57 =	vmul.f32 v2, v56;
	[tilespmem:s26+$0xA40] =	vst v63  }
0x249: {  	v60 =	vmul.f32 v54, v29;
	[tilespmem:s26+$0x9B0] =	vst v42;
	v3 =	vmul.f32 v3, v48  }
0x24a: {  	v1 =	vmul.f32 v1, v16;
	v2 =	vmul.f32 v2, v49;
	[tilespmem:s26+$0xA50] =	vst v0  }
0x24b: {  	v52 =	vmul.f32 v47, v28;
	[tilespmem:s26+$0xA10] =	vst v60;
	v20 =	vbroadcast v3, $0x0  }
0x24c: {  	v48 =	vmul.f32 v10, v14;
	v61 =	vmul.f32 v57, v15;
	[tilespmem:s26+$0xA30] =	vst v1  }
0x24d: {  	v2 =	vmul.f32 v2, v12;
	[tilespmem:s26+$0xA00] =	vst v52;
	v22 =	vmul.f32 v20, v38  }
0x24e: {  	[tilespmem:s26+$0x9D0] =	vst v48;
	v23 =	vbroadcast v3, $0x8;
	v24 =	vmul.f32 v20, v46  }
0x24f: {  	[tilespmem:s26+$0xA20] =	vst v61;
	v26 =	vmul.f32 v20, v31;
	v25 =	vmul.f32 v22, v28  }
0x250: {  	[tilespmem:s26+$0xA70] =	vst v2;
	v31 =	vmul.f32 v20, v32;
	v27 =	vmul.f32 v24, v29  }
0x251: {  	v38 =	vmul.f32 v20, v33;
	v32 =	vmul.f32 v26, v15;
	[tilespmem:s26+$0xA80] =	vst v25  }
0x252: {  	v40 =	vmul.f32 v20, v40;
	v39 =	vmul.f32 v31, v16;
	[tilespmem:s26+$0xA90] =	vst v27  }
0x253: {  	v43 =	vmul.f32 v20, v30;
	v42 =	vmul.f32 v38, v17;
	[tilespmem:s26+$0xAA0] =	vst v32  }
0x254: {  	v45 =	vmul.f32 v20, v37;
	v44 =	vmul.f32 v40, v14;
	[tilespmem:s26+$0xAB0] =	vst v39  }
0x255: {  	v47 =	vmul.f32 v23, v34;
	v46 =	vmul.f32 v43, v13;
	[tilespmem:s26+$0xAC0] =	vst v42  }
0x256: {  	v49 =	vmul.f32 v23, v35;
	v48 =	vmul.f32 v45, v12;
	[tilespmem:s26+$0xAD0] =	vst v44  }
0x257: {  	v52 =	vmul.f32 v23, v36;
	v51 =	vmul.f32 v47, v28;
	[tilespmem:s26+$0xAE0] =	vst v46  }
0x258: {  	v54 =	vmul.f32 v23, v41;
	v53 =	vmul.f32 v49, v29;
	[tilespmem:s26+$0xAF0] =	vst v48  }
0x259: {  	v57 =	vmul.f32 v23, v50;
	v56 =	vmul.f32 v52, v15;
	[tilespmem:s26+$0xB00] =	vst v51  }
0x25a: {  	v59 =	vmul.f32 v23, v55;
	v58 =	vmul.f32 v54, v16;
	[tilespmem:s26+$0xB10] =	vst v53  }
0x25b: {  	p0 =	seq.s32 s25, $0x3;
	v61 =	vmul.f32 v23, v5;
	v60 =	vmul.f32 v57, v17;
	[tilespmem:s26+$0xB20] =	vst v56  }
.Ltmp4:
0x25c: {  	v0 =	vmul.f32 v23, v7;
	v62 =	vmul.f32 v59, v14;
	[tilespmem:s26+$0xB30] =	vst v58;
	(pc) =	sbr.rel @p0 .LBB2_3-.Ltmp4, $4  }
0x25d: {  	v63 =	vmul.f32 v61, v13;
	[tilespmem:s26+$0xB40] =	vst v60  }
0x25e: {  	v0 =	vmul.f32 v0, v12;
	[tilespmem:s26+$0xB50] =	vst v62  }
0x25f: {  	[tilespmem:s26+$0xB60] =	vst v63  }
0x260: {  	[tilespmem:s26+$0xB70] =	vst v0  }
0x261: {  	p0 =	seq.s32 s25, $0xB  }
.Ltmp5:
0x262: {  	_ = 	snop;
	(pc) =	sbr.rel @p0 .LBB2_7-.Ltmp5, $1  }
0x263: {  	_ =	sdelay $0x3  }
0x264: {  	p0 =	sne.s32 s25, $0x7  }
.Ltmp6:
0x265: {  	_ = 	snop;
	(pc) =	sbr.rel @p0 .LBB2_9-.Ltmp6, $1  }
0x266: {  	_ =	sdelay $0x3  }
.Ltmp7:
0x267: {  	(pc) =	sbr.rel .LBB2_8-.Ltmp7, $2  }
0x268: {  	_ =	sdelay $0x2  }
0x269: {  	s26 =	simm.s32 $0x2380;
	s28 =	smov.u32 s10  }
.LBB2_3:
.Ltmp8:
0x26a: {  	(pc) =	sbr.rel .LBB2_8-.Ltmp8, $2  }
0x26b: {  	_ =	sdelay $0x2  }
0x26c: {  	s26 =	simm.s32 $0x380;
	s28 =	smov.u32 s6  }
.LBB2_11:
0x26d: {  	_ =	sfence.sel $0x180000  }
0x26e: {  	[bflag:$0x0] =	sbarrier.arrive $0xFFFF  }
0x26f: {  	p0 =	sne.s32 s4, $0x0;
	_ =	strace $0x90000047  }
0x270: {  	s0 =	sadd.s32 @!p0 $0x100000, s0;
	[bflag:$0x2] =	sbarrier.arrive $0xFFFF  }
0x271: {  	[sflag:s0] =	ssyncadd.tile.s32 @!p0 $0x1;
	_ =	shalt  }
.Lfunc_end2:
_tile_overlayer_lowered:
.L_overlay_start_2:
0x272: {  	(tag) =	ssettag $0x2  }
0x273: {  	s0 =	rddreg [dreg:$0x0];
	s2 =	stileid.u32  }
0x274: {  	s1 =	rddreg [dreg:$0x1];
	p0 =	sne.s32 s2, $0x0  }
0x275: {  	s3 =	rddreg [dreg:$0x2];
	[bflag:$0x3] =	sbarrier.arrive $0xFFFF;
	s2 =	simm.s32 @!p0 $0x1C05  }
0x276: {  	[timem:s3], [sflag:s2] =	dma.local @!p0 [hbm:s0], s1  }
0x277: {  	s0 =	simm.s32 @!p0 $0x5  }
0x278: {  	_ =	swait.ge @!p0 [sflag:s0], s1  }
0x279: {  	s1 =	ssub.s32 @!p0 $0x0, s1;
	[sflag:s0] =	ssyncset.done @!p0 $0x0  }
0x27a: {  	[sflag:s0] =	ssyncadd.s32 @!p0 s1  }
0x27b: {  	[bflag:$0x3] =	sbarrier.arrive $0xFFFF  }
0x27c: {  	_ =	shalt  }

</sc_bundles>
